<compile_context>
chip_gen: v7x
topology: tpu7x:2x2x1
jax: 0.10.2.dev20260603
libtpu: 0.0.44.dev20260713+nightly
codegen_flags: <defaults>
</compile_context>

<pallas_src>
import functools
import math

import jax
import jax.numpy as jnp
import numpy as np
from jax import lax
from jax.experimental import pallas as pl
from jax.experimental.pallas import tpu as pltpu
from jax.experimental.pallas import tpu_sc as plsc

_N_HEAD = 16
_SEQ = 2048
_DH = 64
_CHUNK = 32
_TOPK = 8
_LANES = 16

_ROW = 3072
_OFF5, _OFF5P, _OFF4, _OFF3, _OFF2, _OFF1 = 0, 1024, 2048, 2560, 2816, 2944

_NW = 32
_ITEMS = _N_HEAD * _SEQ
_PER_W = _ITEMS // _NW
_BLK = 8


def _bf(a):
    return a.astype(jnp.bfloat16)



def _mm_bias_body(x_ref, w_ref, b_ref, o_ref):
    acc = lax.dot_general(
        _bf(x_ref[...]), _bf(w_ref[...]), (((1,), (0,)), ((), ())),
        preferred_element_type=jnp.float32)
    o_ref[...] = acc + b_ref[...]


def _mm_bias(x, wt, b, bm, bn):
    M, K = x.shape
    N = wt.shape[1]
    grid = (M // bm, N // bn)
    return pl.pallas_call(
        _mm_bias_body,
        grid=grid,
        in_specs=[
            pl.BlockSpec((bm, K), lambda i, j: (i, 0)),
            pl.BlockSpec((K, bn), lambda i, j: (0, j)),
            pl.BlockSpec((1, bn), lambda i, j: (0, j)),
        ],
        out_specs=pl.BlockSpec((bm, bn), lambda i, j: (i, j)),
        out_shape=jax.ShapeDtypeStruct((M, N), jnp.float32),
    )(x, wt, b.reshape(1, N))


def _score_body(q_ref, k_ref, o_ref):
    o_ref[0] = lax.dot_general(
        _bf(q_ref[0]), _bf(k_ref[0]), (((1,), (1,)), ((), ())),
        preferred_element_type=jnp.float32)


def _scores(q, ksel, qt=256):
    H, S, dh = q.shape
    n = ksel.shape[1]
    return pl.pallas_call(
        _score_body,
        grid=(H, S // qt),
        in_specs=[
            pl.BlockSpec((1, qt, dh), lambda h, t: (h, t, 0)),
            pl.BlockSpec((1, n, dh), lambda h, t: (h, 0, 0)),
        ],
        out_specs=pl.BlockSpec((1, qt, n), lambda h, t: (h, t, 0)),
        out_shape=jax.ShapeDtypeStruct((H, S, n), jnp.float32),
    )(q, ksel)



def _lane():
    return lax.iota(jnp.int32, _LANES)


def _splat(v):
    return jnp.full((_LANES,), v, jnp.int32)


def _perm(x, idx):
    return lax.gather(
        x, idx.reshape(_LANES, 1),
        lax.GatherDimensionNumbers(
            offset_dims=(), collapsed_slice_dims=(0,), start_index_map=(0,)),
        (1,), mode=lax.GatherScatterMode.PROMISE_IN_BOUNDS)


def _merge8(sa, ia, sb, ib):
    lane = _lane()
    low = lane < 8
    l8 = lane & 7
    s = jnp.where(low, sa, _perm(sb, l8))
    i = jnp.where(low, ia, _perm(ib, l8))
    return plsc.sort_key_val(s, i, descending=True)


def _rbf(x):
    u = lax.bitcast_convert_type(x, jnp.int32)
    r = (u + 32767 + ((u >> 16) & 1)) & jnp.int32(-65536)
    return lax.bitcast_convert_type(r, jnp.float32)


def _children(p):
    lane = _lane()
    base = (p & 63) | ((p >> 6) << 7)
    return _perm(base, lane & 7) + jnp.where(lane < 8, 0, 64)


def _sc_attend_body(sall, vtab, out, sbufA, sbufB, rows0, rows1,
                    idx0, idx1, obuf, semA, semB, sem0, sem1):
    wid = lax.axis_index("s") * 2 + lax.axis_index("c")
    head = wid // 2
    base = wid * _PER_W
    nblk = _PER_W // _BLK
    lane = _lane()
    low = lane < 8
    l8 = lane & 7

    def stage(blk, buf, sem):
        return pltpu.make_async_copy(
            sall.at[pl.ds((base + blk * _BLK) * _ROW, _BLK * _ROW)], buf, sem)

    def tournament(sbuf, i):
        rbase = i * _ROW

        svs = []
        for kk in range(4):
            s = plsc.load_gather(sbuf, [_splat(rbase + _OFF1 + 16 * kk) + lane])
            svs.append(plsc.sort_key_val(s, _splat(16 * kk) + lane,
                                         descending=True))
        s01 = _merge8(*svs[0], *svs[1])
        s23 = _merge8(*svs[2], *svs[3])
        _, p = _merge8(*s01, *s23)

        for off in (_OFF2, _OFF3, _OFF4, _OFF5):
            cand = _children(p)
            s = plsc.load_gather(sbuf, [_splat(rbase + off) + cand])
            sv, p = plsc.sort_key_val(s, cand, descending=True)

        part = plsc.load_gather(sbuf, [_splat(rbase + _OFF5P) + p])
        fs = jnp.where(low, sv, _perm(part, l8))
        fidx = jnp.where(low, p, _perm(p, l8) + 1024)

        x = fs * (1.0 / math.sqrt(_DH))
        e = jnp.exp(x - jnp.max(x))
        w = _rbf(e / jnp.sum(e))
        return w, fidx

    def vgather(fidx, idxv, rows, sem):
        idxv[...] = fidx + head * _SEQ
        return pltpu.make_async_copy(vtab.at[idxv], rows, sem)

    def accum(i, w, rows):
        acc = [jnp.zeros((_LANES,), jnp.float32) for _ in range(4)]
        for r in range(16):
            wr = _perm(w, _splat(r))
            for g in range(4):
                v = rows[r, pl.ds(16 * g, 16)]
                acc[g] = acc[g] + v * wr
        for g in range(4):
            plsc.store_scatter(obuf, [_splat(i * _DH + 16 * g) + lane], acc[g])

    def process(blk, sbuf):
        def pair_body(pr, carry):
            i0 = 2 * pr
            w0, f0 = tournament(sbuf, i0)
            cp0 = vgather(f0, idx0, rows0, sem0)
            cp0.start()
            w1, f1 = tournament(sbuf, i0 + 1)
            cp1 = vgather(f1, idx1, rows1, sem1)
            cp1.start()
            cp0.wait()
            accum(i0, w0, rows0)
            cp1.wait()
            accum(i0 + 1, w1, rows1)
            return carry
        lax.fori_loop(0, _BLK // 2, pair_body, 0)
        pltpu.sync_copy(
            obuf, out.at[pl.ds((base + blk * _BLK) * _DH, _BLK * _DH)])

    stage(0, sbufA, semA).start()

    def b2_body(b2, carry):
        blk0 = b2 * 2
        stage(blk0, sbufA, semA).wait()
        stage(blk0 + 1, sbufB, semB).start()
        process(blk0, sbufA)
        stage(blk0 + 1, sbufB, semB).wait()

        @pl.when(b2 + 1 < nblk // 2)
        def _():
            stage(blk0 + 2, sbufA, semA).start()

        process(blk0 + 1, sbufB)
        return carry

    lax.fori_loop(0, nblk // 2, b2_body, 0)


def _sc_attend(sall, vtab):
    mesh = plsc.VectorSubcoreMesh(core_axis_name="c", subcore_axis_name="s")
    fn = pl.kernel(
        _sc_attend_body,
        mesh=mesh,
        compiler_params=pltpu.CompilerParams(
            use_tc_tiling_on_sc=False, needs_layout_passes=False),
        out_type=jax.ShapeDtypeStruct((_ITEMS * _DH,), jnp.float32),
        scratch_types=[
            pltpu.VMEM((_BLK * _ROW,), jnp.float32),
            pltpu.VMEM((_BLK * _ROW,), jnp.float32),
            pltpu.VMEM((_LANES, _DH), jnp.float32),
            pltpu.VMEM((_LANES, _DH), jnp.float32),
            pltpu.VMEM((_LANES,), jnp.int32),
            pltpu.VMEM((_LANES,), jnp.int32),
            pltpu.VMEM((_BLK * _DH,), jnp.float32),
            pltpu.SemaphoreType.DMA,
            pltpu.SemaphoreType.DMA,
            pltpu.SemaphoreType.DMA,
            pltpu.SemaphoreType.DMA,
        ],
    )
    return fn(sall, vtab)



def _rep_perms(skv):
    perm1 = np.arange(_CHUNK // 2, skv, _CHUNK)
    perm2 = np.concatenate([np.arange(o, skv, _CHUNK) for o in (8, 24)])
    perm3 = np.concatenate([np.arange(o, skv, _CHUNK) for o in (4, 12, 20, 28)])
    perm4 = np.concatenate(
        [np.arange(o, skv, _CHUNK) for o in (2, 6, 10, 14, 18, 22, 26, 30)])
    perm5 = np.concatenate([np.arange(o, skv, _CHUNK) for o in range(1, 32, 2)])
    return perm1, perm2, perm3, perm4, perm5


def kernel(x, Wq, bq, Wk, bk, Wv, bv, Wo, bo):
    B, S, D = x.shape
    H = _N_HEAD
    dh = D // H
    x2 = x.reshape(B * S, D)

    wcat = jnp.concatenate([Wq, Wk, Wv], axis=0).T
    bcat = jnp.concatenate([bq, bk, bv], axis=0)
    qkv = _mm_bias(x2, wcat, bcat, 256, 512)
    q = qkv[:, :D].reshape(S, H, dh).transpose(1, 0, 2)
    k = qkv[:, D:2 * D].reshape(S, H, dh).transpose(1, 0, 2)
    v = qkv[:, 2 * D:].reshape(S, H, dh).transpose(1, 0, 2)

    p1, p2, p3, p4, p5 = _rep_perms(S)
    ksel = jnp.concatenate(
        [k[:, p5, :], k[:, p5 - 1, :], k[:, p4, :], k[:, p3, :],
         k[:, p2, :], k[:, p1, :],
         jnp.zeros((H, _ROW - 3008, dh), jnp.float32)], axis=1)
    vtab = jnp.concatenate([v[:, p5, :], v[:, p5 - 1, :]], axis=1)

    sall = _scores(q, ksel).reshape(_ITEMS * _ROW)
    vtab_r = vtab.reshape(_ITEMS, dh).astype(jnp.bfloat16).astype(jnp.float32)
    ctx = _sc_attend(sall, vtab_r)

    ctx2 = ctx.reshape(H, S, dh).transpose(1, 0, 2).reshape(S, D)
    out = _mm_bias(ctx2, Wo.T, bo, 256, 512)
    return out.reshape(B, S, D)

# --- scband reference (transcript-rebuilt; emitter-appended) ---
"""Pipeline reference for scband-hi-pattention-86818468921805 (READ-ONLY COPY).

The authoritative reference and input builder live on the scoring server;
editing this copy changes nothing except your own understanding.
"""

import math
import jax
import jax.numpy as jnp
import numpy as np

D_MODEL = 1024
N_HEAD = 16
D_HEAD = D_MODEL // N_HEAD
CHUNK_SIZE = 32
TOP_K_CHUNKS = 8
BATCH = 1
SEQ = 2048


def setup_inputs(seed: int = 0):
    key = jax.random.key(seed)
    ks = jax.random.split(key, 10)
    s = 1.0 / math.sqrt(D_MODEL)
    x = jax.random.normal(ks[0], (BATCH, SEQ, D_MODEL), dtype=jnp.float32)
    Wq = jax.random.normal(ks[1], (D_MODEL, D_MODEL), dtype=jnp.float32) * s
    bq = jax.random.normal(ks[2], (D_MODEL,), dtype=jnp.float32) * 0.01
    Wk = jax.random.normal(ks[3], (D_MODEL, D_MODEL), dtype=jnp.float32) * s
    bk = jax.random.normal(ks[4], (D_MODEL,), dtype=jnp.float32) * 0.01
    Wv = jax.random.normal(ks[5], (D_MODEL, D_MODEL), dtype=jnp.float32) * s
    bv = jax.random.normal(ks[6], (D_MODEL,), dtype=jnp.float32) * 0.01
    Wo = jax.random.normal(ks[7], (D_MODEL, D_MODEL), dtype=jnp.float32) * s
    bo = jax.random.normal(ks[8], (D_MODEL,), dtype=jnp.float32) * 0.01
    return {'x': x, 'Wq': Wq, 'bq': bq, 'Wk': Wk, 'bk': bk, 'Wv': Wv, 'bv': bv, 'Wo': Wo, 'bo': bo}


def _hierarchical_pruning(q_i, k):
    # q_i: (B, H, d_head), k: (B, H, Skv, d_head). Returns int indices (B, H, n_sel).
    B, H, Skv, dh = k.shape
    cur = jnp.broadcast_to(jnp.arange(Skv, dtype=jnp.int32)[None, None, :], (B, H, Skv))
    cs = CHUNK_SIZE
    while cs > 1:
        n = cur.shape[2]
        nc = -(-n // cs)
        pad = nc * cs - n
        padded = jnp.pad(cur, ((0, 0), (0, 0), (0, pad)), constant_values=-1) if pad > 0 else cur
        chunks = padded.reshape(B, H, nc, cs)
        rep = chunks[:, :, :, cs // 2]
        rep = jnp.where(rep == -1, 0, rep)
        rep_keys = jnp.take_along_axis(k, jnp.broadcast_to(rep[..., None], (B, H, nc, dh)), axis=2)
        scores = jnp.einsum('bhd,bhnd->bhn', q_i, rep_keys)
        kk = min(TOP_K_CHUNKS, nc)
        _, ti = jax.lax.top_k(scores, kk)
        sel = jnp.take_along_axis(chunks, jnp.broadcast_to(ti[..., None], (B, H, kk, cs)), axis=2)
        cur = sel.reshape(B, H, kk * cs)
        # Skv % 32 == 0 so no -1 padding is ever introduced; max_valid == full length.
        cur = jnp.where(cur == -1, 0, cur)
        cs = max(1, cs // 2)
    return cur


def reference(x, Wq, bq, Wk, bk, Wv, bv, Wo, bo):
    B, S, D = x.shape
    H, dh = N_HEAD, D // N_HEAD
    q = (x @ Wq.T + bq).reshape(B, S, H, dh).transpose(0, 2, 1, 3)
    k = (x @ Wk.T + bk).reshape(B, S, H, dh).transpose(0, 2, 1, 3)
    v = (x @ Wv.T + bv).reshape(B, S, H, dh).transpose(0, 2, 1, 3)

    def per_query(iq):
        q_i = jnp.take(q, iq, axis=2)  # (B, H, dh)
        sel = _hierarchical_pruning(q_i, k)  # (B, H, K)
        K = sel.shape[2]
        k_s = jnp.take_along_axis(k, jnp.broadcast_to(sel[..., None], (B, H, K, dh)), axis=2)
        v_s = jnp.take_along_axis(v, jnp.broadcast_to(sel[..., None], (B, H, K, dh)), axis=2)
        scores = jnp.einsum('bhd,bhkd->bhk', q_i, k_s) / math.sqrt(dh)
        attn = jax.nn.softmax(scores, axis=-1)
        return jnp.einsum('bhk,bhkd->bhd', attn, v_s)  # (B, H, dh)

    ctx = jax.lax.map(per_query, jnp.arange(S))  # (S, B, H, dh)
    out = jnp.transpose(ctx, (1, 0, 2, 3)).reshape(B, S, D)
    return out @ Wo.T + bo

if __name__ == "__main__":
    import jax
    _d = setup_inputs()
    print(jax.jit(kernel)(*tuple(_d.values())))

</pallas_src>

<mosaic_0001>
#map = affine_map<(d0, d1) -> (0)>
#map1 = affine_map<(d0, d1) -> (0, 0)>
module attributes {stable_mosaic.version = 14 : i64} {
  func.func @_sc_attend_body(%arg0: i32, %arg1: i32, %arg2: memref<100663296xf32, #tpu.memory_space<hbm>>, %arg3: memref<32768x64xf32, #tpu.memory_space<hbm>>, %arg4: memref<2097152xf32, #tpu.memory_space<hbm>>, %arg5: memref<24576xf32, #tpu.memory_space<vmem>>, %arg6: memref<24576xf32, #tpu.memory_space<vmem>>, %arg7: memref<16x64xf32, #tpu.memory_space<vmem>>, %arg8: memref<16x64xf32, #tpu.memory_space<vmem>>, %arg9: memref<16xi32, #tpu.memory_space<vmem>>, %arg10: memref<16xi32, #tpu.memory_space<vmem>>, %arg11: memref<512xf32, #tpu.memory_space<vmem>>, %arg12: memref<!tpu.dma_semaphore, #tpu.memory_space<semaphore_mem>>, %arg13: memref<!tpu.dma_semaphore, #tpu.memory_space<semaphore_mem>>, %arg14: memref<!tpu.dma_semaphore, #tpu.memory_space<semaphore_mem>>, %arg15: memref<!tpu.dma_semaphore, #tpu.memory_space<semaphore_mem>>) attributes {dimension_semantics = [#tpu.dimension_semantics<core_parallel>, #tpu.dimension_semantics<subcore_parallel>], iteration_bounds = array<i64: 2, 16>, scalar_prefetch = 0 : i64, scratch_operands = 11 : i64, tpu.core_type = #tpu.core_type<sc_vector_subcore>, window_params = [{transform_indices = #map}, {transform_indices = #map1}, {transform_indices = #map}]} {
    %mul3A = arith.constant 2 : i32
    %mul3A_0 = arith.muli %arg1, %mul3A : i32
    %add3A = arith.addi %mul3A_0, %arg0 : i32
    %jit3A = arith.constant 2 : i32
    %div3A = arith.divsi %add3A, %jit3A : i32
    %sign3A = arith.constant 0 : i32
    %sign3A_1 = arith.cmpi sgt, %add3A, %sign3A : i32
    %sign3A_2 = arith.extui %sign3A_1 : i1 to i32
    %sign3A_3 = arith.constant 0 : i32
    %sign3A_4 = arith.cmpi slt, %add3A, %sign3A_3 : i32
    %sign3A_5 = arith.extui %sign3A_4 : i1 to i32
    %sign3A_6 = arith.subi %sign3A_2, %sign3A_5 : i32
    %sign3A_7 = arith.constant 0 : i32
    %sign3A_8 = arith.cmpi sgt, %jit3A, %sign3A_7 : i32
    %sign3A_9 = arith.extui %sign3A_8 : i1 to i32
    %sign3A_10 = arith.constant 0 : i32
    %sign3A_11 = arith.cmpi slt, %jit3A, %sign3A_10 : i32
    %sign3A_12 = arith.extui %sign3A_11 : i1 to i32
    %sign3A_13 = arith.subi %sign3A_9, %sign3A_12 : i32
    %ne3A = arith.cmpi ne, %sign3A_6, %sign3A_13 : i32
    %rem3A = arith.remsi %add3A, %jit3A : i32
    %ne3A_14 = arith.constant 0 : i32
    %ne3A_15 = arith.cmpi ne, %rem3A, %ne3A_14 : i32
    %and3A = arith.andi %ne3A, %ne3A_15 : i1
    %sub3A = arith.constant 1 : i32
    %sub3A_16 = arith.subi %div3A, %sub3A : i32
    %select_n3A = arith.select %and3A, %sub3A_16, %div3A : i32
    %mul3A_17 = arith.constant 1024 : i32
    %mul3A_18 = arith.muli %add3A, %mul3A_17 : i32
    %iota3A = tpu.iota {dimensions = array<i32: 0>} : vector<16xi32>
    %lt3A = arith.constant 8 : i32
    %lt3A_19 = vector.broadcast %lt3A : i32 to vector<16xi32>
    %lt3A_20 = arith.cmpi slt, %iota3A, %lt3A_19 : vector<16xi32>
    %and3A_21 = arith.constant 7 : i32
    %and3A_22 = vector.broadcast %and3A_21 : i32 to vector<16xi32>
    %and3A_23 = arith.andi %iota3A, %and3A_22 : vector<16xi32>
    %add3A_24 = arith.constant 0 : i32
    %add3A_25 = arith.addi %mul3A_18, %add3A_24 : i32
    %mul3A_26 = arith.constant 3072 : i32
    %mul3A_27 = arith.muli %add3A_25, %mul3A_26 : i32
    %dma_start3A = tpu.memref_slice %arg2[%mul3A_27] : memref<100663296xf32, #tpu.memory_space<hbm>> -> memref<24576xf32, #tpu.memory_space<hbm>>
    %dma_start3A_28 = tpu.memref_slice %arg2[%mul3A_27] : memref<100663296xf32, #tpu.memory_space<hbm>> -> memref<24576xf32, #tpu.memory_space<hbm>>
    tpu.enqueue_dma source(%dma_start3A_28 : memref<24576xf32, #tpu.memory_space<hbm>>) target(%arg5 : memref<24576xf32, #tpu.memory_space<vmem>>) target_semaphore(%arg12 : memref<!tpu.dma_semaphore, #tpu.memory_space<semaphore_mem>>)
    %scan3A = arith.constant 0 : i32
    %scan3A_29 = arith.constant 0 : i32
    %scan3A_30 = arith.constant 64 : i32
    %scan3A_31 = arith.addi %scan3A_29, %scan3A_30 : i32
    %scan3A_32 = arith.constant 1 : i32
    scf.for %scan3A_34 = %scan3A_29 to %scan3A_31 step %scan3A_32  : i32 {
      %mul3A_35 = arith.constant 2 : i32
      %mul3A_36 = arith.muli %scan3A_34, %mul3A_35 : i32
      %mul3A_37 = arith.constant 8 : i32
      %mul3A_38 = arith.muli %mul3A_36, %mul3A_37 : i32
      %add3A_39 = arith.addi %mul3A_18, %mul3A_38 : i32
      %mul3A_40 = arith.constant 3072 : i32
      %mul3A_41 = arith.muli %add3A_39, %mul3A_40 : i32
      %dma_wait3A = tpu.memref_slice %arg2[%mul3A_41] : memref<100663296xf32, #tpu.memory_space<hbm>> -> memref<24576xf32, #tpu.memory_space<hbm>>
      %dma_wait3A_42 = tpu.memref_slice %arg2[%mul3A_41] : memref<100663296xf32, #tpu.memory_space<hbm>> -> memref<24576xf32, #tpu.memory_space<hbm>>
      tpu.wait_dma2 semaphore(%arg12 : memref<!tpu.dma_semaphore, #tpu.memory_space<semaphore_mem>>) src(%dma_wait3A_42 : memref<24576xf32, #tpu.memory_space<hbm>>) dst(%arg5 : memref<24576xf32, #tpu.memory_space<vmem>>)
      %add3A_43 = arith.constant 1 : i32
      %add3A_44 = arith.addi %mul3A_36, %add3A_43 : i32
      %mul3A_45 = arith.constant 8 : i32
      %mul3A_46 = arith.muli %add3A_44, %mul3A_45 : i32
      %add3A_47 = arith.addi %mul3A_18, %mul3A_46 : i32
      %mul3A_48 = arith.constant 3072 : i32
      %mul3A_49 = arith.muli %add3A_47, %mul3A_48 : i32
      %dma_start3A_50 = tpu.memref_slice %arg2[%mul3A_49] : memref<100663296xf32, #tpu.memory_space<hbm>> -> memref<24576xf32, #tpu.memory_space<hbm>>
      %dma_start3A_51 = tpu.memref_slice %arg2[%mul3A_49] : memref<100663296xf32, #tpu.memory_space<hbm>> -> memref<24576xf32, #tpu.memory_space<hbm>>
      tpu.enqueue_dma source(%dma_start3A_51 : memref<24576xf32, #tpu.memory_space<hbm>>) target(%arg6 : memref<24576xf32, #tpu.memory_space<vmem>>) target_semaphore(%arg13 : memref<!tpu.dma_semaphore, #tpu.memory_space<semaphore_mem>>)
      %scan3A_52 = arith.constant 0 : i32
      %scan3A_53 = arith.constant 0 : i32
      %scan3A_54 = arith.constant 4 : i32
      %scan3A_55 = arith.addi %scan3A_53, %scan3A_54 : i32
      %scan3A_56 = arith.constant 1 : i32
      scf.for %scan3A_90 = %scan3A_53 to %scan3A_55 step %scan3A_56  : i32 {
        %mul3A_91 = arith.constant 2 : i32
        %mul3A_92 = arith.muli %mul3A_91, %scan3A_90 : i32
        %mul3A_93 = arith.constant 3072 : i32
        %mul3A_94 = arith.muli %mul3A_92, %mul3A_93 : i32
        %add3A_95 = arith.constant 2944 : i32
        %add3A_96 = arith.addi %mul3A_94, %add3A_95 : i32
        %add3A_97 = arith.constant 0 : i32
        %add3A_98 = arith.addi %add3A_96, %add3A_97 : i32
        %broadcast_in_dim3A = vector.broadcast %add3A_98 : i32 to vector<16xi32>
        %add3A_99 = arith.addi %broadcast_in_dim3A, %iota3A : vector<16xi32>
        %gather3A = tpu.vector_load_idx %arg5[%add3A_99] : memref<24576xf32, #tpu.memory_space<vmem>>[vector<16xi32>], vector<16xf32>,
        %broadcast_in_dim3A_100 = arith.constant 0 : i32
        %broadcast_in_dim3A_101 = vector.broadcast %broadcast_in_dim3A_100 : i32 to vector<16xi32>
        %add3A_102 = arith.addi %broadcast_in_dim3A_101, %iota3A : vector<16xi32>
        %masked_sort3A = arith.constant dense<true> : vector<16xi1>
        %masked_sort3A_103, %masked_sort3A_104, %masked_sort3A_105 = tpu.sort %gather3A, %add3A_102 masked %masked_sort3A {descending = true} : (vector<16xf32>, vector<16xi32>, vector<16xi1>) -> (vector<16xi1>, vector<16xf32>, vector<16xi32>)
        %add3A_106 = arith.constant 2944 : i32
        %add3A_107 = arith.addi %mul3A_94, %add3A_106 : i32
        %add3A_108 = arith.constant 16 : i32
        %add3A_109 = arith.addi %add3A_107, %add3A_108 : i32
        %broadcast_in_dim3A_110 = vector.broadcast %add3A_109 : i32 to vector<16xi32>
        %add3A_111 = arith.addi %broadcast_in_dim3A_110, %iota3A : vector<16xi32>
        %gather3A_112 = tpu.vector_load_idx %arg5[%add3A_111] : memref<24576xf32, #tpu.memory_space<vmem>>[vector<16xi32>], vector<16xf32>,
        %broadcast_in_dim3A_113 = arith.constant 16 : i32
        %broadcast_in_dim3A_114 = vector.broadcast %broadcast_in_dim3A_113 : i32 to vector<16xi32>
        %add3A_115 = arith.addi %broadcast_in_dim3A_114, %iota3A : vector<16xi32>
        %masked_sort3A_116 = arith.constant dense<true> : vector<16xi1>
        %masked_sort3A_117, %masked_sort3A_118, %masked_sort3A_119 = tpu.sort %gather3A_112, %add3A_115 masked %masked_sort3A_116 {descending = true} : (vector<16xf32>, vector<16xi32>, vector<16xi1>) -> (vector<16xi1>, vector<16xf32>, vector<16xi32>)
        %add3A_120 = arith.constant 2944 : i32
        %add3A_121 = arith.addi %mul3A_94, %add3A_120 : i32
        %add3A_122 = arith.constant 32 : i32
        %add3A_123 = arith.addi %add3A_121, %add3A_122 : i32
        %broadcast_in_dim3A_124 = vector.broadcast %add3A_123 : i32 to vector<16xi32>
        %add3A_125 = arith.addi %broadcast_in_dim3A_124, %iota3A : vector<16xi32>
        %gather3A_126 = tpu.vector_load_idx %arg5[%add3A_125] : memref<24576xf32, #tpu.memory_space<vmem>>[vector<16xi32>], vector<16xf32>,
        %broadcast_in_dim3A_127 = arith.constant 32 : i32
        %broadcast_in_dim3A_128 = vector.broadcast %broadcast_in_dim3A_127 : i32 to vector<16xi32>
        %add3A_129 = arith.addi %broadcast_in_dim3A_128, %iota3A : vector<16xi32>
        %masked_sort3A_130 = arith.constant dense<true> : vector<16xi1>
        %masked_sort3A_131, %masked_sort3A_132, %masked_sort3A_133 = tpu.sort %gather3A_126, %add3A_129 masked %masked_sort3A_130 {descending = true} : (vector<16xf32>, vector<16xi32>, vector<16xi1>) -> (vector<16xi1>, vector<16xf32>, vector<16xi32>)
        %add3A_134 = arith.constant 2944 : i32
        %add3A_135 = arith.addi %mul3A_94, %add3A_134 : i32
        %add3A_136 = arith.constant 48 : i32
        %add3A_137 = arith.addi %add3A_135, %add3A_136 : i32
        %broadcast_in_dim3A_138 = vector.broadcast %add3A_137 : i32 to vector<16xi32>
        %add3A_139 = arith.addi %broadcast_in_dim3A_138, %iota3A : vector<16xi32>
        %gather3A_140 = tpu.vector_load_idx %arg5[%add3A_139] : memref<24576xf32, #tpu.memory_space<vmem>>[vector<16xi32>], vector<16xf32>,
        %broadcast_in_dim3A_141 = arith.constant 48 : i32
        %broadcast_in_dim3A_142 = vector.broadcast %broadcast_in_dim3A_141 : i32 to vector<16xi32>
        %add3A_143 = arith.addi %broadcast_in_dim3A_142, %iota3A : vector<16xi32>
        %masked_sort3A_144 = arith.constant dense<true> : vector<16xi1>
        %masked_sort3A_145, %masked_sort3A_146, %masked_sort3A_147 = tpu.sort %gather3A_140, %add3A_143 masked %masked_sort3A_144 {descending = true} : (vector<16xf32>, vector<16xi32>, vector<16xi1>) -> (vector<16xi1>, vector<16xf32>, vector<16xi32>)
        %iota3A_148 = tpu.iota {dimensions = array<i32: 0>} : vector<16xi32>
        %lt3A_149 = arith.constant 8 : i32
        %lt3A_150 = vector.broadcast %lt3A_149 : i32 to vector<16xi32>
        %lt3A_151 = arith.cmpi slt, %iota3A_148, %lt3A_150 : vector<16xi32>
        %and3A_152 = arith.constant 7 : i32
        %and3A_153 = vector.broadcast %and3A_152 : i32 to vector<16xi32>
        %and3A_154 = arith.andi %iota3A_148, %and3A_153 : vector<16xi32>
        %reshape3A = vector.shape_cast %and3A_154 : vector<16xi32> to vector<16x1xi32>
        %gather3A_155 = vector.shape_cast %reshape3A : vector<16x1xi32> to vector<16xi32>
        %gather3A_156 = tpu.dynamic_gather %masked_sort3A_118[%gather3A_155] in [0] : vector<16xf32>, vector<16xi32> -> vector<16xf32>
        %select_n3A_157 = arith.select %lt3A_151, %masked_sort3A_104, %gather3A_156 : vector<16xi1>, vector<16xf32>
        %reshape3A_158 = vector.shape_cast %and3A_154 : vector<16xi32> to vector<16x1xi32>
        %gather3A_159 = vector.shape_cast %reshape3A_158 : vector<16x1xi32> to vector<16xi32>
        %gather3A_160 = tpu.dynamic_gather %masked_sort3A_119[%gather3A_159] in [0] : vector<16xi32>, vector<16xi32> -> vector<16xi32>
        %select_n3A_161 = arith.select %lt3A_151, %masked_sort3A_105, %gather3A_160 : vector<16xi1>, vector<16xi32>
        %masked_sort3A_162 = arith.constant dense<true> : vector<16xi1>
        %masked_sort3A_163, %masked_sort3A_164, %masked_sort3A_165 = tpu.sort %select_n3A_157, %select_n3A_161 masked %masked_sort3A_162 {descending = true} : (vector<16xf32>, vector<16xi32>, vector<16xi1>) -> (vector<16xi1>, vector<16xf32>, vector<16xi32>)
        %iota3A_166 = tpu.iota {dimensions = array<i32: 0>} : vector<16xi32>
        %lt3A_167 = arith.constant 8 : i32
        %lt3A_168 = vector.broadcast %lt3A_167 : i32 to vector<16xi32>
        %lt3A_169 = arith.cmpi slt, %iota3A_166, %lt3A_168 : vector<16xi32>
        %and3A_170 = arith.constant 7 : i32
        %and3A_171 = vector.broadcast %and3A_170 : i32 to vector<16xi32>
        %and3A_172 = arith.andi %iota3A_166, %and3A_171 : vector<16xi32>
        %reshape3A_173 = vector.shape_cast %and3A_172 : vector<16xi32> to vector<16x1xi32>
        %gather3A_174 = vector.shape_cast %reshape3A_173 : vector<16x1xi32> to vector<16xi32>
        %gather3A_175 = tpu.dynamic_gather %masked_sort3A_146[%gather3A_174] in [0] : vector<16xf32>, vector<16xi32> -> vector<16xf32>
        %select_n3A_176 = arith.select %lt3A_169, %masked_sort3A_132, %gather3A_175 : vector<16xi1>, vector<16xf32>
        %reshape3A_177 = vector.shape_cast %and3A_172 : vector<16xi32> to vector<16x1xi32>
        %gather3A_178 = vector.shape_cast %reshape3A_177 : vector<16x1xi32> to vector<16xi32>
        %gather3A_179 = tpu.dynamic_gather %masked_sort3A_147[%gather3A_178] in [0] : vector<16xi32>, vector<16xi32> -> vector<16xi32>
        %select_n3A_180 = arith.select %lt3A_169, %masked_sort3A_133, %gather3A_179 : vector<16xi1>, vector<16xi32>
        %masked_sort3A_181 = arith.constant dense<true> : vector<16xi1>
        %masked_sort3A_182, %masked_sort3A_183, %masked_sort3A_184 = tpu.sort %select_n3A_176, %select_n3A_180 masked %masked_sort3A_181 {descending = true} : (vector<16xf32>, vector<16xi32>, vector<16xi1>) -> (vector<16xi1>, vector<16xf32>, vector<16xi32>)
        %iota3A_185 = tpu.iota {dimensions = array<i32: 0>} : vector<16xi32>
        %lt3A_186 = arith.constant 8 : i32
        %lt3A_187 = vector.broadcast %lt3A_186 : i32 to vector<16xi32>
        %lt3A_188 = arith.cmpi slt, %iota3A_185, %lt3A_187 : vector<16xi32>
        %and3A_189 = arith.constant 7 : i32
        %and3A_190 = vector.broadcast %and3A_189 : i32 to vector<16xi32>
        %and3A_191 = arith.andi %iota3A_185, %and3A_190 : vector<16xi32>
        %reshape3A_192 = vector.shape_cast %and3A_191 : vector<16xi32> to vector<16x1xi32>
        %gather3A_193 = vector.shape_cast %reshape3A_192 : vector<16x1xi32> to vector<16xi32>
        %gather3A_194 = tpu.dynamic_gather %masked_sort3A_183[%gather3A_193] in [0] : vector<16xf32>, vector<16xi32> -> vector<16xf32>
        %select_n3A_195 = arith.select %lt3A_188, %masked_sort3A_164, %gather3A_194 : vector<16xi1>, vector<16xf32>
        %reshape3A_196 = vector.shape_cast %and3A_191 : vector<16xi32> to vector<16x1xi32>
        %gather3A_197 = vector.shape_cast %reshape3A_196 : vector<16x1xi32> to vector<16xi32>
        %gather3A_198 = tpu.dynamic_gather %masked_sort3A_184[%gather3A_197] in [0] : vector<16xi32>, vector<16xi32> -> vector<16xi32>
        %select_n3A_199 = arith.select %lt3A_188, %masked_sort3A_165, %gather3A_198 : vector<16xi1>, vector<16xi32>
        %masked_sort3A_200 = arith.constant dense<true> : vector<16xi1>
        %masked_sort3A_201, %masked_sort3A_202, %masked_sort3A_203 = tpu.sort %select_n3A_195, %select_n3A_199 masked %masked_sort3A_200 {descending = true} : (vector<16xf32>, vector<16xi32>, vector<16xi1>) -> (vector<16xi1>, vector<16xf32>, vector<16xi32>)
        %iota3A_204 = tpu.iota {dimensions = array<i32: 0>} : vector<16xi32>
        %and3A_205 = arith.constant 63 : i32
        %and3A_206 = vector.broadcast %and3A_205 : i32 to vector<16xi32>
        %and3A_207 = arith.andi %masked_sort3A_203, %and3A_206 : vector<16xi32>
        %shift_right_arithmetic3A = arith.constant 6 : i32
        %shift_right_arithmetic3A_208 = vector.broadcast %shift_right_arithmetic3A : i32 to vector<16xi32>
        %shift_right_arithmetic3A_209 = arith.shrsi %masked_sort3A_203, %shift_right_arithmetic3A_208 : vector<16xi32>
        %shift_left3A = arith.constant 7 : i32
        %shift_left3A_210 = vector.broadcast %shift_left3A : i32 to vector<16xi32>
        %shift_left3A_211 = arith.shli %shift_right_arithmetic3A_209, %shift_left3A_210 : vector<16xi32>
        %or3A = arith.ori %and3A_207, %shift_left3A_211 : vector<16xi32>
        %and3A_212 = arith.constant 7 : i32
        %and3A_213 = vector.broadcast %and3A_212 : i32 to vector<16xi32>
        %and3A_214 = arith.andi %iota3A_204, %and3A_213 : vector<16xi32>
        %reshape3A_215 = vector.shape_cast %and3A_214 : vector<16xi32> to vector<16x1xi32>
        %gather3A_216 = vector.shape_cast %reshape3A_215 : vector<16x1xi32> to vector<16xi32>
        %gather3A_217 = tpu.dynamic_gather %or3A[%gather3A_216] in [0] : vector<16xi32>, vector<16xi32> -> vector<16xi32>
        %lt3A_218 = arith.constant 8 : i32
        %lt3A_219 = vector.broadcast %lt3A_218 : i32 to vector<16xi32>
        %lt3A_220 = arith.cmpi slt, %iota3A_204, %lt3A_219 : vector<16xi32>
        %jit3A_221 = arith.constant 0 : i32
        %jit3A_222 = arith.constant 64 : i32
        %broadcast_in_dim3A_223 = vector.broadcast %jit3A_221 : i32 to vector<16xi32>
        %broadcast_in_dim3A_224 = vector.broadcast %jit3A_222 : i32 to vector<16xi32>
        %select_n3A_225 = arith.select %lt3A_220, %broadcast_in_dim3A_223, %broadcast_in_dim3A_224 : vector<16xi1>, vector<16xi32>
        %add3A_226 = arith.addi %gather3A_217, %select_n3A_225 : vector<16xi32>
        %add3A_227 = arith.constant 2816 : i32
        %add3A_228 = arith.addi %mul3A_94, %add3A_227 : i32
        %broadcast_in_dim3A_229 = vector.broadcast %add3A_228 : i32 to vector<16xi32>
        %add3A_230 = arith.addi %broadcast_in_dim3A_229, %add3A_226 : vector<16xi32>
        %gather3A_231 = tpu.vector_load_idx %arg5[%add3A_230] : memref<24576xf32, #tpu.memory_space<vmem>>[vector<16xi32>], vector<16xf32>,
        %masked_sort3A_232 = arith.constant dense<true> : vector<16xi1>
        %masked_sort3A_233, %masked_sort3A_234, %masked_sort3A_235 = tpu.sort %gather3A_231, %add3A_226 masked %masked_sort3A_232 {descending = true} : (vector<16xf32>, vector<16xi32>, vector<16xi1>) -> (vector<16xi1>, vector<16xf32>, vector<16xi32>)
        %iota3A_236 = tpu.iota {dimensions = array<i32: 0>} : vector<16xi32>
        %and3A_237 = arith.constant 63 : i32
        %and3A_238 = vector.broadcast %and3A_237 : i32 to vector<16xi32>
        %and3A_239 = arith.andi %masked_sort3A_235, %and3A_238 : vector<16xi32>
        %shift_right_arithmetic3A_240 = arith.constant 6 : i32
        %shift_right_arithmetic3A_241 = vector.broadcast %shift_right_arithmetic3A_240 : i32 to vector<16xi32>
        %shift_right_arithmetic3A_242 = arith.shrsi %masked_sort3A_235, %shift_right_arithmetic3A_241 : vector<16xi32>
        %shift_left3A_243 = arith.constant 7 : i32
        %shift_left3A_244 = vector.broadcast %shift_left3A_243 : i32 to vector<16xi32>
        %shift_left3A_245 = arith.shli %shift_right_arithmetic3A_242, %shift_left3A_244 : vector<16xi32>
        %or3A_246 = arith.ori %and3A_239, %shift_left3A_245 : vector<16xi32>
        %and3A_247 = arith.constant 7 : i32
        %and3A_248 = vector.broadcast %and3A_247 : i32 to vector<16xi32>
        %and3A_249 = arith.andi %iota3A_236, %and3A_248 : vector<16xi32>
        %reshape3A_250 = vector.shape_cast %and3A_249 : vector<16xi32> to vector<16x1xi32>
        %gather3A_251 = vector.shape_cast %reshape3A_250 : vector<16x1xi32> to vector<16xi32>
        %gather3A_252 = tpu.dynamic_gather %or3A_246[%gather3A_251] in [0] : vector<16xi32>, vector<16xi32> -> vector<16xi32>
        %lt3A_253 = arith.constant 8 : i32
        %lt3A_254 = vector.broadcast %lt3A_253 : i32 to vector<16xi32>
        %lt3A_255 = arith.cmpi slt, %iota3A_236, %lt3A_254 : vector<16xi32>
        %jit3A_256 = arith.constant 0 : i32
        %jit3A_257 = arith.constant 64 : i32
        %broadcast_in_dim3A_258 = vector.broadcast %jit3A_256 : i32 to vector<16xi32>
        %broadcast_in_dim3A_259 = vector.broadcast %jit3A_257 : i32 to vector<16xi32>
        %select_n3A_260 = arith.select %lt3A_255, %broadcast_in_dim3A_258, %broadcast_in_dim3A_259 : vector<16xi1>, vector<16xi32>
        %add3A_261 = arith.addi %gather3A_252, %select_n3A_260 : vector<16xi32>
        %add3A_262 = arith.constant 2560 : i32
        %add3A_263 = arith.addi %mul3A_94, %add3A_262 : i32
        %broadcast_in_dim3A_264 = vector.broadcast %add3A_263 : i32 to vector<16xi32>
        %add3A_265 = arith.addi %broadcast_in_dim3A_264, %add3A_261 : vector<16xi32>
        %gather3A_266 = tpu.vector_load_idx %arg5[%add3A_265] : memref<24576xf32, #tpu.memory_space<vmem>>[vector<16xi32>], vector<16xf32>,
        %masked_sort3A_267 = arith.constant dense<true> : vector<16xi1>
        %masked_sort3A_268, %masked_sort3A_269, %masked_sort3A_270 = tpu.sort %gather3A_266, %add3A_261 masked %masked_sort3A_267 {descending = true} : (vector<16xf32>, vector<16xi32>, vector<16xi1>) -> (vector<16xi1>, vector<16xf32>, vector<16xi32>)
        %iota3A_271 = tpu.iota {dimensions = array<i32: 0>} : vector<16xi32>
        %and3A_272 = arith.constant 63 : i32
        %and3A_273 = vector.broadcast %and3A_272 : i32 to vector<16xi32>
        %and3A_274 = arith.andi %masked_sort3A_270, %and3A_273 : vector<16xi32>
        %shift_right_arithmetic3A_275 = arith.constant 6 : i32
        %shift_right_arithmetic3A_276 = vector.broadcast %shift_right_arithmetic3A_275 : i32 to vector<16xi32>
        %shift_right_arithmetic3A_277 = arith.shrsi %masked_sort3A_270, %shift_right_arithmetic3A_276 : vector<16xi32>
        %shift_left3A_278 = arith.constant 7 : i32
        %shift_left3A_279 = vector.broadcast %shift_left3A_278 : i32 to vector<16xi32>
        %shift_left3A_280 = arith.shli %shift_right_arithmetic3A_277, %shift_left3A_279 : vector<16xi32>
        %or3A_281 = arith.ori %and3A_274, %shift_left3A_280 : vector<16xi32>
        %and3A_282 = arith.constant 7 : i32
        %and3A_283 = vector.broadcast %and3A_282 : i32 to vector<16xi32>
        %and3A_284 = arith.andi %iota3A_271, %and3A_283 : vector<16xi32>
        %reshape3A_285 = vector.shape_cast %and3A_284 : vector<16xi32> to vector<16x1xi32>
        %gather3A_286 = vector.shape_cast %reshape3A_285 : vector<16x1xi32> to vector<16xi32>
        %gather3A_287 = tpu.dynamic_gather %or3A_281[%gather3A_286] in [0] : vector<16xi32>, vector<16xi32> -> vector<16xi32>
        %lt3A_288 = arith.constant 8 : i32
        %lt3A_289 = vector.broadcast %lt3A_288 : i32 to vector<16xi32>
        %lt3A_290 = arith.cmpi slt, %iota3A_271, %lt3A_289 : vector<16xi32>
        %jit3A_291 = arith.constant 0 : i32
        %jit3A_292 = arith.constant 64 : i32
        %broadcast_in_dim3A_293 = vector.broadcast %jit3A_291 : i32 to vector<16xi32>
        %broadcast_in_dim3A_294 = vector.broadcast %jit3A_292 : i32 to vector<16xi32>
        %select_n3A_295 = arith.select %lt3A_290, %broadcast_in_dim3A_293, %broadcast_in_dim3A_294 : vector<16xi1>, vector<16xi32>
        %add3A_296 = arith.addi %gather3A_287, %select_n3A_295 : vector<16xi32>
        %add3A_297 = arith.constant 2048 : i32
        %add3A_298 = arith.addi %mul3A_94, %add3A_297 : i32
        %broadcast_in_dim3A_299 = vector.broadcast %add3A_298 : i32 to vector<16xi32>
        %add3A_300 = arith.addi %broadcast_in_dim3A_299, %add3A_296 : vector<16xi32>
        %gather3A_301 = tpu.vector_load_idx %arg5[%add3A_300] : memref<24576xf32, #tpu.memory_space<vmem>>[vector<16xi32>], vector<16xf32>,
        %masked_sort3A_302 = arith.constant dense<true> : vector<16xi1>
        %masked_sort3A_303, %masked_sort3A_304, %masked_sort3A_305 = tpu.sort %gather3A_301, %add3A_296 masked %masked_sort3A_302 {descending = true} : (vector<16xf32>, vector<16xi32>, vector<16xi1>) -> (vector<16xi1>, vector<16xf32>, vector<16xi32>)
        %iota3A_306 = tpu.iota {dimensions = array<i32: 0>} : vector<16xi32>
        %and3A_307 = arith.constant 63 : i32
        %and3A_308 = vector.broadcast %and3A_307 : i32 to vector<16xi32>
        %and3A_309 = arith.andi %masked_sort3A_305, %and3A_308 : vector<16xi32>
        %shift_right_arithmetic3A_310 = arith.constant 6 : i32
        %shift_right_arithmetic3A_311 = vector.broadcast %shift_right_arithmetic3A_310 : i32 to vector<16xi32>
        %shift_right_arithmetic3A_312 = arith.shrsi %masked_sort3A_305, %shift_right_arithmetic3A_311 : vector<16xi32>
        %shift_left3A_313 = arith.constant 7 : i32
        %shift_left3A_314 = vector.broadcast %shift_left3A_313 : i32 to vector<16xi32>
        %shift_left3A_315 = arith.shli %shift_right_arithmetic3A_312, %shift_left3A_314 : vector<16xi32>
        %or3A_316 = arith.ori %and3A_309, %shift_left3A_315 : vector<16xi32>
        %and3A_317 = arith.constant 7 : i32
        %and3A_318 = vector.broadcast %and3A_317 : i32 to vector<16xi32>
        %and3A_319 = arith.andi %iota3A_306, %and3A_318 : vector<16xi32>
        %reshape3A_320 = vector.shape_cast %and3A_319 : vector<16xi32> to vector<16x1xi32>
        %gather3A_321 = vector.shape_cast %reshape3A_320 : vector<16x1xi32> to vector<16xi32>
        %gather3A_322 = tpu.dynamic_gather %or3A_316[%gather3A_321] in [0] : vector<16xi32>, vector<16xi32> -> vector<16xi32>
        %lt3A_323 = arith.constant 8 : i32
        %lt3A_324 = vector.broadcast %lt3A_323 : i32 to vector<16xi32>
        %lt3A_325 = arith.cmpi slt, %iota3A_306, %lt3A_324 : vector<16xi32>
        %jit3A_326 = arith.constant 0 : i32
        %jit3A_327 = arith.constant 64 : i32
        %broadcast_in_dim3A_328 = vector.broadcast %jit3A_326 : i32 to vector<16xi32>
        %broadcast_in_dim3A_329 = vector.broadcast %jit3A_327 : i32 to vector<16xi32>
        %select_n3A_330 = arith.select %lt3A_325, %broadcast_in_dim3A_328, %broadcast_in_dim3A_329 : vector<16xi1>, vector<16xi32>
        %add3A_331 = arith.addi %gather3A_322, %select_n3A_330 : vector<16xi32>
        %add3A_332 = arith.constant 0 : i32
        %add3A_333 = arith.addi %mul3A_94, %add3A_332 : i32
        %broadcast_in_dim3A_334 = vector.broadcast %add3A_333 : i32 to vector<16xi32>
        %add3A_335 = arith.addi %broadcast_in_dim3A_334, %add3A_331 : vector<16xi32>
        %gather3A_336 = tpu.vector_load_idx %arg5[%add3A_335] : memref<24576xf32, #tpu.memory_space<vmem>>[vector<16xi32>], vector<16xf32>,
        %masked_sort3A_337 = arith.constant dense<true> : vector<16xi1>
        %masked_sort3A_338, %masked_sort3A_339, %masked_sort3A_340 = tpu.sort %gather3A_336, %add3A_331 masked %masked_sort3A_337 {descending = true} : (vector<16xf32>, vector<16xi32>, vector<16xi1>) -> (vector<16xi1>, vector<16xf32>, vector<16xi32>)
        %add3A_341 = arith.constant 1024 : i32
        %add3A_342 = arith.addi %mul3A_94, %add3A_341 : i32
        %broadcast_in_dim3A_343 = vector.broadcast %add3A_342 : i32 to vector<16xi32>
        %add3A_344 = arith.addi %broadcast_in_dim3A_343, %masked_sort3A_340 : vector<16xi32>
        %gather3A_345 = tpu.vector_load_idx %arg5[%add3A_344] : memref<24576xf32, #tpu.memory_space<vmem>>[vector<16xi32>], vector<16xf32>,
        %reshape3A_346 = vector.shape_cast %and3A_23 : vector<16xi32> to vector<16x1xi32>
        %gather3A_347 = vector.shape_cast %reshape3A_346 : vector<16x1xi32> to vector<16xi32>
        %gather3A_348 = tpu.dynamic_gather %gather3A_345[%gather3A_347] in [0] : vector<16xf32>, vector<16xi32> -> vector<16xf32>
        %select_n3A_349 = arith.select %lt3A_20, %masked_sort3A_339, %gather3A_348 : vector<16xi1>, vector<16xf32>
        %reshape3A_350 = vector.shape_cast %and3A_23 : vector<16xi32> to vector<16x1xi32>
        %gather3A_351 = vector.shape_cast %reshape3A_350 : vector<16x1xi32> to vector<16xi32>
        %gather3A_352 = tpu.dynamic_gather %masked_sort3A_340[%gather3A_351] in [0] : vector<16xi32>, vector<16xi32> -> vector<16xi32>
        %add3A_353 = arith.constant 1024 : i32
        %add3A_354 = vector.broadcast %add3A_353 : i32 to vector<16xi32>
        %add3A_355 = arith.addi %gather3A_352, %add3A_354 : vector<16xi32>
        %select_n3A_356 = arith.select %lt3A_20, %masked_sort3A_340, %add3A_355 : vector<16xi1>, vector<16xi32>
        %mul3A_357 = arith.constant 1.250000e-01 : f32
        %mul3A_358 = vector.broadcast %mul3A_357 : f32 to vector<16xf32>
        %mul3A_359 = arith.mulf %select_n3A_349, %mul3A_358 : vector<16xf32>
        %reduce_max3A = arith.constant true
        %reduce_max3A_360 = vector.broadcast %reduce_max3A : i1 to vector<16xi1>
        %reduce_max3A_361 = tpu.scan <max>, %mul3A_359 masked %reduce_max3A_360 : vector<16xf32>, vector<16xi1> -> vector<16xf32>
        %reduce_max3A_362 = vector.extract %reduce_max3A_361[15] : f32 from vector<16xf32>
        %sub3A_363 = vector.broadcast %reduce_max3A_362 : f32 to vector<16xf32>
        %sub3A_364 = arith.subf %mul3A_359, %sub3A_363 : vector<16xf32>
        %exp3A = math.exp %sub3A_364 : vector<16xf32>
        %reduce_sum3A = arith.constant true
        %reduce_sum3A_365 = vector.broadcast %reduce_sum3A : i1 to vector<16xi1>
        %reduce_sum3A_366 = tpu.scan <sum>, %exp3A masked %reduce_sum3A_365 : vector<16xf32>, vector<16xi1> -> vector<16xf32>
        %reduce_sum3A_367 = vector.extract %reduce_sum3A_366[15] : f32 from vector<16xf32>
        %div3A_368 = vector.broadcast %reduce_sum3A_367 : f32 to vector<16xf32>
        %div3A_369 = arith.divf %exp3A, %div3A_368 : vector<16xf32>
        %bitcast_convert_type3A = tpu.bitcast %div3A_369 : vector<16xf32> -> vector<16xi32>
        %add3A_370 = arith.constant 32767 : i32
        %add3A_371 = vector.broadcast %add3A_370 : i32 to vector<16xi32>
        %add3A_372 = arith.addi %bitcast_convert_type3A, %add3A_371 : vector<16xi32>
        %shift_right_arithmetic3A_373 = arith.constant 16 : i32
        %shift_right_arithmetic3A_374 = vector.broadcast %shift_right_arithmetic3A_373 : i32 to vector<16xi32>
        %shift_right_arithmetic3A_375 = arith.shrsi %bitcast_convert_type3A, %shift_right_arithmetic3A_374 : vector<16xi32>
        %and3A_376 = arith.constant 1 : i32
        %and3A_377 = vector.broadcast %and3A_376 : i32 to vector<16xi32>
        %and3A_378 = arith.andi %shift_right_arithmetic3A_375, %and3A_377 : vector<16xi32>
        %add3A_379 = arith.addi %add3A_372, %and3A_378 : vector<16xi32>
        %and3A_380 = arith.constant -65536 : i32
        %and3A_381 = vector.broadcast %and3A_380 : i32 to vector<16xi32>
        %and3A_382 = arith.andi %add3A_379, %and3A_381 : vector<16xi32>
        %bitcast_convert_type3A_383 = tpu.bitcast %and3A_382 : vector<16xi32> -> vector<16xf32>
        %mul3A_384 = arith.constant 2048 : i32
        %mul3A_385 = arith.muli %select_n3A, %mul3A_384 : i32
        %add3A_386 = vector.broadcast %mul3A_385 : i32 to vector<16xi32>
        %add3A_387 = arith.addi %select_n3A_356, %add3A_386 : vector<16xi32>
        %swap3A = arith.constant 0 : index
        %swap3A_388 = tpu.vector_load %arg9[%swap3A] {strides = array<i32>} : memref<16xi32, #tpu.memory_space<vmem>>, vector<16xi32>,
        tpu.vector_store %arg9[%swap3A], %add3A_387 {strides = array<i32>} : memref<16xi32, #tpu.memory_space<vmem>>, vector<16xi32>,
        %dma_start3A_389 = arith.constant 0 : i32
        %dma_start3A_390 = arith.constant 0 : i32
        %dma_start3A_391 = tpu.memref_slice %arg3[%dma_start3A_389, %dma_start3A_390] : memref<32768x64xf32, #tpu.memory_space<hbm>> -> memref<32768x64xf32, #tpu.memory_space<hbm>>
        tpu.enqueue_indirect_dma source(%dma_start3A_391 : memref<32768x64xf32, #tpu.memory_space<hbm>>) target(%arg7 : memref<16x64xf32, #tpu.memory_space<vmem>>) offsets(%arg9 : memref<16xi32, #tpu.memory_space<vmem>>) semaphore(%arg14 : memref<!tpu.dma_semaphore, #tpu.memory_space<semaphore_mem>>)
        %add3A_392 = arith.constant 1 : i32
        %add3A_393 = arith.addi %mul3A_92, %add3A_392 : i32
        %mul3A_394 = arith.constant 3072 : i32
        %mul3A_395 = arith.muli %add3A_393, %mul3A_394 : i32
        %add3A_396 = arith.constant 2944 : i32
        %add3A_397 = arith.addi %mul3A_395, %add3A_396 : i32
        %add3A_398 = arith.constant 0 : i32
        %add3A_399 = arith.addi %add3A_397, %add3A_398 : i32
        %broadcast_in_dim3A_400 = vector.broadcast %add3A_399 : i32 to vector<16xi32>
        %add3A_401 = arith.addi %broadcast_in_dim3A_400, %iota3A : vector<16xi32>
        %gather3A_402 = tpu.vector_load_idx %arg5[%add3A_401] : memref<24576xf32, #tpu.memory_space<vmem>>[vector<16xi32>], vector<16xf32>,
        %broadcast_in_dim3A_403 = arith.constant 0 : i32
        %broadcast_in_dim3A_404 = vector.broadcast %broadcast_in_dim3A_403 : i32 to vector<16xi32>
        %add3A_405 = arith.addi %broadcast_in_dim3A_404, %iota3A : vector<16xi32>
        %masked_sort3A_406 = arith.constant dense<true> : vector<16xi1>
        %masked_sort3A_407, %masked_sort3A_408, %masked_sort3A_409 = tpu.sort %gather3A_402, %add3A_405 masked %masked_sort3A_406 {descending = true} : (vector<16xf32>, vector<16xi32>, vector<16xi1>) -> (vector<16xi1>, vector<16xf32>, vector<16xi32>)
        %add3A_410 = arith.constant 2944 : i32
        %add3A_411 = arith.addi %mul3A_395, %add3A_410 : i32
        %add3A_412 = arith.constant 16 : i32
        %add3A_413 = arith.addi %add3A_411, %add3A_412 : i32
        %broadcast_in_dim3A_414 = vector.broadcast %add3A_413 : i32 to vector<16xi32>
        %add3A_415 = arith.addi %broadcast_in_dim3A_414, %iota3A : vector<16xi32>
        %gather3A_416 = tpu.vector_load_idx %arg5[%add3A_415] : memref<24576xf32, #tpu.memory_space<vmem>>[vector<16xi32>], vector<16xf32>,
        %broadcast_in_dim3A_417 = arith.constant 16 : i32
        %broadcast_in_dim3A_418 = vector.broadcast %broadcast_in_dim3A_417 : i32 to vector<16xi32>
        %add3A_419 = arith.addi %broadcast_in_dim3A_418, %iota3A : vector<16xi32>
        %masked_sort3A_420 = arith.constant dense<true> : vector<16xi1>
        %masked_sort3A_421, %masked_sort3A_422, %masked_sort3A_423 = tpu.sort %gather3A_416, %add3A_419 masked %masked_sort3A_420 {descending = true} : (vector<16xf32>, vector<16xi32>, vector<16xi1>) -> (vector<16xi1>, vector<16xf32>, vector<16xi32>)
        %add3A_424 = arith.constant 2944 : i32
        %add3A_425 = arith.addi %mul3A_395, %add3A_424 : i32
        %add3A_426 = arith.constant 32 : i32
        %add3A_427 = arith.addi %add3A_425, %add3A_426 : i32
        %broadcast_in_dim3A_428 = vector.broadcast %add3A_427 : i32 to vector<16xi32>
        %add3A_429 = arith.addi %broadcast_in_dim3A_428, %iota3A : vector<16xi32>
        %gather3A_430 = tpu.vector_load_idx %arg5[%add3A_429] : memref<24576xf32, #tpu.memory_space<vmem>>[vector<16xi32>], vector<16xf32>,
        %broadcast_in_dim3A_431 = arith.constant 32 : i32
        %broadcast_in_dim3A_432 = vector.broadcast %broadcast_in_dim3A_431 : i32 to vector<16xi32>
        %add3A_433 = arith.addi %broadcast_in_dim3A_432, %iota3A : vector<16xi32>
        %masked_sort3A_434 = arith.constant dense<true> : vector<16xi1>
        %masked_sort3A_435, %masked_sort3A_436, %masked_sort3A_437 = tpu.sort %gather3A_430, %add3A_433 masked %masked_sort3A_434 {descending = true} : (vector<16xf32>, vector<16xi32>, vector<16xi1>) -> (vector<16xi1>, vector<16xf32>, vector<16xi32>)
        %add3A_438 = arith.constant 2944 : i32
        %add3A_439 = arith.addi %mul3A_395, %add3A_438 : i32
        %add3A_440 = arith.constant 48 : i32
        %add3A_441 = arith.addi %add3A_439, %add3A_440 : i32
        %broadcast_in_dim3A_442 = vector.broadcast %add3A_441 : i32 to vector<16xi32>
        %add3A_443 = arith.addi %broadcast_in_dim3A_442, %iota3A : vector<16xi32>
        %gather3A_444 = tpu.vector_load_idx %arg5[%add3A_443] : memref<24576xf32, #tpu.memory_space<vmem>>[vector<16xi32>], vector<16xf32>,
        %broadcast_in_dim3A_445 = arith.constant 48 : i32
        %broadcast_in_dim3A_446 = vector.broadcast %broadcast_in_dim3A_445 : i32 to vector<16xi32>
        %add3A_447 = arith.addi %broadcast_in_dim3A_446, %iota3A : vector<16xi32>
        %masked_sort3A_448 = arith.constant dense<true> : vector<16xi1>
        %masked_sort3A_449, %masked_sort3A_450, %masked_sort3A_451 = tpu.sort %gather3A_444, %add3A_447 masked %masked_sort3A_448 {descending = true} : (vector<16xf32>, vector<16xi32>, vector<16xi1>) -> (vector<16xi1>, vector<16xf32>, vector<16xi32>)
        %iota3A_452 = tpu.iota {dimensions = array<i32: 0>} : vector<16xi32>
        %lt3A_453 = arith.constant 8 : i32
        %lt3A_454 = vector.broadcast %lt3A_453 : i32 to vector<16xi32>
        %lt3A_455 = arith.cmpi slt, %iota3A_452, %lt3A_454 : vector<16xi32>
        %and3A_456 = arith.constant 7 : i32
        %and3A_457 = vector.broadcast %and3A_456 : i32 to vector<16xi32>
        %and3A_458 = arith.andi %iota3A_452, %and3A_457 : vector<16xi32>
        %reshape3A_459 = vector.shape_cast %and3A_458 : vector<16xi32> to vector<16x1xi32>
        %gather3A_460 = vector.shape_cast %reshape3A_459 : vector<16x1xi32> to vector<16xi32>
        %gather3A_461 = tpu.dynamic_gather %masked_sort3A_422[%gather3A_460] in [0] : vector<16xf32>, vector<16xi32> -> vector<16xf32>
        %select_n3A_462 = arith.select %lt3A_455, %masked_sort3A_408, %gather3A_461 : vector<16xi1>, vector<16xf32>
        %reshape3A_463 = vector.shape_cast %and3A_458 : vector<16xi32> to vector<16x1xi32>
        %gather3A_464 = vector.shape_cast %reshape3A_463 : vector<16x1xi32> to vector<16xi32>
        %gather3A_465 = tpu.dynamic_gather %masked_sort3A_423[%gather3A_464] in [0] : vector<16xi32>, vector<16xi32> -> vector<16xi32>
        %select_n3A_466 = arith.select %lt3A_455, %masked_sort3A_409, %gather3A_465 : vector<16xi1>, vector<16xi32>
        %masked_sort3A_467 = arith.constant dense<true> : vector<16xi1>
        %masked_sort3A_468, %masked_sort3A_469, %masked_sort3A_470 = tpu.sort %select_n3A_462, %select_n3A_466 masked %masked_sort3A_467 {descending = true} : (vector<16xf32>, vector<16xi32>, vector<16xi1>) -> (vector<16xi1>, vector<16xf32>, vector<16xi32>)
        %iota3A_471 = tpu.iota {dimensions = array<i32: 0>} : vector<16xi32>
        %lt3A_472 = arith.constant 8 : i32
        %lt3A_473 = vector.broadcast %lt3A_472 : i32 to vector<16xi32>
        %lt3A_474 = arith.cmpi slt, %iota3A_471, %lt3A_473 : vector<16xi32>
        %and3A_475 = arith.constant 7 : i32
        %and3A_476 = vector.broadcast %and3A_475 : i32 to vector<16xi32>
        %and3A_477 = arith.andi %iota3A_471, %and3A_476 : vector<16xi32>
        %reshape3A_478 = vector.shape_cast %and3A_477 : vector<16xi32> to vector<16x1xi32>
        %gather3A_479 = vector.shape_cast %reshape3A_478 : vector<16x1xi32> to vector<16xi32>
        %gather3A_480 = tpu.dynamic_gather %masked_sort3A_450[%gather3A_479] in [0] : vector<16xf32>, vector<16xi32> -> vector<16xf32>
        %select_n3A_481 = arith.select %lt3A_474, %masked_sort3A_436, %gather3A_480 : vector<16xi1>, vector<16xf32>
        %reshape3A_482 = vector.shape_cast %and3A_477 : vector<16xi32> to vector<16x1xi32>
        %gather3A_483 = vector.shape_cast %reshape3A_482 : vector<16x1xi32> to vector<16xi32>
        %gather3A_484 = tpu.dynamic_gather %masked_sort3A_451[%gather3A_483] in [0] : vector<16xi32>, vector<16xi32> -> vector<16xi32>
        %select_n3A_485 = arith.select %lt3A_474, %masked_sort3A_437, %gather3A_484 : vector<16xi1>, vector<16xi32>
        %masked_sort3A_486 = arith.constant dense<true> : vector<16xi1>
        %masked_sort3A_487, %masked_sort3A_488, %masked_sort3A_489 = tpu.sort %select_n3A_481, %select_n3A_485 masked %masked_sort3A_486 {descending = true} : (vector<16xf32>, vector<16xi32>, vector<16xi1>) -> (vector<16xi1>, vector<16xf32>, vector<16xi32>)
        %iota3A_490 = tpu.iota {dimensions = array<i32: 0>} : vector<16xi32>
        %lt3A_491 = arith.constant 8 : i32
        %lt3A_492 = vector.broadcast %lt3A_491 : i32 to vector<16xi32>
        %lt3A_493 = arith.cmpi slt, %iota3A_490, %lt3A_492 : vector<16xi32>
        %and3A_494 = arith.constant 7 : i32
        %and3A_495 = vector.broadcast %and3A_494 : i32 to vector<16xi32>
        %and3A_496 = arith.andi %iota3A_490, %and3A_495 : vector<16xi32>
        %reshape3A_497 = vector.shape_cast %and3A_496 : vector<16xi32> to vector<16x1xi32>
        %gather3A_498 = vector.shape_cast %reshape3A_497 : vector<16x1xi32> to vector<16xi32>
        %gather3A_499 = tpu.dynamic_gather %masked_sort3A_488[%gather3A_498] in [0] : vector<16xf32>, vector<16xi32> -> vector<16xf32>
        %select_n3A_500 = arith.select %lt3A_493, %masked_sort3A_469, %gather3A_499 : vector<16xi1>, vector<16xf32>
        %reshape3A_501 = vector.shape_cast %and3A_496 : vector<16xi32> to vector<16x1xi32>
        %gather3A_502 = vector.shape_cast %reshape3A_501 : vector<16x1xi32> to vector<16xi32>
        %gather3A_503 = tpu.dynamic_gather %masked_sort3A_489[%gather3A_502] in [0] : vector<16xi32>, vector<16xi32> -> vector<16xi32>
        %select_n3A_504 = arith.select %lt3A_493, %masked_sort3A_470, %gather3A_503 : vector<16xi1>, vector<16xi32>
        %masked_sort3A_505 = arith.constant dense<true> : vector<16xi1>
        %masked_sort3A_506, %masked_sort3A_507, %masked_sort3A_508 = tpu.sort %select_n3A_500, %select_n3A_504 masked %masked_sort3A_505 {descending = true} : (vector<16xf32>, vector<16xi32>, vector<16xi1>) -> (vector<16xi1>, vector<16xf32>, vector<16xi32>)
        %iota3A_509 = tpu.iota {dimensions = array<i32: 0>} : vector<16xi32>
        %and3A_510 = arith.constant 63 : i32
        %and3A_511 = vector.broadcast %and3A_510 : i32 to vector<16xi32>
        %and3A_512 = arith.andi %masked_sort3A_508, %and3A_511 : vector<16xi32>
        %shift_right_arithmetic3A_513 = arith.constant 6 : i32
        %shift_right_arithmetic3A_514 = vector.broadcast %shift_right_arithmetic3A_513 : i32 to vector<16xi32>
        %shift_right_arithmetic3A_515 = arith.shrsi %masked_sort3A_508, %shift_right_arithmetic3A_514 : vector<16xi32>
        %shift_left3A_516 = arith.constant 7 : i32
        %shift_left3A_517 = vector.broadcast %shift_left3A_516 : i32 to vector<16xi32>
        %shift_left3A_518 = arith.shli %shift_right_arithmetic3A_515, %shift_left3A_517 : vector<16xi32>
        %or3A_519 = arith.ori %and3A_512, %shift_left3A_518 : vector<16xi32>
        %and3A_520 = arith.constant 7 : i32
        %and3A_521 = vector.broadcast %and3A_520 : i32 to vector<16xi32>
        %and3A_522 = arith.andi %iota3A_509, %and3A_521 : vector<16xi32>
        %reshape3A_523 = vector.shape_cast %and3A_522 : vector<16xi32> to vector<16x1xi32>
        %gather3A_524 = vector.shape_cast %reshape3A_523 : vector<16x1xi32> to vector<16xi32>
        %gather3A_525 = tpu.dynamic_gather %or3A_519[%gather3A_524] in [0] : vector<16xi32>, vector<16xi32> -> vector<16xi32>
        %lt3A_526 = arith.constant 8 : i32
        %lt3A_527 = vector.broadcast %lt3A_526 : i32 to vector<16xi32>
        %lt3A_528 = arith.cmpi slt, %iota3A_509, %lt3A_527 : vector<16xi32>
        %jit3A_529 = arith.constant 0 : i32
        %jit3A_530 = arith.constant 64 : i32
        %broadcast_in_dim3A_531 = vector.broadcast %jit3A_529 : i32 to vector<16xi32>
        %broadcast_in_dim3A_532 = vector.broadcast %jit3A_530 : i32 to vector<16xi32>
        %select_n3A_533 = arith.select %lt3A_528, %broadcast_in_dim3A_531, %broadcast_in_dim3A_532 : vector<16xi1>, vector<16xi32>
        %add3A_534 = arith.addi %gather3A_525, %select_n3A_533 : vector<16xi32>
        %add3A_535 = arith.constant 2816 : i32
        %add3A_536 = arith.addi %mul3A_395, %add3A_535 : i32
        %broadcast_in_dim3A_537 = vector.broadcast %add3A_536 : i32 to vector<16xi32>
        %add3A_538 = arith.addi %broadcast_in_dim3A_537, %add3A_534 : vector<16xi32>
        %gather3A_539 = tpu.vector_load_idx %arg5[%add3A_538] : memref<24576xf32, #tpu.memory_space<vmem>>[vector<16xi32>], vector<16xf32>,
        %masked_sort3A_540 = arith.constant dense<true> : vector<16xi1>
        %masked_sort3A_541, %masked_sort3A_542, %masked_sort3A_543 = tpu.sort %gather3A_539, %add3A_534 masked %masked_sort3A_540 {descending = true} : (vector<16xf32>, vector<16xi32>, vector<16xi1>) -> (vector<16xi1>, vector<16xf32>, vector<16xi32>)
        %iota3A_544 = tpu.iota {dimensions = array<i32: 0>} : vector<16xi32>
        %and3A_545 = arith.constant 63 : i32
        %and3A_546 = vector.broadcast %and3A_545 : i32 to vector<16xi32>
        %and3A_547 = arith.andi %masked_sort3A_543, %and3A_546 : vector<16xi32>
        %shift_right_arithmetic3A_548 = arith.constant 6 : i32
        %shift_right_arithmetic3A_549 = vector.broadcast %shift_right_arithmetic3A_548 : i32 to vector<16xi32>
        %shift_right_arithmetic3A_550 = arith.shrsi %masked_sort3A_543, %shift_right_arithmetic3A_549 : vector<16xi32>
        %shift_left3A_551 = arith.constant 7 : i32
        %shift_left3A_552 = vector.broadcast %shift_left3A_551 : i32 to vector<16xi32>
        %shift_left3A_553 = arith.shli %shift_right_arithmetic3A_550, %shift_left3A_552 : vector<16xi32>
        %or3A_554 = arith.ori %and3A_547, %shift_left3A_553 : vector<16xi32>
        %and3A_555 = arith.constant 7 : i32
        %and3A_556 = vector.broadcast %and3A_555 : i32 to vector<16xi32>
        %and3A_557 = arith.andi %iota3A_544, %and3A_556 : vector<16xi32>
        %reshape3A_558 = vector.shape_cast %and3A_557 : vector<16xi32> to vector<16x1xi32>
        %gather3A_559 = vector.shape_cast %reshape3A_558 : vector<16x1xi32> to vector<16xi32>
        %gather3A_560 = tpu.dynamic_gather %or3A_554[%gather3A_559] in [0] : vector<16xi32>, vector<16xi32> -> vector<16xi32>
        %lt3A_561 = arith.constant 8 : i32
        %lt3A_562 = vector.broadcast %lt3A_561 : i32 to vector<16xi32>
        %lt3A_563 = arith.cmpi slt, %iota3A_544, %lt3A_562 : vector<16xi32>
        %jit3A_564 = arith.constant 0 : i32
        %jit3A_565 = arith.constant 64 : i32
        %broadcast_in_dim3A_566 = vector.broadcast %jit3A_564 : i32 to vector<16xi32>
        %broadcast_in_dim3A_567 = vector.broadcast %jit3A_565 : i32 to vector<16xi32>
        %select_n3A_568 = arith.select %lt3A_563, %broadcast_in_dim3A_566, %broadcast_in_dim3A_567 : vector<16xi1>, vector<16xi32>
        %add3A_569 = arith.addi %gather3A_560, %select_n3A_568 : vector<16xi32>
        %add3A_570 = arith.constant 2560 : i32
        %add3A_571 = arith.addi %mul3A_395, %add3A_570 : i32
        %broadcast_in_dim3A_572 = vector.broadcast %add3A_571 : i32 to vector<16xi32>
        %add3A_573 = arith.addi %broadcast_in_dim3A_572, %add3A_569 : vector<16xi32>
        %gather3A_574 = tpu.vector_load_idx %arg5[%add3A_573] : memref<24576xf32, #tpu.memory_space<vmem>>[vector<16xi32>], vector<16xf32>,
        %masked_sort3A_575 = arith.constant dense<true> : vector<16xi1>
        %masked_sort3A_576, %masked_sort3A_577, %masked_sort3A_578 = tpu.sort %gather3A_574, %add3A_569 masked %masked_sort3A_575 {descending = true} : (vector<16xf32>, vector<16xi32>, vector<16xi1>) -> (vector<16xi1>, vector<16xf32>, vector<16xi32>)
        %iota3A_579 = tpu.iota {dimensions = array<i32: 0>} : vector<16xi32>
        %and3A_580 = arith.constant 63 : i32
        %and3A_581 = vector.broadcast %and3A_580 : i32 to vector<16xi32>
        %and3A_582 = arith.andi %masked_sort3A_578, %and3A_581 : vector<16xi32>
        %shift_right_arithmetic3A_583 = arith.constant 6 : i32
        %shift_right_arithmetic3A_584 = vector.broadcast %shift_right_arithmetic3A_583 : i32 to vector<16xi32>
        %shift_right_arithmetic3A_585 = arith.shrsi %masked_sort3A_578, %shift_right_arithmetic3A_584 : vector<16xi32>
        %shift_left3A_586 = arith.constant 7 : i32
        %shift_left3A_587 = vector.broadcast %shift_left3A_586 : i32 to vector<16xi32>
        %shift_left3A_588 = arith.shli %shift_right_arithmetic3A_585, %shift_left3A_587 : vector<16xi32>
        %or3A_589 = arith.ori %and3A_582, %shift_left3A_588 : vector<16xi32>
        %and3A_590 = arith.constant 7 : i32
        %and3A_591 = vector.broadcast %and3A_590 : i32 to vector<16xi32>
        %and3A_592 = arith.andi %iota3A_579, %and3A_591 : vector<16xi32>
        %reshape3A_593 = vector.shape_cast %and3A_592 : vector<16xi32> to vector<16x1xi32>
        %gather3A_594 = vector.shape_cast %reshape3A_593 : vector<16x1xi32> to vector<16xi32>
        %gather3A_595 = tpu.dynamic_gather %or3A_589[%gather3A_594] in [0] : vector<16xi32>, vector<16xi32> -> vector<16xi32>
        %lt3A_596 = arith.constant 8 : i32
        %lt3A_597 = vector.broadcast %lt3A_596 : i32 to vector<16xi32>
        %lt3A_598 = arith.cmpi slt, %iota3A_579, %lt3A_597 : vector<16xi32>
        %jit3A_599 = arith.constant 0 : i32
        %jit3A_600 = arith.constant 64 : i32
        %broadcast_in_dim3A_601 = vector.broadcast %jit3A_599 : i32 to vector<16xi32>
        %broadcast_in_dim3A_602 = vector.broadcast %jit3A_600 : i32 to vector<16xi32>
        %select_n3A_603 = arith.select %lt3A_598, %broadcast_in_dim3A_601, %broadcast_in_dim3A_602 : vector<16xi1>, vector<16xi32>
        %add3A_604 = arith.addi %gather3A_595, %select_n3A_603 : vector<16xi32>
        %add3A_605 = arith.constant 2048 : i32
        %add3A_606 = arith.addi %mul3A_395, %add3A_605 : i32
        %broadcast_in_dim3A_607 = vector.broadcast %add3A_606 : i32 to vector<16xi32>
        %add3A_608 = arith.addi %broadcast_in_dim3A_607, %add3A_604 : vector<16xi32>
        %gather3A_609 = tpu.vector_load_idx %arg5[%add3A_608] : memref<24576xf32, #tpu.memory_space<vmem>>[vector<16xi32>], vector<16xf32>,
        %masked_sort3A_610 = arith.constant dense<true> : vector<16xi1>
        %masked_sort3A_611, %masked_sort3A_612, %masked_sort3A_613 = tpu.sort %gather3A_609, %add3A_604 masked %masked_sort3A_610 {descending = true} : (vector<16xf32>, vector<16xi32>, vector<16xi1>) -> (vector<16xi1>, vector<16xf32>, vector<16xi32>)
        %iota3A_614 = tpu.iota {dimensions = array<i32: 0>} : vector<16xi32>
        %and3A_615 = arith.constant 63 : i32
        %and3A_616 = vector.broadcast %and3A_615 : i32 to vector<16xi32>
        %and3A_617 = arith.andi %masked_sort3A_613, %and3A_616 : vector<16xi32>
        %shift_right_arithmetic3A_618 = arith.constant 6 : i32
        %shift_right_arithmetic3A_619 = vector.broadcast %shift_right_arithmetic3A_618 : i32 to vector<16xi32>
        %shift_right_arithmetic3A_620 = arith.shrsi %masked_sort3A_613, %shift_right_arithmetic3A_619 : vector<16xi32>
        %shift_left3A_621 = arith.constant 7 : i32
        %shift_left3A_622 = vector.broadcast %shift_left3A_621 : i32 to vector<16xi32>
        %shift_left3A_623 = arith.shli %shift_right_arithmetic3A_620, %shift_left3A_622 : vector<16xi32>
        %or3A_624 = arith.ori %and3A_617, %shift_left3A_623 : vector<16xi32>
        %and3A_625 = arith.constant 7 : i32
        %and3A_626 = vector.broadcast %and3A_625 : i32 to vector<16xi32>
        %and3A_627 = arith.andi %iota3A_614, %and3A_626 : vector<16xi32>
        %reshape3A_628 = vector.shape_cast %and3A_627 : vector<16xi32> to vector<16x1xi32>
        %gather3A_629 = vector.shape_cast %reshape3A_628 : vector<16x1xi32> to vector<16xi32>
        %gather3A_630 = tpu.dynamic_gather %or3A_624[%gather3A_629] in [0] : vector<16xi32>, vector<16xi32> -> vector<16xi32>
        %lt3A_631 = arith.constant 8 : i32
        %lt3A_632 = vector.broadcast %lt3A_631 : i32 to vector<16xi32>
        %lt3A_633 = arith.cmpi slt, %iota3A_614, %lt3A_632 : vector<16xi32>
        %jit3A_634 = arith.constant 0 : i32
        %jit3A_635 = arith.constant 64 : i32
        %broadcast_in_dim3A_636 = vector.broadcast %jit3A_634 : i32 to vector<16xi32>
        %broadcast_in_dim3A_637 = vector.broadcast %jit3A_635 : i32 to vector<16xi32>
        %select_n3A_638 = arith.select %lt3A_633, %broadcast_in_dim3A_636, %broadcast_in_dim3A_637 : vector<16xi1>, vector<16xi32>
        %add3A_639 = arith.addi %gather3A_630, %select_n3A_638 : vector<16xi32>
        %add3A_640 = arith.constant 0 : i32
        %add3A_641 = arith.addi %mul3A_395, %add3A_640 : i32
        %broadcast_in_dim3A_642 = vector.broadcast %add3A_641 : i32 to vector<16xi32>
        %add3A_643 = arith.addi %broadcast_in_dim3A_642, %add3A_639 : vector<16xi32>
        %gather3A_644 = tpu.vector_load_idx %arg5[%add3A_643] : memref<24576xf32, #tpu.memory_space<vmem>>[vector<16xi32>], vector<16xf32>,
        %masked_sort3A_645 = arith.constant dense<true> : vector<16xi1>
        %masked_sort3A_646, %masked_sort3A_647, %masked_sort3A_648 = tpu.sort %gather3A_644, %add3A_639 masked %masked_sort3A_645 {descending = true} : (vector<16xf32>, vector<16xi32>, vector<16xi1>) -> (vector<16xi1>, vector<16xf32>, vector<16xi32>)
        %add3A_649 = arith.constant 1024 : i32
        %add3A_650 = arith.addi %mul3A_395, %add3A_649 : i32
        %broadcast_in_dim3A_651 = vector.broadcast %add3A_650 : i32 to vector<16xi32>
        %add3A_652 = arith.addi %broadcast_in_dim3A_651, %masked_sort3A_648 : vector<16xi32>
        %gather3A_653 = tpu.vector_load_idx %arg5[%add3A_652] : memref<24576xf32, #tpu.memory_space<vmem>>[vector<16xi32>], vector<16xf32>,
        %reshape3A_654 = vector.shape_cast %and3A_23 : vector<16xi32> to vector<16x1xi32>
        %gather3A_655 = vector.shape_cast %reshape3A_654 : vector<16x1xi32> to vector<16xi32>
        %gather3A_656 = tpu.dynamic_gather %gather3A_653[%gather3A_655] in [0] : vector<16xf32>, vector<16xi32> -> vector<16xf32>
        %select_n3A_657 = arith.select %lt3A_20, %masked_sort3A_647, %gather3A_656 : vector<16xi1>, vector<16xf32>
        %reshape3A_658 = vector.shape_cast %and3A_23 : vector<16xi32> to vector<16x1xi32>
        %gather3A_659 = vector.shape_cast %reshape3A_658 : vector<16x1xi32> to vector<16xi32>
        %gather3A_660 = tpu.dynamic_gather %masked_sort3A_648[%gather3A_659] in [0] : vector<16xi32>, vector<16xi32> -> vector<16xi32>
        %add3A_661 = arith.constant 1024 : i32
        %add3A_662 = vector.broadcast %add3A_661 : i32 to vector<16xi32>
        %add3A_663 = arith.addi %gather3A_660, %add3A_662 : vector<16xi32>
        %select_n3A_664 = arith.select %lt3A_20, %masked_sort3A_648, %add3A_663 : vector<16xi1>, vector<16xi32>
        %mul3A_665 = arith.constant 1.250000e-01 : f32
        %mul3A_666 = vector.broadcast %mul3A_665 : f32 to vector<16xf32>
        %mul3A_667 = arith.mulf %select_n3A_657, %mul3A_666 : vector<16xf32>
        %reduce_max3A_668 = arith.constant true
        %reduce_max3A_669 = vector.broadcast %reduce_max3A_668 : i1 to vector<16xi1>
        %reduce_max3A_670 = tpu.scan <max>, %mul3A_667 masked %reduce_max3A_669 : vector<16xf32>, vector<16xi1> -> vector<16xf32>
        %reduce_max3A_671 = vector.extract %reduce_max3A_670[15] : f32 from vector<16xf32>
        %sub3A_672 = vector.broadcast %reduce_max3A_671 : f32 to vector<16xf32>
        %sub3A_673 = arith.subf %mul3A_667, %sub3A_672 : vector<16xf32>
        %exp3A_674 = math.exp %sub3A_673 : vector<16xf32>
        %reduce_sum3A_675 = arith.constant true
        %reduce_sum3A_676 = vector.broadcast %reduce_sum3A_675 : i1 to vector<16xi1>
        %reduce_sum3A_677 = tpu.scan <sum>, %exp3A_674 masked %reduce_sum3A_676 : vector<16xf32>, vector<16xi1> -> vector<16xf32>
        %reduce_sum3A_678 = vector.extract %reduce_sum3A_677[15] : f32 from vector<16xf32>
        %div3A_679 = vector.broadcast %reduce_sum3A_678 : f32 to vector<16xf32>
        %div3A_680 = arith.divf %exp3A_674, %div3A_679 : vector<16xf32>
        %bitcast_convert_type3A_681 = tpu.bitcast %div3A_680 : vector<16xf32> -> vector<16xi32>
        %add3A_682 = arith.constant 32767 : i32
        %add3A_683 = vector.broadcast %add3A_682 : i32 to vector<16xi32>
        %add3A_684 = arith.addi %bitcast_convert_type3A_681, %add3A_683 : vector<16xi32>
        %shift_right_arithmetic3A_685 = arith.constant 16 : i32
        %shift_right_arithmetic3A_686 = vector.broadcast %shift_right_arithmetic3A_685 : i32 to vector<16xi32>
        %shift_right_arithmetic3A_687 = arith.shrsi %bitcast_convert_type3A_681, %shift_right_arithmetic3A_686 : vector<16xi32>
        %and3A_688 = arith.constant 1 : i32
        %and3A_689 = vector.broadcast %and3A_688 : i32 to vector<16xi32>
        %and3A_690 = arith.andi %shift_right_arithmetic3A_687, %and3A_689 : vector<16xi32>
        %add3A_691 = arith.addi %add3A_684, %and3A_690 : vector<16xi32>
        %and3A_692 = arith.constant -65536 : i32
        %and3A_693 = vector.broadcast %and3A_692 : i32 to vector<16xi32>
        %and3A_694 = arith.andi %add3A_691, %and3A_693 : vector<16xi32>
        %bitcast_convert_type3A_695 = tpu.bitcast %and3A_694 : vector<16xi32> -> vector<16xf32>
        %mul3A_696 = arith.constant 2048 : i32
        %mul3A_697 = arith.muli %select_n3A, %mul3A_696 : i32
        %add3A_698 = vector.broadcast %mul3A_697 : i32 to vector<16xi32>
        %add3A_699 = arith.addi %select_n3A_664, %add3A_698 : vector<16xi32>
        %swap3A_700 = arith.constant 0 : index
        %swap3A_701 = tpu.vector_load %arg10[%swap3A_700] {strides = array<i32>} : memref<16xi32, #tpu.memory_space<vmem>>, vector<16xi32>,
        tpu.vector_store %arg10[%swap3A_700], %add3A_699 {strides = array<i32>} : memref<16xi32, #tpu.memory_space<vmem>>, vector<16xi32>,
        %dma_start3A_702 = arith.constant 0 : i32
        %dma_start3A_703 = arith.constant 0 : i32
        %dma_start3A_704 = tpu.memref_slice %arg3[%dma_start3A_702, %dma_start3A_703] : memref<32768x64xf32, #tpu.memory_space<hbm>> -> memref<32768x64xf32, #tpu.memory_space<hbm>>
        tpu.enqueue_indirect_dma source(%dma_start3A_704 : memref<32768x64xf32, #tpu.memory_space<hbm>>) target(%arg8 : memref<16x64xf32, #tpu.memory_space<vmem>>) offsets(%arg10 : memref<16xi32, #tpu.memory_space<vmem>>) semaphore(%arg15 : memref<!tpu.dma_semaphore, #tpu.memory_space<semaphore_mem>>)
        %dma_wait3A_705 = arith.constant 0 : i32
        %dma_wait3A_706 = arith.constant 0 : i32
        %dma_wait3A_707 = tpu.memref_slice %arg3[%dma_wait3A_705, %dma_wait3A_706] : memref<32768x64xf32, #tpu.memory_space<hbm>> -> memref<32768x64xf32, #tpu.memory_space<hbm>>
        tpu.wait_indirect_dma semaphore(%arg14 : memref<!tpu.dma_semaphore, #tpu.memory_space<semaphore_mem>>) src(%dma_wait3A_707 : memref<32768x64xf32, #tpu.memory_space<hbm>>) dst(%arg7 : memref<16x64xf32, #tpu.memory_space<vmem>>)
        %broadcast_in_dim3A_708 = arith.constant 0.000000e+00 : f32
        %broadcast_in_dim3A_709 = vector.broadcast %broadcast_in_dim3A_708 : f32 to vector<16xf32>
        %broadcast_in_dim3A_710 = arith.constant 0.000000e+00 : f32
        %broadcast_in_dim3A_711 = vector.broadcast %broadcast_in_dim3A_710 : f32 to vector<16xf32>
        %broadcast_in_dim3A_712 = arith.constant 0.000000e+00 : f32
        %broadcast_in_dim3A_713 = vector.broadcast %broadcast_in_dim3A_712 : f32 to vector<16xf32>
        %broadcast_in_dim3A_714 = arith.constant 0.000000e+00 : f32
        %broadcast_in_dim3A_715 = vector.broadcast %broadcast_in_dim3A_714 : f32 to vector<16xf32>
        %broadcast_in_dim3A_716 = arith.constant 0 : i32
        %broadcast_in_dim3A_717 = vector.broadcast %broadcast_in_dim3A_716 : i32 to vector<16xi32>
        %reshape3A_718 = vector.shape_cast %broadcast_in_dim3A_717 : vector<16xi32> to vector<16x1xi32>
        %gather3A_719 = vector.shape_cast %reshape3A_718 : vector<16x1xi32> to vector<16xi32>
        %gather3A_720 = tpu.dynamic_gather %bitcast_convert_type3A_383[%gather3A_719] in [0] : vector<16xf32>, vector<16xi32> -> vector<16xf32>
        %get3A = arith.constant 0 : i32
        %get3A_721 = arith.index_cast %get3A : i32 to index
        %get3A_722 = arith.constant 0 : index
        %get3A_723 = tpu.vector_load %arg7[%get3A_721, %get3A_722] {strides = array<i32>} : memref<16x64xf32, #tpu.memory_space<vmem>>, vector<16xf32>,
        %mul3A_724 = arith.mulf %get3A_723, %gather3A_720 : vector<16xf32>
        %add3A_725 = arith.addf %broadcast_in_dim3A_709, %mul3A_724 : vector<16xf32>
        %get3A_726 = arith.constant 0 : i32
        %get3A_727 = arith.index_cast %get3A_726 : i32 to index
        %get3A_728 = arith.constant 16 : index
        %get3A_729 = tpu.vector_load %arg7[%get3A_727, %get3A_728] {strides = array<i32>} : memref<16x64xf32, #tpu.memory_space<vmem>>, vector<16xf32>,
        %mul3A_730 = arith.mulf %get3A_729, %gather3A_720 : vector<16xf32>
        %add3A_731 = arith.addf %broadcast_in_dim3A_711, %mul3A_730 : vector<16xf32>
        %get3A_732 = arith.constant 0 : i32
        %get3A_733 = arith.index_cast %get3A_732 : i32 to index
        %get3A_734 = arith.constant 32 : index
        %get3A_735 = tpu.vector_load %arg7[%get3A_733, %get3A_734] {strides = array<i32>} : memref<16x64xf32, #tpu.memory_space<vmem>>, vector<16xf32>,
        %mul3A_736 = arith.mulf %get3A_735, %gather3A_720 : vector<16xf32>
        %add3A_737 = arith.addf %broadcast_in_dim3A_713, %mul3A_736 : vector<16xf32>
        %get3A_738 = arith.constant 0 : i32
        %get3A_739 = arith.index_cast %get3A_738 : i32 to index
        %get3A_740 = arith.constant 48 : index
        %get3A_741 = tpu.vector_load %arg7[%get3A_739, %get3A_740] {strides = array<i32>} : memref<16x64xf32, #tpu.memory_space<vmem>>, vector<16xf32>,
        %mul3A_742 = arith.mulf %get3A_741, %gather3A_720 : vector<16xf32>
        %add3A_743 = arith.addf %broadcast_in_dim3A_715, %mul3A_742 : vector<16xf32>
        %broadcast_in_dim3A_744 = arith.constant 1 : i32
        %broadcast_in_dim3A_745 = vector.broadcast %broadcast_in_dim3A_744 : i32 to vector<16xi32>
        %reshape3A_746 = vector.shape_cast %broadcast_in_dim3A_745 : vector<16xi32> to vector<16x1xi32>
        %gather3A_747 = vector.shape_cast %reshape3A_746 : vector<16x1xi32> to vector<16xi32>
        %gather3A_748 = tpu.dynamic_gather %bitcast_convert_type3A_383[%gather3A_747] in [0] : vector<16xf32>, vector<16xi32> -> vector<16xf32>
        %get3A_749 = arith.constant 1 : i32
        %get3A_750 = arith.index_cast %get3A_749 : i32 to index
        %get3A_751 = arith.constant 0 : index
        %get3A_752 = tpu.vector_load %arg7[%get3A_750, %get3A_751] {strides = array<i32>} : memref<16x64xf32, #tpu.memory_space<vmem>>, vector<16xf32>,
        %mul3A_753 = arith.mulf %get3A_752, %gather3A_748 : vector<16xf32>
        %add3A_754 = arith.addf %add3A_725, %mul3A_753 : vector<16xf32>
        %get3A_755 = arith.constant 1 : i32
        %get3A_756 = arith.index_cast %get3A_755 : i32 to index
        %get3A_757 = arith.constant 16 : index
        %get3A_758 = tpu.vector_load %arg7[%get3A_756, %get3A_757] {strides = array<i32>} : memref<16x64xf32, #tpu.memory_space<vmem>>, vector<16xf32>,
        %mul3A_759 = arith.mulf %get3A_758, %gather3A_748 : vector<16xf32>
        %add3A_760 = arith.addf %add3A_731, %mul3A_759 : vector<16xf32>
        %get3A_761 = arith.constant 1 : i32
        %get3A_762 = arith.index_cast %get3A_761 : i32 to index
        %get3A_763 = arith.constant 32 : index
        %get3A_764 = tpu.vector_load %arg7[%get3A_762, %get3A_763] {strides = array<i32>} : memref<16x64xf32, #tpu.memory_space<vmem>>, vector<16xf32>,
        %mul3A_765 = arith.mulf %get3A_764, %gather3A_748 : vector<16xf32>
        %add3A_766 = arith.addf %add3A_737, %mul3A_765 : vector<16xf32>
        %get3A_767 = arith.constant 1 : i32
        %get3A_768 = arith.index_cast %get3A_767 : i32 to index
        %get3A_769 = arith.constant 48 : index
        %get3A_770 = tpu.vector_load %arg7[%get3A_768, %get3A_769] {strides = array<i32>} : memref<16x64xf32, #tpu.memory_space<vmem>>, vector<16xf32>,
        %mul3A_771 = arith.mulf %get3A_770, %gather3A_748 : vector<16xf32>
        %add3A_772 = arith.addf %add3A_743, %mul3A_771 : vector<16xf32>
        %broadcast_in_dim3A_773 = arith.constant 2 : i32
        %broadcast_in_dim3A_774 = vector.broadcast %broadcast_in_dim3A_773 : i32 to vector<16xi32>
        %reshape3A_775 = vector.shape_cast %broadcast_in_dim3A_774 : vector<16xi32> to vector<16x1xi32>
        %gather3A_776 = vector.shape_cast %reshape3A_775 : vector<16x1xi32> to vector<16xi32>
        %gather3A_777 = tpu.dynamic_gather %bitcast_convert_type3A_383[%gather3A_776] in [0] : vector<16xf32>, vector<16xi32> -> vector<16xf32>
        %get3A_778 = arith.constant 2 : i32
        %get3A_779 = arith.index_cast %get3A_778 : i32 to index
        %get3A_780 = arith.constant 0 : index
        %get3A_781 = tpu.vector_load %arg7[%get3A_779, %get3A_780] {strides = array<i32>} : memref<16x64xf32, #tpu.memory_space<vmem>>, vector<16xf32>,
        %mul3A_782 = arith.mulf %get3A_781, %gather3A_777 : vector<16xf32>
        %add3A_783 = arith.addf %add3A_754, %mul3A_782 : vector<16xf32>
        %get3A_784 = arith.constant 2 : i32
        %get3A_785 = arith.index_cast %get3A_784 : i32 to index
        %get3A_786 = arith.constant 16 : index
        %get3A_787 = tpu.vector_load %arg7[%get3A_785, %get3A_786] {strides = array<i32>} : memref<16x64xf32, #tpu.memory_space<vmem>>, vector<16xf32>,
        %mul3A_788 = arith.mulf %get3A_787, %gather3A_777 : vector<16xf32>
        %add3A_789 = arith.addf %add3A_760, %mul3A_788 : vector<16xf32>
        %get3A_790 = arith.constant 2 : i32
        %get3A_791 = arith.index_cast %get3A_790 : i32 to index
        %get3A_792 = arith.constant 32 : index
        %get3A_793 = tpu.vector_load %arg7[%get3A_791, %get3A_792] {strides = array<i32>} : memref<16x64xf32, #tpu.memory_space<vmem>>, vector<16xf32>,
        %mul3A_794 = arith.mulf %get3A_793, %gather3A_777 : vector<16xf32>
        %add3A_795 = arith.addf %add3A_766, %mul3A_794 : vector<16xf32>
        %get3A_796 = arith.constant 2 : i32
        %get3A_797 = arith.index_cast %get3A_796 : i32 to index
        %get3A_798 = arith.constant 48 : index
        %get3A_799 = tpu.vector_load %arg7[%get3A_797, %get3A_798] {strides = array<i32>} : memref<16x64xf32, #tpu.memory_space<vmem>>, vector<16xf32>,
        %mul3A_800 = arith.mulf %get3A_799, %gather3A_777 : vector<16xf32>
        %add3A_801 = arith.addf %add3A_772, %mul3A_800 : vector<16xf32>
        %broadcast_in_dim3A_802 = arith.constant 3 : i32
        %broadcast_in_dim3A_803 = vector.broadcast %broadcast_in_dim3A_802 : i32 to vector<16xi32>
        %reshape3A_804 = vector.shape_cast %broadcast_in_dim3A_803 : vector<16xi32> to vector<16x1xi32>
        %gather3A_805 = vector.shape_cast %reshape3A_804 : vector<16x1xi32> to vector<16xi32>
        %gather3A_806 = tpu.dynamic_gather %bitcast_convert_type3A_383[%gather3A_805] in [0] : vector<16xf32>, vector<16xi32> -> vector<16xf32>
        %get3A_807 = arith.constant 3 : i32
        %get3A_808 = arith.index_cast %get3A_807 : i32 to index
        %get3A_809 = arith.constant 0 : index
        %get3A_810 = tpu.vector_load %arg7[%get3A_808, %get3A_809] {strides = array<i32>} : memref<16x64xf32, #tpu.memory_space<vmem>>, vector<16xf32>,
        %mul3A_811 = arith.mulf %get3A_810, %gather3A_806 : vector<16xf32>
        %add3A_812 = arith.addf %add3A_783, %mul3A_811 : vector<16xf32>
        %get3A_813 = arith.constant 3 : i32
        %get3A_814 = arith.index_cast %get3A_813 : i32 to index
        %get3A_815 = arith.constant 16 : index
        %get3A_816 = tpu.vector_load %arg7[%get3A_814, %get3A_815] {strides = array<i32>} : memref<16x64xf32, #tpu.memory_space<vmem>>, vector<16xf32>,
        %mul3A_817 = arith.mulf %get3A_816, %gather3A_806 : vector<16xf32>
        %add3A_818 = arith.addf %add3A_789, %mul3A_817 : vector<16xf32>
        %get3A_819 = arith.constant 3 : i32
        %get3A_820 = arith.index_cast %get3A_819 : i32 to index
        %get3A_821 = arith.constant 32 : index
        %get3A_822 = tpu.vector_load %arg7[%get3A_820, %get3A_821] {strides = array<i32>} : memref<16x64xf32, #tpu.memory_space<vmem>>, vector<16xf32>,
        %mul3A_823 = arith.mulf %get3A_822, %gather3A_806 : vector<16xf32>
        %add3A_824 = arith.addf %add3A_795, %mul3A_823 : vector<16xf32>
        %get3A_825 = arith.constant 3 : i32
        %get3A_826 = arith.index_cast %get3A_825 : i32 to index
        %get3A_827 = arith.constant 48 : index
        %get3A_828 = tpu.vector_load %arg7[%get3A_826, %get3A_827] {strides = array<i32>} : memref<16x64xf32, #tpu.memory_space<vmem>>, vector<16xf32>,
        %mul3A_829 = arith.mulf %get3A_828, %gather3A_806 : vector<16xf32>
        %add3A_830 = arith.addf %add3A_801, %mul3A_829 : vector<16xf32>
        %broadcast_in_dim3A_831 = arith.constant 4 : i32
        %broadcast_in_dim3A_832 = vector.broadcast %broadcast_in_dim3A_831 : i32 to vector<16xi32>
        %reshape3A_833 = vector.shape_cast %broadcast_in_dim3A_832 : vector<16xi32> to vector<16x1xi32>
        %gather3A_834 = vector.shape_cast %reshape3A_833 : vector<16x1xi32> to vector<16xi32>
        %gather3A_835 = tpu.dynamic_gather %bitcast_convert_type3A_383[%gather3A_834] in [0] : vector<16xf32>, vector<16xi32> -> vector<16xf32>
        %get3A_836 = arith.constant 4 : i32
        %get3A_837 = arith.index_cast %get3A_836 : i32 to index
        %get3A_838 = arith.constant 0 : index
        %get3A_839 = tpu.vector_load %arg7[%get3A_837, %get3A_838] {strides = array<i32>} : memref<16x64xf32, #tpu.memory_space<vmem>>, vector<16xf32>,
        %mul3A_840 = arith.mulf %get3A_839, %gather3A_835 : vector<16xf32>
        %add3A_841 = arith.addf %add3A_812, %mul3A_840 : vector<16xf32>
        %get3A_842 = arith.constant 4 : i32
        %get3A_843 = arith.index_cast %get3A_842 : i32 to index
        %get3A_844 = arith.constant 16 : index
        %get3A_845 = tpu.vector_load %arg7[%get3A_843, %get3A_844] {strides = array<i32>} : memref<16x64xf32, #tpu.memory_space<vmem>>, vector<16xf32>,
        %mul3A_846 = arith.mulf %get3A_845, %gather3A_835 : vector<16xf32>
        %add3A_847 = arith.addf %add3A_818, %mul3A_846 : vector<16xf32>
        %get3A_848 = arith.constant 4 : i32
        %get3A_849 = arith.index_cast %get3A_848 : i32 to index
        %get3A_850 = arith.constant 32 : index
        %get3A_851 = tpu.vector_load %arg7[%get3A_849, %get3A_850] {strides = array<i32>} : memref<16x64xf32, #tpu.memory_space<vmem>>, vector<16xf32>,
        %mul3A_852 = arith.mulf %get3A_851, %gather3A_835 : vector<16xf32>
        %add3A_853 = arith.addf %add3A_824, %mul3A_852 : vector<16xf32>
        %get3A_854 = arith.constant 4 : i32
        %get3A_855 = arith.index_cast %get3A_854 : i32 to index
        %get3A_856 = arith.constant 48 : index
        %get3A_857 = tpu.vector_load %arg7[%get3A_855, %get3A_856] {strides = array<i32>} : memref<16x64xf32, #tpu.memory_space<vmem>>, vector<16xf32>,
        %mul3A_858 = arith.mulf %get3A_857, %gather3A_835 : vector<16xf32>
        %add3A_859 = arith.addf %add3A_830, %mul3A_858 : vector<16xf32>
        %broadcast_in_dim3A_860 = arith.constant 5 : i32
        %broadcast_in_dim3A_861 = vector.broadcast %broadcast_in_dim3A_860 : i32 to vector<16xi32>
        %reshape3A_862 = vector.shape_cast %broadcast_in_dim3A_861 : vector<16xi32> to vector<16x1xi32>
        %gather3A_863 = vector.shape_cast %reshape3A_862 : vector<16x1xi32> to vector<16xi32>
        %gather3A_864 = tpu.dynamic_gather %bitcast_convert_type3A_383[%gather3A_863] in [0] : vector<16xf32>, vector<16xi32> -> vector<16xf32>
        %get3A_865 = arith.constant 5 : i32
        %get3A_866 = arith.index_cast %get3A_865 : i32 to index
        %get3A_867 = arith.constant 0 : index
        %get3A_868 = tpu.vector_load %arg7[%get3A_866, %get3A_867] {strides = array<i32>} : memref<16x64xf32, #tpu.memory_space<vmem>>, vector<16xf32>,
        %mul3A_869 = arith.mulf %get3A_868, %gather3A_864 : vector<16xf32>
        %add3A_870 = arith.addf %add3A_841, %mul3A_869 : vector<16xf32>
        %get3A_871 = arith.constant 5 : i32
        %get3A_872 = arith.index_cast %get3A_871 : i32 to index
        %get3A_873 = arith.constant 16 : index
        %get3A_874 = tpu.vector_load %arg7[%get3A_872, %get3A_873] {strides = array<i32>} : memref<16x64xf32, #tpu.memory_space<vmem>>, vector<16xf32>,
        %mul3A_875 = arith.mulf %get3A_874, %gather3A_864 : vector<16xf32>
        %add3A_876 = arith.addf %add3A_847, %mul3A_875 : vector<16xf32>
        %get3A_877 = arith.constant 5 : i32
        %get3A_878 = arith.index_cast %get3A_877 : i32 to index
        %get3A_879 = arith.constant 32 : index
        %get3A_880 = tpu.vector_load %arg7[%get3A_878, %get3A_879] {strides = array<i32>} : memref<16x64xf32, #tpu.memory_space<vmem>>, vector<16xf32>,
        %mul3A_881 = arith.mulf %get3A_880, %gather3A_864 : vector<16xf32>
        %add3A_882 = arith.addf %add3A_853, %mul3A_881 : vector<16xf32>
        %get3A_883 = arith.constant 5 : i32
        %get3A_884 = arith.index_cast %get3A_883 : i32 to index
        %get3A_885 = arith.constant 48 : index
        %get3A_886 = tpu.vector_load %arg7[%get3A_884, %get3A_885] {strides = array<i32>} : memref<16x64xf32, #tpu.memory_space<vmem>>, vector<16xf32>,
        %mul3A_887 = arith.mulf %get3A_886, %gather3A_864 : vector<16xf32>
        %add3A_888 = arith.addf %add3A_859, %mul3A_887 : vector<16xf32>
        %broadcast_in_dim3A_889 = arith.constant 6 : i32
        %broadcast_in_dim3A_890 = vector.broadcast %broadcast_in_dim3A_889 : i32 to vector<16xi32>
        %reshape3A_891 = vector.shape_cast %broadcast_in_dim3A_890 : vector<16xi32> to vector<16x1xi32>
        %gather3A_892 = vector.shape_cast %reshape3A_891 : vector<16x1xi32> to vector<16xi32>
        %gather3A_893 = tpu.dynamic_gather %bitcast_convert_type3A_383[%gather3A_892] in [0] : vector<16xf32>, vector<16xi32> -> vector<16xf32>
        %get3A_894 = arith.constant 6 : i32
        %get3A_895 = arith.index_cast %get3A_894 : i32 to index
        %get3A_896 = arith.constant 0 : index
        %get3A_897 = tpu.vector_load %arg7[%get3A_895, %get3A_896] {strides = array<i32>} : memref<16x64xf32, #tpu.memory_space<vmem>>, vector<16xf32>,
        %mul3A_898 = arith.mulf %get3A_897, %gather3A_893 : vector<16xf32>
        %add3A_899 = arith.addf %add3A_870, %mul3A_898 : vector<16xf32>
        %get3A_900 = arith.constant 6 : i32
        %get3A_901 = arith.index_cast %get3A_900 : i32 to index
        %get3A_902 = arith.constant 16 : index
        %get3A_903 = tpu.vector_load %arg7[%get3A_901, %get3A_902] {strides = array<i32>} : memref<16x64xf32, #tpu.memory_space<vmem>>, vector<16xf32>,
        %mul3A_904 = arith.mulf %get3A_903, %gather3A_893 : vector<16xf32>
        %add3A_905 = arith.addf %add3A_876, %mul3A_904 : vector<16xf32>
        %get3A_906 = arith.constant 6 : i32
        %get3A_907 = arith.index_cast %get3A_906 : i32 to index
        %get3A_908 = arith.constant 32 : index
        %get3A_909 = tpu.vector_load %arg7[%get3A_907, %get3A_908] {strides = array<i32>} : memref<16x64xf32, #tpu.memory_space<vmem>>, vector<16xf32>,
        %mul3A_910 = arith.mulf %get3A_909, %gather3A_893 : vector<16xf32>
        %add3A_911 = arith.addf %add3A_882, %mul3A_910 : vector<16xf32>
        %get3A_912 = arith.constant 6 : i32
        %get3A_913 = arith.index_cast %get3A_912 : i32 to index
        %get3A_914 = arith.constant 48 : index
        %get3A_915 = tpu.vector_load %arg7[%get3A_913, %get3A_914] {strides = array<i32>} : memref<16x64xf32, #tpu.memory_space<vmem>>, vector<16xf32>,
        %mul3A_916 = arith.mulf %get3A_915, %gather3A_893 : vector<16xf32>
        %add3A_917 = arith.addf %add3A_888, %mul3A_916 : vector<16xf32>
        %broadcast_in_dim3A_918 = arith.constant 7 : i32
        %broadcast_in_dim3A_919 = vector.broadcast %broadcast_in_dim3A_918 : i32 to vector<16xi32>
        %reshape3A_920 = vector.shape_cast %broadcast_in_dim3A_919 : vector<16xi32> to vector<16x1xi32>
        %gather3A_921 = vector.shape_cast %reshape3A_920 : vector<16x1xi32> to vector<16xi32>
        %gather3A_922 = tpu.dynamic_gather %bitcast_convert_type3A_383[%gather3A_921] in [0] : vector<16xf32>, vector<16xi32> -> vector<16xf32>
        %get3A_923 = arith.constant 7 : i32
        %get3A_924 = arith.index_cast %get3A_923 : i32 to index
        %get3A_925 = arith.constant 0 : index
        %get3A_926 = tpu.vector_load %arg7[%get3A_924, %get3A_925] {strides = array<i32>} : memref<16x64xf32, #tpu.memory_space<vmem>>, vector<16xf32>,
        %mul3A_927 = arith.mulf %get3A_926, %gather3A_922 : vector<16xf32>
        %add3A_928 = arith.addf %add3A_899, %mul3A_927 : vector<16xf32>
        %get3A_929 = arith.constant 7 : i32
        %get3A_930 = arith.index_cast %get3A_929 : i32 to index
        %get3A_931 = arith.constant 16 : index
        %get3A_932 = tpu.vector_load %arg7[%get3A_930, %get3A_931] {strides = array<i32>} : memref<16x64xf32, #tpu.memory_space<vmem>>, vector<16xf32>,
        %mul3A_933 = arith.mulf %get3A_932, %gather3A_922 : vector<16xf32>
        %add3A_934 = arith.addf %add3A_905, %mul3A_933 : vector<16xf32>
        %get3A_935 = arith.constant 7 : i32
        %get3A_936 = arith.index_cast %get3A_935 : i32 to index
        %get3A_937 = arith.constant 32 : index
        %get3A_938 = tpu.vector_load %arg7[%get3A_936, %get3A_937] {strides = array<i32>} : memref<16x64xf32, #tpu.memory_space<vmem>>, vector<16xf32>,
        %mul3A_939 = arith.mulf %get3A_938, %gather3A_922 : vector<16xf32>
        %add3A_940 = arith.addf %add3A_911, %mul3A_939 : vector<16xf32>
        %get3A_941 = arith.constant 7 : i32
        %get3A_942 = arith.index_cast %get3A_941 : i32 to index
        %get3A_943 = arith.constant 48 : index
        %get3A_944 = tpu.vector_load %arg7[%get3A_942, %get3A_943] {strides = array<i32>} : memref<16x64xf32, #tpu.memory_space<vmem>>, vector<16xf32>,
        %mul3A_945 = arith.mulf %get3A_944, %gather3A_922 : vector<16xf32>
        %add3A_946 = arith.addf %add3A_917, %mul3A_945 : vector<16xf32>
        %broadcast_in_dim3A_947 = arith.constant 8 : i32
        %broadcast_in_dim3A_948 = vector.broadcast %broadcast_in_dim3A_947 : i32 to vector<16xi32>
        %reshape3A_949 = vector.shape_cast %broadcast_in_dim3A_948 : vector<16xi32> to vector<16x1xi32>
        %gather3A_950 = vector.shape_cast %reshape3A_949 : vector<16x1xi32> to vector<16xi32>
        %gather3A_951 = tpu.dynamic_gather %bitcast_convert_type3A_383[%gather3A_950] in [0] : vector<16xf32>, vector<16xi32> -> vector<16xf32>
        %get3A_952 = arith.constant 8 : i32
        %get3A_953 = arith.index_cast %get3A_952 : i32 to index
        %get3A_954 = arith.constant 0 : index
        %get3A_955 = tpu.vector_load %arg7[%get3A_953, %get3A_954] {strides = array<i32>} : memref<16x64xf32, #tpu.memory_space<vmem>>, vector<16xf32>,
        %mul3A_956 = arith.mulf %get3A_955, %gather3A_951 : vector<16xf32>
        %add3A_957 = arith.addf %add3A_928, %mul3A_956 : vector<16xf32>
        %get3A_958 = arith.constant 8 : i32
        %get3A_959 = arith.index_cast %get3A_958 : i32 to index
        %get3A_960 = arith.constant 16 : index
        %get3A_961 = tpu.vector_load %arg7[%get3A_959, %get3A_960] {strides = array<i32>} : memref<16x64xf32, #tpu.memory_space<vmem>>, vector<16xf32>,
        %mul3A_962 = arith.mulf %get3A_961, %gather3A_951 : vector<16xf32>
        %add3A_963 = arith.addf %add3A_934, %mul3A_962 : vector<16xf32>
        %get3A_964 = arith.constant 8 : i32
        %get3A_965 = arith.index_cast %get3A_964 : i32 to index
        %get3A_966 = arith.constant 32 : index
        %get3A_967 = tpu.vector_load %arg7[%get3A_965, %get3A_966] {strides = array<i32>} : memref<16x64xf32, #tpu.memory_space<vmem>>, vector<16xf32>,
        %mul3A_968 = arith.mulf %get3A_967, %gather3A_951 : vector<16xf32>
        %add3A_969 = arith.addf %add3A_940, %mul3A_968 : vector<16xf32>
        %get3A_970 = arith.constant 8 : i32
        %get3A_971 = arith.index_cast %get3A_970 : i32 to index
        %get3A_972 = arith.constant 48 : index
        %get3A_973 = tpu.vector_load %arg7[%get3A_971, %get3A_972] {strides = array<i32>} : memref<16x64xf32, #tpu.memory_space<vmem>>, vector<16xf32>,
        %mul3A_974 = arith.mulf %get3A_973, %gather3A_951 : vector<16xf32>
        %add3A_975 = arith.addf %add3A_946, %mul3A_974 : vector<16xf32>
        %broadcast_in_dim3A_976 = arith.constant 9 : i32
        %broadcast_in_dim3A_977 = vector.broadcast %broadcast_in_dim3A_976 : i32 to vector<16xi32>
        %reshape3A_978 = vector.shape_cast %broadcast_in_dim3A_977 : vector<16xi32> to vector<16x1xi32>
        %gather3A_979 = vector.shape_cast %reshape3A_978 : vector<16x1xi32> to vector<16xi32>
        %gather3A_980 = tpu.dynamic_gather %bitcast_convert_type3A_383[%gather3A_979] in [0] : vector<16xf32>, vector<16xi32> -> vector<16xf32>
        %get3A_981 = arith.constant 9 : i32
        %get3A_982 = arith.index_cast %get3A_981 : i32 to index
        %get3A_983 = arith.constant 0 : index
        %get3A_984 = tpu.vector_load %arg7[%get3A_982, %get3A_983] {strides = array<i32>} : memref<16x64xf32, #tpu.memory_space<vmem>>, vector<16xf32>,
        %mul3A_985 = arith.mulf %get3A_984, %gather3A_980 : vector<16xf32>
        %add3A_986 = arith.addf %add3A_957, %mul3A_985 : vector<16xf32>
        %get3A_987 = arith.constant 9 : i32
        %get3A_988 = arith.index_cast %get3A_987 : i32 to index
        %get3A_989 = arith.constant 16 : index
        %get3A_990 = tpu.vector_load %arg7[%get3A_988, %get3A_989] {strides = array<i32>} : memref<16x64xf32, #tpu.memory_space<vmem>>, vector<16xf32>,
        %mul3A_991 = arith.mulf %get3A_990, %gather3A_980 : vector<16xf32>
        %add3A_992 = arith.addf %add3A_963, %mul3A_991 : vector<16xf32>
        %get3A_993 = arith.constant 9 : i32
        %get3A_994 = arith.index_cast %get3A_993 : i32 to index
        %get3A_995 = arith.constant 32 : index
        %get3A_996 = tpu.vector_load %arg7[%get3A_994, %get3A_995] {strides = array<i32>} : memref<16x64xf32, #tpu.memory_space<vmem>>, vector<16xf32>,
        %mul3A_997 = arith.mulf %get3A_996, %gather3A_980 : vector<16xf32>
        %add3A_998 = arith.addf %add3A_969, %mul3A_997 : vector<16xf32>
        %get3A_999 = arith.constant 9 : i32
        %get3A_1000 = arith.index_cast %get3A_999 : i32 to index
        %get3A_1001 = arith.constant 48 : index
        %get3A_1002 = tpu.vector_load %arg7[%get3A_1000, %get3A_1001] {strides = array<i32>} : memref<16x64xf32, #tpu.memory_space<vmem>>, vector<16xf32>,
        %mul3A_1003 = arith.mulf %get3A_1002, %gather3A_980 : vector<16xf32>
        %add3A_1004 = arith.addf %add3A_975, %mul3A_1003 : vector<16xf32>
        %broadcast_in_dim3A_1005 = arith.constant 10 : i32
        %broadcast_in_dim3A_1006 = vector.broadcast %broadcast_in_dim3A_1005 : i32 to vector<16xi32>
        %reshape3A_1007 = vector.shape_cast %broadcast_in_dim3A_1006 : vector<16xi32> to vector<16x1xi32>
        %gather3A_1008 = vector.shape_cast %reshape3A_1007 : vector<16x1xi32> to vector<16xi32>
        %gather3A_1009 = tpu.dynamic_gather %bitcast_convert_type3A_383[%gather3A_1008] in [0] : vector<16xf32>, vector<16xi32> -> vector<16xf32>
        %get3A_1010 = arith.constant 10 : i32
        %get3A_1011 = arith.index_cast %get3A_1010 : i32 to index
        %get3A_1012 = arith.constant 0 : index
        %get3A_1013 = tpu.vector_load %arg7[%get3A_1011, %get3A_1012] {strides = array<i32>} : memref<16x64xf32, #tpu.memory_space<vmem>>, vector<16xf32>,
        %mul3A_1014 = arith.mulf %get3A_1013, %gather3A_1009 : vector<16xf32>
        %add3A_1015 = arith.addf %add3A_986, %mul3A_1014 : vector<16xf32>
        %get3A_1016 = arith.constant 10 : i32
        %get3A_1017 = arith.index_cast %get3A_1016 : i32 to index
        %get3A_1018 = arith.constant 16 : index
        %get3A_1019 = tpu.vector_load %arg7[%get3A_1017, %get3A_1018] {strides = array<i32>} : memref<16x64xf32, #tpu.memory_space<vmem>>, vector<16xf32>,
        %mul3A_1020 = arith.mulf %get3A_1019, %gather3A_1009 : vector<16xf32>
        %add3A_1021 = arith.addf %add3A_992, %mul3A_1020 : vector<16xf32>
        %get3A_1022 = arith.constant 10 : i32
        %get3A_1023 = arith.index_cast %get3A_1022 : i32 to index
        %get3A_1024 = arith.constant 32 : index
        %get3A_1025 = tpu.vector_load %arg7[%get3A_1023, %get3A_1024] {strides = array<i32>} : memref<16x64xf32, #tpu.memory_space<vmem>>, vector<16xf32>,
        %mul3A_1026 = arith.mulf %get3A_1025, %gather3A_1009 : vector<16xf32>
        %add3A_1027 = arith.addf %add3A_998, %mul3A_1026 : vector<16xf32>
        %get3A_1028 = arith.constant 10 : i32
        %get3A_1029 = arith.index_cast %get3A_1028 : i32 to index
        %get3A_1030 = arith.constant 48 : index
        %get3A_1031 = tpu.vector_load %arg7[%get3A_1029, %get3A_1030] {strides = array<i32>} : memref<16x64xf32, #tpu.memory_space<vmem>>, vector<16xf32>,
        %mul3A_1032 = arith.mulf %get3A_1031, %gather3A_1009 : vector<16xf32>
        %add3A_1033 = arith.addf %add3A_1004, %mul3A_1032 : vector<16xf32>
        %broadcast_in_dim3A_1034 = arith.constant 11 : i32
        %broadcast_in_dim3A_1035 = vector.broadcast %broadcast_in_dim3A_1034 : i32 to vector<16xi32>
        %reshape3A_1036 = vector.shape_cast %broadcast_in_dim3A_1035 : vector<16xi32> to vector<16x1xi32>
        %gather3A_1037 = vector.shape_cast %reshape3A_1036 : vector<16x1xi32> to vector<16xi32>
        %gather3A_1038 = tpu.dynamic_gather %bitcast_convert_type3A_383[%gather3A_1037] in [0] : vector<16xf32>, vector<16xi32> -> vector<16xf32>
        %get3A_1039 = arith.constant 11 : i32
        %get3A_1040 = arith.index_cast %get3A_1039 : i32 to index
        %get3A_1041 = arith.constant 0 : index
        %get3A_1042 = tpu.vector_load %arg7[%get3A_1040, %get3A_1041] {strides = array<i32>} : memref<16x64xf32, #tpu.memory_space<vmem>>, vector<16xf32>,
        %mul3A_1043 = arith.mulf %get3A_1042, %gather3A_1038 : vector<16xf32>
        %add3A_1044 = arith.addf %add3A_1015, %mul3A_1043 : vector<16xf32>
        %get3A_1045 = arith.constant 11 : i32
        %get3A_1046 = arith.index_cast %get3A_1045 : i32 to index
        %get3A_1047 = arith.constant 16 : index
        %get3A_1048 = tpu.vector_load %arg7[%get3A_1046, %get3A_1047] {strides = array<i32>} : memref<16x64xf32, #tpu.memory_space<vmem>>, vector<16xf32>,
        %mul3A_1049 = arith.mulf %get3A_1048, %gather3A_1038 : vector<16xf32>
        %add3A_1050 = arith.addf %add3A_1021, %mul3A_1049 : vector<16xf32>
        %get3A_1051 = arith.constant 11 : i32
        %get3A_1052 = arith.index_cast %get3A_1051 : i32 to index
        %get3A_1053 = arith.constant 32 : index
        %get3A_1054 = tpu.vector_load %arg7[%get3A_1052, %get3A_1053] {strides = array<i32>} : memref<16x64xf32, #tpu.memory_space<vmem>>, vector<16xf32>,
        %mul3A_1055 = arith.mulf %get3A_1054, %gather3A_1038 : vector<16xf32>
        %add3A_1056 = arith.addf %add3A_1027, %mul3A_1055 : vector<16xf32>
        %get3A_1057 = arith.constant 11 : i32
        %get3A_1058 = arith.index_cast %get3A_1057 : i32 to index
        %get3A_1059 = arith.constant 48 : index
        %get3A_1060 = tpu.vector_load %arg7[%get3A_1058, %get3A_1059] {strides = array<i32>} : memref<16x64xf32, #tpu.memory_space<vmem>>, vector<16xf32>,
        %mul3A_1061 = arith.mulf %get3A_1060, %gather3A_1038 : vector<16xf32>
        %add3A_1062 = arith.addf %add3A_1033, %mul3A_1061 : vector<16xf32>
        %broadcast_in_dim3A_1063 = arith.constant 12 : i32
        %broadcast_in_dim3A_1064 = vector.broadcast %broadcast_in_dim3A_1063 : i32 to vector<16xi32>
        %reshape3A_1065 = vector.shape_cast %broadcast_in_dim3A_1064 : vector<16xi32> to vector<16x1xi32>
        %gather3A_1066 = vector.shape_cast %reshape3A_1065 : vector<16x1xi32> to vector<16xi32>
        %gather3A_1067 = tpu.dynamic_gather %bitcast_convert_type3A_383[%gather3A_1066] in [0] : vector<16xf32>, vector<16xi32> -> vector<16xf32>
        %get3A_1068 = arith.constant 12 : i32
        %get3A_1069 = arith.index_cast %get3A_1068 : i32 to index
        %get3A_1070 = arith.constant 0 : index
        %get3A_1071 = tpu.vector_load %arg7[%get3A_1069, %get3A_1070] {strides = array<i32>} : memref<16x64xf32, #tpu.memory_space<vmem>>, vector<16xf32>,
        %mul3A_1072 = arith.mulf %get3A_1071, %gather3A_1067 : vector<16xf32>
        %add3A_1073 = arith.addf %add3A_1044, %mul3A_1072 : vector<16xf32>
        %get3A_1074 = arith.constant 12 : i32
        %get3A_1075 = arith.index_cast %get3A_1074 : i32 to index
        %get3A_1076 = arith.constant 16 : index
        %get3A_1077 = tpu.vector_load %arg7[%get3A_1075, %get3A_1076] {strides = array<i32>} : memref<16x64xf32, #tpu.memory_space<vmem>>, vector<16xf32>,
        %mul3A_1078 = arith.mulf %get3A_1077, %gather3A_1067 : vector<16xf32>
        %add3A_1079 = arith.addf %add3A_1050, %mul3A_1078 : vector<16xf32>
        %get3A_1080 = arith.constant 12 : i32
        %get3A_1081 = arith.index_cast %get3A_1080 : i32 to index
        %get3A_1082 = arith.constant 32 : index
        %get3A_1083 = tpu.vector_load %arg7[%get3A_1081, %get3A_1082] {strides = array<i32>} : memref<16x64xf32, #tpu.memory_space<vmem>>, vector<16xf32>,
        %mul3A_1084 = arith.mulf %get3A_1083, %gather3A_1067 : vector<16xf32>
        %add3A_1085 = arith.addf %add3A_1056, %mul3A_1084 : vector<16xf32>
        %get3A_1086 = arith.constant 12 : i32
        %get3A_1087 = arith.index_cast %get3A_1086 : i32 to index
        %get3A_1088 = arith.constant 48 : index
        %get3A_1089 = tpu.vector_load %arg7[%get3A_1087, %get3A_1088] {strides = array<i32>} : memref<16x64xf32, #tpu.memory_space<vmem>>, vector<16xf32>,
        %mul3A_1090 = arith.mulf %get3A_1089, %gather3A_1067 : vector<16xf32>
        %add3A_1091 = arith.addf %add3A_1062, %mul3A_1090 : vector<16xf32>
        %broadcast_in_dim3A_1092 = arith.constant 13 : i32
        %broadcast_in_dim3A_1093 = vector.broadcast %broadcast_in_dim3A_1092 : i32 to vector<16xi32>
        %reshape3A_1094 = vector.shape_cast %broadcast_in_dim3A_1093 : vector<16xi32> to vector<16x1xi32>
        %gather3A_1095 = vector.shape_cast %reshape3A_1094 : vector<16x1xi32> to vector<16xi32>
        %gather3A_1096 = tpu.dynamic_gather %bitcast_convert_type3A_383[%gather3A_1095] in [0] : vector<16xf32>, vector<16xi32> -> vector<16xf32>
        %get3A_1097 = arith.constant 13 : i32
        %get3A_1098 = arith.index_cast %get3A_1097 : i32 to index
        %get3A_1099 = arith.constant 0 : index
        %get3A_1100 = tpu.vector_load %arg7[%get3A_1098, %get3A_1099] {strides = array<i32>} : memref<16x64xf32, #tpu.memory_space<vmem>>, vector<16xf32>,
        %mul3A_1101 = arith.mulf %get3A_1100, %gather3A_1096 : vector<16xf32>
        %add3A_1102 = arith.addf %add3A_1073, %mul3A_1101 : vector<16xf32>
        %get3A_1103 = arith.constant 13 : i32
        %get3A_1104 = arith.index_cast %get3A_1103 : i32 to index
        %get3A_1105 = arith.constant 16 : index
        %get3A_1106 = tpu.vector_load %arg7[%get3A_1104, %get3A_1105] {strides = array<i32>} : memref<16x64xf32, #tpu.memory_space<vmem>>, vector<16xf32>,
        %mul3A_1107 = arith.mulf %get3A_1106, %gather3A_1096 : vector<16xf32>
        %add3A_1108 = arith.addf %add3A_1079, %mul3A_1107 : vector<16xf32>
        %get3A_1109 = arith.constant 13 : i32
        %get3A_1110 = arith.index_cast %get3A_1109 : i32 to index
        %get3A_1111 = arith.constant 32 : index
        %get3A_1112 = tpu.vector_load %arg7[%get3A_1110, %get3A_1111] {strides = array<i32>} : memref<16x64xf32, #tpu.memory_space<vmem>>, vector<16xf32>,
        %mul3A_1113 = arith.mulf %get3A_1112, %gather3A_1096 : vector<16xf32>
        %add3A_1114 = arith.addf %add3A_1085, %mul3A_1113 : vector<16xf32>
        %get3A_1115 = arith.constant 13 : i32
        %get3A_1116 = arith.index_cast %get3A_1115 : i32 to index
        %get3A_1117 = arith.constant 48 : index
        %get3A_1118 = tpu.vector_load %arg7[%get3A_1116, %get3A_1117] {strides = array<i32>} : memref<16x64xf32, #tpu.memory_space<vmem>>, vector<16xf32>,
        %mul3A_1119 = arith.mulf %get3A_1118, %gather3A_1096 : vector<16xf32>
        %add3A_1120 = arith.addf %add3A_1091, %mul3A_1119 : vector<16xf32>
        %broadcast_in_dim3A_1121 = arith.constant 14 : i32
        %broadcast_in_dim3A_1122 = vector.broadcast %broadcast_in_dim3A_1121 : i32 to vector<16xi32>
        %reshape3A_1123 = vector.shape_cast %broadcast_in_dim3A_1122 : vector<16xi32> to vector<16x1xi32>
        %gather3A_1124 = vector.shape_cast %reshape3A_1123 : vector<16x1xi32> to vector<16xi32>
        %gather3A_1125 = tpu.dynamic_gather %bitcast_convert_type3A_383[%gather3A_1124] in [0] : vector<16xf32>, vector<16xi32> -> vector<16xf32>
        %get3A_1126 = arith.constant 14 : i32
        %get3A_1127 = arith.index_cast %get3A_1126 : i32 to index
        %get3A_1128 = arith.constant 0 : index
        %get3A_1129 = tpu.vector_load %arg7[%get3A_1127, %get3A_1128] {strides = array<i32>} : memref<16x64xf32, #tpu.memory_space<vmem>>, vector<16xf32>,
        %mul3A_1130 = arith.mulf %get3A_1129, %gather3A_1125 : vector<16xf32>
        %add3A_1131 = arith.addf %add3A_1102, %mul3A_1130 : vector<16xf32>
        %get3A_1132 = arith.constant 14 : i32
        %get3A_1133 = arith.index_cast %get3A_1132 : i32 to index
        %get3A_1134 = arith.constant 16 : index
        %get3A_1135 = tpu.vector_load %arg7[%get3A_1133, %get3A_1134] {strides = array<i32>} : memref<16x64xf32, #tpu.memory_space<vmem>>, vector<16xf32>,
        %mul3A_1136 = arith.mulf %get3A_1135, %gather3A_1125 : vector<16xf32>
        %add3A_1137 = arith.addf %add3A_1108, %mul3A_1136 : vector<16xf32>
        %get3A_1138 = arith.constant 14 : i32
        %get3A_1139 = arith.index_cast %get3A_1138 : i32 to index
        %get3A_1140 = arith.constant 32 : index
        %get3A_1141 = tpu.vector_load %arg7[%get3A_1139, %get3A_1140] {strides = array<i32>} : memref<16x64xf32, #tpu.memory_space<vmem>>, vector<16xf32>,
        %mul3A_1142 = arith.mulf %get3A_1141, %gather3A_1125 : vector<16xf32>
        %add3A_1143 = arith.addf %add3A_1114, %mul3A_1142 : vector<16xf32>
        %get3A_1144 = arith.constant 14 : i32
        %get3A_1145 = arith.index_cast %get3A_1144 : i32 to index
        %get3A_1146 = arith.constant 48 : index
        %get3A_1147 = tpu.vector_load %arg7[%get3A_1145, %get3A_1146] {strides = array<i32>} : memref<16x64xf32, #tpu.memory_space<vmem>>, vector<16xf32>,
        %mul3A_1148 = arith.mulf %get3A_1147, %gather3A_1125 : vector<16xf32>
        %add3A_1149 = arith.addf %add3A_1120, %mul3A_1148 : vector<16xf32>
        %broadcast_in_dim3A_1150 = arith.constant 15 : i32
        %broadcast_in_dim3A_1151 = vector.broadcast %broadcast_in_dim3A_1150 : i32 to vector<16xi32>
        %reshape3A_1152 = vector.shape_cast %broadcast_in_dim3A_1151 : vector<16xi32> to vector<16x1xi32>
        %gather3A_1153 = vector.shape_cast %reshape3A_1152 : vector<16x1xi32> to vector<16xi32>
        %gather3A_1154 = tpu.dynamic_gather %bitcast_convert_type3A_383[%gather3A_1153] in [0] : vector<16xf32>, vector<16xi32> -> vector<16xf32>
        %get3A_1155 = arith.constant 15 : i32
        %get3A_1156 = arith.index_cast %get3A_1155 : i32 to index
        %get3A_1157 = arith.constant 0 : index
        %get3A_1158 = tpu.vector_load %arg7[%get3A_1156, %get3A_1157] {strides = array<i32>} : memref<16x64xf32, #tpu.memory_space<vmem>>, vector<16xf32>,
        %mul3A_1159 = arith.mulf %get3A_1158, %gather3A_1154 : vector<16xf32>
        %add3A_1160 = arith.addf %add3A_1131, %mul3A_1159 : vector<16xf32>
        %get3A_1161 = arith.constant 15 : i32
        %get3A_1162 = arith.index_cast %get3A_1161 : i32 to index
        %get3A_1163 = arith.constant 16 : index
        %get3A_1164 = tpu.vector_load %arg7[%get3A_1162, %get3A_1163] {strides = array<i32>} : memref<16x64xf32, #tpu.memory_space<vmem>>, vector<16xf32>,
        %mul3A_1165 = arith.mulf %get3A_1164, %gather3A_1154 : vector<16xf32>
        %add3A_1166 = arith.addf %add3A_1137, %mul3A_1165 : vector<16xf32>
        %get3A_1167 = arith.constant 15 : i32
        %get3A_1168 = arith.index_cast %get3A_1167 : i32 to index
        %get3A_1169 = arith.constant 32 : index
        %get3A_1170 = tpu.vector_load %arg7[%get3A_1168, %get3A_1169] {strides = array<i32>} : memref<16x64xf32, #tpu.memory_space<vmem>>, vector<16xf32>,
        %mul3A_1171 = arith.mulf %get3A_1170, %gather3A_1154 : vector<16xf32>
        %add3A_1172 = arith.addf %add3A_1143, %mul3A_1171 : vector<16xf32>
        %get3A_1173 = arith.constant 15 : i32
        %get3A_1174 = arith.index_cast %get3A_1173 : i32 to index
        %get3A_1175 = arith.constant 48 : index
        %get3A_1176 = tpu.vector_load %arg7[%get3A_1174, %get3A_1175] {strides = array<i32>} : memref<16x64xf32, #tpu.memory_space<vmem>>, vector<16xf32>,
        %mul3A_1177 = arith.mulf %get3A_1176, %gather3A_1154 : vector<16xf32>
        %add3A_1178 = arith.addf %add3A_1149, %mul3A_1177 : vector<16xf32>
        %mul3A_1179 = arith.constant 64 : i32
        %mul3A_1180 = arith.muli %mul3A_92, %mul3A_1179 : i32
        %add3A_1181 = arith.constant 0 : i32
        %add3A_1182 = arith.addi %mul3A_1180, %add3A_1181 : i32
        %broadcast_in_dim3A_1183 = vector.broadcast %add3A_1182 : i32 to vector<16xi32>
        %add3A_1184 = arith.addi %broadcast_in_dim3A_1183, %iota3A : vector<16xi32>
        tpu.vector_store_idx %arg11[%add3A_1184], %add3A_1160 : memref<512xf32, #tpu.memory_space<vmem>>[vector<16xi32>], vector<16xf32>,
        %mul3A_1185 = arith.constant 64 : i32
        %mul3A_1186 = arith.muli %mul3A_92, %mul3A_1185 : i32
        %add3A_1187 = arith.constant 16 : i32
        %add3A_1188 = arith.addi %mul3A_1186, %add3A_1187 : i32
        %broadcast_in_dim3A_1189 = vector.broadcast %add3A_1188 : i32 to vector<16xi32>
        %add3A_1190 = arith.addi %broadcast_in_dim3A_1189, %iota3A : vector<16xi32>
        tpu.vector_store_idx %arg11[%add3A_1190], %add3A_1166 : memref<512xf32, #tpu.memory_space<vmem>>[vector<16xi32>], vector<16xf32>,
        %mul3A_1191 = arith.constant 64 : i32
        %mul3A_1192 = arith.muli %mul3A_92, %mul3A_1191 : i32
        %add3A_1193 = arith.constant 32 : i32
        %add3A_1194 = arith.addi %mul3A_1192, %add3A_1193 : i32
        %broadcast_in_dim3A_1195 = vector.broadcast %add3A_1194 : i32 to vector<16xi32>
        %add3A_1196 = arith.addi %broadcast_in_dim3A_1195, %iota3A : vector<16xi32>
        tpu.vector_store_idx %arg11[%add3A_1196], %add3A_1172 : memref<512xf32, #tpu.memory_space<vmem>>[vector<16xi32>], vector<16xf32>,
        %mul3A_1197 = arith.constant 64 : i32
        %mul3A_1198 = arith.muli %mul3A_92, %mul3A_1197 : i32
        %add3A_1199 = arith.constant 48 : i32
        %add3A_1200 = arith.addi %mul3A_1198, %add3A_1199 : i32
        %broadcast_in_dim3A_1201 = vector.broadcast %add3A_1200 : i32 to vector<16xi32>
        %add3A_1202 = arith.addi %broadcast_in_dim3A_1201, %iota3A : vector<16xi32>
        tpu.vector_store_idx %arg11[%add3A_1202], %add3A_1178 : memref<512xf32, #tpu.memory_space<vmem>>[vector<16xi32>], vector<16xf32>,
        %dma_wait3A_1203 = arith.constant 0 : i32
        %dma_wait3A_1204 = arith.constant 0 : i32
        %dma_wait3A_1205 = tpu.memref_slice %arg3[%dma_wait3A_1203, %dma_wait3A_1204] : memref<32768x64xf32, #tpu.memory_space<hbm>> -> memref<32768x64xf32, #tpu.memory_space<hbm>>
        tpu.wait_indirect_dma semaphore(%arg15 : memref<!tpu.dma_semaphore, #tpu.memory_space<semaphore_mem>>) src(%dma_wait3A_1205 : memref<32768x64xf32, #tpu.memory_space<hbm>>) dst(%arg8 : memref<16x64xf32, #tpu.memory_space<vmem>>)
        %add3A_1206 = arith.constant 1 : i32
        %add3A_1207 = arith.addi %mul3A_92, %add3A_1206 : i32
        %broadcast_in_dim3A_1208 = arith.constant 0.000000e+00 : f32
        %broadcast_in_dim3A_1209 = vector.broadcast %broadcast_in_dim3A_1208 : f32 to vector<16xf32>
        %broadcast_in_dim3A_1210 = arith.constant 0.000000e+00 : f32
        %broadcast_in_dim3A_1211 = vector.broadcast %broadcast_in_dim3A_1210 : f32 to vector<16xf32>
        %broadcast_in_dim3A_1212 = arith.constant 0.000000e+00 : f32
        %broadcast_in_dim3A_1213 = vector.broadcast %broadcast_in_dim3A_1212 : f32 to vector<16xf32>
        %broadcast_in_dim3A_1214 = arith.constant 0.000000e+00 : f32
        %broadcast_in_dim3A_1215 = vector.broadcast %broadcast_in_dim3A_1214 : f32 to vector<16xf32>
        %broadcast_in_dim3A_1216 = arith.constant 0 : i32
        %broadcast_in_dim3A_1217 = vector.broadcast %broadcast_in_dim3A_1216 : i32 to vector<16xi32>
        %reshape3A_1218 = vector.shape_cast %broadcast_in_dim3A_1217 : vector<16xi32> to vector<16x1xi32>
        %gather3A_1219 = vector.shape_cast %reshape3A_1218 : vector<16x1xi32> to vector<16xi32>
        %gather3A_1220 = tpu.dynamic_gather %bitcast_convert_type3A_695[%gather3A_1219] in [0] : vector<16xf32>, vector<16xi32> -> vector<16xf32>
        %get3A_1221 = arith.constant 0 : i32
        %get3A_1222 = arith.index_cast %get3A_1221 : i32 to index
        %get3A_1223 = arith.constant 0 : index
        %get3A_1224 = tpu.vector_load %arg8[%get3A_1222, %get3A_1223] {strides = array<i32>} : memref<16x64xf32, #tpu.memory_space<vmem>>, vector<16xf32>,
        %mul3A_1225 = arith.mulf %get3A_1224, %gather3A_1220 : vector<16xf32>
        %add3A_1226 = arith.addf %broadcast_in_dim3A_1209, %mul3A_1225 : vector<16xf32>
        %get3A_1227 = arith.constant 0 : i32
        %get3A_1228 = arith.index_cast %get3A_1227 : i32 to index
        %get3A_1229 = arith.constant 16 : index
        %get3A_1230 = tpu.vector_load %arg8[%get3A_1228, %get3A_1229] {strides = array<i32>} : memref<16x64xf32, #tpu.memory_space<vmem>>, vector<16xf32>,
        %mul3A_1231 = arith.mulf %get3A_1230, %gather3A_1220 : vector<16xf32>
        %add3A_1232 = arith.addf %broadcast_in_dim3A_1211, %mul3A_1231 : vector<16xf32>
        %get3A_1233 = arith.constant 0 : i32
        %get3A_1234 = arith.index_cast %get3A_1233 : i32 to index
        %get3A_1235 = arith.constant 32 : index
        %get3A_1236 = tpu.vector_load %arg8[%get3A_1234, %get3A_1235] {strides = array<i32>} : memref<16x64xf32, #tpu.memory_space<vmem>>, vector<16xf32>,
        %mul3A_1237 = arith.mulf %get3A_1236, %gather3A_1220 : vector<16xf32>
        %add3A_1238 = arith.addf %broadcast_in_dim3A_1213, %mul3A_1237 : vector<16xf32>
        %get3A_1239 = arith.constant 0 : i32
        %get3A_1240 = arith.index_cast %get3A_1239 : i32 to index
        %get3A_1241 = arith.constant 48 : index
        %get3A_1242 = tpu.vector_load %arg8[%get3A_1240, %get3A_1241] {strides = array<i32>} : memref<16x64xf32, #tpu.memory_space<vmem>>, vector<16xf32>,
        %mul3A_1243 = arith.mulf %get3A_1242, %gather3A_1220 : vector<16xf32>
        %add3A_1244 = arith.addf %broadcast_in_dim3A_1215, %mul3A_1243 : vector<16xf32>
        %broadcast_in_dim3A_1245 = arith.constant 1 : i32
        %broadcast_in_dim3A_1246 = vector.broadcast %broadcast_in_dim3A_1245 : i32 to vector<16xi32>
        %reshape3A_1247 = vector.shape_cast %broadcast_in_dim3A_1246 : vector<16xi32> to vector<16x1xi32>
        %gather3A_1248 = vector.shape_cast %reshape3A_1247 : vector<16x1xi32> to vector<16xi32>
        %gather3A_1249 = tpu.dynamic_gather %bitcast_convert_type3A_695[%gather3A_1248] in [0] : vector<16xf32>, vector<16xi32> -> vector<16xf32>
        %get3A_1250 = arith.constant 1 : i32
        %get3A_1251 = arith.index_cast %get3A_1250 : i32 to index
        %get3A_1252 = arith.constant 0 : index
        %get3A_1253 = tpu.vector_load %arg8[%get3A_1251, %get3A_1252] {strides = array<i32>} : memref<16x64xf32, #tpu.memory_space<vmem>>, vector<16xf32>,
        %mul3A_1254 = arith.mulf %get3A_1253, %gather3A_1249 : vector<16xf32>
        %add3A_1255 = arith.addf %add3A_1226, %mul3A_1254 : vector<16xf32>
        %get3A_1256 = arith.constant 1 : i32
        %get3A_1257 = arith.index_cast %get3A_1256 : i32 to index
        %get3A_1258 = arith.constant 16 : index
        %get3A_1259 = tpu.vector_load %arg8[%get3A_1257, %get3A_1258] {strides = array<i32>} : memref<16x64xf32, #tpu.memory_space<vmem>>, vector<16xf32>,
        %mul3A_1260 = arith.mulf %get3A_1259, %gather3A_1249 : vector<16xf32>
        %add3A_1261 = arith.addf %add3A_1232, %mul3A_1260 : vector<16xf32>
        %get3A_1262 = arith.constant 1 : i32
        %get3A_1263 = arith.index_cast %get3A_1262 : i32 to index
        %get3A_1264 = arith.constant 32 : index
        %get3A_1265 = tpu.vector_load %arg8[%get3A_1263, %get3A_1264] {strides = array<i32>} : memref<16x64xf32, #tpu.memory_space<vmem>>, vector<16xf32>,
        %mul3A_1266 = arith.mulf %get3A_1265, %gather3A_1249 : vector<16xf32>
        %add3A_1267 = arith.addf %add3A_1238, %mul3A_1266 : vector<16xf32>
        %get3A_1268 = arith.constant 1 : i32
        %get3A_1269 = arith.index_cast %get3A_1268 : i32 to index
        %get3A_1270 = arith.constant 48 : index
        %get3A_1271 = tpu.vector_load %arg8[%get3A_1269, %get3A_1270] {strides = array<i32>} : memref<16x64xf32, #tpu.memory_space<vmem>>, vector<16xf32>,
        %mul3A_1272 = arith.mulf %get3A_1271, %gather3A_1249 : vector<16xf32>
        %add3A_1273 = arith.addf %add3A_1244, %mul3A_1272 : vector<16xf32>
        %broadcast_in_dim3A_1274 = arith.constant 2 : i32
        %broadcast_in_dim3A_1275 = vector.broadcast %broadcast_in_dim3A_1274 : i32 to vector<16xi32>
        %reshape3A_1276 = vector.shape_cast %broadcast_in_dim3A_1275 : vector<16xi32> to vector<16x1xi32>
        %gather3A_1277 = vector.shape_cast %reshape3A_1276 : vector<16x1xi32> to vector<16xi32>
        %gather3A_1278 = tpu.dynamic_gather %bitcast_convert_type3A_695[%gather3A_1277] in [0] : vector<16xf32>, vector<16xi32> -> vector<16xf32>
        %get3A_1279 = arith.constant 2 : i32
        %get3A_1280 = arith.index_cast %get3A_1279 : i32 to index
        %get3A_1281 = arith.constant 0 : index
        %get3A_1282 = tpu.vector_load %arg8[%get3A_1280, %get3A_1281] {strides = array<i32>} : memref<16x64xf32, #tpu.memory_space<vmem>>, vector<16xf32>,
        %mul3A_1283 = arith.mulf %get3A_1282, %gather3A_1278 : vector<16xf32>
        %add3A_1284 = arith.addf %add3A_1255, %mul3A_1283 : vector<16xf32>
        %get3A_1285 = arith.constant 2 : i32
        %get3A_1286 = arith.index_cast %get3A_1285 : i32 to index
        %get3A_1287 = arith.constant 16 : index
        %get3A_1288 = tpu.vector_load %arg8[%get3A_1286, %get3A_1287] {strides = array<i32>} : memref<16x64xf32, #tpu.memory_space<vmem>>, vector<16xf32>,
        %mul3A_1289 = arith.mulf %get3A_1288, %gather3A_1278 : vector<16xf32>
        %add3A_1290 = arith.addf %add3A_1261, %mul3A_1289 : vector<16xf32>
        %get3A_1291 = arith.constant 2 : i32
        %get3A_1292 = arith.index_cast %get3A_1291 : i32 to index
        %get3A_1293 = arith.constant 32 : index
        %get3A_1294 = tpu.vector_load %arg8[%get3A_1292, %get3A_1293] {strides = array<i32>} : memref<16x64xf32, #tpu.memory_space<vmem>>, vector<16xf32>,
        %mul3A_1295 = arith.mulf %get3A_1294, %gather3A_1278 : vector<16xf32>
        %add3A_1296 = arith.addf %add3A_1267, %mul3A_1295 : vector<16xf32>
        %get3A_1297 = arith.constant 2 : i32
        %get3A_1298 = arith.index_cast %get3A_1297 : i32 to index
        %get3A_1299 = arith.constant 48 : index
        %get3A_1300 = tpu.vector_load %arg8[%get3A_1298, %get3A_1299] {strides = array<i32>} : memref<16x64xf32, #tpu.memory_space<vmem>>, vector<16xf32>,
        %mul3A_1301 = arith.mulf %get3A_1300, %gather3A_1278 : vector<16xf32>
        %add3A_1302 = arith.addf %add3A_1273, %mul3A_1301 : vector<16xf32>
        %broadcast_in_dim3A_1303 = arith.constant 3 : i32
        %broadcast_in_dim3A_1304 = vector.broadcast %broadcast_in_dim3A_1303 : i32 to vector<16xi32>
        %reshape3A_1305 = vector.shape_cast %broadcast_in_dim3A_1304 : vector<16xi32> to vector<16x1xi32>
        %gather3A_1306 = vector.shape_cast %reshape3A_1305 : vector<16x1xi32> to vector<16xi32>
        %gather3A_1307 = tpu.dynamic_gather %bitcast_convert_type3A_695[%gather3A_1306] in [0] : vector<16xf32>, vector<16xi32> -> vector<16xf32>
        %get3A_1308 = arith.constant 3 : i32
        %get3A_1309 = arith.index_cast %get3A_1308 : i32 to index
        %get3A_1310 = arith.constant 0 : index
        %get3A_1311 = tpu.vector_load %arg8[%get3A_1309, %get3A_1310] {strides = array<i32>} : memref<16x64xf32, #tpu.memory_space<vmem>>, vector<16xf32>,
        %mul3A_1312 = arith.mulf %get3A_1311, %gather3A_1307 : vector<16xf32>
        %add3A_1313 = arith.addf %add3A_1284, %mul3A_1312 : vector<16xf32>
        %get3A_1314 = arith.constant 3 : i32
        %get3A_1315 = arith.index_cast %get3A_1314 : i32 to index
        %get3A_1316 = arith.constant 16 : index
        %get3A_1317 = tpu.vector_load %arg8[%get3A_1315, %get3A_1316] {strides = array<i32>} : memref<16x64xf32, #tpu.memory_space<vmem>>, vector<16xf32>,
        %mul3A_1318 = arith.mulf %get3A_1317, %gather3A_1307 : vector<16xf32>
        %add3A_1319 = arith.addf %add3A_1290, %mul3A_1318 : vector<16xf32>
        %get3A_1320 = arith.constant 3 : i32
        %get3A_1321 = arith.index_cast %get3A_1320 : i32 to index
        %get3A_1322 = arith.constant 32 : index
        %get3A_1323 = tpu.vector_load %arg8[%get3A_1321, %get3A_1322] {strides = array<i32>} : memref<16x64xf32, #tpu.memory_space<vmem>>, vector<16xf32>,
        %mul3A_1324 = arith.mulf %get3A_1323, %gather3A_1307 : vector<16xf32>
        %add3A_1325 = arith.addf %add3A_1296, %mul3A_1324 : vector<16xf32>
        %get3A_1326 = arith.constant 3 : i32
        %get3A_1327 = arith.index_cast %get3A_1326 : i32 to index
        %get3A_1328 = arith.constant 48 : index
        %get3A_1329 = tpu.vector_load %arg8[%get3A_1327, %get3A_1328] {strides = array<i32>} : memref<16x64xf32, #tpu.memory_space<vmem>>, vector<16xf32>,
        %mul3A_1330 = arith.mulf %get3A_1329, %gather3A_1307 : vector<16xf32>
        %add3A_1331 = arith.addf %add3A_1302, %mul3A_1330 : vector<16xf32>
        %broadcast_in_dim3A_1332 = arith.constant 4 : i32
        %broadcast_in_dim3A_1333 = vector.broadcast %broadcast_in_dim3A_1332 : i32 to vector<16xi32>
        %reshape3A_1334 = vector.shape_cast %broadcast_in_dim3A_1333 : vector<16xi32> to vector<16x1xi32>
        %gather3A_1335 = vector.shape_cast %reshape3A_1334 : vector<16x1xi32> to vector<16xi32>
        %gather3A_1336 = tpu.dynamic_gather %bitcast_convert_type3A_695[%gather3A_1335] in [0] : vector<16xf32>, vector<16xi32> -> vector<16xf32>
        %get3A_1337 = arith.constant 4 : i32
        %get3A_1338 = arith.index_cast %get3A_1337 : i32 to index
        %get3A_1339 = arith.constant 0 : index
        %get3A_1340 = tpu.vector_load %arg8[%get3A_1338, %get3A_1339] {strides = array<i32>} : memref<16x64xf32, #tpu.memory_space<vmem>>, vector<16xf32>,
        %mul3A_1341 = arith.mulf %get3A_1340, %gather3A_1336 : vector<16xf32>
        %add3A_1342 = arith.addf %add3A_1313, %mul3A_1341 : vector<16xf32>
        %get3A_1343 = arith.constant 4 : i32
        %get3A_1344 = arith.index_cast %get3A_1343 : i32 to index
        %get3A_1345 = arith.constant 16 : index
        %get3A_1346 = tpu.vector_load %arg8[%get3A_1344, %get3A_1345] {strides = array<i32>} : memref<16x64xf32, #tpu.memory_space<vmem>>, vector<16xf32>,
        %mul3A_1347 = arith.mulf %get3A_1346, %gather3A_1336 : vector<16xf32>
        %add3A_1348 = arith.addf %add3A_1319, %mul3A_1347 : vector<16xf32>
        %get3A_1349 = arith.constant 4 : i32
        %get3A_1350 = arith.index_cast %get3A_1349 : i32 to index
        %get3A_1351 = arith.constant 32 : index
        %get3A_1352 = tpu.vector_load %arg8[%get3A_1350, %get3A_1351] {strides = array<i32>} : memref<16x64xf32, #tpu.memory_space<vmem>>, vector<16xf32>,
        %mul3A_1353 = arith.mulf %get3A_1352, %gather3A_1336 : vector<16xf32>
        %add3A_1354 = arith.addf %add3A_1325, %mul3A_1353 : vector<16xf32>
        %get3A_1355 = arith.constant 4 : i32
        %get3A_1356 = arith.index_cast %get3A_1355 : i32 to index
        %get3A_1357 = arith.constant 48 : index
        %get3A_1358 = tpu.vector_load %arg8[%get3A_1356, %get3A_1357] {strides = array<i32>} : memref<16x64xf32, #tpu.memory_space<vmem>>, vector<16xf32>,
        %mul3A_1359 = arith.mulf %get3A_1358, %gather3A_1336 : vector<16xf32>
        %add3A_1360 = arith.addf %add3A_1331, %mul3A_1359 : vector<16xf32>
        %broadcast_in_dim3A_1361 = arith.constant 5 : i32
        %broadcast_in_dim3A_1362 = vector.broadcast %broadcast_in_dim3A_1361 : i32 to vector<16xi32>
        %reshape3A_1363 = vector.shape_cast %broadcast_in_dim3A_1362 : vector<16xi32> to vector<16x1xi32>
        %gather3A_1364 = vector.shape_cast %reshape3A_1363 : vector<16x1xi32> to vector<16xi32>
        %gather3A_1365 = tpu.dynamic_gather %bitcast_convert_type3A_695[%gather3A_1364] in [0] : vector<16xf32>, vector<16xi32> -> vector<16xf32>
        %get3A_1366 = arith.constant 5 : i32
        %get3A_1367 = arith.index_cast %get3A_1366 : i32 to index
        %get3A_1368 = arith.constant 0 : index
        %get3A_1369 = tpu.vector_load %arg8[%get3A_1367, %get3A_1368] {strides = array<i32>} : memref<16x64xf32, #tpu.memory_space<vmem>>, vector<16xf32>,
        %mul3A_1370 = arith.mulf %get3A_1369, %gather3A_1365 : vector<16xf32>
        %add3A_1371 = arith.addf %add3A_1342, %mul3A_1370 : vector<16xf32>
        %get3A_1372 = arith.constant 5 : i32
        %get3A_1373 = arith.index_cast %get3A_1372 : i32 to index
        %get3A_1374 = arith.constant 16 : index
        %get3A_1375 = tpu.vector_load %arg8[%get3A_1373, %get3A_1374] {strides = array<i32>} : memref<16x64xf32, #tpu.memory_space<vmem>>, vector<16xf32>,
        %mul3A_1376 = arith.mulf %get3A_1375, %gather3A_1365 : vector<16xf32>
        %add3A_1377 = arith.addf %add3A_1348, %mul3A_1376 : vector<16xf32>
        %get3A_1378 = arith.constant 5 : i32
        %get3A_1379 = arith.index_cast %get3A_1378 : i32 to index
        %get3A_1380 = arith.constant 32 : index
        %get3A_1381 = tpu.vector_load %arg8[%get3A_1379, %get3A_1380] {strides = array<i32>} : memref<16x64xf32, #tpu.memory_space<vmem>>, vector<16xf32>,
        %mul3A_1382 = arith.mulf %get3A_1381, %gather3A_1365 : vector<16xf32>
        %add3A_1383 = arith.addf %add3A_1354, %mul3A_1382 : vector<16xf32>
        %get3A_1384 = arith.constant 5 : i32
        %get3A_1385 = arith.index_cast %get3A_1384 : i32 to index
        %get3A_1386 = arith.constant 48 : index
        %get3A_1387 = tpu.vector_load %arg8[%get3A_1385, %get3A_1386] {strides = array<i32>} : memref<16x64xf32, #tpu.memory_space<vmem>>, vector<16xf32>,
        %mul3A_1388 = arith.mulf %get3A_1387, %gather3A_1365 : vector<16xf32>
        %add3A_1389 = arith.addf %add3A_1360, %mul3A_1388 : vector<16xf32>
        %broadcast_in_dim3A_1390 = arith.constant 6 : i32
        %broadcast_in_dim3A_1391 = vector.broadcast %broadcast_in_dim3A_1390 : i32 to vector<16xi32>
        %reshape3A_1392 = vector.shape_cast %broadcast_in_dim3A_1391 : vector<16xi32> to vector<16x1xi32>
        %gather3A_1393 = vector.shape_cast %reshape3A_1392 : vector<16x1xi32> to vector<16xi32>
        %gather3A_1394 = tpu.dynamic_gather %bitcast_convert_type3A_695[%gather3A_1393] in [0] : vector<16xf32>, vector<16xi32> -> vector<16xf32>
        %get3A_1395 = arith.constant 6 : i32
        %get3A_1396 = arith.index_cast %get3A_1395 : i32 to index
        %get3A_1397 = arith.constant 0 : index
        %get3A_1398 = tpu.vector_load %arg8[%get3A_1396, %get3A_1397] {strides = array<i32>} : memref<16x64xf32, #tpu.memory_space<vmem>>, vector<16xf32>,
        %mul3A_1399 = arith.mulf %get3A_1398, %gather3A_1394 : vector<16xf32>
        %add3A_1400 = arith.addf %add3A_1371, %mul3A_1399 : vector<16xf32>
        %get3A_1401 = arith.constant 6 : i32
        %get3A_1402 = arith.index_cast %get3A_1401 : i32 to index
        %get3A_1403 = arith.constant 16 : index
        %get3A_1404 = tpu.vector_load %arg8[%get3A_1402, %get3A_1403] {strides = array<i32>} : memref<16x64xf32, #tpu.memory_space<vmem>>, vector<16xf32>,
        %mul3A_1405 = arith.mulf %get3A_1404, %gather3A_1394 : vector<16xf32>
        %add3A_1406 = arith.addf %add3A_1377, %mul3A_1405 : vector<16xf32>
        %get3A_1407 = arith.constant 6 : i32
        %get3A_1408 = arith.index_cast %get3A_1407 : i32 to index
        %get3A_1409 = arith.constant 32 : index
        %get3A_1410 = tpu.vector_load %arg8[%get3A_1408, %get3A_1409] {strides = array<i32>} : memref<16x64xf32, #tpu.memory_space<vmem>>, vector<16xf32>,
        %mul3A_1411 = arith.mulf %get3A_1410, %gather3A_1394 : vector<16xf32>
        %add3A_1412 = arith.addf %add3A_1383, %mul3A_1411 : vector<16xf32>
        %get3A_1413 = arith.constant 6 : i32
        %get3A_1414 = arith.index_cast %get3A_1413 : i32 to index
        %get3A_1415 = arith.constant 48 : index
        %get3A_1416 = tpu.vector_load %arg8[%get3A_1414, %get3A_1415] {strides = array<i32>} : memref<16x64xf32, #tpu.memory_space<vmem>>, vector<16xf32>,
        %mul3A_1417 = arith.mulf %get3A_1416, %gather3A_1394 : vector<16xf32>
        %add3A_1418 = arith.addf %add3A_1389, %mul3A_1417 : vector<16xf32>
        %broadcast_in_dim3A_1419 = arith.constant 7 : i32
        %broadcast_in_dim3A_1420 = vector.broadcast %broadcast_in_dim3A_1419 : i32 to vector<16xi32>
        %reshape3A_1421 = vector.shape_cast %broadcast_in_dim3A_1420 : vector<16xi32> to vector<16x1xi32>
        %gather3A_1422 = vector.shape_cast %reshape3A_1421 : vector<16x1xi32> to vector<16xi32>
        %gather3A_1423 = tpu.dynamic_gather %bitcast_convert_type3A_695[%gather3A_1422] in [0] : vector<16xf32>, vector<16xi32> -> vector<16xf32>
        %get3A_1424 = arith.constant 7 : i32
        %get3A_1425 = arith.index_cast %get3A_1424 : i32 to index
        %get3A_1426 = arith.constant 0 : index
        %get3A_1427 = tpu.vector_load %arg8[%get3A_1425, %get3A_1426] {strides = array<i32>} : memref<16x64xf32, #tpu.memory_space<vmem>>, vector<16xf32>,
        %mul3A_1428 = arith.mulf %get3A_1427, %gather3A_1423 : vector<16xf32>
        %add3A_1429 = arith.addf %add3A_1400, %mul3A_1428 : vector<16xf32>
        %get3A_1430 = arith.constant 7 : i32
        %get3A_1431 = arith.index_cast %get3A_1430 : i32 to index
        %get3A_1432 = arith.constant 16 : index
        %get3A_1433 = tpu.vector_load %arg8[%get3A_1431, %get3A_1432] {strides = array<i32>} : memref<16x64xf32, #tpu.memory_space<vmem>>, vector<16xf32>,
        %mul3A_1434 = arith.mulf %get3A_1433, %gather3A_1423 : vector<16xf32>
        %add3A_1435 = arith.addf %add3A_1406, %mul3A_1434 : vector<16xf32>
        %get3A_1436 = arith.constant 7 : i32
        %get3A_1437 = arith.index_cast %get3A_1436 : i32 to index
        %get3A_1438 = arith.constant 32 : index
        %get3A_1439 = tpu.vector_load %arg8[%get3A_1437, %get3A_1438] {strides = array<i32>} : memref<16x64xf32, #tpu.memory_space<vmem>>, vector<16xf32>,
        %mul3A_1440 = arith.mulf %get3A_1439, %gather3A_1423 : vector<16xf32>
        %add3A_1441 = arith.addf %add3A_1412, %mul3A_1440 : vector<16xf32>
        %get3A_1442 = arith.constant 7 : i32
        %get3A_1443 = arith.index_cast %get3A_1442 : i32 to index
        %get3A_1444 = arith.constant 48 : index
        %get3A_1445 = tpu.vector_load %arg8[%get3A_1443, %get3A_1444] {strides = array<i32>} : memref<16x64xf32, #tpu.memory_space<vmem>>, vector<16xf32>,
        %mul3A_1446 = arith.mulf %get3A_1445, %gather3A_1423 : vector<16xf32>
        %add3A_1447 = arith.addf %add3A_1418, %mul3A_1446 : vector<16xf32>
        %broadcast_in_dim3A_1448 = arith.constant 8 : i32
        %broadcast_in_dim3A_1449 = vector.broadcast %broadcast_in_dim3A_1448 : i32 to vector<16xi32>
        %reshape3A_1450 = vector.shape_cast %broadcast_in_dim3A_1449 : vector<16xi32> to vector<16x1xi32>
        %gather3A_1451 = vector.shape_cast %reshape3A_1450 : vector<16x1xi32> to vector<16xi32>
        %gather3A_1452 = tpu.dynamic_gather %bitcast_convert_type3A_695[%gather3A_1451] in [0] : vector<16xf32>, vector<16xi32> -> vector<16xf32>
        %get3A_1453 = arith.constant 8 : i32
        %get3A_1454 = arith.index_cast %get3A_1453 : i32 to index
        %get3A_1455 = arith.constant 0 : index
        %get3A_1456 = tpu.vector_load %arg8[%get3A_1454, %get3A_1455] {strides = array<i32>} : memref<16x64xf32, #tpu.memory_space<vmem>>, vector<16xf32>,
        %mul3A_1457 = arith.mulf %get3A_1456, %gather3A_1452 : vector<16xf32>
        %add3A_1458 = arith.addf %add3A_1429, %mul3A_1457 : vector<16xf32>
        %get3A_1459 = arith.constant 8 : i32
        %get3A_1460 = arith.index_cast %get3A_1459 : i32 to index
        %get3A_1461 = arith.constant 16 : index
        %get3A_1462 = tpu.vector_load %arg8[%get3A_1460, %get3A_1461] {strides = array<i32>} : memref<16x64xf32, #tpu.memory_space<vmem>>, vector<16xf32>,
        %mul3A_1463 = arith.mulf %get3A_1462, %gather3A_1452 : vector<16xf32>
        %add3A_1464 = arith.addf %add3A_1435, %mul3A_1463 : vector<16xf32>
        %get3A_1465 = arith.constant 8 : i32
        %get3A_1466 = arith.index_cast %get3A_1465 : i32 to index
        %get3A_1467 = arith.constant 32 : index
        %get3A_1468 = tpu.vector_load %arg8[%get3A_1466, %get3A_1467] {strides = array<i32>} : memref<16x64xf32, #tpu.memory_space<vmem>>, vector<16xf32>,
        %mul3A_1469 = arith.mulf %get3A_1468, %gather3A_1452 : vector<16xf32>
        %add3A_1470 = arith.addf %add3A_1441, %mul3A_1469 : vector<16xf32>
        %get3A_1471 = arith.constant 8 : i32
        %get3A_1472 = arith.index_cast %get3A_1471 : i32 to index
        %get3A_1473 = arith.constant 48 : index
        %get3A_1474 = tpu.vector_load %arg8[%get3A_1472, %get3A_1473] {strides = array<i32>} : memref<16x64xf32, #tpu.memory_space<vmem>>, vector<16xf32>,
        %mul3A_1475 = arith.mulf %get3A_1474, %gather3A_1452 : vector<16xf32>
        %add3A_1476 = arith.addf %add3A_1447, %mul3A_1475 : vector<16xf32>
        %broadcast_in_dim3A_1477 = arith.constant 9 : i32
        %broadcast_in_dim3A_1478 = vector.broadcast %broadcast_in_dim3A_1477 : i32 to vector<16xi32>
        %reshape3A_1479 = vector.shape_cast %broadcast_in_dim3A_1478 : vector<16xi32> to vector<16x1xi32>
        %gather3A_1480 = vector.shape_cast %reshape3A_1479 : vector<16x1xi32> to vector<16xi32>
        %gather3A_1481 = tpu.dynamic_gather %bitcast_convert_type3A_695[%gather3A_1480] in [0] : vector<16xf32>, vector<16xi32> -> vector<16xf32>
        %get3A_1482 = arith.constant 9 : i32
        %get3A_1483 = arith.index_cast %get3A_1482 : i32 to index
        %get3A_1484 = arith.constant 0 : index
        %get3A_1485 = tpu.vector_load %arg8[%get3A_1483, %get3A_1484] {strides = array<i32>} : memref<16x64xf32, #tpu.memory_space<vmem>>, vector<16xf32>,
        %mul3A_1486 = arith.mulf %get3A_1485, %gather3A_1481 : vector<16xf32>
        %add3A_1487 = arith.addf %add3A_1458, %mul3A_1486 : vector<16xf32>
        %get3A_1488 = arith.constant 9 : i32
        %get3A_1489 = arith.index_cast %get3A_1488 : i32 to index
        %get3A_1490 = arith.constant 16 : index
        %get3A_1491 = tpu.vector_load %arg8[%get3A_1489, %get3A_1490] {strides = array<i32>} : memref<16x64xf32, #tpu.memory_space<vmem>>, vector<16xf32>,
        %mul3A_1492 = arith.mulf %get3A_1491, %gather3A_1481 : vector<16xf32>
        %add3A_1493 = arith.addf %add3A_1464, %mul3A_1492 : vector<16xf32>
        %get3A_1494 = arith.constant 9 : i32
        %get3A_1495 = arith.index_cast %get3A_1494 : i32 to index
        %get3A_1496 = arith.constant 32 : index
        %get3A_1497 = tpu.vector_load %arg8[%get3A_1495, %get3A_1496] {strides = array<i32>} : memref<16x64xf32, #tpu.memory_space<vmem>>, vector<16xf32>,
        %mul3A_1498 = arith.mulf %get3A_1497, %gather3A_1481 : vector<16xf32>
        %add3A_1499 = arith.addf %add3A_1470, %mul3A_1498 : vector<16xf32>
        %get3A_1500 = arith.constant 9 : i32
        %get3A_1501 = arith.index_cast %get3A_1500 : i32 to index
        %get3A_1502 = arith.constant 48 : index
        %get3A_1503 = tpu.vector_load %arg8[%get3A_1501, %get3A_1502] {strides = array<i32>} : memref<16x64xf32, #tpu.memory_space<vmem>>, vector<16xf32>,
        %mul3A_1504 = arith.mulf %get3A_1503, %gather3A_1481 : vector<16xf32>
        %add3A_1505 = arith.addf %add3A_1476, %mul3A_1504 : vector<16xf32>
        %broadcast_in_dim3A_1506 = arith.constant 10 : i32
        %broadcast_in_dim3A_1507 = vector.broadcast %broadcast_in_dim3A_1506 : i32 to vector<16xi32>
        %reshape3A_1508 = vector.shape_cast %broadcast_in_dim3A_1507 : vector<16xi32> to vector<16x1xi32>
        %gather3A_1509 = vector.shape_cast %reshape3A_1508 : vector<16x1xi32> to vector<16xi32>
        %gather3A_1510 = tpu.dynamic_gather %bitcast_convert_type3A_695[%gather3A_1509] in [0] : vector<16xf32>, vector<16xi32> -> vector<16xf32>
        %get3A_1511 = arith.constant 10 : i32
        %get3A_1512 = arith.index_cast %get3A_1511 : i32 to index
        %get3A_1513 = arith.constant 0 : index
        %get3A_1514 = tpu.vector_load %arg8[%get3A_1512, %get3A_1513] {strides = array<i32>} : memref<16x64xf32, #tpu.memory_space<vmem>>, vector<16xf32>,
        %mul3A_1515 = arith.mulf %get3A_1514, %gather3A_1510 : vector<16xf32>
        %add3A_1516 = arith.addf %add3A_1487, %mul3A_1515 : vector<16xf32>
        %get3A_1517 = arith.constant 10 : i32
        %get3A_1518 = arith.index_cast %get3A_1517 : i32 to index
        %get3A_1519 = arith.constant 16 : index
        %get3A_1520 = tpu.vector_load %arg8[%get3A_1518, %get3A_1519] {strides = array<i32>} : memref<16x64xf32, #tpu.memory_space<vmem>>, vector<16xf32>,
        %mul3A_1521 = arith.mulf %get3A_1520, %gather3A_1510 : vector<16xf32>
        %add3A_1522 = arith.addf %add3A_1493, %mul3A_1521 : vector<16xf32>
        %get3A_1523 = arith.constant 10 : i32
        %get3A_1524 = arith.index_cast %get3A_1523 : i32 to index
        %get3A_1525 = arith.constant 32 : index
        %get3A_1526 = tpu.vector_load %arg8[%get3A_1524, %get3A_1525] {strides = array<i32>} : memref<16x64xf32, #tpu.memory_space<vmem>>, vector<16xf32>,
        %mul3A_1527 = arith.mulf %get3A_1526, %gather3A_1510 : vector<16xf32>
        %add3A_1528 = arith.addf %add3A_1499, %mul3A_1527 : vector<16xf32>
        %get3A_1529 = arith.constant 10 : i32
        %get3A_1530 = arith.index_cast %get3A_1529 : i32 to index
        %get3A_1531 = arith.constant 48 : index
        %get3A_1532 = tpu.vector_load %arg8[%get3A_1530, %get3A_1531] {strides = array<i32>} : memref<16x64xf32, #tpu.memory_space<vmem>>, vector<16xf32>,
        %mul3A_1533 = arith.mulf %get3A_1532, %gather3A_1510 : vector<16xf32>
        %add3A_1534 = arith.addf %add3A_1505, %mul3A_1533 : vector<16xf32>
        %broadcast_in_dim3A_1535 = arith.constant 11 : i32
        %broadcast_in_dim3A_1536 = vector.broadcast %broadcast_in_dim3A_1535 : i32 to vector<16xi32>
        %reshape3A_1537 = vector.shape_cast %broadcast_in_dim3A_1536 : vector<16xi32> to vector<16x1xi32>
        %gather3A_1538 = vector.shape_cast %reshape3A_1537 : vector<16x1xi32> to vector<16xi32>
        %gather3A_1539 = tpu.dynamic_gather %bitcast_convert_type3A_695[%gather3A_1538] in [0] : vector<16xf32>, vector<16xi32> -> vector<16xf32>
        %get3A_1540 = arith.constant 11 : i32
        %get3A_1541 = arith.index_cast %get3A_1540 : i32 to index
        %get3A_1542 = arith.constant 0 : index
        %get3A_1543 = tpu.vector_load %arg8[%get3A_1541, %get3A_1542] {strides = array<i32>} : memref<16x64xf32, #tpu.memory_space<vmem>>, vector<16xf32>,
        %mul3A_1544 = arith.mulf %get3A_1543, %gather3A_1539 : vector<16xf32>
        %add3A_1545 = arith.addf %add3A_1516, %mul3A_1544 : vector<16xf32>
        %get3A_1546 = arith.constant 11 : i32
        %get3A_1547 = arith.index_cast %get3A_1546 : i32 to index
        %get3A_1548 = arith.constant 16 : index
        %get3A_1549 = tpu.vector_load %arg8[%get3A_1547, %get3A_1548] {strides = array<i32>} : memref<16x64xf32, #tpu.memory_space<vmem>>, vector<16xf32>,
        %mul3A_1550 = arith.mulf %get3A_1549, %gather3A_1539 : vector<16xf32>
        %add3A_1551 = arith.addf %add3A_1522, %mul3A_1550 : vector<16xf32>
        %get3A_1552 = arith.constant 11 : i32
        %get3A_1553 = arith.index_cast %get3A_1552 : i32 to index
        %get3A_1554 = arith.constant 32 : index
        %get3A_1555 = tpu.vector_load %arg8[%get3A_1553, %get3A_1554] {strides = array<i32>} : memref<16x64xf32, #tpu.memory_space<vmem>>, vector<16xf32>,
        %mul3A_1556 = arith.mulf %get3A_1555, %gather3A_1539 : vector<16xf32>
        %add3A_1557 = arith.addf %add3A_1528, %mul3A_1556 : vector<16xf32>
        %get3A_1558 = arith.constant 11 : i32
        %get3A_1559 = arith.index_cast %get3A_1558 : i32 to index
        %get3A_1560 = arith.constant 48 : index
        %get3A_1561 = tpu.vector_load %arg8[%get3A_1559, %get3A_1560] {strides = array<i32>} : memref<16x64xf32, #tpu.memory_space<vmem>>, vector<16xf32>,
        %mul3A_1562 = arith.mulf %get3A_1561, %gather3A_1539 : vector<16xf32>
        %add3A_1563 = arith.addf %add3A_1534, %mul3A_1562 : vector<16xf32>
        %broadcast_in_dim3A_1564 = arith.constant 12 : i32
        %broadcast_in_dim3A_1565 = vector.broadcast %broadcast_in_dim3A_1564 : i32 to vector<16xi32>
        %reshape3A_1566 = vector.shape_cast %broadcast_in_dim3A_1565 : vector<16xi32> to vector<16x1xi32>
        %gather3A_1567 = vector.shape_cast %reshape3A_1566 : vector<16x1xi32> to vector<16xi32>
        %gather3A_1568 = tpu.dynamic_gather %bitcast_convert_type3A_695[%gather3A_1567] in [0] : vector<16xf32>, vector<16xi32> -> vector<16xf32>
        %get3A_1569 = arith.constant 12 : i32
        %get3A_1570 = arith.index_cast %get3A_1569 : i32 to index
        %get3A_1571 = arith.constant 0 : index
        %get3A_1572 = tpu.vector_load %arg8[%get3A_1570, %get3A_1571] {strides = array<i32>} : memref<16x64xf32, #tpu.memory_space<vmem>>, vector<16xf32>,
        %mul3A_1573 = arith.mulf %get3A_1572, %gather3A_1568 : vector<16xf32>
        %add3A_1574 = arith.addf %add3A_1545, %mul3A_1573 : vector<16xf32>
        %get3A_1575 = arith.constant 12 : i32
        %get3A_1576 = arith.index_cast %get3A_1575 : i32 to index
        %get3A_1577 = arith.constant 16 : index
        %get3A_1578 = tpu.vector_load %arg8[%get3A_1576, %get3A_1577] {strides = array<i32>} : memref<16x64xf32, #tpu.memory_space<vmem>>, vector<16xf32>,
        %mul3A_1579 = arith.mulf %get3A_1578, %gather3A_1568 : vector<16xf32>
        %add3A_1580 = arith.addf %add3A_1551, %mul3A_1579 : vector<16xf32>
        %get3A_1581 = arith.constant 12 : i32
        %get3A_1582 = arith.index_cast %get3A_1581 : i32 to index
        %get3A_1583 = arith.constant 32 : index
        %get3A_1584 = tpu.vector_load %arg8[%get3A_1582, %get3A_1583] {strides = array<i32>} : memref<16x64xf32, #tpu.memory_space<vmem>>, vector<16xf32>,
        %mul3A_1585 = arith.mulf %get3A_1584, %gather3A_1568 : vector<16xf32>
        %add3A_1586 = arith.addf %add3A_1557, %mul3A_1585 : vector<16xf32>
        %get3A_1587 = arith.constant 12 : i32
        %get3A_1588 = arith.index_cast %get3A_1587 : i32 to index
        %get3A_1589 = arith.constant 48 : index
        %get3A_1590 = tpu.vector_load %arg8[%get3A_1588, %get3A_1589] {strides = array<i32>} : memref<16x64xf32, #tpu.memory_space<vmem>>, vector<16xf32>,
        %mul3A_1591 = arith.mulf %get3A_1590, %gather3A_1568 : vector<16xf32>
        %add3A_1592 = arith.addf %add3A_1563, %mul3A_1591 : vector<16xf32>
        %broadcast_in_dim3A_1593 = arith.constant 13 : i32
        %broadcast_in_dim3A_1594 = vector.broadcast %broadcast_in_dim3A_1593 : i32 to vector<16xi32>
        %reshape3A_1595 = vector.shape_cast %broadcast_in_dim3A_1594 : vector<16xi32> to vector<16x1xi32>
        %gather3A_1596 = vector.shape_cast %reshape3A_1595 : vector<16x1xi32> to vector<16xi32>
        %gather3A_1597 = tpu.dynamic_gather %bitcast_convert_type3A_695[%gather3A_1596] in [0] : vector<16xf32>, vector<16xi32> -> vector<16xf32>
        %get3A_1598 = arith.constant 13 : i32
        %get3A_1599 = arith.index_cast %get3A_1598 : i32 to index
        %get3A_1600 = arith.constant 0 : index
        %get3A_1601 = tpu.vector_load %arg8[%get3A_1599, %get3A_1600] {strides = array<i32>} : memref<16x64xf32, #tpu.memory_space<vmem>>, vector<16xf32>,
        %mul3A_1602 = arith.mulf %get3A_1601, %gather3A_1597 : vector<16xf32>
        %add3A_1603 = arith.addf %add3A_1574, %mul3A_1602 : vector<16xf32>
        %get3A_1604 = arith.constant 13 : i32
        %get3A_1605 = arith.index_cast %get3A_1604 : i32 to index
        %get3A_1606 = arith.constant 16 : index
        %get3A_1607 = tpu.vector_load %arg8[%get3A_1605, %get3A_1606] {strides = array<i32>} : memref<16x64xf32, #tpu.memory_space<vmem>>, vector<16xf32>,
        %mul3A_1608 = arith.mulf %get3A_1607, %gather3A_1597 : vector<16xf32>
        %add3A_1609 = arith.addf %add3A_1580, %mul3A_1608 : vector<16xf32>
        %get3A_1610 = arith.constant 13 : i32
        %get3A_1611 = arith.index_cast %get3A_1610 : i32 to index
        %get3A_1612 = arith.constant 32 : index
        %get3A_1613 = tpu.vector_load %arg8[%get3A_1611, %get3A_1612] {strides = array<i32>} : memref<16x64xf32, #tpu.memory_space<vmem>>, vector<16xf32>,
        %mul3A_1614 = arith.mulf %get3A_1613, %gather3A_1597 : vector<16xf32>
        %add3A_1615 = arith.addf %add3A_1586, %mul3A_1614 : vector<16xf32>
        %get3A_1616 = arith.constant 13 : i32
        %get3A_1617 = arith.index_cast %get3A_1616 : i32 to index
        %get3A_1618 = arith.constant 48 : index
        %get3A_1619 = tpu.vector_load %arg8[%get3A_1617, %get3A_1618] {strides = array<i32>} : memref<16x64xf32, #tpu.memory_space<vmem>>, vector<16xf32>,
        %mul3A_1620 = arith.mulf %get3A_1619, %gather3A_1597 : vector<16xf32>
        %add3A_1621 = arith.addf %add3A_1592, %mul3A_1620 : vector<16xf32>
        %broadcast_in_dim3A_1622 = arith.constant 14 : i32
        %broadcast_in_dim3A_1623 = vector.broadcast %broadcast_in_dim3A_1622 : i32 to vector<16xi32>
        %reshape3A_1624 = vector.shape_cast %broadcast_in_dim3A_1623 : vector<16xi32> to vector<16x1xi32>
        %gather3A_1625 = vector.shape_cast %reshape3A_1624 : vector<16x1xi32> to vector<16xi32>
        %gather3A_1626 = tpu.dynamic_gather %bitcast_convert_type3A_695[%gather3A_1625] in [0] : vector<16xf32>, vector<16xi32> -> vector<16xf32>
        %get3A_1627 = arith.constant 14 : i32
        %get3A_1628 = arith.index_cast %get3A_1627 : i32 to index
        %get3A_1629 = arith.constant 0 : index
        %get3A_1630 = tpu.vector_load %arg8[%get3A_1628, %get3A_1629] {strides = array<i32>} : memref<16x64xf32, #tpu.memory_space<vmem>>, vector<16xf32>,
        %mul3A_1631 = arith.mulf %get3A_1630, %gather3A_1626 : vector<16xf32>
        %add3A_1632 = arith.addf %add3A_1603, %mul3A_1631 : vector<16xf32>
        %get3A_1633 = arith.constant 14 : i32
        %get3A_1634 = arith.index_cast %get3A_1633 : i32 to index
        %get3A_1635 = arith.constant 16 : index
        %get3A_1636 = tpu.vector_load %arg8[%get3A_1634, %get3A_1635] {strides = array<i32>} : memref<16x64xf32, #tpu.memory_space<vmem>>, vector<16xf32>,
        %mul3A_1637 = arith.mulf %get3A_1636, %gather3A_1626 : vector<16xf32>
        %add3A_1638 = arith.addf %add3A_1609, %mul3A_1637 : vector<16xf32>
        %get3A_1639 = arith.constant 14 : i32
        %get3A_1640 = arith.index_cast %get3A_1639 : i32 to index
        %get3A_1641 = arith.constant 32 : index
        %get3A_1642 = tpu.vector_load %arg8[%get3A_1640, %get3A_1641] {strides = array<i32>} : memref<16x64xf32, #tpu.memory_space<vmem>>, vector<16xf32>,
        %mul3A_1643 = arith.mulf %get3A_1642, %gather3A_1626 : vector<16xf32>
        %add3A_1644 = arith.addf %add3A_1615, %mul3A_1643 : vector<16xf32>
        %get3A_1645 = arith.constant 14 : i32
        %get3A_1646 = arith.index_cast %get3A_1645 : i32 to index
        %get3A_1647 = arith.constant 48 : index
        %get3A_1648 = tpu.vector_load %arg8[%get3A_1646, %get3A_1647] {strides = array<i32>} : memref<16x64xf32, #tpu.memory_space<vmem>>, vector<16xf32>,
        %mul3A_1649 = arith.mulf %get3A_1648, %gather3A_1626 : vector<16xf32>
        %add3A_1650 = arith.addf %add3A_1621, %mul3A_1649 : vector<16xf32>
        %broadcast_in_dim3A_1651 = arith.constant 15 : i32
        %broadcast_in_dim3A_1652 = vector.broadcast %broadcast_in_dim3A_1651 : i32 to vector<16xi32>
        %reshape3A_1653 = vector.shape_cast %broadcast_in_dim3A_1652 : vector<16xi32> to vector<16x1xi32>
        %gather3A_1654 = vector.shape_cast %reshape3A_1653 : vector<16x1xi32> to vector<16xi32>
        %gather3A_1655 = tpu.dynamic_gather %bitcast_convert_type3A_695[%gather3A_1654] in [0] : vector<16xf32>, vector<16xi32> -> vector<16xf32>
        %get3A_1656 = arith.constant 15 : i32
        %get3A_1657 = arith.index_cast %get3A_1656 : i32 to index
        %get3A_1658 = arith.constant 0 : index
        %get3A_1659 = tpu.vector_load %arg8[%get3A_1657, %get3A_1658] {strides = array<i32>} : memref<16x64xf32, #tpu.memory_space<vmem>>, vector<16xf32>,
        %mul3A_1660 = arith.mulf %get3A_1659, %gather3A_1655 : vector<16xf32>
        %add3A_1661 = arith.addf %add3A_1632, %mul3A_1660 : vector<16xf32>
        %get3A_1662 = arith.constant 15 : i32
        %get3A_1663 = arith.index_cast %get3A_1662 : i32 to index
        %get3A_1664 = arith.constant 16 : index
        %get3A_1665 = tpu.vector_load %arg8[%get3A_1663, %get3A_1664] {strides = array<i32>} : memref<16x64xf32, #tpu.memory_space<vmem>>, vector<16xf32>,
        %mul3A_1666 = arith.mulf %get3A_1665, %gather3A_1655 : vector<16xf32>
        %add3A_1667 = arith.addf %add3A_1638, %mul3A_1666 : vector<16xf32>
        %get3A_1668 = arith.constant 15 : i32
        %get3A_1669 = arith.index_cast %get3A_1668 : i32 to index
        %get3A_1670 = arith.constant 32 : index
        %get3A_1671 = tpu.vector_load %arg8[%get3A_1669, %get3A_1670] {strides = array<i32>} : memref<16x64xf32, #tpu.memory_space<vmem>>, vector<16xf32>,
        %mul3A_1672 = arith.mulf %get3A_1671, %gather3A_1655 : vector<16xf32>
        %add3A_1673 = arith.addf %add3A_1644, %mul3A_1672 : vector<16xf32>
        %get3A_1674 = arith.constant 15 : i32
        %get3A_1675 = arith.index_cast %get3A_1674 : i32 to index
        %get3A_1676 = arith.constant 48 : index
        %get3A_1677 = tpu.vector_load %arg8[%get3A_1675, %get3A_1676] {strides = array<i32>} : memref<16x64xf32, #tpu.memory_space<vmem>>, vector<16xf32>,
        %mul3A_1678 = arith.mulf %get3A_1677, %gather3A_1655 : vector<16xf32>
        %add3A_1679 = arith.addf %add3A_1650, %mul3A_1678 : vector<16xf32>
        %mul3A_1680 = arith.constant 64 : i32
        %mul3A_1681 = arith.muli %add3A_1207, %mul3A_1680 : i32
        %add3A_1682 = arith.constant 0 : i32
        %add3A_1683 = arith.addi %mul3A_1681, %add3A_1682 : i32
        %broadcast_in_dim3A_1684 = vector.broadcast %add3A_1683 : i32 to vector<16xi32>
        %add3A_1685 = arith.addi %broadcast_in_dim3A_1684, %iota3A : vector<16xi32>
        tpu.vector_store_idx %arg11[%add3A_1685], %add3A_1661 : memref<512xf32, #tpu.memory_space<vmem>>[vector<16xi32>], vector<16xf32>,
        %mul3A_1686 = arith.constant 64 : i32
        %mul3A_1687 = arith.muli %add3A_1207, %mul3A_1686 : i32
        %add3A_1688 = arith.constant 16 : i32
        %add3A_1689 = arith.addi %mul3A_1687, %add3A_1688 : i32
        %broadcast_in_dim3A_1690 = vector.broadcast %add3A_1689 : i32 to vector<16xi32>
        %add3A_1691 = arith.addi %broadcast_in_dim3A_1690, %iota3A : vector<16xi32>
        tpu.vector_store_idx %arg11[%add3A_1691], %add3A_1667 : memref<512xf32, #tpu.memory_space<vmem>>[vector<16xi32>], vector<16xf32>,
        %mul3A_1692 = arith.constant 64 : i32
        %mul3A_1693 = arith.muli %add3A_1207, %mul3A_1692 : i32
        %add3A_1694 = arith.constant 32 : i32
        %add3A_1695 = arith.addi %mul3A_1693, %add3A_1694 : i32
        %broadcast_in_dim3A_1696 = vector.broadcast %add3A_1695 : i32 to vector<16xi32>
        %add3A_1697 = arith.addi %broadcast_in_dim3A_1696, %iota3A : vector<16xi32>
        tpu.vector_store_idx %arg11[%add3A_1697], %add3A_1673 : memref<512xf32, #tpu.memory_space<vmem>>[vector<16xi32>], vector<16xf32>,
        %mul3A_1698 = arith.constant 64 : i32
        %mul3A_1699 = arith.muli %add3A_1207, %mul3A_1698 : i32
        %add3A_1700 = arith.constant 48 : i32
        %add3A_1701 = arith.addi %mul3A_1699, %add3A_1700 : i32
        %broadcast_in_dim3A_1702 = vector.broadcast %add3A_1701 : i32 to vector<16xi32>
        %add3A_1703 = arith.addi %broadcast_in_dim3A_1702, %iota3A : vector<16xi32>
        tpu.vector_store_idx %arg11[%add3A_1703], %add3A_1679 : memref<512xf32, #tpu.memory_space<vmem>>[vector<16xi32>], vector<16xf32>,
      }
      %scan3A_57 = arith.constant 4 : i32
      %mul3A_58 = arith.constant 8 : i32
      %mul3A_59 = arith.muli %mul3A_36, %mul3A_58 : i32
      %add3A_60 = arith.addi %mul3A_18, %mul3A_59 : i32
      %mul3A_61 = arith.constant 64 : i32
      %mul3A_62 = arith.muli %add3A_60, %mul3A_61 : i32
      "tpu.region"() ({
        %run_scoped3A = tpu.sem_alloc : memref<!tpu.dma_semaphore, #tpu.memory_space<semaphore_mem>>
        %dma_start3A_90 = tpu.memref_slice %arg4[%mul3A_62] : memref<2097152xf32, #tpu.memory_space<hbm>> -> memref<512xf32, #tpu.memory_space<hbm>>
        %dma_start3A_91 = tpu.memref_slice %arg4[%mul3A_62] : memref<2097152xf32, #tpu.memory_space<hbm>> -> memref<512xf32, #tpu.memory_space<hbm>>
        tpu.enqueue_dma source(%arg11 : memref<512xf32, #tpu.memory_space<vmem>>) target(%dma_start3A_91 : memref<512xf32, #tpu.memory_space<hbm>>) target_semaphore(%run_scoped3A : memref<!tpu.dma_semaphore, #tpu.memory_space<semaphore_mem>>)
        %dma_wait3A_92 = tpu.memref_slice %arg4[%mul3A_62] : memref<2097152xf32, #tpu.memory_space<hbm>> -> memref<512xf32, #tpu.memory_space<hbm>>
        %dma_wait3A_93 = tpu.memref_slice %arg4[%mul3A_62] : memref<2097152xf32, #tpu.memory_space<hbm>> -> memref<512xf32, #tpu.memory_space<hbm>>
        tpu.wait_dma2 semaphore(%run_scoped3A : memref<!tpu.dma_semaphore, #tpu.memory_space<semaphore_mem>>) src(%arg11 : memref<512xf32, #tpu.memory_space<vmem>>) dst(%dma_wait3A_93 : memref<512xf32, #tpu.memory_space<hbm>>)
        tpu.yield
      }) : () -> ()
      %add3A_63 = arith.constant 1 : i32
      %add3A_64 = arith.addi %mul3A_36, %add3A_63 : i32
      %mul3A_65 = arith.constant 8 : i32
      %mul3A_66 = arith.muli %add3A_64, %mul3A_65 : i32
      %add3A_67 = arith.addi %mul3A_18, %mul3A_66 : i32
      %mul3A_68 = arith.constant 3072 : i32
      %mul3A_69 = arith.muli %add3A_67, %mul3A_68 : i32
      %dma_wait3A_70 = tpu.memref_slice %arg2[%mul3A_69] : memref<100663296xf32, #tpu.memory_space<hbm>> -> memref<24576xf32, #tpu.memory_space<hbm>>
      %dma_wait3A_71 = tpu.memref_slice %arg2[%mul3A_69] : memref<100663296xf32, #tpu.memory_space<hbm>> -> memref<24576xf32, #tpu.memory_space<hbm>>
      tpu.wait_dma2 semaphore(%arg13 : memref<!tpu.dma_semaphore, #tpu.memory_space<semaphore_mem>>) src(%dma_wait3A_71 : memref<24576xf32, #tpu.memory_space<hbm>>) dst(%arg6 : memref<24576xf32, #tpu.memory_space<vmem>>)
      %add3A_72 = arith.constant 1 : i32
      %add3A_73 = arith.addi %scan3A_34, %add3A_72 : i32
      %lt3A_74 = arith.constant 64 : i32
      %lt3A_75 = arith.cmpi slt, %add3A_73, %lt3A_74 : i32
      %convert_element_type3A = arith.extui %lt3A_75 : i1 to i32
      %cond3A = arith.constant 0 : i32
      %cond3A_76 = arith.cmpi ne, %convert_element_type3A, %cond3A : i32
      scf.if %cond3A_76 {
        %add3A_90 = arith.constant 2 : i32
        %add3A_91 = arith.addi %mul3A_36, %add3A_90 : i32
        %mul3A_92 = arith.constant 8 : i32
        %mul3A_93 = arith.muli %add3A_91, %mul3A_92 : i32
        %add3A_94 = arith.addi %mul3A_18, %mul3A_93 : i32
        %mul3A_95 = arith.constant 3072 : i32
        %mul3A_96 = arith.muli %add3A_94, %mul3A_95 : i32
        %dma_start3A_97 = tpu.memref_slice %arg2[%mul3A_96] : memref<100663296xf32, #tpu.memory_space<hbm>> -> memref<24576xf32, #tpu.memory_space<hbm>>
        %dma_start3A_98 = tpu.memref_slice %arg2[%mul3A_96] : memref<100663296xf32, #tpu.memory_space<hbm>> -> memref<24576xf32, #tpu.memory_space<hbm>>
        tpu.enqueue_dma source(%dma_start3A_98 : memref<24576xf32, #tpu.memory_space<hbm>>) target(%arg5 : memref<24576xf32, #tpu.memory_space<vmem>>) target_semaphore(%arg12 : memref<!tpu.dma_semaphore, #tpu.memory_space<semaphore_mem>>)
      } else {
      }
      %add3A_77 = arith.constant 1 : i32
      %add3A_78 = arith.addi %mul3A_36, %add3A_77 : i32
      %scan3A_79 = arith.constant 0 : i32
      %scan3A_80 = arith.constant 0 : i32
      %scan3A_81 = arith.constant 4 : i32
      %scan3A_82 = arith.addi %scan3A_80, %scan3A_81 : i32
      %scan3A_83 = arith.constant 1 : i32
      scf.for %scan3A_90 = %scan3A_80 to %scan3A_82 step %scan3A_83  : i32 {
        %mul3A_91 = arith.constant 2 : i32
        %mul3A_92 = arith.muli %mul3A_91, %scan3A_90 : i32
        %mul3A_93 = arith.constant 3072 : i32
        %mul3A_94 = arith.muli %mul3A_92, %mul3A_93 : i32
        %add3A_95 = arith.constant 2944 : i32
        %add3A_96 = arith.addi %mul3A_94, %add3A_95 : i32
        %add3A_97 = arith.constant 0 : i32
        %add3A_98 = arith.addi %add3A_96, %add3A_97 : i32
        %broadcast_in_dim3A = vector.broadcast %add3A_98 : i32 to vector<16xi32>
        %add3A_99 = arith.addi %broadcast_in_dim3A, %iota3A : vector<16xi32>
        %gather3A = tpu.vector_load_idx %arg6[%add3A_99] : memref<24576xf32, #tpu.memory_space<vmem>>[vector<16xi32>], vector<16xf32>,
        %broadcast_in_dim3A_100 = arith.constant 0 : i32
        %broadcast_in_dim3A_101 = vector.broadcast %broadcast_in_dim3A_100 : i32 to vector<16xi32>
        %add3A_102 = arith.addi %broadcast_in_dim3A_101, %iota3A : vector<16xi32>
        %masked_sort3A = arith.constant dense<true> : vector<16xi1>
        %masked_sort3A_103, %masked_sort3A_104, %masked_sort3A_105 = tpu.sort %gather3A, %add3A_102 masked %masked_sort3A {descending = true} : (vector<16xf32>, vector<16xi32>, vector<16xi1>) -> (vector<16xi1>, vector<16xf32>, vector<16xi32>)
        %add3A_106 = arith.constant 2944 : i32
        %add3A_107 = arith.addi %mul3A_94, %add3A_106 : i32
        %add3A_108 = arith.constant 16 : i32
        %add3A_109 = arith.addi %add3A_107, %add3A_108 : i32
        %broadcast_in_dim3A_110 = vector.broadcast %add3A_109 : i32 to vector<16xi32>
        %add3A_111 = arith.addi %broadcast_in_dim3A_110, %iota3A : vector<16xi32>
        %gather3A_112 = tpu.vector_load_idx %arg6[%add3A_111] : memref<24576xf32, #tpu.memory_space<vmem>>[vector<16xi32>], vector<16xf32>,
        %broadcast_in_dim3A_113 = arith.constant 16 : i32
        %broadcast_in_dim3A_114 = vector.broadcast %broadcast_in_dim3A_113 : i32 to vector<16xi32>
        %add3A_115 = arith.addi %broadcast_in_dim3A_114, %iota3A : vector<16xi32>
        %masked_sort3A_116 = arith.constant dense<true> : vector<16xi1>
        %masked_sort3A_117, %masked_sort3A_118, %masked_sort3A_119 = tpu.sort %gather3A_112, %add3A_115 masked %masked_sort3A_116 {descending = true} : (vector<16xf32>, vector<16xi32>, vector<16xi1>) -> (vector<16xi1>, vector<16xf32>, vector<16xi32>)
        %add3A_120 = arith.constant 2944 : i32
        %add3A_121 = arith.addi %mul3A_94, %add3A_120 : i32
        %add3A_122 = arith.constant 32 : i32
        %add3A_123 = arith.addi %add3A_121, %add3A_122 : i32
        %broadcast_in_dim3A_124 = vector.broadcast %add3A_123 : i32 to vector<16xi32>
        %add3A_125 = arith.addi %broadcast_in_dim3A_124, %iota3A : vector<16xi32>
        %gather3A_126 = tpu.vector_load_idx %arg6[%add3A_125] : memref<24576xf32, #tpu.memory_space<vmem>>[vector<16xi32>], vector<16xf32>,
        %broadcast_in_dim3A_127 = arith.constant 32 : i32
        %broadcast_in_dim3A_128 = vector.broadcast %broadcast_in_dim3A_127 : i32 to vector<16xi32>
        %add3A_129 = arith.addi %broadcast_in_dim3A_128, %iota3A : vector<16xi32>
        %masked_sort3A_130 = arith.constant dense<true> : vector<16xi1>
        %masked_sort3A_131, %masked_sort3A_132, %masked_sort3A_133 = tpu.sort %gather3A_126, %add3A_129 masked %masked_sort3A_130 {descending = true} : (vector<16xf32>, vector<16xi32>, vector<16xi1>) -> (vector<16xi1>, vector<16xf32>, vector<16xi32>)
        %add3A_134 = arith.constant 2944 : i32
        %add3A_135 = arith.addi %mul3A_94, %add3A_134 : i32
        %add3A_136 = arith.constant 48 : i32
        %add3A_137 = arith.addi %add3A_135, %add3A_136 : i32
        %broadcast_in_dim3A_138 = vector.broadcast %add3A_137 : i32 to vector<16xi32>
        %add3A_139 = arith.addi %broadcast_in_dim3A_138, %iota3A : vector<16xi32>
        %gather3A_140 = tpu.vector_load_idx %arg6[%add3A_139] : memref<24576xf32, #tpu.memory_space<vmem>>[vector<16xi32>], vector<16xf32>,
        %broadcast_in_dim3A_141 = arith.constant 48 : i32
        %broadcast_in_dim3A_142 = vector.broadcast %broadcast_in_dim3A_141 : i32 to vector<16xi32>
        %add3A_143 = arith.addi %broadcast_in_dim3A_142, %iota3A : vector<16xi32>
        %masked_sort3A_144 = arith.constant dense<true> : vector<16xi1>
        %masked_sort3A_145, %masked_sort3A_146, %masked_sort3A_147 = tpu.sort %gather3A_140, %add3A_143 masked %masked_sort3A_144 {descending = true} : (vector<16xf32>, vector<16xi32>, vector<16xi1>) -> (vector<16xi1>, vector<16xf32>, vector<16xi32>)
        %iota3A_148 = tpu.iota {dimensions = array<i32: 0>} : vector<16xi32>
        %lt3A_149 = arith.constant 8 : i32
        %lt3A_150 = vector.broadcast %lt3A_149 : i32 to vector<16xi32>
        %lt3A_151 = arith.cmpi slt, %iota3A_148, %lt3A_150 : vector<16xi32>
        %and3A_152 = arith.constant 7 : i32
        %and3A_153 = vector.broadcast %and3A_152 : i32 to vector<16xi32>
        %and3A_154 = arith.andi %iota3A_148, %and3A_153 : vector<16xi32>
        %reshape3A = vector.shape_cast %and3A_154 : vector<16xi32> to vector<16x1xi32>
        %gather3A_155 = vector.shape_cast %reshape3A : vector<16x1xi32> to vector<16xi32>
        %gather3A_156 = tpu.dynamic_gather %masked_sort3A_118[%gather3A_155] in [0] : vector<16xf32>, vector<16xi32> -> vector<16xf32>
        %select_n3A_157 = arith.select %lt3A_151, %masked_sort3A_104, %gather3A_156 : vector<16xi1>, vector<16xf32>
        %reshape3A_158 = vector.shape_cast %and3A_154 : vector<16xi32> to vector<16x1xi32>
        %gather3A_159 = vector.shape_cast %reshape3A_158 : vector<16x1xi32> to vector<16xi32>
        %gather3A_160 = tpu.dynamic_gather %masked_sort3A_119[%gather3A_159] in [0] : vector<16xi32>, vector<16xi32> -> vector<16xi32>
        %select_n3A_161 = arith.select %lt3A_151, %masked_sort3A_105, %gather3A_160 : vector<16xi1>, vector<16xi32>
        %masked_sort3A_162 = arith.constant dense<true> : vector<16xi1>
        %masked_sort3A_163, %masked_sort3A_164, %masked_sort3A_165 = tpu.sort %select_n3A_157, %select_n3A_161 masked %masked_sort3A_162 {descending = true} : (vector<16xf32>, vector<16xi32>, vector<16xi1>) -> (vector<16xi1>, vector<16xf32>, vector<16xi32>)
        %iota3A_166 = tpu.iota {dimensions = array<i32: 0>} : vector<16xi32>
        %lt3A_167 = arith.constant 8 : i32
        %lt3A_168 = vector.broadcast %lt3A_167 : i32 to vector<16xi32>
        %lt3A_169 = arith.cmpi slt, %iota3A_166, %lt3A_168 : vector<16xi32>
        %and3A_170 = arith.constant 7 : i32
        %and3A_171 = vector.broadcast %and3A_170 : i32 to vector<16xi32>
        %and3A_172 = arith.andi %iota3A_166, %and3A_171 : vector<16xi32>
        %reshape3A_173 = vector.shape_cast %and3A_172 : vector<16xi32> to vector<16x1xi32>
        %gather3A_174 = vector.shape_cast %reshape3A_173 : vector<16x1xi32> to vector<16xi32>
        %gather3A_175 = tpu.dynamic_gather %masked_sort3A_146[%gather3A_174] in [0] : vector<16xf32>, vector<16xi32> -> vector<16xf32>
        %select_n3A_176 = arith.select %lt3A_169, %masked_sort3A_132, %gather3A_175 : vector<16xi1>, vector<16xf32>
        %reshape3A_177 = vector.shape_cast %and3A_172 : vector<16xi32> to vector<16x1xi32>
        %gather3A_178 = vector.shape_cast %reshape3A_177 : vector<16x1xi32> to vector<16xi32>
        %gather3A_179 = tpu.dynamic_gather %masked_sort3A_147[%gather3A_178] in [0] : vector<16xi32>, vector<16xi32> -> vector<16xi32>
        %select_n3A_180 = arith.select %lt3A_169, %masked_sort3A_133, %gather3A_179 : vector<16xi1>, vector<16xi32>
        %masked_sort3A_181 = arith.constant dense<true> : vector<16xi1>
        %masked_sort3A_182, %masked_sort3A_183, %masked_sort3A_184 = tpu.sort %select_n3A_176, %select_n3A_180 masked %masked_sort3A_181 {descending = true} : (vector<16xf32>, vector<16xi32>, vector<16xi1>) -> (vector<16xi1>, vector<16xf32>, vector<16xi32>)
        %iota3A_185 = tpu.iota {dimensions = array<i32: 0>} : vector<16xi32>
        %lt3A_186 = arith.constant 8 : i32
        %lt3A_187 = vector.broadcast %lt3A_186 : i32 to vector<16xi32>
        %lt3A_188 = arith.cmpi slt, %iota3A_185, %lt3A_187 : vector<16xi32>
        %and3A_189 = arith.constant 7 : i32
        %and3A_190 = vector.broadcast %and3A_189 : i32 to vector<16xi32>
        %and3A_191 = arith.andi %iota3A_185, %and3A_190 : vector<16xi32>
        %reshape3A_192 = vector.shape_cast %and3A_191 : vector<16xi32> to vector<16x1xi32>
        %gather3A_193 = vector.shape_cast %reshape3A_192 : vector<16x1xi32> to vector<16xi32>
        %gather3A_194 = tpu.dynamic_gather %masked_sort3A_183[%gather3A_193] in [0] : vector<16xf32>, vector<16xi32> -> vector<16xf32>
        %select_n3A_195 = arith.select %lt3A_188, %masked_sort3A_164, %gather3A_194 : vector<16xi1>, vector<16xf32>
        %reshape3A_196 = vector.shape_cast %and3A_191 : vector<16xi32> to vector<16x1xi32>
        %gather3A_197 = vector.shape_cast %reshape3A_196 : vector<16x1xi32> to vector<16xi32>
        %gather3A_198 = tpu.dynamic_gather %masked_sort3A_184[%gather3A_197] in [0] : vector<16xi32>, vector<16xi32> -> vector<16xi32>
        %select_n3A_199 = arith.select %lt3A_188, %masked_sort3A_165, %gather3A_198 : vector<16xi1>, vector<16xi32>
        %masked_sort3A_200 = arith.constant dense<true> : vector<16xi1>
        %masked_sort3A_201, %masked_sort3A_202, %masked_sort3A_203 = tpu.sort %select_n3A_195, %select_n3A_199 masked %masked_sort3A_200 {descending = true} : (vector<16xf32>, vector<16xi32>, vector<16xi1>) -> (vector<16xi1>, vector<16xf32>, vector<16xi32>)
        %iota3A_204 = tpu.iota {dimensions = array<i32: 0>} : vector<16xi32>
        %and3A_205 = arith.constant 63 : i32
        %and3A_206 = vector.broadcast %and3A_205 : i32 to vector<16xi32>
        %and3A_207 = arith.andi %masked_sort3A_203, %and3A_206 : vector<16xi32>
        %shift_right_arithmetic3A = arith.constant 6 : i32
        %shift_right_arithmetic3A_208 = vector.broadcast %shift_right_arithmetic3A : i32 to vector<16xi32>
        %shift_right_arithmetic3A_209 = arith.shrsi %masked_sort3A_203, %shift_right_arithmetic3A_208 : vector<16xi32>
        %shift_left3A = arith.constant 7 : i32
        %shift_left3A_210 = vector.broadcast %shift_left3A : i32 to vector<16xi32>
        %shift_left3A_211 = arith.shli %shift_right_arithmetic3A_209, %shift_left3A_210 : vector<16xi32>
        %or3A = arith.ori %and3A_207, %shift_left3A_211 : vector<16xi32>
        %and3A_212 = arith.constant 7 : i32
        %and3A_213 = vector.broadcast %and3A_212 : i32 to vector<16xi32>
        %and3A_214 = arith.andi %iota3A_204, %and3A_213 : vector<16xi32>
        %reshape3A_215 = vector.shape_cast %and3A_214 : vector<16xi32> to vector<16x1xi32>
        %gather3A_216 = vector.shape_cast %reshape3A_215 : vector<16x1xi32> to vector<16xi32>
        %gather3A_217 = tpu.dynamic_gather %or3A[%gather3A_216] in [0] : vector<16xi32>, vector<16xi32> -> vector<16xi32>
        %lt3A_218 = arith.constant 8 : i32
        %lt3A_219 = vector.broadcast %lt3A_218 : i32 to vector<16xi32>
        %lt3A_220 = arith.cmpi slt, %iota3A_204, %lt3A_219 : vector<16xi32>
        %jit3A_221 = arith.constant 0 : i32
        %jit3A_222 = arith.constant 64 : i32
        %broadcast_in_dim3A_223 = vector.broadcast %jit3A_221 : i32 to vector<16xi32>
        %broadcast_in_dim3A_224 = vector.broadcast %jit3A_222 : i32 to vector<16xi32>
        %select_n3A_225 = arith.select %lt3A_220, %broadcast_in_dim3A_223, %broadcast_in_dim3A_224 : vector<16xi1>, vector<16xi32>
        %add3A_226 = arith.addi %gather3A_217, %select_n3A_225 : vector<16xi32>
        %add3A_227 = arith.constant 2816 : i32
        %add3A_228 = arith.addi %mul3A_94, %add3A_227 : i32
        %broadcast_in_dim3A_229 = vector.broadcast %add3A_228 : i32 to vector<16xi32>
        %add3A_230 = arith.addi %broadcast_in_dim3A_229, %add3A_226 : vector<16xi32>
        %gather3A_231 = tpu.vector_load_idx %arg6[%add3A_230] : memref<24576xf32, #tpu.memory_space<vmem>>[vector<16xi32>], vector<16xf32>,
        %masked_sort3A_232 = arith.constant dense<true> : vector<16xi1>
        %masked_sort3A_233, %masked_sort3A_234, %masked_sort3A_235 = tpu.sort %gather3A_231, %add3A_226 masked %masked_sort3A_232 {descending = true} : (vector<16xf32>, vector<16xi32>, vector<16xi1>) -> (vector<16xi1>, vector<16xf32>, vector<16xi32>)
        %iota3A_236 = tpu.iota {dimensions = array<i32: 0>} : vector<16xi32>
        %and3A_237 = arith.constant 63 : i32
        %and3A_238 = vector.broadcast %and3A_237 : i32 to vector<16xi32>
        %and3A_239 = arith.andi %masked_sort3A_235, %and3A_238 : vector<16xi32>
        %shift_right_arithmetic3A_240 = arith.constant 6 : i32
        %shift_right_arithmetic3A_241 = vector.broadcast %shift_right_arithmetic3A_240 : i32 to vector<16xi32>
        %shift_right_arithmetic3A_242 = arith.shrsi %masked_sort3A_235, %shift_right_arithmetic3A_241 : vector<16xi32>
        %shift_left3A_243 = arith.constant 7 : i32
        %shift_left3A_244 = vector.broadcast %shift_left3A_243 : i32 to vector<16xi32>
        %shift_left3A_245 = arith.shli %shift_right_arithmetic3A_242, %shift_left3A_244 : vector<16xi32>
        %or3A_246 = arith.ori %and3A_239, %shift_left3A_245 : vector<16xi32>
        %and3A_247 = arith.constant 7 : i32
        %and3A_248 = vector.broadcast %and3A_247 : i32 to vector<16xi32>
        %and3A_249 = arith.andi %iota3A_236, %and3A_248 : vector<16xi32>
        %reshape3A_250 = vector.shape_cast %and3A_249 : vector<16xi32> to vector<16x1xi32>
        %gather3A_251 = vector.shape_cast %reshape3A_250 : vector<16x1xi32> to vector<16xi32>
        %gather3A_252 = tpu.dynamic_gather %or3A_246[%gather3A_251] in [0] : vector<16xi32>, vector<16xi32> -> vector<16xi32>
        %lt3A_253 = arith.constant 8 : i32
        %lt3A_254 = vector.broadcast %lt3A_253 : i32 to vector<16xi32>
        %lt3A_255 = arith.cmpi slt, %iota3A_236, %lt3A_254 : vector<16xi32>
        %jit3A_256 = arith.constant 0 : i32
        %jit3A_257 = arith.constant 64 : i32
        %broadcast_in_dim3A_258 = vector.broadcast %jit3A_256 : i32 to vector<16xi32>
        %broadcast_in_dim3A_259 = vector.broadcast %jit3A_257 : i32 to vector<16xi32>
        %select_n3A_260 = arith.select %lt3A_255, %broadcast_in_dim3A_258, %broadcast_in_dim3A_259 : vector<16xi1>, vector<16xi32>
        %add3A_261 = arith.addi %gather3A_252, %select_n3A_260 : vector<16xi32>
        %add3A_262 = arith.constant 2560 : i32
        %add3A_263 = arith.addi %mul3A_94, %add3A_262 : i32
        %broadcast_in_dim3A_264 = vector.broadcast %add3A_263 : i32 to vector<16xi32>
        %add3A_265 = arith.addi %broadcast_in_dim3A_264, %add3A_261 : vector<16xi32>
        %gather3A_266 = tpu.vector_load_idx %arg6[%add3A_265] : memref<24576xf32, #tpu.memory_space<vmem>>[vector<16xi32>], vector<16xf32>,
        %masked_sort3A_267 = arith.constant dense<true> : vector<16xi1>
        %masked_sort3A_268, %masked_sort3A_269, %masked_sort3A_270 = tpu.sort %gather3A_266, %add3A_261 masked %masked_sort3A_267 {descending = true} : (vector<16xf32>, vector<16xi32>, vector<16xi1>) -> (vector<16xi1>, vector<16xf32>, vector<16xi32>)
        %iota3A_271 = tpu.iota {dimensions = array<i32: 0>} : vector<16xi32>
        %and3A_272 = arith.constant 63 : i32
        %and3A_273 = vector.broadcast %and3A_272 : i32 to vector<16xi32>
        %and3A_274 = arith.andi %masked_sort3A_270, %and3A_273 : vector<16xi32>
        %shift_right_arithmetic3A_275 = arith.constant 6 : i32
        %shift_right_arithmetic3A_276 = vector.broadcast %shift_right_arithmetic3A_275 : i32 to vector<16xi32>
        %shift_right_arithmetic3A_277 = arith.shrsi %masked_sort3A_270, %shift_right_arithmetic3A_276 : vector<16xi32>
        %shift_left3A_278 = arith.constant 7 : i32
        %shift_left3A_279 = vector.broadcast %shift_left3A_278 : i32 to vector<16xi32>
        %shift_left3A_280 = arith.shli %shift_right_arithmetic3A_277, %shift_left3A_279 : vector<16xi32>
        %or3A_281 = arith.ori %and3A_274, %shift_left3A_280 : vector<16xi32>
        %and3A_282 = arith.constant 7 : i32
        %and3A_283 = vector.broadcast %and3A_282 : i32 to vector<16xi32>
        %and3A_284 = arith.andi %iota3A_271, %and3A_283 : vector<16xi32>
        %reshape3A_285 = vector.shape_cast %and3A_284 : vector<16xi32> to vector<16x1xi32>
        %gather3A_286 = vector.shape_cast %reshape3A_285 : vector<16x1xi32> to vector<16xi32>
        %gather3A_287 = tpu.dynamic_gather %or3A_281[%gather3A_286] in [0] : vector<16xi32>, vector<16xi32> -> vector<16xi32>
        %lt3A_288 = arith.constant 8 : i32
        %lt3A_289 = vector.broadcast %lt3A_288 : i32 to vector<16xi32>
        %lt3A_290 = arith.cmpi slt, %iota3A_271, %lt3A_289 : vector<16xi32>
        %jit3A_291 = arith.constant 0 : i32
        %jit3A_292 = arith.constant 64 : i32
        %broadcast_in_dim3A_293 = vector.broadcast %jit3A_291 : i32 to vector<16xi32>
        %broadcast_in_dim3A_294 = vector.broadcast %jit3A_292 : i32 to vector<16xi32>
        %select_n3A_295 = arith.select %lt3A_290, %broadcast_in_dim3A_293, %broadcast_in_dim3A_294 : vector<16xi1>, vector<16xi32>
        %add3A_296 = arith.addi %gather3A_287, %select_n3A_295 : vector<16xi32>
        %add3A_297 = arith.constant 2048 : i32
        %add3A_298 = arith.addi %mul3A_94, %add3A_297 : i32
        %broadcast_in_dim3A_299 = vector.broadcast %add3A_298 : i32 to vector<16xi32>
        %add3A_300 = arith.addi %broadcast_in_dim3A_299, %add3A_296 : vector<16xi32>
        %gather3A_301 = tpu.vector_load_idx %arg6[%add3A_300] : memref<24576xf32, #tpu.memory_space<vmem>>[vector<16xi32>], vector<16xf32>,
        %masked_sort3A_302 = arith.constant dense<true> : vector<16xi1>
        %masked_sort3A_303, %masked_sort3A_304, %masked_sort3A_305 = tpu.sort %gather3A_301, %add3A_296 masked %masked_sort3A_302 {descending = true} : (vector<16xf32>, vector<16xi32>, vector<16xi1>) -> (vector<16xi1>, vector<16xf32>, vector<16xi32>)
        %iota3A_306 = tpu.iota {dimensions = array<i32: 0>} : vector<16xi32>
        %and3A_307 = arith.constant 63 : i32
        %and3A_308 = vector.broadcast %and3A_307 : i32 to vector<16xi32>
        %and3A_309 = arith.andi %masked_sort3A_305, %and3A_308 : vector<16xi32>
        %shift_right_arithmetic3A_310 = arith.constant 6 : i32
        %shift_right_arithmetic3A_311 = vector.broadcast %shift_right_arithmetic3A_310 : i32 to vector<16xi32>
        %shift_right_arithmetic3A_312 = arith.shrsi %masked_sort3A_305, %shift_right_arithmetic3A_311 : vector<16xi32>
        %shift_left3A_313 = arith.constant 7 : i32
        %shift_left3A_314 = vector.broadcast %shift_left3A_313 : i32 to vector<16xi32>
        %shift_left3A_315 = arith.shli %shift_right_arithmetic3A_312, %shift_left3A_314 : vector<16xi32>
        %or3A_316 = arith.ori %and3A_309, %shift_left3A_315 : vector<16xi32>
        %and3A_317 = arith.constant 7 : i32
        %and3A_318 = vector.broadcast %and3A_317 : i32 to vector<16xi32>
        %and3A_319 = arith.andi %iota3A_306, %and3A_318 : vector<16xi32>
        %reshape3A_320 = vector.shape_cast %and3A_319 : vector<16xi32> to vector<16x1xi32>
        %gather3A_321 = vector.shape_cast %reshape3A_320 : vector<16x1xi32> to vector<16xi32>
        %gather3A_322 = tpu.dynamic_gather %or3A_316[%gather3A_321] in [0] : vector<16xi32>, vector<16xi32> -> vector<16xi32>
        %lt3A_323 = arith.constant 8 : i32
        %lt3A_324 = vector.broadcast %lt3A_323 : i32 to vector<16xi32>
        %lt3A_325 = arith.cmpi slt, %iota3A_306, %lt3A_324 : vector<16xi32>
        %jit3A_326 = arith.constant 0 : i32
        %jit3A_327 = arith.constant 64 : i32
        %broadcast_in_dim3A_328 = vector.broadcast %jit3A_326 : i32 to vector<16xi32>
        %broadcast_in_dim3A_329 = vector.broadcast %jit3A_327 : i32 to vector<16xi32>
        %select_n3A_330 = arith.select %lt3A_325, %broadcast_in_dim3A_328, %broadcast_in_dim3A_329 : vector<16xi1>, vector<16xi32>
        %add3A_331 = arith.addi %gather3A_322, %select_n3A_330 : vector<16xi32>
        %add3A_332 = arith.constant 0 : i32
        %add3A_333 = arith.addi %mul3A_94, %add3A_332 : i32
        %broadcast_in_dim3A_334 = vector.broadcast %add3A_333 : i32 to vector<16xi32>
        %add3A_335 = arith.addi %broadcast_in_dim3A_334, %add3A_331 : vector<16xi32>
        %gather3A_336 = tpu.vector_load_idx %arg6[%add3A_335] : memref<24576xf32, #tpu.memory_space<vmem>>[vector<16xi32>], vector<16xf32>,
        %masked_sort3A_337 = arith.constant dense<true> : vector<16xi1>
        %masked_sort3A_338, %masked_sort3A_339, %masked_sort3A_340 = tpu.sort %gather3A_336, %add3A_331 masked %masked_sort3A_337 {descending = true} : (vector<16xf32>, vector<16xi32>, vector<16xi1>) -> (vector<16xi1>, vector<16xf32>, vector<16xi32>)
        %add3A_341 = arith.constant 1024 : i32
        %add3A_342 = arith.addi %mul3A_94, %add3A_341 : i32
        %broadcast_in_dim3A_343 = vector.broadcast %add3A_342 : i32 to vector<16xi32>
        %add3A_344 = arith.addi %broadcast_in_dim3A_343, %masked_sort3A_340 : vector<16xi32>
        %gather3A_345 = tpu.vector_load_idx %arg6[%add3A_344] : memref<24576xf32, #tpu.memory_space<vmem>>[vector<16xi32>], vector<16xf32>,
        %reshape3A_346 = vector.shape_cast %and3A_23 : vector<16xi32> to vector<16x1xi32>
        %gather3A_347 = vector.shape_cast %reshape3A_346 : vector<16x1xi32> to vector<16xi32>
        %gather3A_348 = tpu.dynamic_gather %gather3A_345[%gather3A_347] in [0] : vector<16xf32>, vector<16xi32> -> vector<16xf32>
        %select_n3A_349 = arith.select %lt3A_20, %masked_sort3A_339, %gather3A_348 : vector<16xi1>, vector<16xf32>
        %reshape3A_350 = vector.shape_cast %and3A_23 : vector<16xi32> to vector<16x1xi32>
        %gather3A_351 = vector.shape_cast %reshape3A_350 : vector<16x1xi32> to vector<16xi32>
        %gather3A_352 = tpu.dynamic_gather %masked_sort3A_340[%gather3A_351] in [0] : vector<16xi32>, vector<16xi32> -> vector<16xi32>
        %add3A_353 = arith.constant 1024 : i32
        %add3A_354 = vector.broadcast %add3A_353 : i32 to vector<16xi32>
        %add3A_355 = arith.addi %gather3A_352, %add3A_354 : vector<16xi32>
        %select_n3A_356 = arith.select %lt3A_20, %masked_sort3A_340, %add3A_355 : vector<16xi1>, vector<16xi32>
        %mul3A_357 = arith.constant 1.250000e-01 : f32
        %mul3A_358 = vector.broadcast %mul3A_357 : f32 to vector<16xf32>
        %mul3A_359 = arith.mulf %select_n3A_349, %mul3A_358 : vector<16xf32>
        %reduce_max3A = arith.constant true
        %reduce_max3A_360 = vector.broadcast %reduce_max3A : i1 to vector<16xi1>
        %reduce_max3A_361 = tpu.scan <max>, %mul3A_359 masked %reduce_max3A_360 : vector<16xf32>, vector<16xi1> -> vector<16xf32>
        %reduce_max3A_362 = vector.extract %reduce_max3A_361[15] : f32 from vector<16xf32>
        %sub3A_363 = vector.broadcast %reduce_max3A_362 : f32 to vector<16xf32>
        %sub3A_364 = arith.subf %mul3A_359, %sub3A_363 : vector<16xf32>
        %exp3A = math.exp %sub3A_364 : vector<16xf32>
        %reduce_sum3A = arith.constant true
        %reduce_sum3A_365 = vector.broadcast %reduce_sum3A : i1 to vector<16xi1>
        %reduce_sum3A_366 = tpu.scan <sum>, %exp3A masked %reduce_sum3A_365 : vector<16xf32>, vector<16xi1> -> vector<16xf32>
        %reduce_sum3A_367 = vector.extract %reduce_sum3A_366[15] : f32 from vector<16xf32>
        %div3A_368 = vector.broadcast %reduce_sum3A_367 : f32 to vector<16xf32>
        %div3A_369 = arith.divf %exp3A, %div3A_368 : vector<16xf32>
        %bitcast_convert_type3A = tpu.bitcast %div3A_369 : vector<16xf32> -> vector<16xi32>
        %add3A_370 = arith.constant 32767 : i32
        %add3A_371 = vector.broadcast %add3A_370 : i32 to vector<16xi32>
        %add3A_372 = arith.addi %bitcast_convert_type3A, %add3A_371 : vector<16xi32>
        %shift_right_arithmetic3A_373 = arith.constant 16 : i32
        %shift_right_arithmetic3A_374 = vector.broadcast %shift_right_arithmetic3A_373 : i32 to vector<16xi32>
        %shift_right_arithmetic3A_375 = arith.shrsi %bitcast_convert_type3A, %shift_right_arithmetic3A_374 : vector<16xi32>
        %and3A_376 = arith.constant 1 : i32
        %and3A_377 = vector.broadcast %and3A_376 : i32 to vector<16xi32>
        %and3A_378 = arith.andi %shift_right_arithmetic3A_375, %and3A_377 : vector<16xi32>
        %add3A_379 = arith.addi %add3A_372, %and3A_378 : vector<16xi32>
        %and3A_380 = arith.constant -65536 : i32
        %and3A_381 = vector.broadcast %and3A_380 : i32 to vector<16xi32>
        %and3A_382 = arith.andi %add3A_379, %and3A_381 : vector<16xi32>
        %bitcast_convert_type3A_383 = tpu.bitcast %and3A_382 : vector<16xi32> -> vector<16xf32>
        %mul3A_384 = arith.constant 2048 : i32
        %mul3A_385 = arith.muli %select_n3A, %mul3A_384 : i32
        %add3A_386 = vector.broadcast %mul3A_385 : i32 to vector<16xi32>
        %add3A_387 = arith.addi %select_n3A_356, %add3A_386 : vector<16xi32>
        %swap3A = arith.constant 0 : index
        %swap3A_388 = tpu.vector_load %arg9[%swap3A] {strides = array<i32>} : memref<16xi32, #tpu.memory_space<vmem>>, vector<16xi32>,
        tpu.vector_store %arg9[%swap3A], %add3A_387 {strides = array<i32>} : memref<16xi32, #tpu.memory_space<vmem>>, vector<16xi32>,
        %dma_start3A_389 = arith.constant 0 : i32
        %dma_start3A_390 = arith.constant 0 : i32
        %dma_start3A_391 = tpu.memref_slice %arg3[%dma_start3A_389, %dma_start3A_390] : memref<32768x64xf32, #tpu.memory_space<hbm>> -> memref<32768x64xf32, #tpu.memory_space<hbm>>
        tpu.enqueue_indirect_dma source(%dma_start3A_391 : memref<32768x64xf32, #tpu.memory_space<hbm>>) target(%arg7 : memref<16x64xf32, #tpu.memory_space<vmem>>) offsets(%arg9 : memref<16xi32, #tpu.memory_space<vmem>>) semaphore(%arg14 : memref<!tpu.dma_semaphore, #tpu.memory_space<semaphore_mem>>)
        %add3A_392 = arith.constant 1 : i32
        %add3A_393 = arith.addi %mul3A_92, %add3A_392 : i32
        %mul3A_394 = arith.constant 3072 : i32
        %mul3A_395 = arith.muli %add3A_393, %mul3A_394 : i32
        %add3A_396 = arith.constant 2944 : i32
        %add3A_397 = arith.addi %mul3A_395, %add3A_396 : i32
        %add3A_398 = arith.constant 0 : i32
        %add3A_399 = arith.addi %add3A_397, %add3A_398 : i32
        %broadcast_in_dim3A_400 = vector.broadcast %add3A_399 : i32 to vector<16xi32>
        %add3A_401 = arith.addi %broadcast_in_dim3A_400, %iota3A : vector<16xi32>
        %gather3A_402 = tpu.vector_load_idx %arg6[%add3A_401] : memref<24576xf32, #tpu.memory_space<vmem>>[vector<16xi32>], vector<16xf32>,
        %broadcast_in_dim3A_403 = arith.constant 0 : i32
        %broadcast_in_dim3A_404 = vector.broadcast %broadcast_in_dim3A_403 : i32 to vector<16xi32>
        %add3A_405 = arith.addi %broadcast_in_dim3A_404, %iota3A : vector<16xi32>
        %masked_sort3A_406 = arith.constant dense<true> : vector<16xi1>
        %masked_sort3A_407, %masked_sort3A_408, %masked_sort3A_409 = tpu.sort %gather3A_402, %add3A_405 masked %masked_sort3A_406 {descending = true} : (vector<16xf32>, vector<16xi32>, vector<16xi1>) -> (vector<16xi1>, vector<16xf32>, vector<16xi32>)
        %add3A_410 = arith.constant 2944 : i32
        %add3A_411 = arith.addi %mul3A_395, %add3A_410 : i32
        %add3A_412 = arith.constant 16 : i32
        %add3A_413 = arith.addi %add3A_411, %add3A_412 : i32
        %broadcast_in_dim3A_414 = vector.broadcast %add3A_413 : i32 to vector<16xi32>
        %add3A_415 = arith.addi %broadcast_in_dim3A_414, %iota3A : vector<16xi32>
        %gather3A_416 = tpu.vector_load_idx %arg6[%add3A_415] : memref<24576xf32, #tpu.memory_space<vmem>>[vector<16xi32>], vector<16xf32>,
        %broadcast_in_dim3A_417 = arith.constant 16 : i32
        %broadcast_in_dim3A_418 = vector.broadcast %broadcast_in_dim3A_417 : i32 to vector<16xi32>
        %add3A_419 = arith.addi %broadcast_in_dim3A_418, %iota3A : vector<16xi32>
        %masked_sort3A_420 = arith.constant dense<true> : vector<16xi1>
        %masked_sort3A_421, %masked_sort3A_422, %masked_sort3A_423 = tpu.sort %gather3A_416, %add3A_419 masked %masked_sort3A_420 {descending = true} : (vector<16xf32>, vector<16xi32>, vector<16xi1>) -> (vector<16xi1>, vector<16xf32>, vector<16xi32>)
        %add3A_424 = arith.constant 2944 : i32
        %add3A_425 = arith.addi %mul3A_395, %add3A_424 : i32
        %add3A_426 = arith.constant 32 : i32
        %add3A_427 = arith.addi %add3A_425, %add3A_426 : i32
        %broadcast_in_dim3A_428 = vector.broadcast %add3A_427 : i32 to vector<16xi32>
        %add3A_429 = arith.addi %broadcast_in_dim3A_428, %iota3A : vector<16xi32>
        %gather3A_430 = tpu.vector_load_idx %arg6[%add3A_429] : memref<24576xf32, #tpu.memory_space<vmem>>[vector<16xi32>], vector<16xf32>,
        %broadcast_in_dim3A_431 = arith.constant 32 : i32
        %broadcast_in_dim3A_432 = vector.broadcast %broadcast_in_dim3A_431 : i32 to vector<16xi32>
        %add3A_433 = arith.addi %broadcast_in_dim3A_432, %iota3A : vector<16xi32>
        %masked_sort3A_434 = arith.constant dense<true> : vector<16xi1>
        %masked_sort3A_435, %masked_sort3A_436, %masked_sort3A_437 = tpu.sort %gather3A_430, %add3A_433 masked %masked_sort3A_434 {descending = true} : (vector<16xf32>, vector<16xi32>, vector<16xi1>) -> (vector<16xi1>, vector<16xf32>, vector<16xi32>)
        %add3A_438 = arith.constant 2944 : i32
        %add3A_439 = arith.addi %mul3A_395, %add3A_438 : i32
        %add3A_440 = arith.constant 48 : i32
        %add3A_441 = arith.addi %add3A_439, %add3A_440 : i32
        %broadcast_in_dim3A_442 = vector.broadcast %add3A_441 : i32 to vector<16xi32>
        %add3A_443 = arith.addi %broadcast_in_dim3A_442, %iota3A : vector<16xi32>
        %gather3A_444 = tpu.vector_load_idx %arg6[%add3A_443] : memref<24576xf32, #tpu.memory_space<vmem>>[vector<16xi32>], vector<16xf32>,
        %broadcast_in_dim3A_445 = arith.constant 48 : i32
        %broadcast_in_dim3A_446 = vector.broadcast %broadcast_in_dim3A_445 : i32 to vector<16xi32>
        %add3A_447 = arith.addi %broadcast_in_dim3A_446, %iota3A : vector<16xi32>
        %masked_sort3A_448 = arith.constant dense<true> : vector<16xi1>
        %masked_sort3A_449, %masked_sort3A_450, %masked_sort3A_451 = tpu.sort %gather3A_444, %add3A_447 masked %masked_sort3A_448 {descending = true} : (vector<16xf32>, vector<16xi32>, vector<16xi1>) -> (vector<16xi1>, vector<16xf32>, vector<16xi32>)
        %iota3A_452 = tpu.iota {dimensions = array<i32: 0>} : vector<16xi32>
        %lt3A_453 = arith.constant 8 : i32
        %lt3A_454 = vector.broadcast %lt3A_453 : i32 to vector<16xi32>
        %lt3A_455 = arith.cmpi slt, %iota3A_452, %lt3A_454 : vector<16xi32>
        %and3A_456 = arith.constant 7 : i32
        %and3A_457 = vector.broadcast %and3A_456 : i32 to vector<16xi32>
        %and3A_458 = arith.andi %iota3A_452, %and3A_457 : vector<16xi32>
        %reshape3A_459 = vector.shape_cast %and3A_458 : vector<16xi32> to vector<16x1xi32>
        %gather3A_460 = vector.shape_cast %reshape3A_459 : vector<16x1xi32> to vector<16xi32>
        %gather3A_461 = tpu.dynamic_gather %masked_sort3A_422[%gather3A_460] in [0] : vector<16xf32>, vector<16xi32> -> vector<16xf32>
        %select_n3A_462 = arith.select %lt3A_455, %masked_sort3A_408, %gather3A_461 : vector<16xi1>, vector<16xf32>
        %reshape3A_463 = vector.shape_cast %and3A_458 : vector<16xi32> to vector<16x1xi32>
        %gather3A_464 = vector.shape_cast %reshape3A_463 : vector<16x1xi32> to vector<16xi32>
        %gather3A_465 = tpu.dynamic_gather %masked_sort3A_423[%gather3A_464] in [0] : vector<16xi32>, vector<16xi32> -> vector<16xi32>
        %select_n3A_466 = arith.select %lt3A_455, %masked_sort3A_409, %gather3A_465 : vector<16xi1>, vector<16xi32>
        %masked_sort3A_467 = arith.constant dense<true> : vector<16xi1>
        %masked_sort3A_468, %masked_sort3A_469, %masked_sort3A_470 = tpu.sort %select_n3A_462, %select_n3A_466 masked %masked_sort3A_467 {descending = true} : (vector<16xf32>, vector<16xi32>, vector<16xi1>) -> (vector<16xi1>, vector<16xf32>, vector<16xi32>)
        %iota3A_471 = tpu.iota {dimensions = array<i32: 0>} : vector<16xi32>
        %lt3A_472 = arith.constant 8 : i32
        %lt3A_473 = vector.broadcast %lt3A_472 : i32 to vector<16xi32>
        %lt3A_474 = arith.cmpi slt, %iota3A_471, %lt3A_473 : vector<16xi32>
        %and3A_475 = arith.constant 7 : i32
        %and3A_476 = vector.broadcast %and3A_475 : i32 to vector<16xi32>
        %and3A_477 = arith.andi %iota3A_471, %and3A_476 : vector<16xi32>
        %reshape3A_478 = vector.shape_cast %and3A_477 : vector<16xi32> to vector<16x1xi32>
        %gather3A_479 = vector.shape_cast %reshape3A_478 : vector<16x1xi32> to vector<16xi32>
        %gather3A_480 = tpu.dynamic_gather %masked_sort3A_450[%gather3A_479] in [0] : vector<16xf32>, vector<16xi32> -> vector<16xf32>
        %select_n3A_481 = arith.select %lt3A_474, %masked_sort3A_436, %gather3A_480 : vector<16xi1>, vector<16xf32>
        %reshape3A_482 = vector.shape_cast %and3A_477 : vector<16xi32> to vector<16x1xi32>
        %gather3A_483 = vector.shape_cast %reshape3A_482 : vector<16x1xi32> to vector<16xi32>
        %gather3A_484 = tpu.dynamic_gather %masked_sort3A_451[%gather3A_483] in [0] : vector<16xi32>, vector<16xi32> -> vector<16xi32>
        %select_n3A_485 = arith.select %lt3A_474, %masked_sort3A_437, %gather3A_484 : vector<16xi1>, vector<16xi32>
        %masked_sort3A_486 = arith.constant dense<true> : vector<16xi1>
        %masked_sort3A_487, %masked_sort3A_488, %masked_sort3A_489 = tpu.sort %select_n3A_481, %select_n3A_485 masked %masked_sort3A_486 {descending = true} : (vector<16xf32>, vector<16xi32>, vector<16xi1>) -> (vector<16xi1>, vector<16xf32>, vector<16xi32>)
        %iota3A_490 = tpu.iota {dimensions = array<i32: 0>} : vector<16xi32>
        %lt3A_491 = arith.constant 8 : i32
        %lt3A_492 = vector.broadcast %lt3A_491 : i32 to vector<16xi32>
        %lt3A_493 = arith.cmpi slt, %iota3A_490, %lt3A_492 : vector<16xi32>
        %and3A_494 = arith.constant 7 : i32
        %and3A_495 = vector.broadcast %and3A_494 : i32 to vector<16xi32>
        %and3A_496 = arith.andi %iota3A_490, %and3A_495 : vector<16xi32>
        %reshape3A_497 = vector.shape_cast %and3A_496 : vector<16xi32> to vector<16x1xi32>
        %gather3A_498 = vector.shape_cast %reshape3A_497 : vector<16x1xi32> to vector<16xi32>
        %gather3A_499 = tpu.dynamic_gather %masked_sort3A_488[%gather3A_498] in [0] : vector<16xf32>, vector<16xi32> -> vector<16xf32>
        %select_n3A_500 = arith.select %lt3A_493, %masked_sort3A_469, %gather3A_499 : vector<16xi1>, vector<16xf32>
        %reshape3A_501 = vector.shape_cast %and3A_496 : vector<16xi32> to vector<16x1xi32>
        %gather3A_502 = vector.shape_cast %reshape3A_501 : vector<16x1xi32> to vector<16xi32>
        %gather3A_503 = tpu.dynamic_gather %masked_sort3A_489[%gather3A_502] in [0] : vector<16xi32>, vector<16xi32> -> vector<16xi32>
        %select_n3A_504 = arith.select %lt3A_493, %masked_sort3A_470, %gather3A_503 : vector<16xi1>, vector<16xi32>
        %masked_sort3A_505 = arith.constant dense<true> : vector<16xi1>
        %masked_sort3A_506, %masked_sort3A_507, %masked_sort3A_508 = tpu.sort %select_n3A_500, %select_n3A_504 masked %masked_sort3A_505 {descending = true} : (vector<16xf32>, vector<16xi32>, vector<16xi1>) -> (vector<16xi1>, vector<16xf32>, vector<16xi32>)
        %iota3A_509 = tpu.iota {dimensions = array<i32: 0>} : vector<16xi32>
        %and3A_510 = arith.constant 63 : i32
        %and3A_511 = vector.broadcast %and3A_510 : i32 to vector<16xi32>
        %and3A_512 = arith.andi %masked_sort3A_508, %and3A_511 : vector<16xi32>
        %shift_right_arithmetic3A_513 = arith.constant 6 : i32
        %shift_right_arithmetic3A_514 = vector.broadcast %shift_right_arithmetic3A_513 : i32 to vector<16xi32>
        %shift_right_arithmetic3A_515 = arith.shrsi %masked_sort3A_508, %shift_right_arithmetic3A_514 : vector<16xi32>
        %shift_left3A_516 = arith.constant 7 : i32
        %shift_left3A_517 = vector.broadcast %shift_left3A_516 : i32 to vector<16xi32>
        %shift_left3A_518 = arith.shli %shift_right_arithmetic3A_515, %shift_left3A_517 : vector<16xi32>
        %or3A_519 = arith.ori %and3A_512, %shift_left3A_518 : vector<16xi32>
        %and3A_520 = arith.constant 7 : i32
        %and3A_521 = vector.broadcast %and3A_520 : i32 to vector<16xi32>
        %and3A_522 = arith.andi %iota3A_509, %and3A_521 : vector<16xi32>
        %reshape3A_523 = vector.shape_cast %and3A_522 : vector<16xi32> to vector<16x1xi32>
        %gather3A_524 = vector.shape_cast %reshape3A_523 : vector<16x1xi32> to vector<16xi32>
        %gather3A_525 = tpu.dynamic_gather %or3A_519[%gather3A_524] in [0] : vector<16xi32>, vector<16xi32> -> vector<16xi32>
        %lt3A_526 = arith.constant 8 : i32
        %lt3A_527 = vector.broadcast %lt3A_526 : i32 to vector<16xi32>
        %lt3A_528 = arith.cmpi slt, %iota3A_509, %lt3A_527 : vector<16xi32>
        %jit3A_529 = arith.constant 0 : i32
        %jit3A_530 = arith.constant 64 : i32
        %broadcast_in_dim3A_531 = vector.broadcast %jit3A_529 : i32 to vector<16xi32>
        %broadcast_in_dim3A_532 = vector.broadcast %jit3A_530 : i32 to vector<16xi32>
        %select_n3A_533 = arith.select %lt3A_528, %broadcast_in_dim3A_531, %broadcast_in_dim3A_532 : vector<16xi1>, vector<16xi32>
        %add3A_534 = arith.addi %gather3A_525, %select_n3A_533 : vector<16xi32>
        %add3A_535 = arith.constant 2816 : i32
        %add3A_536 = arith.addi %mul3A_395, %add3A_535 : i32
        %broadcast_in_dim3A_537 = vector.broadcast %add3A_536 : i32 to vector<16xi32>
        %add3A_538 = arith.addi %broadcast_in_dim3A_537, %add3A_534 : vector<16xi32>
        %gather3A_539 = tpu.vector_load_idx %arg6[%add3A_538] : memref<24576xf32, #tpu.memory_space<vmem>>[vector<16xi32>], vector<16xf32>,
        %masked_sort3A_540 = arith.constant dense<true> : vector<16xi1>
        %masked_sort3A_541, %masked_sort3A_542, %masked_sort3A_543 = tpu.sort %gather3A_539, %add3A_534 masked %masked_sort3A_540 {descending = true} : (vector<16xf32>, vector<16xi32>, vector<16xi1>) -> (vector<16xi1>, vector<16xf32>, vector<16xi32>)
        %iota3A_544 = tpu.iota {dimensions = array<i32: 0>} : vector<16xi32>
        %and3A_545 = arith.constant 63 : i32
        %and3A_546 = vector.broadcast %and3A_545 : i32 to vector<16xi32>
        %and3A_547 = arith.andi %masked_sort3A_543, %and3A_546 : vector<16xi32>
        %shift_right_arithmetic3A_548 = arith.constant 6 : i32
        %shift_right_arithmetic3A_549 = vector.broadcast %shift_right_arithmetic3A_548 : i32 to vector<16xi32>
        %shift_right_arithmetic3A_550 = arith.shrsi %masked_sort3A_543, %shift_right_arithmetic3A_549 : vector<16xi32>
        %shift_left3A_551 = arith.constant 7 : i32
        %shift_left3A_552 = vector.broadcast %shift_left3A_551 : i32 to vector<16xi32>
        %shift_left3A_553 = arith.shli %shift_right_arithmetic3A_550, %shift_left3A_552 : vector<16xi32>
        %or3A_554 = arith.ori %and3A_547, %shift_left3A_553 : vector<16xi32>
        %and3A_555 = arith.constant 7 : i32
        %and3A_556 = vector.broadcast %and3A_555 : i32 to vector<16xi32>
        %and3A_557 = arith.andi %iota3A_544, %and3A_556 : vector<16xi32>
        %reshape3A_558 = vector.shape_cast %and3A_557 : vector<16xi32> to vector<16x1xi32>
        %gather3A_559 = vector.shape_cast %reshape3A_558 : vector<16x1xi32> to vector<16xi32>
        %gather3A_560 = tpu.dynamic_gather %or3A_554[%gather3A_559] in [0] : vector<16xi32>, vector<16xi32> -> vector<16xi32>
        %lt3A_561 = arith.constant 8 : i32
        %lt3A_562 = vector.broadcast %lt3A_561 : i32 to vector<16xi32>
        %lt3A_563 = arith.cmpi slt, %iota3A_544, %lt3A_562 : vector<16xi32>
        %jit3A_564 = arith.constant 0 : i32
        %jit3A_565 = arith.constant 64 : i32
        %broadcast_in_dim3A_566 = vector.broadcast %jit3A_564 : i32 to vector<16xi32>
        %broadcast_in_dim3A_567 = vector.broadcast %jit3A_565 : i32 to vector<16xi32>
        %select_n3A_568 = arith.select %lt3A_563, %broadcast_in_dim3A_566, %broadcast_in_dim3A_567 : vector<16xi1>, vector<16xi32>
        %add3A_569 = arith.addi %gather3A_560, %select_n3A_568 : vector<16xi32>
        %add3A_570 = arith.constant 2560 : i32
        %add3A_571 = arith.addi %mul3A_395, %add3A_570 : i32
        %broadcast_in_dim3A_572 = vector.broadcast %add3A_571 : i32 to vector<16xi32>
        %add3A_573 = arith.addi %broadcast_in_dim3A_572, %add3A_569 : vector<16xi32>
        %gather3A_574 = tpu.vector_load_idx %arg6[%add3A_573] : memref<24576xf32, #tpu.memory_space<vmem>>[vector<16xi32>], vector<16xf32>,
        %masked_sort3A_575 = arith.constant dense<true> : vector<16xi1>
        %masked_sort3A_576, %masked_sort3A_577, %masked_sort3A_578 = tpu.sort %gather3A_574, %add3A_569 masked %masked_sort3A_575 {descending = true} : (vector<16xf32>, vector<16xi32>, vector<16xi1>) -> (vector<16xi1>, vector<16xf32>, vector<16xi32>)
        %iota3A_579 = tpu.iota {dimensions = array<i32: 0>} : vector<16xi32>
        %and3A_580 = arith.constant 63 : i32
        %and3A_581 = vector.broadcast %and3A_580 : i32 to vector<16xi32>
        %and3A_582 = arith.andi %masked_sort3A_578, %and3A_581 : vector<16xi32>
        %shift_right_arithmetic3A_583 = arith.constant 6 : i32
        %shift_right_arithmetic3A_584 = vector.broadcast %shift_right_arithmetic3A_583 : i32 to vector<16xi32>
        %shift_right_arithmetic3A_585 = arith.shrsi %masked_sort3A_578, %shift_right_arithmetic3A_584 : vector<16xi32>
        %shift_left3A_586 = arith.constant 7 : i32
        %shift_left3A_587 = vector.broadcast %shift_left3A_586 : i32 to vector<16xi32>
        %shift_left3A_588 = arith.shli %shift_right_arithmetic3A_585, %shift_left3A_587 : vector<16xi32>
        %or3A_589 = arith.ori %and3A_582, %shift_left3A_588 : vector<16xi32>
        %and3A_590 = arith.constant 7 : i32
        %and3A_591 = vector.broadcast %and3A_590 : i32 to vector<16xi32>
        %and3A_592 = arith.andi %iota3A_579, %and3A_591 : vector<16xi32>
        %reshape3A_593 = vector.shape_cast %and3A_592 : vector<16xi32> to vector<16x1xi32>
        %gather3A_594 = vector.shape_cast %reshape3A_593 : vector<16x1xi32> to vector<16xi32>
        %gather3A_595 = tpu.dynamic_gather %or3A_589[%gather3A_594] in [0] : vector<16xi32>, vector<16xi32> -> vector<16xi32>
        %lt3A_596 = arith.constant 8 : i32
        %lt3A_597 = vector.broadcast %lt3A_596 : i32 to vector<16xi32>
        %lt3A_598 = arith.cmpi slt, %iota3A_579, %lt3A_597 : vector<16xi32>
        %jit3A_599 = arith.constant 0 : i32
        %jit3A_600 = arith.constant 64 : i32
        %broadcast_in_dim3A_601 = vector.broadcast %jit3A_599 : i32 to vector<16xi32>
        %broadcast_in_dim3A_602 = vector.broadcast %jit3A_600 : i32 to vector<16xi32>
        %select_n3A_603 = arith.select %lt3A_598, %broadcast_in_dim3A_601, %broadcast_in_dim3A_602 : vector<16xi1>, vector<16xi32>
        %add3A_604 = arith.addi %gather3A_595, %select_n3A_603 : vector<16xi32>
        %add3A_605 = arith.constant 2048 : i32
        %add3A_606 = arith.addi %mul3A_395, %add3A_605 : i32
        %broadcast_in_dim3A_607 = vector.broadcast %add3A_606 : i32 to vector<16xi32>
        %add3A_608 = arith.addi %broadcast_in_dim3A_607, %add3A_604 : vector<16xi32>
        %gather3A_609 = tpu.vector_load_idx %arg6[%add3A_608] : memref<24576xf32, #tpu.memory_space<vmem>>[vector<16xi32>], vector<16xf32>,
        %masked_sort3A_610 = arith.constant dense<true> : vector<16xi1>
        %masked_sort3A_611, %masked_sort3A_612, %masked_sort3A_613 = tpu.sort %gather3A_609, %add3A_604 masked %masked_sort3A_610 {descending = true} : (vector<16xf32>, vector<16xi32>, vector<16xi1>) -> (vector<16xi1>, vector<16xf32>, vector<16xi32>)
        %iota3A_614 = tpu.iota {dimensions = array<i32: 0>} : vector<16xi32>
        %and3A_615 = arith.constant 63 : i32
        %and3A_616 = vector.broadcast %and3A_615 : i32 to vector<16xi32>
        %and3A_617 = arith.andi %masked_sort3A_613, %and3A_616 : vector<16xi32>
        %shift_right_arithmetic3A_618 = arith.constant 6 : i32
        %shift_right_arithmetic3A_619 = vector.broadcast %shift_right_arithmetic3A_618 : i32 to vector<16xi32>
        %shift_right_arithmetic3A_620 = arith.shrsi %masked_sort3A_613, %shift_right_arithmetic3A_619 : vector<16xi32>
        %shift_left3A_621 = arith.constant 7 : i32
        %shift_left3A_622 = vector.broadcast %shift_left3A_621 : i32 to vector<16xi32>
        %shift_left3A_623 = arith.shli %shift_right_arithmetic3A_620, %shift_left3A_622 : vector<16xi32>
        %or3A_624 = arith.ori %and3A_617, %shift_left3A_623 : vector<16xi32>
        %and3A_625 = arith.constant 7 : i32
        %and3A_626 = vector.broadcast %and3A_625 : i32 to vector<16xi32>
        %and3A_627 = arith.andi %iota3A_614, %and3A_626 : vector<16xi32>
        %reshape3A_628 = vector.shape_cast %and3A_627 : vector<16xi32> to vector<16x1xi32>
        %gather3A_629 = vector.shape_cast %reshape3A_628 : vector<16x1xi32> to vector<16xi32>
        %gather3A_630 = tpu.dynamic_gather %or3A_624[%gather3A_629] in [0] : vector<16xi32>, vector<16xi32> -> vector<16xi32>
        %lt3A_631 = arith.constant 8 : i32
        %lt3A_632 = vector.broadcast %lt3A_631 : i32 to vector<16xi32>
        %lt3A_633 = arith.cmpi slt, %iota3A_614, %lt3A_632 : vector<16xi32>
        %jit3A_634 = arith.constant 0 : i32
        %jit3A_635 = arith.constant 64 : i32
        %broadcast_in_dim3A_636 = vector.broadcast %jit3A_634 : i32 to vector<16xi32>
        %broadcast_in_dim3A_637 = vector.broadcast %jit3A_635 : i32 to vector<16xi32>
        %select_n3A_638 = arith.select %lt3A_633, %broadcast_in_dim3A_636, %broadcast_in_dim3A_637 : vector<16xi1>, vector<16xi32>
        %add3A_639 = arith.addi %gather3A_630, %select_n3A_638 : vector<16xi32>
        %add3A_640 = arith.constant 0 : i32
        %add3A_641 = arith.addi %mul3A_395, %add3A_640 : i32
        %broadcast_in_dim3A_642 = vector.broadcast %add3A_641 : i32 to vector<16xi32>
        %add3A_643 = arith.addi %broadcast_in_dim3A_642, %add3A_639 : vector<16xi32>
        %gather3A_644 = tpu.vector_load_idx %arg6[%add3A_643] : memref<24576xf32, #tpu.memory_space<vmem>>[vector<16xi32>], vector<16xf32>,
        %masked_sort3A_645 = arith.constant dense<true> : vector<16xi1>
        %masked_sort3A_646, %masked_sort3A_647, %masked_sort3A_648 = tpu.sort %gather3A_644, %add3A_639 masked %masked_sort3A_645 {descending = true} : (vector<16xf32>, vector<16xi32>, vector<16xi1>) -> (vector<16xi1>, vector<16xf32>, vector<16xi32>)
        %add3A_649 = arith.constant 1024 : i32
        %add3A_650 = arith.addi %mul3A_395, %add3A_649 : i32
        %broadcast_in_dim3A_651 = vector.broadcast %add3A_650 : i32 to vector<16xi32>
        %add3A_652 = arith.addi %broadcast_in_dim3A_651, %masked_sort3A_648 : vector<16xi32>
        %gather3A_653 = tpu.vector_load_idx %arg6[%add3A_652] : memref<24576xf32, #tpu.memory_space<vmem>>[vector<16xi32>], vector<16xf32>,
        %reshape3A_654 = vector.shape_cast %and3A_23 : vector<16xi32> to vector<16x1xi32>
        %gather3A_655 = vector.shape_cast %reshape3A_654 : vector<16x1xi32> to vector<16xi32>
        %gather3A_656 = tpu.dynamic_gather %gather3A_653[%gather3A_655] in [0] : vector<16xf32>, vector<16xi32> -> vector<16xf32>
        %select_n3A_657 = arith.select %lt3A_20, %masked_sort3A_647, %gather3A_656 : vector<16xi1>, vector<16xf32>
        %reshape3A_658 = vector.shape_cast %and3A_23 : vector<16xi32> to vector<16x1xi32>
        %gather3A_659 = vector.shape_cast %reshape3A_658 : vector<16x1xi32> to vector<16xi32>
        %gather3A_660 = tpu.dynamic_gather %masked_sort3A_648[%gather3A_659] in [0] : vector<16xi32>, vector<16xi32> -> vector<16xi32>
        %add3A_661 = arith.constant 1024 : i32
        %add3A_662 = vector.broadcast %add3A_661 : i32 to vector<16xi32>
        %add3A_663 = arith.addi %gather3A_660, %add3A_662 : vector<16xi32>
        %select_n3A_664 = arith.select %lt3A_20, %masked_sort3A_648, %add3A_663 : vector<16xi1>, vector<16xi32>
        %mul3A_665 = arith.constant 1.250000e-01 : f32
        %mul3A_666 = vector.broadcast %mul3A_665 : f32 to vector<16xf32>
        %mul3A_667 = arith.mulf %select_n3A_657, %mul3A_666 : vector<16xf32>
        %reduce_max3A_668 = arith.constant true
        %reduce_max3A_669 = vector.broadcast %reduce_max3A_668 : i1 to vector<16xi1>
        %reduce_max3A_670 = tpu.scan <max>, %mul3A_667 masked %reduce_max3A_669 : vector<16xf32>, vector<16xi1> -> vector<16xf32>
        %reduce_max3A_671 = vector.extract %reduce_max3A_670[15] : f32 from vector<16xf32>
        %sub3A_672 = vector.broadcast %reduce_max3A_671 : f32 to vector<16xf32>
        %sub3A_673 = arith.subf %mul3A_667, %sub3A_672 : vector<16xf32>
        %exp3A_674 = math.exp %sub3A_673 : vector<16xf32>
        %reduce_sum3A_675 = arith.constant true
        %reduce_sum3A_676 = vector.broadcast %reduce_sum3A_675 : i1 to vector<16xi1>
        %reduce_sum3A_677 = tpu.scan <sum>, %exp3A_674 masked %reduce_sum3A_676 : vector<16xf32>, vector<16xi1> -> vector<16xf32>
        %reduce_sum3A_678 = vector.extract %reduce_sum3A_677[15] : f32 from vector<16xf32>
        %div3A_679 = vector.broadcast %reduce_sum3A_678 : f32 to vector<16xf32>
        %div3A_680 = arith.divf %exp3A_674, %div3A_679 : vector<16xf32>
        %bitcast_convert_type3A_681 = tpu.bitcast %div3A_680 : vector<16xf32> -> vector<16xi32>
        %add3A_682 = arith.constant 32767 : i32
        %add3A_683 = vector.broadcast %add3A_682 : i32 to vector<16xi32>
        %add3A_684 = arith.addi %bitcast_convert_type3A_681, %add3A_683 : vector<16xi32>
        %shift_right_arithmetic3A_685 = arith.constant 16 : i32
        %shift_right_arithmetic3A_686 = vector.broadcast %shift_right_arithmetic3A_685 : i32 to vector<16xi32>
        %shift_right_arithmetic3A_687 = arith.shrsi %bitcast_convert_type3A_681, %shift_right_arithmetic3A_686 : vector<16xi32>
        %and3A_688 = arith.constant 1 : i32
        %and3A_689 = vector.broadcast %and3A_688 : i32 to vector<16xi32>
        %and3A_690 = arith.andi %shift_right_arithmetic3A_687, %and3A_689 : vector<16xi32>
        %add3A_691 = arith.addi %add3A_684, %and3A_690 : vector<16xi32>
        %and3A_692 = arith.constant -65536 : i32
        %and3A_693 = vector.broadcast %and3A_692 : i32 to vector<16xi32>
        %and3A_694 = arith.andi %add3A_691, %and3A_693 : vector<16xi32>
        %bitcast_convert_type3A_695 = tpu.bitcast %and3A_694 : vector<16xi32> -> vector<16xf32>
        %mul3A_696 = arith.constant 2048 : i32
        %mul3A_697 = arith.muli %select_n3A, %mul3A_696 : i32
        %add3A_698 = vector.broadcast %mul3A_697 : i32 to vector<16xi32>
        %add3A_699 = arith.addi %select_n3A_664, %add3A_698 : vector<16xi32>
        %swap3A_700 = arith.constant 0 : index
        %swap3A_701 = tpu.vector_load %arg10[%swap3A_700] {strides = array<i32>} : memref<16xi32, #tpu.memory_space<vmem>>, vector<16xi32>,
        tpu.vector_store %arg10[%swap3A_700], %add3A_699 {strides = array<i32>} : memref<16xi32, #tpu.memory_space<vmem>>, vector<16xi32>,
        %dma_start3A_702 = arith.constant 0 : i32
        %dma_start3A_703 = arith.constant 0 : i32
        %dma_start3A_704 = tpu.memref_slice %arg3[%dma_start3A_702, %dma_start3A_703] : memref<32768x64xf32, #tpu.memory_space<hbm>> -> memref<32768x64xf32, #tpu.memory_space<hbm>>
        tpu.enqueue_indirect_dma source(%dma_start3A_704 : memref<32768x64xf32, #tpu.memory_space<hbm>>) target(%arg8 : memref<16x64xf32, #tpu.memory_space<vmem>>) offsets(%arg10 : memref<16xi32, #tpu.memory_space<vmem>>) semaphore(%arg15 : memref<!tpu.dma_semaphore, #tpu.memory_space<semaphore_mem>>)
        %dma_wait3A_705 = arith.constant 0 : i32
        %dma_wait3A_706 = arith.constant 0 : i32
        %dma_wait3A_707 = tpu.memref_slice %arg3[%dma_wait3A_705, %dma_wait3A_706] : memref<32768x64xf32, #tpu.memory_space<hbm>> -> memref<32768x64xf32, #tpu.memory_space<hbm>>
        tpu.wait_indirect_dma semaphore(%arg14 : memref<!tpu.dma_semaphore, #tpu.memory_space<semaphore_mem>>) src(%dma_wait3A_707 : memref<32768x64xf32, #tpu.memory_space<hbm>>) dst(%arg7 : memref<16x64xf32, #tpu.memory_space<vmem>>)
        %broadcast_in_dim3A_708 = arith.constant 0.000000e+00 : f32
        %broadcast_in_dim3A_709 = vector.broadcast %broadcast_in_dim3A_708 : f32 to vector<16xf32>
        %broadcast_in_dim3A_710 = arith.constant 0.000000e+00 : f32
        %broadcast_in_dim3A_711 = vector.broadcast %broadcast_in_dim3A_710 : f32 to vector<16xf32>
        %broadcast_in_dim3A_712 = arith.constant 0.000000e+00 : f32
        %broadcast_in_dim3A_713 = vector.broadcast %broadcast_in_dim3A_712 : f32 to vector<16xf32>
        %broadcast_in_dim3A_714 = arith.constant 0.000000e+00 : f32
        %broadcast_in_dim3A_715 = vector.broadcast %broadcast_in_dim3A_714 : f32 to vector<16xf32>
        %broadcast_in_dim3A_716 = arith.constant 0 : i32
        %broadcast_in_dim3A_717 = vector.broadcast %broadcast_in_dim3A_716 : i32 to vector<16xi32>
        %reshape3A_718 = vector.shape_cast %broadcast_in_dim3A_717 : vector<16xi32> to vector<16x1xi32>
        %gather3A_719 = vector.shape_cast %reshape3A_718 : vector<16x1xi32> to vector<16xi32>
        %gather3A_720 = tpu.dynamic_gather %bitcast_convert_type3A_383[%gather3A_719] in [0] : vector<16xf32>, vector<16xi32> -> vector<16xf32>
        %get3A = arith.constant 0 : i32
        %get3A_721 = arith.index_cast %get3A : i32 to index
        %get3A_722 = arith.constant 0 : index
        %get3A_723 = tpu.vector_load %arg7[%get3A_721, %get3A_722] {strides = array<i32>} : memref<16x64xf32, #tpu.memory_space<vmem>>, vector<16xf32>,
        %mul3A_724 = arith.mulf %get3A_723, %gather3A_720 : vector<16xf32>
        %add3A_725 = arith.addf %broadcast_in_dim3A_709, %mul3A_724 : vector<16xf32>
        %get3A_726 = arith.constant 0 : i32
        %get3A_727 = arith.index_cast %get3A_726 : i32 to index
        %get3A_728 = arith.constant 16 : index
        %get3A_729 = tpu.vector_load %arg7[%get3A_727, %get3A_728] {strides = array<i32>} : memref<16x64xf32, #tpu.memory_space<vmem>>, vector<16xf32>,
        %mul3A_730 = arith.mulf %get3A_729, %gather3A_720 : vector<16xf32>
        %add3A_731 = arith.addf %broadcast_in_dim3A_711, %mul3A_730 : vector<16xf32>
        %get3A_732 = arith.constant 0 : i32
        %get3A_733 = arith.index_cast %get3A_732 : i32 to index
        %get3A_734 = arith.constant 32 : index
        %get3A_735 = tpu.vector_load %arg7[%get3A_733, %get3A_734] {strides = array<i32>} : memref<16x64xf32, #tpu.memory_space<vmem>>, vector<16xf32>,
        %mul3A_736 = arith.mulf %get3A_735, %gather3A_720 : vector<16xf32>
        %add3A_737 = arith.addf %broadcast_in_dim3A_713, %mul3A_736 : vector<16xf32>
        %get3A_738 = arith.constant 0 : i32
        %get3A_739 = arith.index_cast %get3A_738 : i32 to index
        %get3A_740 = arith.constant 48 : index
        %get3A_741 = tpu.vector_load %arg7[%get3A_739, %get3A_740] {strides = array<i32>} : memref<16x64xf32, #tpu.memory_space<vmem>>, vector<16xf32>,
        %mul3A_742 = arith.mulf %get3A_741, %gather3A_720 : vector<16xf32>
        %add3A_743 = arith.addf %broadcast_in_dim3A_715, %mul3A_742 : vector<16xf32>
        %broadcast_in_dim3A_744 = arith.constant 1 : i32
        %broadcast_in_dim3A_745 = vector.broadcast %broadcast_in_dim3A_744 : i32 to vector<16xi32>
        %reshape3A_746 = vector.shape_cast %broadcast_in_dim3A_745 : vector<16xi32> to vector<16x1xi32>
        %gather3A_747 = vector.shape_cast %reshape3A_746 : vector<16x1xi32> to vector<16xi32>
        %gather3A_748 = tpu.dynamic_gather %bitcast_convert_type3A_383[%gather3A_747] in [0] : vector<16xf32>, vector<16xi32> -> vector<16xf32>
        %get3A_749 = arith.constant 1 : i32
        %get3A_750 = arith.index_cast %get3A_749 : i32 to index
        %get3A_751 = arith.constant 0 : index
        %get3A_752 = tpu.vector_load %arg7[%get3A_750, %get3A_751] {strides = array<i32>} : memref<16x64xf32, #tpu.memory_space<vmem>>, vector<16xf32>,
        %mul3A_753 = arith.mulf %get3A_752, %gather3A_748 : vector<16xf32>
        %add3A_754 = arith.addf %add3A_725, %mul3A_753 : vector<16xf32>
        %get3A_755 = arith.constant 1 : i32
        %get3A_756 = arith.index_cast %get3A_755 : i32 to index
        %get3A_757 = arith.constant 16 : index
        %get3A_758 = tpu.vector_load %arg7[%get3A_756, %get3A_757] {strides = array<i32>} : memref<16x64xf32, #tpu.memory_space<vmem>>, vector<16xf32>,
        %mul3A_759 = arith.mulf %get3A_758, %gather3A_748 : vector<16xf32>
        %add3A_760 = arith.addf %add3A_731, %mul3A_759 : vector<16xf32>
        %get3A_761 = arith.constant 1 : i32
        %get3A_762 = arith.index_cast %get3A_761 : i32 to index
        %get3A_763 = arith.constant 32 : index
        %get3A_764 = tpu.vector_load %arg7[%get3A_762, %get3A_763] {strides = array<i32>} : memref<16x64xf32, #tpu.memory_space<vmem>>, vector<16xf32>,
        %mul3A_765 = arith.mulf %get3A_764, %gather3A_748 : vector<16xf32>
        %add3A_766 = arith.addf %add3A_737, %mul3A_765 : vector<16xf32>
        %get3A_767 = arith.constant 1 : i32
        %get3A_768 = arith.index_cast %get3A_767 : i32 to index
        %get3A_769 = arith.constant 48 : index
        %get3A_770 = tpu.vector_load %arg7[%get3A_768, %get3A_769] {strides = array<i32>} : memref<16x64xf32, #tpu.memory_space<vmem>>, vector<16xf32>,
        %mul3A_771 = arith.mulf %get3A_770, %gather3A_748 : vector<16xf32>
        %add3A_772 = arith.addf %add3A_743, %mul3A_771 : vector<16xf32>
        %broadcast_in_dim3A_773 = arith.constant 2 : i32
        %broadcast_in_dim3A_774 = vector.broadcast %broadcast_in_dim3A_773 : i32 to vector<16xi32>
        %reshape3A_775 = vector.shape_cast %broadcast_in_dim3A_774 : vector<16xi32> to vector<16x1xi32>
        %gather3A_776 = vector.shape_cast %reshape3A_775 : vector<16x1xi32> to vector<16xi32>
        %gather3A_777 = tpu.dynamic_gather %bitcast_convert_type3A_383[%gather3A_776] in [0] : vector<16xf32>, vector<16xi32> -> vector<16xf32>
        %get3A_778 = arith.constant 2 : i32
        %get3A_779 = arith.index_cast %get3A_778 : i32 to index
        %get3A_780 = arith.constant 0 : index
        %get3A_781 = tpu.vector_load %arg7[%get3A_779, %get3A_780] {strides = array<i32>} : memref<16x64xf32, #tpu.memory_space<vmem>>, vector<16xf32>,
        %mul3A_782 = arith.mulf %get3A_781, %gather3A_777 : vector<16xf32>
        %add3A_783 = arith.addf %add3A_754, %mul3A_782 : vector<16xf32>
        %get3A_784 = arith.constant 2 : i32
        %get3A_785 = arith.index_cast %get3A_784 : i32 to index
        %get3A_786 = arith.constant 16 : index
        %get3A_787 = tpu.vector_load %arg7[%get3A_785, %get3A_786] {strides = array<i32>} : memref<16x64xf32, #tpu.memory_space<vmem>>, vector<16xf32>,
        %mul3A_788 = arith.mulf %get3A_787, %gather3A_777 : vector<16xf32>
        %add3A_789 = arith.addf %add3A_760, %mul3A_788 : vector<16xf32>
        %get3A_790 = arith.constant 2 : i32
        %get3A_791 = arith.index_cast %get3A_790 : i32 to index
        %get3A_792 = arith.constant 32 : index
        %get3A_793 = tpu.vector_load %arg7[%get3A_791, %get3A_792] {strides = array<i32>} : memref<16x64xf32, #tpu.memory_space<vmem>>, vector<16xf32>,
        %mul3A_794 = arith.mulf %get3A_793, %gather3A_777 : vector<16xf32>
        %add3A_795 = arith.addf %add3A_766, %mul3A_794 : vector<16xf32>
        %get3A_796 = arith.constant 2 : i32
        %get3A_797 = arith.index_cast %get3A_796 : i32 to index
        %get3A_798 = arith.constant 48 : index
        %get3A_799 = tpu.vector_load %arg7[%get3A_797, %get3A_798] {strides = array<i32>} : memref<16x64xf32, #tpu.memory_space<vmem>>, vector<16xf32>,
        %mul3A_800 = arith.mulf %get3A_799, %gather3A_777 : vector<16xf32>
        %add3A_801 = arith.addf %add3A_772, %mul3A_800 : vector<16xf32>
        %broadcast_in_dim3A_802 = arith.constant 3 : i32
        %broadcast_in_dim3A_803 = vector.broadcast %broadcast_in_dim3A_802 : i32 to vector<16xi32>
        %reshape3A_804 = vector.shape_cast %broadcast_in_dim3A_803 : vector<16xi32> to vector<16x1xi32>
        %gather3A_805 = vector.shape_cast %reshape3A_804 : vector<16x1xi32> to vector<16xi32>
        %gather3A_806 = tpu.dynamic_gather %bitcast_convert_type3A_383[%gather3A_805] in [0] : vector<16xf32>, vector<16xi32> -> vector<16xf32>
        %get3A_807 = arith.constant 3 : i32
        %get3A_808 = arith.index_cast %get3A_807 : i32 to index
        %get3A_809 = arith.constant 0 : index
        %get3A_810 = tpu.vector_load %arg7[%get3A_808, %get3A_809] {strides = array<i32>} : memref<16x64xf32, #tpu.memory_space<vmem>>, vector<16xf32>,
        %mul3A_811 = arith.mulf %get3A_810, %gather3A_806 : vector<16xf32>
        %add3A_812 = arith.addf %add3A_783, %mul3A_811 : vector<16xf32>
        %get3A_813 = arith.constant 3 : i32
        %get3A_814 = arith.index_cast %get3A_813 : i32 to index
        %get3A_815 = arith.constant 16 : index
        %get3A_816 = tpu.vector_load %arg7[%get3A_814, %get3A_815] {strides = array<i32>} : memref<16x64xf32, #tpu.memory_space<vmem>>, vector<16xf32>,
        %mul3A_817 = arith.mulf %get3A_816, %gather3A_806 : vector<16xf32>
        %add3A_818 = arith.addf %add3A_789, %mul3A_817 : vector<16xf32>
        %get3A_819 = arith.constant 3 : i32
        %get3A_820 = arith.index_cast %get3A_819 : i32 to index
        %get3A_821 = arith.constant 32 : index
        %get3A_822 = tpu.vector_load %arg7[%get3A_820, %get3A_821] {strides = array<i32>} : memref<16x64xf32, #tpu.memory_space<vmem>>, vector<16xf32>,
        %mul3A_823 = arith.mulf %get3A_822, %gather3A_806 : vector<16xf32>
        %add3A_824 = arith.addf %add3A_795, %mul3A_823 : vector<16xf32>
        %get3A_825 = arith.constant 3 : i32
        %get3A_826 = arith.index_cast %get3A_825 : i32 to index
        %get3A_827 = arith.constant 48 : index
        %get3A_828 = tpu.vector_load %arg7[%get3A_826, %get3A_827] {strides = array<i32>} : memref<16x64xf32, #tpu.memory_space<vmem>>, vector<16xf32>,
        %mul3A_829 = arith.mulf %get3A_828, %gather3A_806 : vector<16xf32>
        %add3A_830 = arith.addf %add3A_801, %mul3A_829 : vector<16xf32>
        %broadcast_in_dim3A_831 = arith.constant 4 : i32
        %broadcast_in_dim3A_832 = vector.broadcast %broadcast_in_dim3A_831 : i32 to vector<16xi32>
        %reshape3A_833 = vector.shape_cast %broadcast_in_dim3A_832 : vector<16xi32> to vector<16x1xi32>
        %gather3A_834 = vector.shape_cast %reshape3A_833 : vector<16x1xi32> to vector<16xi32>
        %gather3A_835 = tpu.dynamic_gather %bitcast_convert_type3A_383[%gather3A_834] in [0] : vector<16xf32>, vector<16xi32> -> vector<16xf32>
        %get3A_836 = arith.constant 4 : i32
        %get3A_837 = arith.index_cast %get3A_836 : i32 to index
        %get3A_838 = arith.constant 0 : index
        %get3A_839 = tpu.vector_load %arg7[%get3A_837, %get3A_838] {strides = array<i32>} : memref<16x64xf32, #tpu.memory_space<vmem>>, vector<16xf32>,
        %mul3A_840 = arith.mulf %get3A_839, %gather3A_835 : vector<16xf32>
        %add3A_841 = arith.addf %add3A_812, %mul3A_840 : vector<16xf32>
        %get3A_842 = arith.constant 4 : i32
        %get3A_843 = arith.index_cast %get3A_842 : i32 to index
        %get3A_844 = arith.constant 16 : index
        %get3A_845 = tpu.vector_load %arg7[%get3A_843, %get3A_844] {strides = array<i32>} : memref<16x64xf32, #tpu.memory_space<vmem>>, vector<16xf32>,
        %mul3A_846 = arith.mulf %get3A_845, %gather3A_835 : vector<16xf32>
        %add3A_847 = arith.addf %add3A_818, %mul3A_846 : vector<16xf32>
        %get3A_848 = arith.constant 4 : i32
        %get3A_849 = arith.index_cast %get3A_848 : i32 to index
        %get3A_850 = arith.constant 32 : index
        %get3A_851 = tpu.vector_load %arg7[%get3A_849, %get3A_850] {strides = array<i32>} : memref<16x64xf32, #tpu.memory_space<vmem>>, vector<16xf32>,
        %mul3A_852 = arith.mulf %get3A_851, %gather3A_835 : vector<16xf32>
        %add3A_853 = arith.addf %add3A_824, %mul3A_852 : vector<16xf32>
        %get3A_854 = arith.constant 4 : i32
        %get3A_855 = arith.index_cast %get3A_854 : i32 to index
        %get3A_856 = arith.constant 48 : index
        %get3A_857 = tpu.vector_load %arg7[%get3A_855, %get3A_856] {strides = array<i32>} : memref<16x64xf32, #tpu.memory_space<vmem>>, vector<16xf32>,
        %mul3A_858 = arith.mulf %get3A_857, %gather3A_835 : vector<16xf32>
        %add3A_859 = arith.addf %add3A_830, %mul3A_858 : vector<16xf32>
        %broadcast_in_dim3A_860 = arith.constant 5 : i32
        %broadcast_in_dim3A_861 = vector.broadcast %broadcast_in_dim3A_860 : i32 to vector<16xi32>
        %reshape3A_862 = vector.shape_cast %broadcast_in_dim3A_861 : vector<16xi32> to vector<16x1xi32>
        %gather3A_863 = vector.shape_cast %reshape3A_862 : vector<16x1xi32> to vector<16xi32>
        %gather3A_864 = tpu.dynamic_gather %bitcast_convert_type3A_383[%gather3A_863] in [0] : vector<16xf32>, vector<16xi32> -> vector<16xf32>
        %get3A_865 = arith.constant 5 : i32
        %get3A_866 = arith.index_cast %get3A_865 : i32 to index
        %get3A_867 = arith.constant 0 : index
        %get3A_868 = tpu.vector_load %arg7[%get3A_866, %get3A_867] {strides = array<i32>} : memref<16x64xf32, #tpu.memory_space<vmem>>, vector<16xf32>,
        %mul3A_869 = arith.mulf %get3A_868, %gather3A_864 : vector<16xf32>
        %add3A_870 = arith.addf %add3A_841, %mul3A_869 : vector<16xf32>
        %get3A_871 = arith.constant 5 : i32
        %get3A_872 = arith.index_cast %get3A_871 : i32 to index
        %get3A_873 = arith.constant 16 : index
        %get3A_874 = tpu.vector_load %arg7[%get3A_872, %get3A_873] {strides = array<i32>} : memref<16x64xf32, #tpu.memory_space<vmem>>, vector<16xf32>,
        %mul3A_875 = arith.mulf %get3A_874, %gather3A_864 : vector<16xf32>
        %add3A_876 = arith.addf %add3A_847, %mul3A_875 : vector<16xf32>
        %get3A_877 = arith.constant 5 : i32
        %get3A_878 = arith.index_cast %get3A_877 : i32 to index
        %get3A_879 = arith.constant 32 : index
        %get3A_880 = tpu.vector_load %arg7[%get3A_878, %get3A_879] {strides = array<i32>} : memref<16x64xf32, #tpu.memory_space<vmem>>, vector<16xf32>,
        %mul3A_881 = arith.mulf %get3A_880, %gather3A_864 : vector<16xf32>
        %add3A_882 = arith.addf %add3A_853, %mul3A_881 : vector<16xf32>
        %get3A_883 = arith.constant 5 : i32
        %get3A_884 = arith.index_cast %get3A_883 : i32 to index
        %get3A_885 = arith.constant 48 : index
        %get3A_886 = tpu.vector_load %arg7[%get3A_884, %get3A_885] {strides = array<i32>} : memref<16x64xf32, #tpu.memory_space<vmem>>, vector<16xf32>,
        %mul3A_887 = arith.mulf %get3A_886, %gather3A_864 : vector<16xf32>
        %add3A_888 = arith.addf %add3A_859, %mul3A_887 : vector<16xf32>
        %broadcast_in_dim3A_889 = arith.constant 6 : i32
        %broadcast_in_dim3A_890 = vector.broadcast %broadcast_in_dim3A_889 : i32 to vector<16xi32>
        %reshape3A_891 = vector.shape_cast %broadcast_in_dim3A_890 : vector<16xi32> to vector<16x1xi32>
        %gather3A_892 = vector.shape_cast %reshape3A_891 : vector<16x1xi32> to vector<16xi32>
        %gather3A_893 = tpu.dynamic_gather %bitcast_convert_type3A_383[%gather3A_892] in [0] : vector<16xf32>, vector<16xi32> -> vector<16xf32>
        %get3A_894 = arith.constant 6 : i32
        %get3A_895 = arith.index_cast %get3A_894 : i32 to index
        %get3A_896 = arith.constant 0 : index
        %get3A_897 = tpu.vector_load %arg7[%get3A_895, %get3A_896] {strides = array<i32>} : memref<16x64xf32, #tpu.memory_space<vmem>>, vector<16xf32>,
        %mul3A_898 = arith.mulf %get3A_897, %gather3A_893 : vector<16xf32>
        %add3A_899 = arith.addf %add3A_870, %mul3A_898 : vector<16xf32>
        %get3A_900 = arith.constant 6 : i32
        %get3A_901 = arith.index_cast %get3A_900 : i32 to index
        %get3A_902 = arith.constant 16 : index
        %get3A_903 = tpu.vector_load %arg7[%get3A_901, %get3A_902] {strides = array<i32>} : memref<16x64xf32, #tpu.memory_space<vmem>>, vector<16xf32>,
        %mul3A_904 = arith.mulf %get3A_903, %gather3A_893 : vector<16xf32>
        %add3A_905 = arith.addf %add3A_876, %mul3A_904 : vector<16xf32>
        %get3A_906 = arith.constant 6 : i32
        %get3A_907 = arith.index_cast %get3A_906 : i32 to index
        %get3A_908 = arith.constant 32 : index
        %get3A_909 = tpu.vector_load %arg7[%get3A_907, %get3A_908] {strides = array<i32>} : memref<16x64xf32, #tpu.memory_space<vmem>>, vector<16xf32>,
        %mul3A_910 = arith.mulf %get3A_909, %gather3A_893 : vector<16xf32>
        %add3A_911 = arith.addf %add3A_882, %mul3A_910 : vector<16xf32>
        %get3A_912 = arith.constant 6 : i32
        %get3A_913 = arith.index_cast %get3A_912 : i32 to index
        %get3A_914 = arith.constant 48 : index
        %get3A_915 = tpu.vector_load %arg7[%get3A_913, %get3A_914] {strides = array<i32>} : memref<16x64xf32, #tpu.memory_space<vmem>>, vector<16xf32>,
        %mul3A_916 = arith.mulf %get3A_915, %gather3A_893 : vector<16xf32>
        %add3A_917 = arith.addf %add3A_888, %mul3A_916 : vector<16xf32>
        %broadcast_in_dim3A_918 = arith.constant 7 : i32
        %broadcast_in_dim3A_919 = vector.broadcast %broadcast_in_dim3A_918 : i32 to vector<16xi32>
        %reshape3A_920 = vector.shape_cast %broadcast_in_dim3A_919 : vector<16xi32> to vector<16x1xi32>
        %gather3A_921 = vector.shape_cast %reshape3A_920 : vector<16x1xi32> to vector<16xi32>
        %gather3A_922 = tpu.dynamic_gather %bitcast_convert_type3A_383[%gather3A_921] in [0] : vector<16xf32>, vector<16xi32> -> vector<16xf32>
        %get3A_923 = arith.constant 7 : i32
        %get3A_924 = arith.index_cast %get3A_923 : i32 to index
        %get3A_925 = arith.constant 0 : index
        %get3A_926 = tpu.vector_load %arg7[%get3A_924, %get3A_925] {strides = array<i32>} : memref<16x64xf32, #tpu.memory_space<vmem>>, vector<16xf32>,
        %mul3A_927 = arith.mulf %get3A_926, %gather3A_922 : vector<16xf32>
        %add3A_928 = arith.addf %add3A_899, %mul3A_927 : vector<16xf32>
        %get3A_929 = arith.constant 7 : i32
        %get3A_930 = arith.index_cast %get3A_929 : i32 to index
        %get3A_931 = arith.constant 16 : index
        %get3A_932 = tpu.vector_load %arg7[%get3A_930, %get3A_931] {strides = array<i32>} : memref<16x64xf32, #tpu.memory_space<vmem>>, vector<16xf32>,
        %mul3A_933 = arith.mulf %get3A_932, %gather3A_922 : vector<16xf32>
        %add3A_934 = arith.addf %add3A_905, %mul3A_933 : vector<16xf32>
        %get3A_935 = arith.constant 7 : i32
        %get3A_936 = arith.index_cast %get3A_935 : i32 to index
        %get3A_937 = arith.constant 32 : index
        %get3A_938 = tpu.vector_load %arg7[%get3A_936, %get3A_937] {strides = array<i32>} : memref<16x64xf32, #tpu.memory_space<vmem>>, vector<16xf32>,
        %mul3A_939 = arith.mulf %get3A_938, %gather3A_922 : vector<16xf32>
        %add3A_940 = arith.addf %add3A_911, %mul3A_939 : vector<16xf32>
        %get3A_941 = arith.constant 7 : i32
        %get3A_942 = arith.index_cast %get3A_941 : i32 to index
        %get3A_943 = arith.constant 48 : index
        %get3A_944 = tpu.vector_load %arg7[%get3A_942, %get3A_943] {strides = array<i32>} : memref<16x64xf32, #tpu.memory_space<vmem>>, vector<16xf32>,
        %mul3A_945 = arith.mulf %get3A_944, %gather3A_922 : vector<16xf32>
        %add3A_946 = arith.addf %add3A_917, %mul3A_945 : vector<16xf32>
        %broadcast_in_dim3A_947 = arith.constant 8 : i32
        %broadcast_in_dim3A_948 = vector.broadcast %broadcast_in_dim3A_947 : i32 to vector<16xi32>
        %reshape3A_949 = vector.shape_cast %broadcast_in_dim3A_948 : vector<16xi32> to vector<16x1xi32>
        %gather3A_950 = vector.shape_cast %reshape3A_949 : vector<16x1xi32> to vector<16xi32>
        %gather3A_951 = tpu.dynamic_gather %bitcast_convert_type3A_383[%gather3A_950] in [0] : vector<16xf32>, vector<16xi32> -> vector<16xf32>
        %get3A_952 = arith.constant 8 : i32
        %get3A_953 = arith.index_cast %get3A_952 : i32 to index
        %get3A_954 = arith.constant 0 : index
        %get3A_955 = tpu.vector_load %arg7[%get3A_953, %get3A_954] {strides = array<i32>} : memref<16x64xf32, #tpu.memory_space<vmem>>, vector<16xf32>,
        %mul3A_956 = arith.mulf %get3A_955, %gather3A_951 : vector<16xf32>
        %add3A_957 = arith.addf %add3A_928, %mul3A_956 : vector<16xf32>
        %get3A_958 = arith.constant 8 : i32
        %get3A_959 = arith.index_cast %get3A_958 : i32 to index
        %get3A_960 = arith.constant 16 : index
        %get3A_961 = tpu.vector_load %arg7[%get3A_959, %get3A_960] {strides = array<i32>} : memref<16x64xf32, #tpu.memory_space<vmem>>, vector<16xf32>,
        %mul3A_962 = arith.mulf %get3A_961, %gather3A_951 : vector<16xf32>
        %add3A_963 = arith.addf %add3A_934, %mul3A_962 : vector<16xf32>
        %get3A_964 = arith.constant 8 : i32
        %get3A_965 = arith.index_cast %get3A_964 : i32 to index
        %get3A_966 = arith.constant 32 : index
        %get3A_967 = tpu.vector_load %arg7[%get3A_965, %get3A_966] {strides = array<i32>} : memref<16x64xf32, #tpu.memory_space<vmem>>, vector<16xf32>,
        %mul3A_968 = arith.mulf %get3A_967, %gather3A_951 : vector<16xf32>
        %add3A_969 = arith.addf %add3A_940, %mul3A_968 : vector<16xf32>
        %get3A_970 = arith.constant 8 : i32
        %get3A_971 = arith.index_cast %get3A_970 : i32 to index
        %get3A_972 = arith.constant 48 : index
        %get3A_973 = tpu.vector_load %arg7[%get3A_971, %get3A_972] {strides = array<i32>} : memref<16x64xf32, #tpu.memory_space<vmem>>, vector<16xf32>,
        %mul3A_974 = arith.mulf %get3A_973, %gather3A_951 : vector<16xf32>
        %add3A_975 = arith.addf %add3A_946, %mul3A_974 : vector<16xf32>
        %broadcast_in_dim3A_976 = arith.constant 9 : i32
        %broadcast_in_dim3A_977 = vector.broadcast %broadcast_in_dim3A_976 : i32 to vector<16xi32>
        %reshape3A_978 = vector.shape_cast %broadcast_in_dim3A_977 : vector<16xi32> to vector<16x1xi32>
        %gather3A_979 = vector.shape_cast %reshape3A_978 : vector<16x1xi32> to vector<16xi32>
        %gather3A_980 = tpu.dynamic_gather %bitcast_convert_type3A_383[%gather3A_979] in [0] : vector<16xf32>, vector<16xi32> -> vector<16xf32>
        %get3A_981 = arith.constant 9 : i32
        %get3A_982 = arith.index_cast %get3A_981 : i32 to index
        %get3A_983 = arith.constant 0 : index
        %get3A_984 = tpu.vector_load %arg7[%get3A_982, %get3A_983] {strides = array<i32>} : memref<16x64xf32, #tpu.memory_space<vmem>>, vector<16xf32>,
        %mul3A_985 = arith.mulf %get3A_984, %gather3A_980 : vector<16xf32>
        %add3A_986 = arith.addf %add3A_957, %mul3A_985 : vector<16xf32>
        %get3A_987 = arith.constant 9 : i32
        %get3A_988 = arith.index_cast %get3A_987 : i32 to index
        %get3A_989 = arith.constant 16 : index
        %get3A_990 = tpu.vector_load %arg7[%get3A_988, %get3A_989] {strides = array<i32>} : memref<16x64xf32, #tpu.memory_space<vmem>>, vector<16xf32>,
        %mul3A_991 = arith.mulf %get3A_990, %gather3A_980 : vector<16xf32>
        %add3A_992 = arith.addf %add3A_963, %mul3A_991 : vector<16xf32>
        %get3A_993 = arith.constant 9 : i32
        %get3A_994 = arith.index_cast %get3A_993 : i32 to index
        %get3A_995 = arith.constant 32 : index
        %get3A_996 = tpu.vector_load %arg7[%get3A_994, %get3A_995] {strides = array<i32>} : memref<16x64xf32, #tpu.memory_space<vmem>>, vector<16xf32>,
        %mul3A_997 = arith.mulf %get3A_996, %gather3A_980 : vector<16xf32>
        %add3A_998 = arith.addf %add3A_969, %mul3A_997 : vector<16xf32>
        %get3A_999 = arith.constant 9 : i32
        %get3A_1000 = arith.index_cast %get3A_999 : i32 to index
        %get3A_1001 = arith.constant 48 : index
        %get3A_1002 = tpu.vector_load %arg7[%get3A_1000, %get3A_1001] {strides = array<i32>} : memref<16x64xf32, #tpu.memory_space<vmem>>, vector<16xf32>,
        %mul3A_1003 = arith.mulf %get3A_1002, %gather3A_980 : vector<16xf32>
        %add3A_1004 = arith.addf %add3A_975, %mul3A_1003 : vector<16xf32>
        %broadcast_in_dim3A_1005 = arith.constant 10 : i32
        %broadcast_in_dim3A_1006 = vector.broadcast %broadcast_in_dim3A_1005 : i32 to vector<16xi32>
        %reshape3A_1007 = vector.shape_cast %broadcast_in_dim3A_1006 : vector<16xi32> to vector<16x1xi32>
        %gather3A_1008 = vector.shape_cast %reshape3A_1007 : vector<16x1xi32> to vector<16xi32>
        %gather3A_1009 = tpu.dynamic_gather %bitcast_convert_type3A_383[%gather3A_1008] in [0] : vector<16xf32>, vector<16xi32> -> vector<16xf32>
        %get3A_1010 = arith.constant 10 : i32
        %get3A_1011 = arith.index_cast %get3A_1010 : i32 to index
        %get3A_1012 = arith.constant 0 : index
        %get3A_1013 = tpu.vector_load %arg7[%get3A_1011, %get3A_1012] {strides = array<i32>} : memref<16x64xf32, #tpu.memory_space<vmem>>, vector<16xf32>,
        %mul3A_1014 = arith.mulf %get3A_1013, %gather3A_1009 : vector<16xf32>
        %add3A_1015 = arith.addf %add3A_986, %mul3A_1014 : vector<16xf32>
        %get3A_1016 = arith.constant 10 : i32
        %get3A_1017 = arith.index_cast %get3A_1016 : i32 to index
        %get3A_1018 = arith.constant 16 : index
        %get3A_1019 = tpu.vector_load %arg7[%get3A_1017, %get3A_1018] {strides = array<i32>} : memref<16x64xf32, #tpu.memory_space<vmem>>, vector<16xf32>,
        %mul3A_1020 = arith.mulf %get3A_1019, %gather3A_1009 : vector<16xf32>
        %add3A_1021 = arith.addf %add3A_992, %mul3A_1020 : vector<16xf32>
        %get3A_1022 = arith.constant 10 : i32
        %get3A_1023 = arith.index_cast %get3A_1022 : i32 to index
        %get3A_1024 = arith.constant 32 : index
        %get3A_1025 = tpu.vector_load %arg7[%get3A_1023, %get3A_1024] {strides = array<i32>} : memref<16x64xf32, #tpu.memory_space<vmem>>, vector<16xf32>,
        %mul3A_1026 = arith.mulf %get3A_1025, %gather3A_1009 : vector<16xf32>
        %add3A_1027 = arith.addf %add3A_998, %mul3A_1026 : vector<16xf32>
        %get3A_1028 = arith.constant 10 : i32
        %get3A_1029 = arith.index_cast %get3A_1028 : i32 to index
        %get3A_1030 = arith.constant 48 : index
        %get3A_1031 = tpu.vector_load %arg7[%get3A_1029, %get3A_1030] {strides = array<i32>} : memref<16x64xf32, #tpu.memory_space<vmem>>, vector<16xf32>,
        %mul3A_1032 = arith.mulf %get3A_1031, %gather3A_1009 : vector<16xf32>
        %add3A_1033 = arith.addf %add3A_1004, %mul3A_1032 : vector<16xf32>
        %broadcast_in_dim3A_1034 = arith.constant 11 : i32
        %broadcast_in_dim3A_1035 = vector.broadcast %broadcast_in_dim3A_1034 : i32 to vector<16xi32>
        %reshape3A_1036 = vector.shape_cast %broadcast_in_dim3A_1035 : vector<16xi32> to vector<16x1xi32>
        %gather3A_1037 = vector.shape_cast %reshape3A_1036 : vector<16x1xi32> to vector<16xi32>
        %gather3A_1038 = tpu.dynamic_gather %bitcast_convert_type3A_383[%gather3A_1037] in [0] : vector<16xf32>, vector<16xi32> -> vector<16xf32>
        %get3A_1039 = arith.constant 11 : i32
        %get3A_1040 = arith.index_cast %get3A_1039 : i32 to index
        %get3A_1041 = arith.constant 0 : index
        %get3A_1042 = tpu.vector_load %arg7[%get3A_1040, %get3A_1041] {strides = array<i32>} : memref<16x64xf32, #tpu.memory_space<vmem>>, vector<16xf32>,
        %mul3A_1043 = arith.mulf %get3A_1042, %gather3A_1038 : vector<16xf32>
        %add3A_1044 = arith.addf %add3A_1015, %mul3A_1043 : vector<16xf32>
        %get3A_1045 = arith.constant 11 : i32
        %get3A_1046 = arith.index_cast %get3A_1045 : i32 to index
        %get3A_1047 = arith.constant 16 : index
        %get3A_1048 = tpu.vector_load %arg7[%get3A_1046, %get3A_1047] {strides = array<i32>} : memref<16x64xf32, #tpu.memory_space<vmem>>, vector<16xf32>,
        %mul3A_1049 = arith.mulf %get3A_1048, %gather3A_1038 : vector<16xf32>
        %add3A_1050 = arith.addf %add3A_1021, %mul3A_1049 : vector<16xf32>
        %get3A_1051 = arith.constant 11 : i32
        %get3A_1052 = arith.index_cast %get3A_1051 : i32 to index
        %get3A_1053 = arith.constant 32 : index
        %get3A_1054 = tpu.vector_load %arg7[%get3A_1052, %get3A_1053] {strides = array<i32>} : memref<16x64xf32, #tpu.memory_space<vmem>>, vector<16xf32>,
        %mul3A_1055 = arith.mulf %get3A_1054, %gather3A_1038 : vector<16xf32>
        %add3A_1056 = arith.addf %add3A_1027, %mul3A_1055 : vector<16xf32>
        %get3A_1057 = arith.constant 11 : i32
        %get3A_1058 = arith.index_cast %get3A_1057 : i32 to index
        %get3A_1059 = arith.constant 48 : index
        %get3A_1060 = tpu.vector_load %arg7[%get3A_1058, %get3A_1059] {strides = array<i32>} : memref<16x64xf32, #tpu.memory_space<vmem>>, vector<16xf32>,
        %mul3A_1061 = arith.mulf %get3A_1060, %gather3A_1038 : vector<16xf32>
        %add3A_1062 = arith.addf %add3A_1033, %mul3A_1061 : vector<16xf32>
        %broadcast_in_dim3A_1063 = arith.constant 12 : i32
        %broadcast_in_dim3A_1064 = vector.broadcast %broadcast_in_dim3A_1063 : i32 to vector<16xi32>
        %reshape3A_1065 = vector.shape_cast %broadcast_in_dim3A_1064 : vector<16xi32> to vector<16x1xi32>
        %gather3A_1066 = vector.shape_cast %reshape3A_1065 : vector<16x1xi32> to vector<16xi32>
        %gather3A_1067 = tpu.dynamic_gather %bitcast_convert_type3A_383[%gather3A_1066] in [0] : vector<16xf32>, vector<16xi32> -> vector<16xf32>
        %get3A_1068 = arith.constant 12 : i32
        %get3A_1069 = arith.index_cast %get3A_1068 : i32 to index
        %get3A_1070 = arith.constant 0 : index
        %get3A_1071 = tpu.vector_load %arg7[%get3A_1069, %get3A_1070] {strides = array<i32>} : memref<16x64xf32, #tpu.memory_space<vmem>>, vector<16xf32>,
        %mul3A_1072 = arith.mulf %get3A_1071, %gather3A_1067 : vector<16xf32>
        %add3A_1073 = arith.addf %add3A_1044, %mul3A_1072 : vector<16xf32>
        %get3A_1074 = arith.constant 12 : i32
        %get3A_1075 = arith.index_cast %get3A_1074 : i32 to index
        %get3A_1076 = arith.constant 16 : index
        %get3A_1077 = tpu.vector_load %arg7[%get3A_1075, %get3A_1076] {strides = array<i32>} : memref<16x64xf32, #tpu.memory_space<vmem>>, vector<16xf32>,
        %mul3A_1078 = arith.mulf %get3A_1077, %gather3A_1067 : vector<16xf32>
        %add3A_1079 = arith.addf %add3A_1050, %mul3A_1078 : vector<16xf32>
        %get3A_1080 = arith.constant 12 : i32
        %get3A_1081 = arith.index_cast %get3A_1080 : i32 to index
        %get3A_1082 = arith.constant 32 : index
        %get3A_1083 = tpu.vector_load %arg7[%get3A_1081, %get3A_1082] {strides = array<i32>} : memref<16x64xf32, #tpu.memory_space<vmem>>, vector<16xf32>,
        %mul3A_1084 = arith.mulf %get3A_1083, %gather3A_1067 : vector<16xf32>
        %add3A_1085 = arith.addf %add3A_1056, %mul3A_1084 : vector<16xf32>
        %get3A_1086 = arith.constant 12 : i32
        %get3A_1087 = arith.index_cast %get3A_1086 : i32 to index
        %get3A_1088 = arith.constant 48 : index
        %get3A_1089 = tpu.vector_load %arg7[%get3A_1087, %get3A_1088] {strides = array<i32>} : memref<16x64xf32, #tpu.memory_space<vmem>>, vector<16xf32>,
        %mul3A_1090 = arith.mulf %get3A_1089, %gather3A_1067 : vector<16xf32>
        %add3A_1091 = arith.addf %add3A_1062, %mul3A_1090 : vector<16xf32>
        %broadcast_in_dim3A_1092 = arith.constant 13 : i32
        %broadcast_in_dim3A_1093 = vector.broadcast %broadcast_in_dim3A_1092 : i32 to vector<16xi32>
        %reshape3A_1094 = vector.shape_cast %broadcast_in_dim3A_1093 : vector<16xi32> to vector<16x1xi32>
        %gather3A_1095 = vector.shape_cast %reshape3A_1094 : vector<16x1xi32> to vector<16xi32>
        %gather3A_1096 = tpu.dynamic_gather %bitcast_convert_type3A_383[%gather3A_1095] in [0] : vector<16xf32>, vector<16xi32> -> vector<16xf32>
        %get3A_1097 = arith.constant 13 : i32
        %get3A_1098 = arith.index_cast %get3A_1097 : i32 to index
        %get3A_1099 = arith.constant 0 : index
        %get3A_1100 = tpu.vector_load %arg7[%get3A_1098, %get3A_1099] {strides = array<i32>} : memref<16x64xf32, #tpu.memory_space<vmem>>, vector<16xf32>,
        %mul3A_1101 = arith.mulf %get3A_1100, %gather3A_1096 : vector<16xf32>
        %add3A_1102 = arith.addf %add3A_1073, %mul3A_1101 : vector<16xf32>
        %get3A_1103 = arith.constant 13 : i32
        %get3A_1104 = arith.index_cast %get3A_1103 : i32 to index
        %get3A_1105 = arith.constant 16 : index
        %get3A_1106 = tpu.vector_load %arg7[%get3A_1104, %get3A_1105] {strides = array<i32>} : memref<16x64xf32, #tpu.memory_space<vmem>>, vector<16xf32>,
        %mul3A_1107 = arith.mulf %get3A_1106, %gather3A_1096 : vector<16xf32>
        %add3A_1108 = arith.addf %add3A_1079, %mul3A_1107 : vector<16xf32>
        %get3A_1109 = arith.constant 13 : i32
        %get3A_1110 = arith.index_cast %get3A_1109 : i32 to index
        %get3A_1111 = arith.constant 32 : index
        %get3A_1112 = tpu.vector_load %arg7[%get3A_1110, %get3A_1111] {strides = array<i32>} : memref<16x64xf32, #tpu.memory_space<vmem>>, vector<16xf32>,
        %mul3A_1113 = arith.mulf %get3A_1112, %gather3A_1096 : vector<16xf32>
        %add3A_1114 = arith.addf %add3A_1085, %mul3A_1113 : vector<16xf32>
        %get3A_1115 = arith.constant 13 : i32
        %get3A_1116 = arith.index_cast %get3A_1115 : i32 to index
        %get3A_1117 = arith.constant 48 : index
        %get3A_1118 = tpu.vector_load %arg7[%get3A_1116, %get3A_1117] {strides = array<i32>} : memref<16x64xf32, #tpu.memory_space<vmem>>, vector<16xf32>,
        %mul3A_1119 = arith.mulf %get3A_1118, %gather3A_1096 : vector<16xf32>
        %add3A_1120 = arith.addf %add3A_1091, %mul3A_1119 : vector<16xf32>
        %broadcast_in_dim3A_1121 = arith.constant 14 : i32
        %broadcast_in_dim3A_1122 = vector.broadcast %broadcast_in_dim3A_1121 : i32 to vector<16xi32>
        %reshape3A_1123 = vector.shape_cast %broadcast_in_dim3A_1122 : vector<16xi32> to vector<16x1xi32>
        %gather3A_1124 = vector.shape_cast %reshape3A_1123 : vector<16x1xi32> to vector<16xi32>
        %gather3A_1125 = tpu.dynamic_gather %bitcast_convert_type3A_383[%gather3A_1124] in [0] : vector<16xf32>, vector<16xi32> -> vector<16xf32>
        %get3A_1126 = arith.constant 14 : i32
        %get3A_1127 = arith.index_cast %get3A_1126 : i32 to index
        %get3A_1128 = arith.constant 0 : index
        %get3A_1129 = tpu.vector_load %arg7[%get3A_1127, %get3A_1128] {strides = array<i32>} : memref<16x64xf32, #tpu.memory_space<vmem>>, vector<16xf32>,
        %mul3A_1130 = arith.mulf %get3A_1129, %gather3A_1125 : vector<16xf32>
        %add3A_1131 = arith.addf %add3A_1102, %mul3A_1130 : vector<16xf32>
        %get3A_1132 = arith.constant 14 : i32
        %get3A_1133 = arith.index_cast %get3A_1132 : i32 to index
        %get3A_1134 = arith.constant 16 : index
        %get3A_1135 = tpu.vector_load %arg7[%get3A_1133, %get3A_1134] {strides = array<i32>} : memref<16x64xf32, #tpu.memory_space<vmem>>, vector<16xf32>,
        %mul3A_1136 = arith.mulf %get3A_1135, %gather3A_1125 : vector<16xf32>
        %add3A_1137 = arith.addf %add3A_1108, %mul3A_1136 : vector<16xf32>
        %get3A_1138 = arith.constant 14 : i32
        %get3A_1139 = arith.index_cast %get3A_1138 : i32 to index
        %get3A_1140 = arith.constant 32 : index
        %get3A_1141 = tpu.vector_load %arg7[%get3A_1139, %get3A_1140] {strides = array<i32>} : memref<16x64xf32, #tpu.memory_space<vmem>>, vector<16xf32>,
        %mul3A_1142 = arith.mulf %get3A_1141, %gather3A_1125 : vector<16xf32>
        %add3A_1143 = arith.addf %add3A_1114, %mul3A_1142 : vector<16xf32>
        %get3A_1144 = arith.constant 14 : i32
        %get3A_1145 = arith.index_cast %get3A_1144 : i32 to index
        %get3A_1146 = arith.constant 48 : index
        %get3A_1147 = tpu.vector_load %arg7[%get3A_1145, %get3A_1146] {strides = array<i32>} : memref<16x64xf32, #tpu.memory_space<vmem>>, vector<16xf32>,
        %mul3A_1148 = arith.mulf %get3A_1147, %gather3A_1125 : vector<16xf32>
        %add3A_1149 = arith.addf %add3A_1120, %mul3A_1148 : vector<16xf32>
        %broadcast_in_dim3A_1150 = arith.constant 15 : i32
        %broadcast_in_dim3A_1151 = vector.broadcast %broadcast_in_dim3A_1150 : i32 to vector<16xi32>
        %reshape3A_1152 = vector.shape_cast %broadcast_in_dim3A_1151 : vector<16xi32> to vector<16x1xi32>
        %gather3A_1153 = vector.shape_cast %reshape3A_1152 : vector<16x1xi32> to vector<16xi32>
        %gather3A_1154 = tpu.dynamic_gather %bitcast_convert_type3A_383[%gather3A_1153] in [0] : vector<16xf32>, vector<16xi32> -> vector<16xf32>
        %get3A_1155 = arith.constant 15 : i32
        %get3A_1156 = arith.index_cast %get3A_1155 : i32 to index
        %get3A_1157 = arith.constant 0 : index
        %get3A_1158 = tpu.vector_load %arg7[%get3A_1156, %get3A_1157] {strides = array<i32>} : memref<16x64xf32, #tpu.memory_space<vmem>>, vector<16xf32>,
        %mul3A_1159 = arith.mulf %get3A_1158, %gather3A_1154 : vector<16xf32>
        %add3A_1160 = arith.addf %add3A_1131, %mul3A_1159 : vector<16xf32>
        %get3A_1161 = arith.constant 15 : i32
        %get3A_1162 = arith.index_cast %get3A_1161 : i32 to index
        %get3A_1163 = arith.constant 16 : index
        %get3A_1164 = tpu.vector_load %arg7[%get3A_1162, %get3A_1163] {strides = array<i32>} : memref<16x64xf32, #tpu.memory_space<vmem>>, vector<16xf32>,
        %mul3A_1165 = arith.mulf %get3A_1164, %gather3A_1154 : vector<16xf32>
        %add3A_1166 = arith.addf %add3A_1137, %mul3A_1165 : vector<16xf32>
        %get3A_1167 = arith.constant 15 : i32
        %get3A_1168 = arith.index_cast %get3A_1167 : i32 to index
        %get3A_1169 = arith.constant 32 : index
        %get3A_1170 = tpu.vector_load %arg7[%get3A_1168, %get3A_1169] {strides = array<i32>} : memref<16x64xf32, #tpu.memory_space<vmem>>, vector<16xf32>,
        %mul3A_1171 = arith.mulf %get3A_1170, %gather3A_1154 : vector<16xf32>
        %add3A_1172 = arith.addf %add3A_1143, %mul3A_1171 : vector<16xf32>
        %get3A_1173 = arith.constant 15 : i32
        %get3A_1174 = arith.index_cast %get3A_1173 : i32 to index
        %get3A_1175 = arith.constant 48 : index
        %get3A_1176 = tpu.vector_load %arg7[%get3A_1174, %get3A_1175] {strides = array<i32>} : memref<16x64xf32, #tpu.memory_space<vmem>>, vector<16xf32>,
        %mul3A_1177 = arith.mulf %get3A_1176, %gather3A_1154 : vector<16xf32>
        %add3A_1178 = arith.addf %add3A_1149, %mul3A_1177 : vector<16xf32>
        %mul3A_1179 = arith.constant 64 : i32
        %mul3A_1180 = arith.muli %mul3A_92, %mul3A_1179 : i32
        %add3A_1181 = arith.constant 0 : i32
        %add3A_1182 = arith.addi %mul3A_1180, %add3A_1181 : i32
        %broadcast_in_dim3A_1183 = vector.broadcast %add3A_1182 : i32 to vector<16xi32>
        %add3A_1184 = arith.addi %broadcast_in_dim3A_1183, %iota3A : vector<16xi32>
        tpu.vector_store_idx %arg11[%add3A_1184], %add3A_1160 : memref<512xf32, #tpu.memory_space<vmem>>[vector<16xi32>], vector<16xf32>,
        %mul3A_1185 = arith.constant 64 : i32
        %mul3A_1186 = arith.muli %mul3A_92, %mul3A_1185 : i32
        %add3A_1187 = arith.constant 16 : i32
        %add3A_1188 = arith.addi %mul3A_1186, %add3A_1187 : i32
        %broadcast_in_dim3A_1189 = vector.broadcast %add3A_1188 : i32 to vector<16xi32>
        %add3A_1190 = arith.addi %broadcast_in_dim3A_1189, %iota3A : vector<16xi32>
        tpu.vector_store_idx %arg11[%add3A_1190], %add3A_1166 : memref<512xf32, #tpu.memory_space<vmem>>[vector<16xi32>], vector<16xf32>,
        %mul3A_1191 = arith.constant 64 : i32
        %mul3A_1192 = arith.muli %mul3A_92, %mul3A_1191 : i32
        %add3A_1193 = arith.constant 32 : i32
        %add3A_1194 = arith.addi %mul3A_1192, %add3A_1193 : i32
        %broadcast_in_dim3A_1195 = vector.broadcast %add3A_1194 : i32 to vector<16xi32>
        %add3A_1196 = arith.addi %broadcast_in_dim3A_1195, %iota3A : vector<16xi32>
        tpu.vector_store_idx %arg11[%add3A_1196], %add3A_1172 : memref<512xf32, #tpu.memory_space<vmem>>[vector<16xi32>], vector<16xf32>,
        %mul3A_1197 = arith.constant 64 : i32
        %mul3A_1198 = arith.muli %mul3A_92, %mul3A_1197 : i32
        %add3A_1199 = arith.constant 48 : i32
        %add3A_1200 = arith.addi %mul3A_1198, %add3A_1199 : i32
        %broadcast_in_dim3A_1201 = vector.broadcast %add3A_1200 : i32 to vector<16xi32>
        %add3A_1202 = arith.addi %broadcast_in_dim3A_1201, %iota3A : vector<16xi32>
        tpu.vector_store_idx %arg11[%add3A_1202], %add3A_1178 : memref<512xf32, #tpu.memory_space<vmem>>[vector<16xi32>], vector<16xf32>,
        %dma_wait3A_1203 = arith.constant 0 : i32
        %dma_wait3A_1204 = arith.constant 0 : i32
        %dma_wait3A_1205 = tpu.memref_slice %arg3[%dma_wait3A_1203, %dma_wait3A_1204] : memref<32768x64xf32, #tpu.memory_space<hbm>> -> memref<32768x64xf32, #tpu.memory_space<hbm>>
        tpu.wait_indirect_dma semaphore(%arg15 : memref<!tpu.dma_semaphore, #tpu.memory_space<semaphore_mem>>) src(%dma_wait3A_1205 : memref<32768x64xf32, #tpu.memory_space<hbm>>) dst(%arg8 : memref<16x64xf32, #tpu.memory_space<vmem>>)
        %add3A_1206 = arith.constant 1 : i32
        %add3A_1207 = arith.addi %mul3A_92, %add3A_1206 : i32
        %broadcast_in_dim3A_1208 = arith.constant 0.000000e+00 : f32
        %broadcast_in_dim3A_1209 = vector.broadcast %broadcast_in_dim3A_1208 : f32 to vector<16xf32>
        %broadcast_in_dim3A_1210 = arith.constant 0.000000e+00 : f32
        %broadcast_in_dim3A_1211 = vector.broadcast %broadcast_in_dim3A_1210 : f32 to vector<16xf32>
        %broadcast_in_dim3A_1212 = arith.constant 0.000000e+00 : f32
        %broadcast_in_dim3A_1213 = vector.broadcast %broadcast_in_dim3A_1212 : f32 to vector<16xf32>
        %broadcast_in_dim3A_1214 = arith.constant 0.000000e+00 : f32
        %broadcast_in_dim3A_1215 = vector.broadcast %broadcast_in_dim3A_1214 : f32 to vector<16xf32>
        %broadcast_in_dim3A_1216 = arith.constant 0 : i32
        %broadcast_in_dim3A_1217 = vector.broadcast %broadcast_in_dim3A_1216 : i32 to vector<16xi32>
        %reshape3A_1218 = vector.shape_cast %broadcast_in_dim3A_1217 : vector<16xi32> to vector<16x1xi32>
        %gather3A_1219 = vector.shape_cast %reshape3A_1218 : vector<16x1xi32> to vector<16xi32>
        %gather3A_1220 = tpu.dynamic_gather %bitcast_convert_type3A_695[%gather3A_1219] in [0] : vector<16xf32>, vector<16xi32> -> vector<16xf32>
        %get3A_1221 = arith.constant 0 : i32
        %get3A_1222 = arith.index_cast %get3A_1221 : i32 to index
        %get3A_1223 = arith.constant 0 : index
        %get3A_1224 = tpu.vector_load %arg8[%get3A_1222, %get3A_1223] {strides = array<i32>} : memref<16x64xf32, #tpu.memory_space<vmem>>, vector<16xf32>,
        %mul3A_1225 = arith.mulf %get3A_1224, %gather3A_1220 : vector<16xf32>
        %add3A_1226 = arith.addf %broadcast_in_dim3A_1209, %mul3A_1225 : vector<16xf32>
        %get3A_1227 = arith.constant 0 : i32
        %get3A_1228 = arith.index_cast %get3A_1227 : i32 to index
        %get3A_1229 = arith.constant 16 : index
        %get3A_1230 = tpu.vector_load %arg8[%get3A_1228, %get3A_1229] {strides = array<i32>} : memref<16x64xf32, #tpu.memory_space<vmem>>, vector<16xf32>,
        %mul3A_1231 = arith.mulf %get3A_1230, %gather3A_1220 : vector<16xf32>
        %add3A_1232 = arith.addf %broadcast_in_dim3A_1211, %mul3A_1231 : vector<16xf32>
        %get3A_1233 = arith.constant 0 : i32
        %get3A_1234 = arith.index_cast %get3A_1233 : i32 to index
        %get3A_1235 = arith.constant 32 : index
        %get3A_1236 = tpu.vector_load %arg8[%get3A_1234, %get3A_1235] {strides = array<i32>} : memref<16x64xf32, #tpu.memory_space<vmem>>, vector<16xf32>,
        %mul3A_1237 = arith.mulf %get3A_1236, %gather3A_1220 : vector<16xf32>
        %add3A_1238 = arith.addf %broadcast_in_dim3A_1213, %mul3A_1237 : vector<16xf32>
        %get3A_1239 = arith.constant 0 : i32
        %get3A_1240 = arith.index_cast %get3A_1239 : i32 to index
        %get3A_1241 = arith.constant 48 : index
        %get3A_1242 = tpu.vector_load %arg8[%get3A_1240, %get3A_1241] {strides = array<i32>} : memref<16x64xf32, #tpu.memory_space<vmem>>, vector<16xf32>,
        %mul3A_1243 = arith.mulf %get3A_1242, %gather3A_1220 : vector<16xf32>
        %add3A_1244 = arith.addf %broadcast_in_dim3A_1215, %mul3A_1243 : vector<16xf32>
        %broadcast_in_dim3A_1245 = arith.constant 1 : i32
        %broadcast_in_dim3A_1246 = vector.broadcast %broadcast_in_dim3A_1245 : i32 to vector<16xi32>
        %reshape3A_1247 = vector.shape_cast %broadcast_in_dim3A_1246 : vector<16xi32> to vector<16x1xi32>
        %gather3A_1248 = vector.shape_cast %reshape3A_1247 : vector<16x1xi32> to vector<16xi32>
        %gather3A_1249 = tpu.dynamic_gather %bitcast_convert_type3A_695[%gather3A_1248] in [0] : vector<16xf32>, vector<16xi32> -> vector<16xf32>
        %get3A_1250 = arith.constant 1 : i32
        %get3A_1251 = arith.index_cast %get3A_1250 : i32 to index
        %get3A_1252 = arith.constant 0 : index
        %get3A_1253 = tpu.vector_load %arg8[%get3A_1251, %get3A_1252] {strides = array<i32>} : memref<16x64xf32, #tpu.memory_space<vmem>>, vector<16xf32>,
        %mul3A_1254 = arith.mulf %get3A_1253, %gather3A_1249 : vector<16xf32>
        %add3A_1255 = arith.addf %add3A_1226, %mul3A_1254 : vector<16xf32>
        %get3A_1256 = arith.constant 1 : i32
        %get3A_1257 = arith.index_cast %get3A_1256 : i32 to index
        %get3A_1258 = arith.constant 16 : index
        %get3A_1259 = tpu.vector_load %arg8[%get3A_1257, %get3A_1258] {strides = array<i32>} : memref<16x64xf32, #tpu.memory_space<vmem>>, vector<16xf32>,
        %mul3A_1260 = arith.mulf %get3A_1259, %gather3A_1249 : vector<16xf32>
        %add3A_1261 = arith.addf %add3A_1232, %mul3A_1260 : vector<16xf32>
        %get3A_1262 = arith.constant 1 : i32
        %get3A_1263 = arith.index_cast %get3A_1262 : i32 to index
        %get3A_1264 = arith.constant 32 : index
        %get3A_1265 = tpu.vector_load %arg8[%get3A_1263, %get3A_1264] {strides = array<i32>} : memref<16x64xf32, #tpu.memory_space<vmem>>, vector<16xf32>,
        %mul3A_1266 = arith.mulf %get3A_1265, %gather3A_1249 : vector<16xf32>
        %add3A_1267 = arith.addf %add3A_1238, %mul3A_1266 : vector<16xf32>
        %get3A_1268 = arith.constant 1 : i32
        %get3A_1269 = arith.index_cast %get3A_1268 : i32 to index
        %get3A_1270 = arith.constant 48 : index
        %get3A_1271 = tpu.vector_load %arg8[%get3A_1269, %get3A_1270] {strides = array<i32>} : memref<16x64xf32, #tpu.memory_space<vmem>>, vector<16xf32>,
        %mul3A_1272 = arith.mulf %get3A_1271, %gather3A_1249 : vector<16xf32>
        %add3A_1273 = arith.addf %add3A_1244, %mul3A_1272 : vector<16xf32>
        %broadcast_in_dim3A_1274 = arith.constant 2 : i32
        %broadcast_in_dim3A_1275 = vector.broadcast %broadcast_in_dim3A_1274 : i32 to vector<16xi32>
        %reshape3A_1276 = vector.shape_cast %broadcast_in_dim3A_1275 : vector<16xi32> to vector<16x1xi32>
        %gather3A_1277 = vector.shape_cast %reshape3A_1276 : vector<16x1xi32> to vector<16xi32>
        %gather3A_1278 = tpu.dynamic_gather %bitcast_convert_type3A_695[%gather3A_1277] in [0] : vector<16xf32>, vector<16xi32> -> vector<16xf32>
        %get3A_1279 = arith.constant 2 : i32
        %get3A_1280 = arith.index_cast %get3A_1279 : i32 to index
        %get3A_1281 = arith.constant 0 : index
        %get3A_1282 = tpu.vector_load %arg8[%get3A_1280, %get3A_1281] {strides = array<i32>} : memref<16x64xf32, #tpu.memory_space<vmem>>, vector<16xf32>,
        %mul3A_1283 = arith.mulf %get3A_1282, %gather3A_1278 : vector<16xf32>
        %add3A_1284 = arith.addf %add3A_1255, %mul3A_1283 : vector<16xf32>
        %get3A_1285 = arith.constant 2 : i32
        %get3A_1286 = arith.index_cast %get3A_1285 : i32 to index
        %get3A_1287 = arith.constant 16 : index
        %get3A_1288 = tpu.vector_load %arg8[%get3A_1286, %get3A_1287] {strides = array<i32>} : memref<16x64xf32, #tpu.memory_space<vmem>>, vector<16xf32>,
        %mul3A_1289 = arith.mulf %get3A_1288, %gather3A_1278 : vector<16xf32>
        %add3A_1290 = arith.addf %add3A_1261, %mul3A_1289 : vector<16xf32>
        %get3A_1291 = arith.constant 2 : i32
        %get3A_1292 = arith.index_cast %get3A_1291 : i32 to index
        %get3A_1293 = arith.constant 32 : index
        %get3A_1294 = tpu.vector_load %arg8[%get3A_1292, %get3A_1293] {strides = array<i32>} : memref<16x64xf32, #tpu.memory_space<vmem>>, vector<16xf32>,
        %mul3A_1295 = arith.mulf %get3A_1294, %gather3A_1278 : vector<16xf32>
        %add3A_1296 = arith.addf %add3A_1267, %mul3A_1295 : vector<16xf32>
        %get3A_1297 = arith.constant 2 : i32
        %get3A_1298 = arith.index_cast %get3A_1297 : i32 to index
        %get3A_1299 = arith.constant 48 : index
        %get3A_1300 = tpu.vector_load %arg8[%get3A_1298, %get3A_1299] {strides = array<i32>} : memref<16x64xf32, #tpu.memory_space<vmem>>, vector<16xf32>,
        %mul3A_1301 = arith.mulf %get3A_1300, %gather3A_1278 : vector<16xf32>
        %add3A_1302 = arith.addf %add3A_1273, %mul3A_1301 : vector<16xf32>
        %broadcast_in_dim3A_1303 = arith.constant 3 : i32
        %broadcast_in_dim3A_1304 = vector.broadcast %broadcast_in_dim3A_1303 : i32 to vector<16xi32>
        %reshape3A_1305 = vector.shape_cast %broadcast_in_dim3A_1304 : vector<16xi32> to vector<16x1xi32>
        %gather3A_1306 = vector.shape_cast %reshape3A_1305 : vector<16x1xi32> to vector<16xi32>
        %gather3A_1307 = tpu.dynamic_gather %bitcast_convert_type3A_695[%gather3A_1306] in [0] : vector<16xf32>, vector<16xi32> -> vector<16xf32>
        %get3A_1308 = arith.constant 3 : i32
        %get3A_1309 = arith.index_cast %get3A_1308 : i32 to index
        %get3A_1310 = arith.constant 0 : index
        %get3A_1311 = tpu.vector_load %arg8[%get3A_1309, %get3A_1310] {strides = array<i32>} : memref<16x64xf32, #tpu.memory_space<vmem>>, vector<16xf32>,
        %mul3A_1312 = arith.mulf %get3A_1311, %gather3A_1307 : vector<16xf32>
        %add3A_1313 = arith.addf %add3A_1284, %mul3A_1312 : vector<16xf32>
        %get3A_1314 = arith.constant 3 : i32
        %get3A_1315 = arith.index_cast %get3A_1314 : i32 to index
        %get3A_1316 = arith.constant 16 : index
        %get3A_1317 = tpu.vector_load %arg8[%get3A_1315, %get3A_1316] {strides = array<i32>} : memref<16x64xf32, #tpu.memory_space<vmem>>, vector<16xf32>,
        %mul3A_1318 = arith.mulf %get3A_1317, %gather3A_1307 : vector<16xf32>
        %add3A_1319 = arith.addf %add3A_1290, %mul3A_1318 : vector<16xf32>
        %get3A_1320 = arith.constant 3 : i32
        %get3A_1321 = arith.index_cast %get3A_1320 : i32 to index
        %get3A_1322 = arith.constant 32 : index
        %get3A_1323 = tpu.vector_load %arg8[%get3A_1321, %get3A_1322] {strides = array<i32>} : memref<16x64xf32, #tpu.memory_space<vmem>>, vector<16xf32>,
        %mul3A_1324 = arith.mulf %get3A_1323, %gather3A_1307 : vector<16xf32>
        %add3A_1325 = arith.addf %add3A_1296, %mul3A_1324 : vector<16xf32>
        %get3A_1326 = arith.constant 3 : i32
        %get3A_1327 = arith.index_cast %get3A_1326 : i32 to index
        %get3A_1328 = arith.constant 48 : index
        %get3A_1329 = tpu.vector_load %arg8[%get3A_1327, %get3A_1328] {strides = array<i32>} : memref<16x64xf32, #tpu.memory_space<vmem>>, vector<16xf32>,
        %mul3A_1330 = arith.mulf %get3A_1329, %gather3A_1307 : vector<16xf32>
        %add3A_1331 = arith.addf %add3A_1302, %mul3A_1330 : vector<16xf32>
        %broadcast_in_dim3A_1332 = arith.constant 4 : i32
        %broadcast_in_dim3A_1333 = vector.broadcast %broadcast_in_dim3A_1332 : i32 to vector<16xi32>
        %reshape3A_1334 = vector.shape_cast %broadcast_in_dim3A_1333 : vector<16xi32> to vector<16x1xi32>
        %gather3A_1335 = vector.shape_cast %reshape3A_1334 : vector<16x1xi32> to vector<16xi32>
        %gather3A_1336 = tpu.dynamic_gather %bitcast_convert_type3A_695[%gather3A_1335] in [0] : vector<16xf32>, vector<16xi32> -> vector<16xf32>
        %get3A_1337 = arith.constant 4 : i32
        %get3A_1338 = arith.index_cast %get3A_1337 : i32 to index
        %get3A_1339 = arith.constant 0 : index
        %get3A_1340 = tpu.vector_load %arg8[%get3A_1338, %get3A_1339] {strides = array<i32>} : memref<16x64xf32, #tpu.memory_space<vmem>>, vector<16xf32>,
        %mul3A_1341 = arith.mulf %get3A_1340, %gather3A_1336 : vector<16xf32>
        %add3A_1342 = arith.addf %add3A_1313, %mul3A_1341 : vector<16xf32>
        %get3A_1343 = arith.constant 4 : i32
        %get3A_1344 = arith.index_cast %get3A_1343 : i32 to index
        %get3A_1345 = arith.constant 16 : index
        %get3A_1346 = tpu.vector_load %arg8[%get3A_1344, %get3A_1345] {strides = array<i32>} : memref<16x64xf32, #tpu.memory_space<vmem>>, vector<16xf32>,
        %mul3A_1347 = arith.mulf %get3A_1346, %gather3A_1336 : vector<16xf32>
        %add3A_1348 = arith.addf %add3A_1319, %mul3A_1347 : vector<16xf32>
        %get3A_1349 = arith.constant 4 : i32
        %get3A_1350 = arith.index_cast %get3A_1349 : i32 to index
        %get3A_1351 = arith.constant 32 : index
        %get3A_1352 = tpu.vector_load %arg8[%get3A_1350, %get3A_1351] {strides = array<i32>} : memref<16x64xf32, #tpu.memory_space<vmem>>, vector<16xf32>,
        %mul3A_1353 = arith.mulf %get3A_1352, %gather3A_1336 : vector<16xf32>
        %add3A_1354 = arith.addf %add3A_1325, %mul3A_1353 : vector<16xf32>
        %get3A_1355 = arith.constant 4 : i32
        %get3A_1356 = arith.index_cast %get3A_1355 : i32 to index
        %get3A_1357 = arith.constant 48 : index
        %get3A_1358 = tpu.vector_load %arg8[%get3A_1356, %get3A_1357] {strides = array<i32>} : memref<16x64xf32, #tpu.memory_space<vmem>>, vector<16xf32>,
        %mul3A_1359 = arith.mulf %get3A_1358, %gather3A_1336 : vector<16xf32>
        %add3A_1360 = arith.addf %add3A_1331, %mul3A_1359 : vector<16xf32>
        %broadcast_in_dim3A_1361 = arith.constant 5 : i32
        %broadcast_in_dim3A_1362 = vector.broadcast %broadcast_in_dim3A_1361 : i32 to vector<16xi32>
        %reshape3A_1363 = vector.shape_cast %broadcast_in_dim3A_1362 : vector<16xi32> to vector<16x1xi32>
        %gather3A_1364 = vector.shape_cast %reshape3A_1363 : vector<16x1xi32> to vector<16xi32>
        %gather3A_1365 = tpu.dynamic_gather %bitcast_convert_type3A_695[%gather3A_1364] in [0] : vector<16xf32>, vector<16xi32> -> vector<16xf32>
        %get3A_1366 = arith.constant 5 : i32
        %get3A_1367 = arith.index_cast %get3A_1366 : i32 to index
        %get3A_1368 = arith.constant 0 : index
        %get3A_1369 = tpu.vector_load %arg8[%get3A_1367, %get3A_1368] {strides = array<i32>} : memref<16x64xf32, #tpu.memory_space<vmem>>, vector<16xf32>,
        %mul3A_1370 = arith.mulf %get3A_1369, %gather3A_1365 : vector<16xf32>
        %add3A_1371 = arith.addf %add3A_1342, %mul3A_1370 : vector<16xf32>
        %get3A_1372 = arith.constant 5 : i32
        %get3A_1373 = arith.index_cast %get3A_1372 : i32 to index
        %get3A_1374 = arith.constant 16 : index
        %get3A_1375 = tpu.vector_load %arg8[%get3A_1373, %get3A_1374] {strides = array<i32>} : memref<16x64xf32, #tpu.memory_space<vmem>>, vector<16xf32>,
        %mul3A_1376 = arith.mulf %get3A_1375, %gather3A_1365 : vector<16xf32>
        %add3A_1377 = arith.addf %add3A_1348, %mul3A_1376 : vector<16xf32>
        %get3A_1378 = arith.constant 5 : i32
        %get3A_1379 = arith.index_cast %get3A_1378 : i32 to index
        %get3A_1380 = arith.constant 32 : index
        %get3A_1381 = tpu.vector_load %arg8[%get3A_1379, %get3A_1380] {strides = array<i32>} : memref<16x64xf32, #tpu.memory_space<vmem>>, vector<16xf32>,
        %mul3A_1382 = arith.mulf %get3A_1381, %gather3A_1365 : vector<16xf32>
        %add3A_1383 = arith.addf %add3A_1354, %mul3A_1382 : vector<16xf32>
        %get3A_1384 = arith.constant 5 : i32
        %get3A_1385 = arith.index_cast %get3A_1384 : i32 to index
        %get3A_1386 = arith.constant 48 : index
        %get3A_1387 = tpu.vector_load %arg8[%get3A_1385, %get3A_1386] {strides = array<i32>} : memref<16x64xf32, #tpu.memory_space<vmem>>, vector<16xf32>,
        %mul3A_1388 = arith.mulf %get3A_1387, %gather3A_1365 : vector<16xf32>
        %add3A_1389 = arith.addf %add3A_1360, %mul3A_1388 : vector<16xf32>
        %broadcast_in_dim3A_1390 = arith.constant 6 : i32
        %broadcast_in_dim3A_1391 = vector.broadcast %broadcast_in_dim3A_1390 : i32 to vector<16xi32>
        %reshape3A_1392 = vector.shape_cast %broadcast_in_dim3A_1391 : vector<16xi32> to vector<16x1xi32>
        %gather3A_1393 = vector.shape_cast %reshape3A_1392 : vector<16x1xi32> to vector<16xi32>
        %gather3A_1394 = tpu.dynamic_gather %bitcast_convert_type3A_695[%gather3A_1393] in [0] : vector<16xf32>, vector<16xi32> -> vector<16xf32>
        %get3A_1395 = arith.constant 6 : i32
        %get3A_1396 = arith.index_cast %get3A_1395 : i32 to index
        %get3A_1397 = arith.constant 0 : index
        %get3A_1398 = tpu.vector_load %arg8[%get3A_1396, %get3A_1397] {strides = array<i32>} : memref<16x64xf32, #tpu.memory_space<vmem>>, vector<16xf32>,
        %mul3A_1399 = arith.mulf %get3A_1398, %gather3A_1394 : vector<16xf32>
        %add3A_1400 = arith.addf %add3A_1371, %mul3A_1399 : vector<16xf32>
        %get3A_1401 = arith.constant 6 : i32
        %get3A_1402 = arith.index_cast %get3A_1401 : i32 to index
        %get3A_1403 = arith.constant 16 : index
        %get3A_1404 = tpu.vector_load %arg8[%get3A_1402, %get3A_1403] {strides = array<i32>} : memref<16x64xf32, #tpu.memory_space<vmem>>, vector<16xf32>,
        %mul3A_1405 = arith.mulf %get3A_1404, %gather3A_1394 : vector<16xf32>
        %add3A_1406 = arith.addf %add3A_1377, %mul3A_1405 : vector<16xf32>
        %get3A_1407 = arith.constant 6 : i32
        %get3A_1408 = arith.index_cast %get3A_1407 : i32 to index
        %get3A_1409 = arith.constant 32 : index
        %get3A_1410 = tpu.vector_load %arg8[%get3A_1408, %get3A_1409] {strides = array<i32>} : memref<16x64xf32, #tpu.memory_space<vmem>>, vector<16xf32>,
        %mul3A_1411 = arith.mulf %get3A_1410, %gather3A_1394 : vector<16xf32>
        %add3A_1412 = arith.addf %add3A_1383, %mul3A_1411 : vector<16xf32>
        %get3A_1413 = arith.constant 6 : i32
        %get3A_1414 = arith.index_cast %get3A_1413 : i32 to index
        %get3A_1415 = arith.constant 48 : index
        %get3A_1416 = tpu.vector_load %arg8[%get3A_1414, %get3A_1415] {strides = array<i32>} : memref<16x64xf32, #tpu.memory_space<vmem>>, vector<16xf32>,
        %mul3A_1417 = arith.mulf %get3A_1416, %gather3A_1394 : vector<16xf32>
        %add3A_1418 = arith.addf %add3A_1389, %mul3A_1417 : vector<16xf32>
        %broadcast_in_dim3A_1419 = arith.constant 7 : i32
        %broadcast_in_dim3A_1420 = vector.broadcast %broadcast_in_dim3A_1419 : i32 to vector<16xi32>
        %reshape3A_1421 = vector.shape_cast %broadcast_in_dim3A_1420 : vector<16xi32> to vector<16x1xi32>
        %gather3A_1422 = vector.shape_cast %reshape3A_1421 : vector<16x1xi32> to vector<16xi32>
        %gather3A_1423 = tpu.dynamic_gather %bitcast_convert_type3A_695[%gather3A_1422] in [0] : vector<16xf32>, vector<16xi32> -> vector<16xf32>
        %get3A_1424 = arith.constant 7 : i32
        %get3A_1425 = arith.index_cast %get3A_1424 : i32 to index
        %get3A_1426 = arith.constant 0 : index
        %get3A_1427 = tpu.vector_load %arg8[%get3A_1425, %get3A_1426] {strides = array<i32>} : memref<16x64xf32, #tpu.memory_space<vmem>>, vector<16xf32>,
        %mul3A_1428 = arith.mulf %get3A_1427, %gather3A_1423 : vector<16xf32>
        %add3A_1429 = arith.addf %add3A_1400, %mul3A_1428 : vector<16xf32>
        %get3A_1430 = arith.constant 7 : i32
        %get3A_1431 = arith.index_cast %get3A_1430 : i32 to index
        %get3A_1432 = arith.constant 16 : index
        %get3A_1433 = tpu.vector_load %arg8[%get3A_1431, %get3A_1432] {strides = array<i32>} : memref<16x64xf32, #tpu.memory_space<vmem>>, vector<16xf32>,
        %mul3A_1434 = arith.mulf %get3A_1433, %gather3A_1423 : vector<16xf32>
        %add3A_1435 = arith.addf %add3A_1406, %mul3A_1434 : vector<16xf32>
        %get3A_1436 = arith.constant 7 : i32
        %get3A_1437 = arith.index_cast %get3A_1436 : i32 to index
        %get3A_1438 = arith.constant 32 : index
        %get3A_1439 = tpu.vector_load %arg8[%get3A_1437, %get3A_1438] {strides = array<i32>} : memref<16x64xf32, #tpu.memory_space<vmem>>, vector<16xf32>,
        %mul3A_1440 = arith.mulf %get3A_1439, %gather3A_1423 : vector<16xf32>
        %add3A_1441 = arith.addf %add3A_1412, %mul3A_1440 : vector<16xf32>
        %get3A_1442 = arith.constant 7 : i32
        %get3A_1443 = arith.index_cast %get3A_1442 : i32 to index
        %get3A_1444 = arith.constant 48 : index
        %get3A_1445 = tpu.vector_load %arg8[%get3A_1443, %get3A_1444] {strides = array<i32>} : memref<16x64xf32, #tpu.memory_space<vmem>>, vector<16xf32>,
        %mul3A_1446 = arith.mulf %get3A_1445, %gather3A_1423 : vector<16xf32>
        %add3A_1447 = arith.addf %add3A_1418, %mul3A_1446 : vector<16xf32>
        %broadcast_in_dim3A_1448 = arith.constant 8 : i32
        %broadcast_in_dim3A_1449 = vector.broadcast %broadcast_in_dim3A_1448 : i32 to vector<16xi32>
        %reshape3A_1450 = vector.shape_cast %broadcast_in_dim3A_1449 : vector<16xi32> to vector<16x1xi32>
        %gather3A_1451 = vector.shape_cast %reshape3A_1450 : vector<16x1xi32> to vector<16xi32>
        %gather3A_1452 = tpu.dynamic_gather %bitcast_convert_type3A_695[%gather3A_1451] in [0] : vector<16xf32>, vector<16xi32> -> vector<16xf32>
        %get3A_1453 = arith.constant 8 : i32
        %get3A_1454 = arith.index_cast %get3A_1453 : i32 to index
        %get3A_1455 = arith.constant 0 : index
        %get3A_1456 = tpu.vector_load %arg8[%get3A_1454, %get3A_1455] {strides = array<i32>} : memref<16x64xf32, #tpu.memory_space<vmem>>, vector<16xf32>,
        %mul3A_1457 = arith.mulf %get3A_1456, %gather3A_1452 : vector<16xf32>
        %add3A_1458 = arith.addf %add3A_1429, %mul3A_1457 : vector<16xf32>
        %get3A_1459 = arith.constant 8 : i32
        %get3A_1460 = arith.index_cast %get3A_1459 : i32 to index
        %get3A_1461 = arith.constant 16 : index
        %get3A_1462 = tpu.vector_load %arg8[%get3A_1460, %get3A_1461] {strides = array<i32>} : memref<16x64xf32, #tpu.memory_space<vmem>>, vector<16xf32>,
        %mul3A_1463 = arith.mulf %get3A_1462, %gather3A_1452 : vector<16xf32>
        %add3A_1464 = arith.addf %add3A_1435, %mul3A_1463 : vector<16xf32>
        %get3A_1465 = arith.constant 8 : i32
        %get3A_1466 = arith.index_cast %get3A_1465 : i32 to index
        %get3A_1467 = arith.constant 32 : index
        %get3A_1468 = tpu.vector_load %arg8[%get3A_1466, %get3A_1467] {strides = array<i32>} : memref<16x64xf32, #tpu.memory_space<vmem>>, vector<16xf32>,
        %mul3A_1469 = arith.mulf %get3A_1468, %gather3A_1452 : vector<16xf32>
        %add3A_1470 = arith.addf %add3A_1441, %mul3A_1469 : vector<16xf32>
        %get3A_1471 = arith.constant 8 : i32
        %get3A_1472 = arith.index_cast %get3A_1471 : i32 to index
        %get3A_1473 = arith.constant 48 : index
        %get3A_1474 = tpu.vector_load %arg8[%get3A_1472, %get3A_1473] {strides = array<i32>} : memref<16x64xf32, #tpu.memory_space<vmem>>, vector<16xf32>,
        %mul3A_1475 = arith.mulf %get3A_1474, %gather3A_1452 : vector<16xf32>
        %add3A_1476 = arith.addf %add3A_1447, %mul3A_1475 : vector<16xf32>
        %broadcast_in_dim3A_1477 = arith.constant 9 : i32
        %broadcast_in_dim3A_1478 = vector.broadcast %broadcast_in_dim3A_1477 : i32 to vector<16xi32>
        %reshape3A_1479 = vector.shape_cast %broadcast_in_dim3A_1478 : vector<16xi32> to vector<16x1xi32>
        %gather3A_1480 = vector.shape_cast %reshape3A_1479 : vector<16x1xi32> to vector<16xi32>
        %gather3A_1481 = tpu.dynamic_gather %bitcast_convert_type3A_695[%gather3A_1480] in [0] : vector<16xf32>, vector<16xi32> -> vector<16xf32>
        %get3A_1482 = arith.constant 9 : i32
        %get3A_1483 = arith.index_cast %get3A_1482 : i32 to index
        %get3A_1484 = arith.constant 0 : index
        %get3A_1485 = tpu.vector_load %arg8[%get3A_1483, %get3A_1484] {strides = array<i32>} : memref<16x64xf32, #tpu.memory_space<vmem>>, vector<16xf32>,
        %mul3A_1486 = arith.mulf %get3A_1485, %gather3A_1481 : vector<16xf32>
        %add3A_1487 = arith.addf %add3A_1458, %mul3A_1486 : vector<16xf32>
        %get3A_1488 = arith.constant 9 : i32
        %get3A_1489 = arith.index_cast %get3A_1488 : i32 to index
        %get3A_1490 = arith.constant 16 : index
        %get3A_1491 = tpu.vector_load %arg8[%get3A_1489, %get3A_1490] {strides = array<i32>} : memref<16x64xf32, #tpu.memory_space<vmem>>, vector<16xf32>,
        %mul3A_1492 = arith.mulf %get3A_1491, %gather3A_1481 : vector<16xf32>
        %add3A_1493 = arith.addf %add3A_1464, %mul3A_1492 : vector<16xf32>
        %get3A_1494 = arith.constant 9 : i32
        %get3A_1495 = arith.index_cast %get3A_1494 : i32 to index
        %get3A_1496 = arith.constant 32 : index
        %get3A_1497 = tpu.vector_load %arg8[%get3A_1495, %get3A_1496] {strides = array<i32>} : memref<16x64xf32, #tpu.memory_space<vmem>>, vector<16xf32>,
        %mul3A_1498 = arith.mulf %get3A_1497, %gather3A_1481 : vector<16xf32>
        %add3A_1499 = arith.addf %add3A_1470, %mul3A_1498 : vector<16xf32>
        %get3A_1500 = arith.constant 9 : i32
        %get3A_1501 = arith.index_cast %get3A_1500 : i32 to index
        %get3A_1502 = arith.constant 48 : index
        %get3A_1503 = tpu.vector_load %arg8[%get3A_1501, %get3A_1502] {strides = array<i32>} : memref<16x64xf32, #tpu.memory_space<vmem>>, vector<16xf32>,
        %mul3A_1504 = arith.mulf %get3A_1503, %gather3A_1481 : vector<16xf32>
        %add3A_1505 = arith.addf %add3A_1476, %mul3A_1504 : vector<16xf32>
        %broadcast_in_dim3A_1506 = arith.constant 10 : i32
        %broadcast_in_dim3A_1507 = vector.broadcast %broadcast_in_dim3A_1506 : i32 to vector<16xi32>
        %reshape3A_1508 = vector.shape_cast %broadcast_in_dim3A_1507 : vector<16xi32> to vector<16x1xi32>
        %gather3A_1509 = vector.shape_cast %reshape3A_1508 : vector<16x1xi32> to vector<16xi32>
        %gather3A_1510 = tpu.dynamic_gather %bitcast_convert_type3A_695[%gather3A_1509] in [0] : vector<16xf32>, vector<16xi32> -> vector<16xf32>
        %get3A_1511 = arith.constant 10 : i32
        %get3A_1512 = arith.index_cast %get3A_1511 : i32 to index
        %get3A_1513 = arith.constant 0 : index
        %get3A_1514 = tpu.vector_load %arg8[%get3A_1512, %get3A_1513] {strides = array<i32>} : memref<16x64xf32, #tpu.memory_space<vmem>>, vector<16xf32>,
        %mul3A_1515 = arith.mulf %get3A_1514, %gather3A_1510 : vector<16xf32>
        %add3A_1516 = arith.addf %add3A_1487, %mul3A_1515 : vector<16xf32>
        %get3A_1517 = arith.constant 10 : i32
        %get3A_1518 = arith.index_cast %get3A_1517 : i32 to index
        %get3A_1519 = arith.constant 16 : index
        %get3A_1520 = tpu.vector_load %arg8[%get3A_1518, %get3A_1519] {strides = array<i32>} : memref<16x64xf32, #tpu.memory_space<vmem>>, vector<16xf32>,
        %mul3A_1521 = arith.mulf %get3A_1520, %gather3A_1510 : vector<16xf32>
        %add3A_1522 = arith.addf %add3A_1493, %mul3A_1521 : vector<16xf32>
        %get3A_1523 = arith.constant 10 : i32
        %get3A_1524 = arith.index_cast %get3A_1523 : i32 to index
        %get3A_1525 = arith.constant 32 : index
        %get3A_1526 = tpu.vector_load %arg8[%get3A_1524, %get3A_1525] {strides = array<i32>} : memref<16x64xf32, #tpu.memory_space<vmem>>, vector<16xf32>,
        %mul3A_1527 = arith.mulf %get3A_1526, %gather3A_1510 : vector<16xf32>
        %add3A_1528 = arith.addf %add3A_1499, %mul3A_1527 : vector<16xf32>
        %get3A_1529 = arith.constant 10 : i32
        %get3A_1530 = arith.index_cast %get3A_1529 : i32 to index
        %get3A_1531 = arith.constant 48 : index
        %get3A_1532 = tpu.vector_load %arg8[%get3A_1530, %get3A_1531] {strides = array<i32>} : memref<16x64xf32, #tpu.memory_space<vmem>>, vector<16xf32>,
        %mul3A_1533 = arith.mulf %get3A_1532, %gather3A_1510 : vector<16xf32>
        %add3A_1534 = arith.addf %add3A_1505, %mul3A_1533 : vector<16xf32>
        %broadcast_in_dim3A_1535 = arith.constant 11 : i32
        %broadcast_in_dim3A_1536 = vector.broadcast %broadcast_in_dim3A_1535 : i32 to vector<16xi32>
        %reshape3A_1537 = vector.shape_cast %broadcast_in_dim3A_1536 : vector<16xi32> to vector<16x1xi32>
        %gather3A_1538 = vector.shape_cast %reshape3A_1537 : vector<16x1xi32> to vector<16xi32>
        %gather3A_1539 = tpu.dynamic_gather %bitcast_convert_type3A_695[%gather3A_1538] in [0] : vector<16xf32>, vector<16xi32> -> vector<16xf32>
        %get3A_1540 = arith.constant 11 : i32
        %get3A_1541 = arith.index_cast %get3A_1540 : i32 to index
        %get3A_1542 = arith.constant 0 : index
        %get3A_1543 = tpu.vector_load %arg8[%get3A_1541, %get3A_1542] {strides = array<i32>} : memref<16x64xf32, #tpu.memory_space<vmem>>, vector<16xf32>,
        %mul3A_1544 = arith.mulf %get3A_1543, %gather3A_1539 : vector<16xf32>
        %add3A_1545 = arith.addf %add3A_1516, %mul3A_1544 : vector<16xf32>
        %get3A_1546 = arith.constant 11 : i32
        %get3A_1547 = arith.index_cast %get3A_1546 : i32 to index
        %get3A_1548 = arith.constant 16 : index
        %get3A_1549 = tpu.vector_load %arg8[%get3A_1547, %get3A_1548] {strides = array<i32>} : memref<16x64xf32, #tpu.memory_space<vmem>>, vector<16xf32>,
        %mul3A_1550 = arith.mulf %get3A_1549, %gather3A_1539 : vector<16xf32>
        %add3A_1551 = arith.addf %add3A_1522, %mul3A_1550 : vector<16xf32>
        %get3A_1552 = arith.constant 11 : i32
        %get3A_1553 = arith.index_cast %get3A_1552 : i32 to index
        %get3A_1554 = arith.constant 32 : index
        %get3A_1555 = tpu.vector_load %arg8[%get3A_1553, %get3A_1554] {strides = array<i32>} : memref<16x64xf32, #tpu.memory_space<vmem>>, vector<16xf32>,
        %mul3A_1556 = arith.mulf %get3A_1555, %gather3A_1539 : vector<16xf32>
        %add3A_1557 = arith.addf %add3A_1528, %mul3A_1556 : vector<16xf32>
        %get3A_1558 = arith.constant 11 : i32
        %get3A_1559 = arith.index_cast %get3A_1558 : i32 to index
        %get3A_1560 = arith.constant 48 : index
        %get3A_1561 = tpu.vector_load %arg8[%get3A_1559, %get3A_1560] {strides = array<i32>} : memref<16x64xf32, #tpu.memory_space<vmem>>, vector<16xf32>,
        %mul3A_1562 = arith.mulf %get3A_1561, %gather3A_1539 : vector<16xf32>
        %add3A_1563 = arith.addf %add3A_1534, %mul3A_1562 : vector<16xf32>
        %broadcast_in_dim3A_1564 = arith.constant 12 : i32
        %broadcast_in_dim3A_1565 = vector.broadcast %broadcast_in_dim3A_1564 : i32 to vector<16xi32>
        %reshape3A_1566 = vector.shape_cast %broadcast_in_dim3A_1565 : vector<16xi32> to vector<16x1xi32>
        %gather3A_1567 = vector.shape_cast %reshape3A_1566 : vector<16x1xi32> to vector<16xi32>
        %gather3A_1568 = tpu.dynamic_gather %bitcast_convert_type3A_695[%gather3A_1567] in [0] : vector<16xf32>, vector<16xi32> -> vector<16xf32>
        %get3A_1569 = arith.constant 12 : i32
        %get3A_1570 = arith.index_cast %get3A_1569 : i32 to index
        %get3A_1571 = arith.constant 0 : index
        %get3A_1572 = tpu.vector_load %arg8[%get3A_1570, %get3A_1571] {strides = array<i32>} : memref<16x64xf32, #tpu.memory_space<vmem>>, vector<16xf32>,
        %mul3A_1573 = arith.mulf %get3A_1572, %gather3A_1568 : vector<16xf32>
        %add3A_1574 = arith.addf %add3A_1545, %mul3A_1573 : vector<16xf32>
        %get3A_1575 = arith.constant 12 : i32
        %get3A_1576 = arith.index_cast %get3A_1575 : i32 to index
        %get3A_1577 = arith.constant 16 : index
        %get3A_1578 = tpu.vector_load %arg8[%get3A_1576, %get3A_1577] {strides = array<i32>} : memref<16x64xf32, #tpu.memory_space<vmem>>, vector<16xf32>,
        %mul3A_1579 = arith.mulf %get3A_1578, %gather3A_1568 : vector<16xf32>
        %add3A_1580 = arith.addf %add3A_1551, %mul3A_1579 : vector<16xf32>
        %get3A_1581 = arith.constant 12 : i32
        %get3A_1582 = arith.index_cast %get3A_1581 : i32 to index
        %get3A_1583 = arith.constant 32 : index
        %get3A_1584 = tpu.vector_load %arg8[%get3A_1582, %get3A_1583] {strides = array<i32>} : memref<16x64xf32, #tpu.memory_space<vmem>>, vector<16xf32>,
        %mul3A_1585 = arith.mulf %get3A_1584, %gather3A_1568 : vector<16xf32>
        %add3A_1586 = arith.addf %add3A_1557, %mul3A_1585 : vector<16xf32>
        %get3A_1587 = arith.constant 12 : i32
        %get3A_1588 = arith.index_cast %get3A_1587 : i32 to index
        %get3A_1589 = arith.constant 48 : index
        %get3A_1590 = tpu.vector_load %arg8[%get3A_1588, %get3A_1589] {strides = array<i32>} : memref<16x64xf32, #tpu.memory_space<vmem>>, vector<16xf32>,
        %mul3A_1591 = arith.mulf %get3A_1590, %gather3A_1568 : vector<16xf32>
        %add3A_1592 = arith.addf %add3A_1563, %mul3A_1591 : vector<16xf32>
        %broadcast_in_dim3A_1593 = arith.constant 13 : i32
        %broadcast_in_dim3A_1594 = vector.broadcast %broadcast_in_dim3A_1593 : i32 to vector<16xi32>
        %reshape3A_1595 = vector.shape_cast %broadcast_in_dim3A_1594 : vector<16xi32> to vector<16x1xi32>
        %gather3A_1596 = vector.shape_cast %reshape3A_1595 : vector<16x1xi32> to vector<16xi32>
        %gather3A_1597 = tpu.dynamic_gather %bitcast_convert_type3A_695[%gather3A_1596] in [0] : vector<16xf32>, vector<16xi32> -> vector<16xf32>
        %get3A_1598 = arith.constant 13 : i32
        %get3A_1599 = arith.index_cast %get3A_1598 : i32 to index
        %get3A_1600 = arith.constant 0 : index
        %get3A_1601 = tpu.vector_load %arg8[%get3A_1599, %get3A_1600] {strides = array<i32>} : memref<16x64xf32, #tpu.memory_space<vmem>>, vector<16xf32>,
        %mul3A_1602 = arith.mulf %get3A_1601, %gather3A_1597 : vector<16xf32>
        %add3A_1603 = arith.addf %add3A_1574, %mul3A_1602 : vector<16xf32>
        %get3A_1604 = arith.constant 13 : i32
        %get3A_1605 = arith.index_cast %get3A_1604 : i32 to index
        %get3A_1606 = arith.constant 16 : index
        %get3A_1607 = tpu.vector_load %arg8[%get3A_1605, %get3A_1606] {strides = array<i32>} : memref<16x64xf32, #tpu.memory_space<vmem>>, vector<16xf32>,
        %mul3A_1608 = arith.mulf %get3A_1607, %gather3A_1597 : vector<16xf32>
        %add3A_1609 = arith.addf %add3A_1580, %mul3A_1608 : vector<16xf32>
        %get3A_1610 = arith.constant 13 : i32
        %get3A_1611 = arith.index_cast %get3A_1610 : i32 to index
        %get3A_1612 = arith.constant 32 : index
        %get3A_1613 = tpu.vector_load %arg8[%get3A_1611, %get3A_1612] {strides = array<i32>} : memref<16x64xf32, #tpu.memory_space<vmem>>, vector<16xf32>,
        %mul3A_1614 = arith.mulf %get3A_1613, %gather3A_1597 : vector<16xf32>
        %add3A_1615 = arith.addf %add3A_1586, %mul3A_1614 : vector<16xf32>
        %get3A_1616 = arith.constant 13 : i32
        %get3A_1617 = arith.index_cast %get3A_1616 : i32 to index
        %get3A_1618 = arith.constant 48 : index
        %get3A_1619 = tpu.vector_load %arg8[%get3A_1617, %get3A_1618] {strides = array<i32>} : memref<16x64xf32, #tpu.memory_space<vmem>>, vector<16xf32>,
        %mul3A_1620 = arith.mulf %get3A_1619, %gather3A_1597 : vector<16xf32>
        %add3A_1621 = arith.addf %add3A_1592, %mul3A_1620 : vector<16xf32>
        %broadcast_in_dim3A_1622 = arith.constant 14 : i32
        %broadcast_in_dim3A_1623 = vector.broadcast %broadcast_in_dim3A_1622 : i32 to vector<16xi32>
        %reshape3A_1624 = vector.shape_cast %broadcast_in_dim3A_1623 : vector<16xi32> to vector<16x1xi32>
        %gather3A_1625 = vector.shape_cast %reshape3A_1624 : vector<16x1xi32> to vector<16xi32>
        %gather3A_1626 = tpu.dynamic_gather %bitcast_convert_type3A_695[%gather3A_1625] in [0] : vector<16xf32>, vector<16xi32> -> vector<16xf32>
        %get3A_1627 = arith.constant 14 : i32
        %get3A_1628 = arith.index_cast %get3A_1627 : i32 to index
        %get3A_1629 = arith.constant 0 : index
        %get3A_1630 = tpu.vector_load %arg8[%get3A_1628, %get3A_1629] {strides = array<i32>} : memref<16x64xf32, #tpu.memory_space<vmem>>, vector<16xf32>,
        %mul3A_1631 = arith.mulf %get3A_1630, %gather3A_1626 : vector<16xf32>
        %add3A_1632 = arith.addf %add3A_1603, %mul3A_1631 : vector<16xf32>
        %get3A_1633 = arith.constant 14 : i32
        %get3A_1634 = arith.index_cast %get3A_1633 : i32 to index
        %get3A_1635 = arith.constant 16 : index
        %get3A_1636 = tpu.vector_load %arg8[%get3A_1634, %get3A_1635] {strides = array<i32>} : memref<16x64xf32, #tpu.memory_space<vmem>>, vector<16xf32>,
        %mul3A_1637 = arith.mulf %get3A_1636, %gather3A_1626 : vector<16xf32>
        %add3A_1638 = arith.addf %add3A_1609, %mul3A_1637 : vector<16xf32>
        %get3A_1639 = arith.constant 14 : i32
        %get3A_1640 = arith.index_cast %get3A_1639 : i32 to index
        %get3A_1641 = arith.constant 32 : index
        %get3A_1642 = tpu.vector_load %arg8[%get3A_1640, %get3A_1641] {strides = array<i32>} : memref<16x64xf32, #tpu.memory_space<vmem>>, vector<16xf32>,
        %mul3A_1643 = arith.mulf %get3A_1642, %gather3A_1626 : vector<16xf32>
        %add3A_1644 = arith.addf %add3A_1615, %mul3A_1643 : vector<16xf32>
        %get3A_1645 = arith.constant 14 : i32
        %get3A_1646 = arith.index_cast %get3A_1645 : i32 to index
        %get3A_1647 = arith.constant 48 : index
        %get3A_1648 = tpu.vector_load %arg8[%get3A_1646, %get3A_1647] {strides = array<i32>} : memref<16x64xf32, #tpu.memory_space<vmem>>, vector<16xf32>,
        %mul3A_1649 = arith.mulf %get3A_1648, %gather3A_1626 : vector<16xf32>
        %add3A_1650 = arith.addf %add3A_1621, %mul3A_1649 : vector<16xf32>
        %broadcast_in_dim3A_1651 = arith.constant 15 : i32
        %broadcast_in_dim3A_1652 = vector.broadcast %broadcast_in_dim3A_1651 : i32 to vector<16xi32>
        %reshape3A_1653 = vector.shape_cast %broadcast_in_dim3A_1652 : vector<16xi32> to vector<16x1xi32>
        %gather3A_1654 = vector.shape_cast %reshape3A_1653 : vector<16x1xi32> to vector<16xi32>
        %gather3A_1655 = tpu.dynamic_gather %bitcast_convert_type3A_695[%gather3A_1654] in [0] : vector<16xf32>, vector<16xi32> -> vector<16xf32>
        %get3A_1656 = arith.constant 15 : i32
        %get3A_1657 = arith.index_cast %get3A_1656 : i32 to index
        %get3A_1658 = arith.constant 0 : index
        %get3A_1659 = tpu.vector_load %arg8[%get3A_1657, %get3A_1658] {strides = array<i32>} : memref<16x64xf32, #tpu.memory_space<vmem>>, vector<16xf32>,
        %mul3A_1660 = arith.mulf %get3A_1659, %gather3A_1655 : vector<16xf32>
        %add3A_1661 = arith.addf %add3A_1632, %mul3A_1660 : vector<16xf32>
        %get3A_1662 = arith.constant 15 : i32
        %get3A_1663 = arith.index_cast %get3A_1662 : i32 to index
        %get3A_1664 = arith.constant 16 : index
        %get3A_1665 = tpu.vector_load %arg8[%get3A_1663, %get3A_1664] {strides = array<i32>} : memref<16x64xf32, #tpu.memory_space<vmem>>, vector<16xf32>,
        %mul3A_1666 = arith.mulf %get3A_1665, %gather3A_1655 : vector<16xf32>
        %add3A_1667 = arith.addf %add3A_1638, %mul3A_1666 : vector<16xf32>
        %get3A_1668 = arith.constant 15 : i32
        %get3A_1669 = arith.index_cast %get3A_1668 : i32 to index
        %get3A_1670 = arith.constant 32 : index
        %get3A_1671 = tpu.vector_load %arg8[%get3A_1669, %get3A_1670] {strides = array<i32>} : memref<16x64xf32, #tpu.memory_space<vmem>>, vector<16xf32>,
        %mul3A_1672 = arith.mulf %get3A_1671, %gather3A_1655 : vector<16xf32>
        %add3A_1673 = arith.addf %add3A_1644, %mul3A_1672 : vector<16xf32>
        %get3A_1674 = arith.constant 15 : i32
        %get3A_1675 = arith.index_cast %get3A_1674 : i32 to index
        %get3A_1676 = arith.constant 48 : index
        %get3A_1677 = tpu.vector_load %arg8[%get3A_1675, %get3A_1676] {strides = array<i32>} : memref<16x64xf32, #tpu.memory_space<vmem>>, vector<16xf32>,
        %mul3A_1678 = arith.mulf %get3A_1677, %gather3A_1655 : vector<16xf32>
        %add3A_1679 = arith.addf %add3A_1650, %mul3A_1678 : vector<16xf32>
        %mul3A_1680 = arith.constant 64 : i32
        %mul3A_1681 = arith.muli %add3A_1207, %mul3A_1680 : i32
        %add3A_1682 = arith.constant 0 : i32
        %add3A_1683 = arith.addi %mul3A_1681, %add3A_1682 : i32
        %broadcast_in_dim3A_1684 = vector.broadcast %add3A_1683 : i32 to vector<16xi32>
        %add3A_1685 = arith.addi %broadcast_in_dim3A_1684, %iota3A : vector<16xi32>
        tpu.vector_store_idx %arg11[%add3A_1685], %add3A_1661 : memref<512xf32, #tpu.memory_space<vmem>>[vector<16xi32>], vector<16xf32>,
        %mul3A_1686 = arith.constant 64 : i32
        %mul3A_1687 = arith.muli %add3A_1207, %mul3A_1686 : i32
        %add3A_1688 = arith.constant 16 : i32
        %add3A_1689 = arith.addi %mul3A_1687, %add3A_1688 : i32
        %broadcast_in_dim3A_1690 = vector.broadcast %add3A_1689 : i32 to vector<16xi32>
        %add3A_1691 = arith.addi %broadcast_in_dim3A_1690, %iota3A : vector<16xi32>
        tpu.vector_store_idx %arg11[%add3A_1691], %add3A_1667 : memref<512xf32, #tpu.memory_space<vmem>>[vector<16xi32>], vector<16xf32>,
        %mul3A_1692 = arith.constant 64 : i32
        %mul3A_1693 = arith.muli %add3A_1207, %mul3A_1692 : i32
        %add3A_1694 = arith.constant 32 : i32
        %add3A_1695 = arith.addi %mul3A_1693, %add3A_1694 : i32
        %broadcast_in_dim3A_1696 = vector.broadcast %add3A_1695 : i32 to vector<16xi32>
        %add3A_1697 = arith.addi %broadcast_in_dim3A_1696, %iota3A : vector<16xi32>
        tpu.vector_store_idx %arg11[%add3A_1697], %add3A_1673 : memref<512xf32, #tpu.memory_space<vmem>>[vector<16xi32>], vector<16xf32>,
        %mul3A_1698 = arith.constant 64 : i32
        %mul3A_1699 = arith.muli %add3A_1207, %mul3A_1698 : i32
        %add3A_1700 = arith.constant 48 : i32
        %add3A_1701 = arith.addi %mul3A_1699, %add3A_1700 : i32
        %broadcast_in_dim3A_1702 = vector.broadcast %add3A_1701 : i32 to vector<16xi32>
        %add3A_1703 = arith.addi %broadcast_in_dim3A_1702, %iota3A : vector<16xi32>
        tpu.vector_store_idx %arg11[%add3A_1703], %add3A_1679 : memref<512xf32, #tpu.memory_space<vmem>>[vector<16xi32>], vector<16xf32>,
      }
      %scan3A_84 = arith.constant 4 : i32
      %mul3A_85 = arith.constant 8 : i32
      %mul3A_86 = arith.muli %add3A_78, %mul3A_85 : i32
      %add3A_87 = arith.addi %mul3A_18, %mul3A_86 : i32
      %mul3A_88 = arith.constant 64 : i32
      %mul3A_89 = arith.muli %add3A_87, %mul3A_88 : i32
      "tpu.region"() ({
        %run_scoped3A = tpu.sem_alloc : memref<!tpu.dma_semaphore, #tpu.memory_space<semaphore_mem>>
        %dma_start3A_90 = tpu.memref_slice %arg4[%mul3A_89] : memref<2097152xf32, #tpu.memory_space<hbm>> -> memref<512xf32, #tpu.memory_space<hbm>>
        %dma_start3A_91 = tpu.memref_slice %arg4[%mul3A_89] : memref<2097152xf32, #tpu.memory_space<hbm>> -> memref<512xf32, #tpu.memory_space<hbm>>
        tpu.enqueue_dma source(%arg11 : memref<512xf32, #tpu.memory_space<vmem>>) target(%dma_start3A_91 : memref<512xf32, #tpu.memory_space<hbm>>) target_semaphore(%run_scoped3A : memref<!tpu.dma_semaphore, #tpu.memory_space<semaphore_mem>>)
        %dma_wait3A_92 = tpu.memref_slice %arg4[%mul3A_89] : memref<2097152xf32, #tpu.memory_space<hbm>> -> memref<512xf32, #tpu.memory_space<hbm>>
        %dma_wait3A_93 = tpu.memref_slice %arg4[%mul3A_89] : memref<2097152xf32, #tpu.memory_space<hbm>> -> memref<512xf32, #tpu.memory_space<hbm>>
        tpu.wait_dma2 semaphore(%run_scoped3A : memref<!tpu.dma_semaphore, #tpu.memory_space<semaphore_mem>>) src(%arg11 : memref<512xf32, #tpu.memory_space<vmem>>) dst(%dma_wait3A_93 : memref<512xf32, #tpu.memory_space<hbm>>)
        tpu.yield
      }) : () -> ()
    }
    %scan3A_33 = arith.constant 64 : i32
    return
  }
}

module attributes {stable_mosaic.version = 14 : i64} {
  func.func @_mm_bias_body(%arg0: i32, %arg1: i32, %arg2: memref<256x1024xf32, #tpu.memory_space<vmem>>, %arg3: memref<1024x512xf32, #tpu.memory_space<vmem>>, %arg4: memref<1x512xf32, #tpu.memory_space<vmem>>, %arg5: memref<256x512xf32, #tpu.memory_space<vmem>>) attributes {dimension_semantics = [#tpu.dimension_semantics<arbitrary>, #tpu.dimension_semantics<arbitrary>], iteration_bounds = array<i64: 8, 6>, scalar_prefetch = 0 : i64, scratch_operands = 0 : i64, tpu.core_type = #tpu.core_type<tc>, window_params = [{transform_indices = @transform_0, window_bounds = array<i64: 256, 1024>}, {transform_indices = @transform_1, window_bounds = array<i64: 1024, 512>}, {transform_indices = @transform_2, window_bounds = array<i64: 1, 512>}, {transform_indices = @transform_3, window_bounds = array<i64: 256, 512>}]} {
    %get3A = arith.constant 0 : index
    %get3A_0 = arith.constant 0 : index
    %get3A_1 = vector.load %arg2[%get3A, %get3A_0] : memref<256x1024xf32, #tpu.memory_space<vmem>>, vector<256x1024xf32>
    %convert_element_type3A = arith.truncf %get3A_1 : vector<256x1024xf32> to vector<256x1024xbf16>
    %get3A_2 = arith.constant 0 : index
    %get3A_3 = arith.constant 0 : index
    %get3A_4 = vector.load %arg3[%get3A_2, %get3A_3] : memref<1024x512xf32, #tpu.memory_space<vmem>>, vector<1024x512xf32>
    %convert_element_type3A_5 = arith.truncf %get3A_4 : vector<1024x512xf32> to vector<1024x512xbf16>
    %dot_general3A = arith.constant dense<0.000000e+00> : vector<256x512xf32>
    %dot_general3A_6 = tpu.matmul %convert_element_type3A, %convert_element_type3A_5, %dot_general3A {dimension_numbers = #tpu.dot_dimension_numbers<[1], [0], [0], [1], [0, 0, 1, 1], [], []>, transpose_lhs_hint = false} : vector<256x1024xbf16>, vector<1024x512xbf16>, vector<256x512xf32> -> vector<256x512xf32>
    %get3A_7 = arith.constant 0 : index
    %get3A_8 = arith.constant 0 : index
    %get3A_9 = vector.load %arg4[%get3A_7, %get3A_8] : memref<1x512xf32, #tpu.memory_space<vmem>>, vector<1x512xf32>
    %add3A = vector.broadcast %get3A_9 : vector<1x512xf32> to vector<256x512xf32>
    %add3A_10 = arith.addf %dot_general3A_6, %add3A : vector<256x512xf32>
    %swap3A = arith.constant 0 : index
    %swap3A_11 = arith.constant 0 : index
    %swap3A_12 = vector.load %arg5[%swap3A, %swap3A_11] : memref<256x512xf32, #tpu.memory_space<vmem>>, vector<256x512xf32>
    tpu.vector_store %arg5[%swap3A, %swap3A_11], %add3A_10 {strides = array<i32>} : memref<256x512xf32, #tpu.memory_space<vmem>>, vector<256x512xf32>,
    return
  }
  func.func @transform_0(%arg0: i32, %arg1: i32) -> (i32, i32) {
    %c0_i32 = arith.constant 0 : i32
    %c0_i32_0 = arith.constant 0 : i32
    return %arg0, %c0_i32 : i32, i32
  }
  func.func @transform_1(%arg0: i32, %arg1: i32) -> (i32, i32) {
    %c0_i32 = arith.constant 0 : i32
    %c0_i32_0 = arith.constant 0 : i32
    return %c0_i32, %arg1 : i32, i32
  }
  func.func @transform_2(%arg0: i32, %arg1: i32) -> (i32, i32) {
    %c0_i32 = arith.constant 0 : i32
    %c0_i32_0 = arith.constant 0 : i32
    return %c0_i32, %arg1 : i32, i32
  }
  func.func @transform_3(%arg0: i32, %arg1: i32) -> (i32, i32) {
    %c0_i32 = arith.constant 0 : i32
    return %arg0, %arg1 : i32, i32
  }
}

module attributes {stable_mosaic.version = 14 : i64} {
  func.func @_score_body(%arg0: i32, %arg1: i32, %arg2: memref<1x256x64xf32, #tpu.memory_space<vmem>>, %arg3: memref<1x3072x64xf32, #tpu.memory_space<vmem>>, %arg4: memref<1x256x3072xf32, #tpu.memory_space<vmem>>) attributes {dimension_semantics = [#tpu.dimension_semantics<arbitrary>, #tpu.dimension_semantics<arbitrary>], iteration_bounds = array<i64: 16, 8>, scalar_prefetch = 0 : i64, scratch_operands = 0 : i64, tpu.core_type = #tpu.core_type<tc>, window_params = [{transform_indices = @transform_0, window_bounds = array<i64: 1, 256, 64>}, {transform_indices = @transform_1, window_bounds = array<i64: 1, 3072, 64>}, {transform_indices = @transform_2, window_bounds = array<i64: 1, 256, 3072>}]} {
    %get3A = arith.constant 0 : index
    %get3A_0 = arith.constant 0 : index
    %get3A_1 = arith.constant 0 : index
    %get3A_2 = vector.load %arg2[%get3A, %get3A_0, %get3A_1] : memref<1x256x64xf32, #tpu.memory_space<vmem>>, vector<1x256x64xf32>
    %get3A_3 = vector.shape_cast %get3A_2 : vector<1x256x64xf32> to vector<256x64xf32>
    %convert_element_type3A = arith.truncf %get3A_3 : vector<256x64xf32> to vector<256x64xbf16>
    %get3A_4 = arith.constant 0 : index
    %get3A_5 = arith.constant 0 : index
    %get3A_6 = arith.constant 0 : index
    %get3A_7 = vector.load %arg3[%get3A_4, %get3A_5, %get3A_6] : memref<1x3072x64xf32, #tpu.memory_space<vmem>>, vector<1x3072x64xf32>
    %get3A_8 = vector.shape_cast %get3A_7 : vector<1x3072x64xf32> to vector<3072x64xf32>
    %convert_element_type3A_9 = arith.truncf %get3A_8 : vector<3072x64xf32> to vector<3072x64xbf16>
    %dot_general3A = arith.constant dense<0.000000e+00> : vector<256x3072xf32>
    %dot_general3A_10 = tpu.matmul %convert_element_type3A, %convert_element_type3A_9, %dot_general3A {dimension_numbers = #tpu.dot_dimension_numbers<[1], [1], [0], [0], [0, 0, 1, 0], [], []>, transpose_lhs_hint = false} : vector<256x64xbf16>, vector<3072x64xbf16>, vector<256x3072xf32> -> vector<256x3072xf32>
    %swap3A = arith.constant 0 : index
    %swap3A_11 = arith.constant 0 : index
    %swap3A_12 = arith.constant 0 : index
    %swap3A_13 = vector.load %arg4[%swap3A, %swap3A_11, %swap3A_12] : memref<1x256x3072xf32, #tpu.memory_space<vmem>>, vector<1x256x3072xf32>
    %swap3A_14 = vector.shape_cast %swap3A_13 : vector<1x256x3072xf32> to vector<256x3072xf32>
    %swap3A_15 = vector.shape_cast %dot_general3A_10 : vector<256x3072xf32> to vector<1x256x3072xf32>
    tpu.vector_store %arg4[%swap3A, %swap3A_11, %swap3A_12], %swap3A_15 {strides = array<i32>} : memref<1x256x3072xf32, #tpu.memory_space<vmem>>, vector<1x256x3072xf32>,
    return
  }
  func.func @transform_0(%arg0: i32, %arg1: i32) -> (i32, i32, i32) {
    %c0_i32 = arith.constant 0 : i32
    %c0_i32_0 = arith.constant 0 : i32
    return %arg0, %arg1, %c0_i32 : i32, i32, i32
  }
  func.func @transform_1(%arg0: i32, %arg1: i32) -> (i32, i32, i32) {
    %c0_i32 = arith.constant 0 : i32
    %c0_i32_0 = arith.constant 0 : i32
    %c0_i32_1 = arith.constant 0 : i32
    return %arg0, %c0_i32, %c0_i32_0 : i32, i32, i32
  }
  func.func @transform_2(%arg0: i32, %arg1: i32) -> (i32, i32, i32) {
    %c0_i32 = arith.constant 0 : i32
    %c0_i32_0 = arith.constant 0 : i32
    return %arg0, %arg1, %c0_i32 : i32, i32, i32
  }
}

module attributes {stable_mosaic.version = 14 : i64} {
  func.func @_mm_bias_body(%arg0: i32, %arg1: i32, %arg2: memref<256x1024xf32, #tpu.memory_space<vmem>>, %arg3: memref<1024x512xf32, #tpu.memory_space<vmem>>, %arg4: memref<1x512xf32, #tpu.memory_space<vmem>>, %arg5: memref<256x512xf32, #tpu.memory_space<vmem>>) attributes {dimension_semantics = [#tpu.dimension_semantics<arbitrary>, #tpu.dimension_semantics<arbitrary>], iteration_bounds = array<i64: 8, 2>, scalar_prefetch = 0 : i64, scratch_operands = 0 : i64, tpu.core_type = #tpu.core_type<tc>, window_params = [{transform_indices = @transform_0, window_bounds = array<i64: 256, 1024>}, {transform_indices = @transform_1, window_bounds = array<i64: 1024, 512>}, {transform_indices = @transform_2, window_bounds = array<i64: 1, 512>}, {transform_indices = @transform_3, window_bounds = array<i64: 256, 512>}]} {
    %get3A = arith.constant 0 : index
    %get3A_0 = arith.constant 0 : index
    %get3A_1 = vector.load %arg2[%get3A, %get3A_0] : memref<256x1024xf32, #tpu.memory_space<vmem>>, vector<256x1024xf32>
    %convert_element_type3A = arith.truncf %get3A_1 : vector<256x1024xf32> to vector<256x1024xbf16>
    %get3A_2 = arith.constant 0 : index
    %get3A_3 = arith.constant 0 : index
    %get3A_4 = vector.load %arg3[%get3A_2, %get3A_3] : memref<1024x512xf32, #tpu.memory_space<vmem>>, vector<1024x512xf32>
    %convert_element_type3A_5 = arith.truncf %get3A_4 : vector<1024x512xf32> to vector<1024x512xbf16>
    %dot_general3A = arith.constant dense<0.000000e+00> : vector<256x512xf32>
    %dot_general3A_6 = tpu.matmul %convert_element_type3A, %convert_element_type3A_5, %dot_general3A {dimension_numbers = #tpu.dot_dimension_numbers<[1], [0], [0], [1], [0, 0, 1, 1], [], []>, transpose_lhs_hint = false} : vector<256x1024xbf16>, vector<1024x512xbf16>, vector<256x512xf32> -> vector<256x512xf32>
    %get3A_7 = arith.constant 0 : index
    %get3A_8 = arith.constant 0 : index
    %get3A_9 = vector.load %arg4[%get3A_7, %get3A_8] : memref<1x512xf32, #tpu.memory_space<vmem>>, vector<1x512xf32>
    %add3A = vector.broadcast %get3A_9 : vector<1x512xf32> to vector<256x512xf32>
    %add3A_10 = arith.addf %dot_general3A_6, %add3A : vector<256x512xf32>
    %swap3A = arith.constant 0 : index
    %swap3A_11 = arith.constant 0 : index
    %swap3A_12 = vector.load %arg5[%swap3A, %swap3A_11] : memref<256x512xf32, #tpu.memory_space<vmem>>, vector<256x512xf32>
    tpu.vector_store %arg5[%swap3A, %swap3A_11], %add3A_10 {strides = array<i32>} : memref<256x512xf32, #tpu.memory_space<vmem>>, vector<256x512xf32>,
    return
  }
  func.func @transform_0(%arg0: i32, %arg1: i32) -> (i32, i32) {
    %c0_i32 = arith.constant 0 : i32
    %c0_i32_0 = arith.constant 0 : i32
    return %arg0, %c0_i32 : i32, i32
  }
  func.func @transform_1(%arg0: i32, %arg1: i32) -> (i32, i32) {
    %c0_i32 = arith.constant 0 : i32
    %c0_i32_0 = arith.constant 0 : i32
    return %c0_i32, %arg1 : i32, i32
  }
  func.func @transform_2(%arg0: i32, %arg1: i32) -> (i32, i32) {
    %c0_i32 = arith.constant 0 : i32
    %c0_i32_0 = arith.constant 0 : i32
    return %c0_i32, %arg1 : i32, i32
  }
  func.func @transform_3(%arg0: i32, %arg1: i32) -> (i32, i32) {
    %c0_i32 = arith.constant 0 : i32
    return %arg0, %arg1 : i32, i32
  }
}

</mosaic_0001>

<sc_bundles>
// kernel: kernel.6.cloned.1.call-start
scs
__scs_entry_jumppad:
0x0: {  	(pc) =	sbr.rel $0x88, $3  }
0x1: {  	(tag) =	ssettag $0x0;
	lr =	simm.s32 $0x1  }
0x2: {  	[smem:$0x3F98] =	sst lr;
	_ =	strace $0xD0000000  }
0x3: {  	_ = 	snop  }
0x4: {  	_ = 	snop  }
0x5: {  	_ = 	snop  }
0x6: {  	_ = 	snop  }
0x7: {  	_ = 	snop  }
__scs_overlays_trampoline_lowered:
0x8: {  	[smem:$0x3FA7] =	sst s0  }
0x9: {  	[smem:$0x3FA8] =	sst s1  }
0xa: {  	[smem:$0x3FA9] =	sst s2  }
0xb: {  	[smem:$0x3FAA] =	sst s3  }
0xc: {  	[smem:$0x3FAB] =	sst s4  }
0xd: {  	[smem:$0x3FAC] =	sst s5  }
0xe: {  	[smem:$0x3FAD] =	sst s6  }
0xf: {  	[smem:$0x3FAE] =	sst s7  }
0x10: {  	[smem:$0x3FAF] =	sst s8  }
0x11: {  	[smem:$0x3FB0] =	sst s9;
	s0 =	simm.s32 @!p0 $0x0  }
0x12: {  	s1 =	sld [smem:$0x3F96];
	s0 =	simm.s32 @p0 $0x1  }
0x13: {  	[smem:$0x3FB1] =	sst s0;
	s0 =	simm.s32 @!p1 $0x0  }
0x14: {  	s2 =	sld [smem:$0x3F95];
	s0 =	simm.s32 @p1 $0x1  }
0x15: {  	[smem:$0x3FB2] =	sst s0;
	s0 =	simm.s32 @!p2 $0x0  }
0x16: {  	s3 =	sld [smem:$0x3FDB];
	s0 =	simm.s32 @p2 $0x1  }
0x17: {  	s4 =	simm.s32 $0x1BF5;
	[smem:$0x3FB4] =	sst s0  }
0x18: {  	s0 =	sld [smem:$0x3F97];
	_ =	swait.ge [sflag:s4], $0x0  }
0x19: {  	s7 =	sld [smem:$0x3F98]  }
0x1a: {  	s8 =	sadd.s32 $0xFFFFE003, lr  }
0x1b: {  	s9 =	sadd.s32 $0xFFFFFEF7, lr;
	s5 =	simm.s32 $0xFFFFFFFF;
	p2 =	slt.u32 s8, $0xFFFFF086  }
0x1c: {  	p1 =	slt.u32 s9, $0xF7A;
	s5 =	simm.s32 @!p2 $0x0  }
0x1d: {  	s5 =	simm.s32 @p1 $0x1;
	p0 =	seq.s32 s7, s2  }
0x1e: {  	s7 =	smul.u32 @!p0 $0xF7A, s2;
	p2 =	seq.s32 @!p0 s5, $0x0  }
0x1f: {  	s9 =	smul.u32 $0xF7A, s1;
	s8 =	simm.s32 @!p0 $0x1BF5;
	p2 =	por !p2, p0  }
0x20: {  	[sflag:s8] =	ssyncset.s32 @!p0 $0xFFFFF086;
	s6 =	sadd.s32 @!p0 s3, s7;
	s7 =	simm.s32 @!p0 $0x108  }
0x21: {  	s3 =	sadd.s32 s3, s9;
	s6 =	sadd.s32 @!p0 $0x88, s6;
	s7 =	simm.s32 @p2 $0x1082  }
0x22: {  	[simem:s7], [sflag:s8] =	dma.local @!p0 [hbm:s6], $0xF7A  }
0x23: {  	s9 =	sor.u32 $0xD0000000, s2;
	s6 =	simm.s32 $0x108;
	_ =	swait.ge @!p0 [sflag:s8], $0x0  }
0x24: {  	s3 =	sadd.s32 $0x88, s3;
	s6 =	simm.s32 @!p1 $0x1082;
	[sflag:s4] =	ssyncset.s32 $0xFFFFF086  }
0x25: {  	[simem:s6], [sflag:s4] =	dma.local [hbm:s3], $0xF7A  }
0x26: {  	[smem:$0x3F98] =	sst s1;
	(tag) =	ssettag s2;
	_ =	strace s9  }
0x27: {  	s1 =	sld [smem:$0x3FA8]  }
0x28: {  	s2 =	sld [smem:$0x3FA9]  }
0x29: {  	s4 =	sld [smem:$0x3FAB]  }
0x2a: {  	p0 =	seq.s32 s5, $0x0;
	s5 =	sld [smem:$0x3FAC]  }
0x2b: {  	s6 =	sld [smem:$0x3FAD]  }
0x2c: {  	s7 =	sld [smem:$0x3FAE]  }
0x2d: {  	s3 =	simm.s32 $0x108;
	s8 =	sld [smem:$0x3FAF]  }
0x2e: {  	s3 =	simm.s32 @!p0 $0x1082;
	s9 =	sld [smem:$0x3FB0]  }
0x2f: {  	lr =	sadd.s32 s0, s3;
	s0 =	sld [smem:$0x3FA7]  }
0x30: {  	s3 =	sld [smem:$0x3FAA]  }
0x31: {  	[smem:$0x3FB3] =	sst s10  }
0x32: {  	s10 =	sld [smem:$0x3FB1];
	_ =	sdelay $0x3  }
0x33: {  	p0 =	seq.s32 s10, $0x1;
	s10 =	sld [smem:$0x3FB3];
	_ =	sdelay $0x3  }
0x34: {  	[smem:$0x3FB3] =	sst s10  }
0x35: {  	s10 =	sld [smem:$0x3FB2];
	_ =	sdelay $0x3  }
0x36: {  	p1 =	seq.s32 s10, $0x1;
	s10 =	sld [smem:$0x3FB3];
	_ =	sdelay $0x3  }
0x37: {  	[smem:$0x3FB3] =	sst s10  }
0x38: {  	s10 =	sld [smem:$0x3FB4]  }
0x39: {  	_ = 	snop;
	(pc) =	sbr.ind lr, $3  }
0x3a: {  	_ = 	snop  }
0x3b: {  	_ = 	snop  }
0x3c: {  	p2 =	seq.s32 s10, $0x1;
	s10 =	sld [smem:$0x3FB3]  }
0x3d: {  	_ =	shalt  }
0x3e: {  	_ =	shalt  }
0x3f: {  	_ =	shalt  }
0x40: {  	_ =	shalt  }
0x41: {  	_ =	shalt  }
0x42: {  	_ =	shalt  }
0x43: {  	_ =	shalt  }
0x44: {  	_ =	shalt  }
0x45: {  	_ =	shalt  }
0x46: {  	_ =	shalt  }
0x47: {  	_ =	shalt  }
0x48: {  	_ =	shalt  }
0x49: {  	_ =	shalt  }
0x4a: {  	_ =	shalt  }
0x4b: {  	_ =	shalt  }
0x4c: {  	_ =	shalt  }
0x4d: {  	_ =	shalt  }
0x4e: {  	_ =	shalt  }
0x4f: {  	_ =	shalt  }
0x50: {  	_ =	shalt  }
0x51: {  	_ =	shalt  }
0x52: {  	_ =	shalt  }
0x53: {  	_ =	shalt  }
0x54: {  	_ =	shalt  }
0x55: {  	_ =	shalt  }
0x56: {  	_ =	shalt  }
0x57: {  	_ =	shalt  }
0x58: {  	_ =	shalt  }
0x59: {  	_ =	shalt  }
0x5a: {  	_ =	shalt  }
0x5b: {  	_ =	shalt  }
0x5c: {  	_ =	shalt  }
0x5d: {  	_ =	shalt  }
0x5e: {  	_ =	shalt  }
0x5f: {  	_ =	shalt  }
0x60: {  	_ =	shalt  }
0x61: {  	_ =	shalt  }
0x62: {  	_ =	shalt  }
0x63: {  	_ =	shalt  }
0x64: {  	_ =	shalt  }
0x65: {  	_ =	shalt  }
0x66: {  	_ =	shalt  }
0x67: {  	_ =	shalt  }
0x68: {  	_ =	shalt  }
0x69: {  	_ =	shalt  }
0x6a: {  	_ =	shalt  }
0x6b: {  	_ =	shalt  }
0x6c: {  	_ =	shalt  }
0x6d: {  	_ =	shalt  }
0x6e: {  	_ =	shalt  }
0x6f: {  	_ =	shalt  }
0x70: {  	_ =	shalt  }
0x71: {  	_ =	shalt  }
0x72: {  	_ =	shalt  }
0x73: {  	_ =	shalt  }
0x74: {  	_ =	shalt  }
0x75: {  	_ =	shalt  }
0x76: {  	_ =	shalt  }
0x77: {  	_ =	shalt  }
0x78: {  	_ =	shalt  }
0x79: {  	_ =	shalt  }
0x7a: {  	_ =	shalt  }
0x7b: {  	_ =	shalt  }
0x7c: {  	_ =	shalt  }
0x7d: {  	_ =	shalt  }
0x7e: {  	_ =	shalt  }
0x7f: {  	_ =	shalt  }
0x80: {  	_ =	shalt  }
0x81: {  	_ =	shalt  }
0x82: {  	_ =	shalt  }
0x83: {  	_ =	shalt  }
0x84: {  	_ =	shalt  }
0x85: {  	_ =	shalt  }
0x86: {  	_ =	shalt  }
0x87: {  	_ =	shalt  }
.Lfunc_end0:
.L_simem_size_0:
called_computation.1_lowered:
.L_overlay_start_0:
0x88: {  	s2 =	sld [smem:$0x3FD9]  }
0x89: {  	s3 =	sld [smem:$0x3FFE];
	_ =	sdelay $0x1  }
0x8a: {  	s1 =	srdreg.scid  }
0x8b: {  	s0 =	sand.u32 $0x1, s1  }
0x8c: {  	s17 =	sshll.u32 s0, $0xA;
	s2 =	sadd.s32 s3, s2  }
0x8d: {  	s2 =	sadd.s32 s2, s17  }
0x8e: {  	[smem:$0x3FBF] =	sst s2  }
0x8f: {  	_ = 	snop  }
0x90: {  	s2 =	sld [smem:$0x3FD0];
	(tm) =	ssettm $0x1  }
0x91: {  	s18 =	sld [smem:$0x3FFB];
	_ =	sdelay $0x3  }
0x92: {  	_ =	strace s18  }
0x93: {  	s3 =	sld [smem:$0x3FFC];
	_ =	sdelay $0x3  }
0x94: {  	_ =	strace s3  }
0x95: {  	s3 =	sld [smem:$0x3FFD];
	_ =	sdelay $0x3  }
0x96: {  	_ =	strace s3  }
0x97: {  	_ =	strace $0x8FFFFFFF  }
0x98: {  	s19 =	sld [smem:$0x3FDB];
	_ =	sdelay $0x1  }
0x99: {  	s4 =	simm.s32 $_scs_section_size  }
0x9a: {  	s5 =	simm.s32 $_size__tile_overlayer_lowered;
	s6 =	simm.s32 $_tile_overlayer_lowered  }
0x9b: {  	s22 =	simm.s32 $0x1BFF;
	s21 =	sshll.u32 s6, $0x1;
	s3 =	sadd.s32 s4, s19  }
0x9c: {  	s7 =	simm.s32 $0x0;
	s20 =	sshll.u32 s5, $0x1;
	s5 =	sadd.s32 s21, s3  }
0x9d: {  	[timem:s7], [sflag:s22] =	dma.local [hbm:s5], s20  }
0x9e: {  	_ =	swait.ge [sflag:s22], s20  }
0x9f: {  	s4 =	ssub.s32 $0x0, s20;
	[sflag:s22] =	ssyncset.done $0x0  }
0xa0: {  	[sflag:s22] =	ssyncadd.s32 s4;
	_ =	sdelay $0x1  }
0xa1: {  	s23 =	simm.s32 $0x1B8B  }
0xa2: {  	_ =	swait.ge [sflag:s23], $0x1  }
0xa3: {  	[sflag:s23] =	ssyncset.done $0x0  }
0xa4: {  	s25 =	simm.s32 $0x1B8E;
	s24 =	sld [smem:$0x3FFE];
	[sflag:s23] =	ssyncadd.s32 $0xFFFFFFFF  }
0xa5: {  	s26 =	simm.s32 $execute0_lowered;
	[smem:$0x3FD2] =	sst s25  }
0xa6: {  	s5 =	sshll.u32 s26, $0x1;
	_ =	strace $0x80000049;
	[dreg:$0x1] =	wrdreg $0xFFFFFFFF  }
0xa7: {  	s28 =	simm.s32 $_size_execute0_lowered;
	s3 =	sadd.s32 s3, s5;
	[dreg:$0x0] =	wrdreg $0x0  }
0xa8: {  	s5 =	sshll.u32 s28, $0x1;
	[dreg:$0x2] =	wrdreg s3  }
0xa9: {  	[dreg:$0x3] =	wrdreg s5  }
0xaa: {  	[dreg:$0x4] =	wrdreg $0xC0  }
0xab: {  	_ =	task [dreg:s7], $0x5FFFF  }
0xac: {  	[dreg:$0x1] =	wrdreg $0xFFFFFFFF  }
0xad: {  	[dreg:$0x0] =	wrdreg $0x60  }
0xae: {  	[dreg:$0x2] =	wrdreg s24  }
0xaf: {  	[dreg:$0x3] =	wrdreg s2  }
0xb0: {  	[dreg:$0x4] =	wrdreg $0x9  }
0xb1: {  	_ =	task.clear_ibuf [dreg:s7], $0x5FFFF;
	_ =	strace $0x90000049  }
0xb2: {  	s29 =	simm.s32 $0x9;
	_ =	strace $0x8000004B  }
0xb3: {  	_ =	swait.ge [sflag:s29], $0x1  }
0xb4: {  	[sflag:s29] =	ssyncadd.s32 $0xFFFFFFFF  }
0xb5: {  	_ =	strace $0x9000004B  }
0xb6: {  	_ =	sfence  }
0xb7: {  	s30 =	sld [smem:$0x0];
	_ =	sdelay $0x2  }
0xb8: {  	s31 =	sshll.u32 s1, $0xD;
	s1 =	sshrl.u32 s1, $0x2  }
0xb9: {  	s3 =	sand.u32 $0x4000, s31;
	s1 =	sadd.s32 s1, s30  }
0xba: {  	s0 =	sor.u32 s3, s0;
	s1 =	sshll.u32 s1, $0x11  }
0xbb: {  	s0 =	sor.u32 s1, s0  }
0xbc: {  	s0 =	sadd.s32 $0x8F2B, s0  }
0xbd: {  	[sflag:s0] =	ssyncadd.remote.s32 $0x1  }
0xbe: {  	_ =	sfence.sel $0xFFFF  }
0xbf: {  	[dreg:$0x0] =	wrdreg $0xFFFFFFFF;
	(pc) =	sbr.abs _section_cstart, $3  }
0xc0: {  	[dreg:$0x1] =	wrdreg $0xFFFFFFFF  }
0xc1: {  	_ =	task.clear_ibuf [dreg:s7], $0x2FFFF;
	_ =	strace $0x9FFFFFFF  }
0xc2: {  	(tm) =	ssettm $0x7FFFFFFF  }
0xc3: {  	_ =	shalt  }
tec
execute0_lowered:
.L_overlay_start_1:
0x0: {  	(tag) =	ssettag $0x1  }
0x1: {  	s1 =	srdreg.scid  }
0x2: {  	s0 =	stileid.u32;
	s6 =	rddreg [dreg:$0x0]  }
0x3: {  	s2 =	rddreg [dreg:$0x1];
	s3 =	simm.s32 $0x0;
	s4 =	simm.s32 $0x1  }
0x4: {  	s13 =	simm.s32 $0x10;
	s14 =	simm.s32 $0xC800;
	s15 =	simm.s32 $0xC000  }
0x5: {  	s16 =	simm.s32 $0xC810;
	s17 =	simm.s32 $0xC400;
	s18 =	simm.s32 $0x3  }
0x6: {  	s19 =	simm.s32 $0xC820;
	s20 =	simm.s32 $0x4;
	s21 =	simm.s32 $0x5  }
0x7: {  	s22 =	simm.s32 $0x2;
	s5 =	sand.u32 $0x1, s1;
	s1 =	rddreg [dreg:$0x2]  }
0x8: {  	v0 =	vlaneseq.u32;
	s23 =	simm.s32 $0x0;
	s29 =	sshll.u32 s0, $0x1;
	[smem:$0x7FF] =	sst s3  }
0x9: {  	vm0 =	vmmov $0xff;
	v6 =	vimm.s32 $0x1;
	v8 =	vimm.s32 $0x7;
	s7 =	sor.u32 s5, s29;
	p1 =	seq.s32 s5, $0x1;
	_ =	strace $0x8000004A  }
0xa: {  	v9 =	vimm.s32 $0x0;
	v10 =	vimm.s32 $0x2;
	v11 =	vimm.s32 $0x3;
	s9 =	ssub.s32 $0x2, s5;
	s5 =	sadd.s32 $0x3A00, s6;
	p0 =	seq.s32 s7, $0x0  }
0xb: {  	v12 =	vimm.s32 $0x4;
	v13 =	vimm.s32 $0x5;
	v14 =	vimm.s32 $0x6;
	s30 =	sshrl.u32 s9, $0x1;
	s10 =	smul.u32 $0x60000, s7;
	p0 =	por !p0, !p1  }
0xc: {  	v15 =	vimm.s32 $0x8;
	v16 =	vimm.s32 $0x9;
	v17 =	vimm.s32 $0xA;
	s31 =	sshll.u32 s7, $0xD;
	s12 =	sshll.u32 s7, $0xA;
	p0 =	por !p0, !p0  }
0xd: {  	v18 =	vimm.s32 $0xB;
	v19 =	vimm.s32 $0xC;
	v20 =	vimm.s32 $0xD;
	s11 =	ssub.s32 s9, s30;
	s9 =	sor.u32 $0x10, s12;
	s4 =	simm.s32 @!p0 $0x0  }
0xe: {  	v21 =	vimm.s32 $0xE;
	v22 =	vimm.s32 $0xF;
	v2 =	vor.u32 $0x10, v0;
	s8 =	ssub.s32 s0, s4;
	s4 =	sadd.s32 $0xE03E00, s6;
	s6 =	simm.s32 $0x1  }
0xf: {  	v3 =	vor.u32 $0x20, v0;
	v4 =	vor.u32 $0x30, v0;
	v7 =	vshrl.u32 v0, $0x3;
	s8 =	sshll.u32 s8, $0xB;
	s7 =	sadd.s32 s4, s10;
	s10 =	smax.u32 s11, $0x1  }
0x10: {  	v5 =	vand.u32 $0x7, v0;
	v7 =	vmul.u32 $0x40, v7;
	s11 =	sor.u32 $0x8, s12;
	s12 =	simm.s32 $0x6000;
	v1 =	vmov s8;
	s8 =	sadd.s32 s5, s31  }
.LBB2_1:
0x11: {  	[tilespmem:s3], [sflag:$0x1] =	stream.linear.gather [hbm4b:s7+s3], $0x6000, $0x38;
	[tilespmem:$0xCA20] =	vst v63  }
0x12: {  	s25 =	simm.s32 $0x0  }
.LBB2_2:
0x13: {  	s26 =	sshll.u32 s25, $0x4  }
0x14: {  	s24 =	sor.u32 s11, s26  }
0x15: {  	_ =	swait.ge [sflag:s6], $0x6000;
	s28 =	smul.u32 $0x180, s24  }
0x16: {  	[sflag:s6] =	ssyncset.done $0x0  }
0x17: {  	[sflag:s6] =	ssyncadd.s32 $0xFFFFA000;
	s29 =	sadd.s32 s4, s28;
	s28 =	simm.s32 $0x0  }
0x18: {  	[tilespmem:s12], [sflag:$0x2] =	stream.linear.gather [hbm4b:s29+s28], $0x6000, $0x38;
	[tilespmem:$0xCA20] =	vst v63  }
0x19: {  	s29 =	simm.s32 $0x0  }
.LBB2_3:
0x1a: {  	s30 =	sadd.s32 $0xB80, s29  }
0x1b: {  	s31 =	sadd.s32 $0xB90, s29;
	v23 =	vor.u32 s30, v0  }
0x1c: {  	v24 =	vor.u32 s31, v0;
	s31 =	sadd.s32 $0xBA0, s29  }
0x1d: {  	v25 =	vor.u32 s31, v0;
	s31 =	sadd.s32 $0xBB0, s29  }
0x1e: {  	v26 =	vor.u32 s31, v0;
	_ =	sdelay $0x1  }
0x1f: {  	v23 =	vld.idx.msk [tilespmem:v23+s3+$0x0], $0xffff  }
0x20: {  	v24 =	vld.idx.msk [tilespmem:v24+s3+$0x0], $0xffff  }
0x21: {  	v25 =	vld.idx.msk [tilespmem:v25+s3+$0x0], $0xffff  }
0x22: {  	v26 =	vld.idx.msk [tilespmem:v26+s3+$0x0], $0xffff;
	_ =	sdelay $0x1  }
0x23: {  	(xrf1) =	vsort.dscd.msk.f32 $0xffff, v23, v0  }
0x24: {  	(xrf1) =	vsort.dscd.msk.f32 $0xffff, v24, v2  }
0x25: {  	(xrf1) =	vsort.dscd.msk.f32 $0xffff, v25, v3  }
0x26: {  	(xrf1) =	vsort.dscd.msk.f32 $0xffff, v26, v4;
	_ =	sdelay $0xa  }
0x27: {  	v23, v61, _ =	vpop (xrf1)  }
0x28: {  	v62, v63, _ =	vpop (xrf1)  }
0x29: {  	v27, v28, _ =	vpop (xrf1)  }
0x2a: {  	v25 =	vperm.xlane v62, v5;
	v26 =	vperm.xlane v63, v5;
	v29, v30, _ =	vpop (xrf1)  }
0x2b: {  	v29 =	vperm.xlane v29, v5;
	v30 =	vperm.xlane v30, v5  }
0x2c: {  	v23 =	vsel vm0, v23, v25;
	v24 =	vsel vm0, v61, v26  }
0x2d: {  	(xrf1) =	vsort.dscd.msk.f32 $0xffff, v23, v24;
	v23 =	vsel vm0, v27, v29;
	v33 =	vsel vm0, v28, v30  }
0x2e: {  	(xrf1) =	vsort.dscd.msk.f32 $0xffff, v23, v33;
	_ =	sdelay $0xc  }
0x2f: {  	v23, v24, _ =	vpop (xrf1)  }
0x30: {  	v34, v35, _ =	vpop (xrf1)  }
0x31: {  	v25 =	vperm.xlane v34, v5;
	v26 =	vperm.xlane v35, v5;
	_ =	sdelay $0x1  }
0x32: {  	v23 =	vsel vm0, v23, v25;
	v24 =	vsel vm0, v24, v26  }
0x33: {  	(xrf1) =	vsort.dscd.msk.f32 $0xffff, v23, v24;
	_ =	sdelay $0xd  }
0x34: {  	_, v23, _ =	vpop (xrf1)  }
0x35: {  	v36 =	vshll.u32 v23, $0x1  }
0x36: {  	v23 =	vand.u32 $0x3F, v23;
	v24 =	vand.u32 $0xFFFFFF80, v36  }
0x37: {  	v23 =	vor.u32 v23, v24  }
0x38: {  	v23 =	vperm.xlane v23, v5;
	_ =	sdelay $0x1  }
0x39: {  	s31 =	sadd.s32 $0xB00, s29;
	v37 =	vadd.s32 v7, v23  }
0x3a: {  	v38 =	vadd.s32 s31, v37  }
0x3b: {  	v23 =	vand.u32 $0x7, v23;
	v25 =	vand.u32 $0xFFFFFFF8, v38  }
0x3c: {  	v23 =	vor.u32 v23, v25;
	_ =	sdelay $0x4  }
0x3d: {  	v23 =	vld.idx.msk [tilespmem:v23+s3+$0x0], $0xffff;
	_ =	sdelay $0x4  }
0x3e: {  	(xrf1) =	vsort.dscd.msk.f32 $0xffff, v23, v37;
	_ =	sdelay $0xd  }
0x3f: {  	_, v23, _ =	vpop (xrf1)  }
0x40: {  	v39 =	vshll.u32 v23, $0x1  }
0x41: {  	v23 =	vand.u32 $0x3F, v23;
	v24 =	vand.u32 $0xFFFFFF80, v39  }
0x42: {  	v23 =	vor.u32 v23, v24  }
0x43: {  	v23 =	vperm.xlane v23, v5;
	_ =	sdelay $0x1  }
0x44: {  	s31 =	sadd.s32 $0xA00, s29;
	v40 =	vadd.s32 v7, v23  }
0x45: {  	v41 =	vadd.s32 s31, v40  }
0x46: {  	v23 =	vand.u32 $0x7, v23;
	v25 =	vand.u32 $0xFFFFFFF8, v41  }
0x47: {  	v23 =	vor.u32 v23, v25;
	_ =	sdelay $0x4  }
0x48: {  	v23 =	vld.idx.msk [tilespmem:v23+s3+$0x0], $0xffff;
	_ =	sdelay $0x4  }
0x49: {  	(xrf1) =	vsort.dscd.msk.f32 $0xffff, v23, v40;
	_ =	sdelay $0xd  }
0x4a: {  	_, v23, _ =	vpop (xrf1)  }
0x4b: {  	v42 =	vshll.u32 v23, $0x1  }
0x4c: {  	v23 =	vand.u32 $0x3F, v23;
	v24 =	vand.u32 $0xFFFFFF80, v42  }
0x4d: {  	v23 =	vor.u32 v23, v24  }
0x4e: {  	v23 =	vperm.xlane v23, v5;
	_ =	sdelay $0x1  }
0x4f: {  	s31 =	sadd.s32 $0x800, s29;
	v43 =	vadd.s32 v7, v23  }
0x50: {  	v44 =	vadd.s32 s31, v43  }
0x51: {  	v23 =	vand.u32 $0x7, v23;
	v25 =	vand.u32 $0xFFFFFFF8, v44  }
0x52: {  	v23 =	vor.u32 v23, v25;
	_ =	sdelay $0x4  }
0x53: {  	v23 =	vld.idx.msk [tilespmem:v23+s3+$0x0], $0xffff;
	_ =	sdelay $0x4  }
0x54: {  	(xrf1) =	vsort.dscd.msk.f32 $0xffff, v23, v43;
	_ =	sdelay $0xd  }
0x55: {  	_, v23, _ =	vpop (xrf1)  }
0x56: {  	v45 =	vshll.u32 v23, $0x1  }
0x57: {  	v23 =	vand.u32 $0x3F, v23;
	v24 =	vand.u32 $0xFFFFFF80, v45  }
0x58: {  	v23 =	vor.u32 v23, v24  }
0x59: {  	v23 =	vperm.xlane v23, v5;
	_ =	sdelay $0x1  }
0x5a: {  	v46 =	vadd.s32 v7, v23  }
0x5b: {  	v47 =	vadd.s32 s29, v46  }
0x5c: {  	v23 =	vand.u32 $0x7, v23;
	v25 =	vand.u32 $0xFFFFFFF8, v47  }
0x5d: {  	v23 =	vor.u32 v23, v25;
	_ =	sdelay $0x4  }
0x5e: {  	v23 =	vld.idx.msk [tilespmem:v23+s3+$0x0], $0xffff;
	_ =	sdelay $0x4  }
0x5f: {  	(xrf1) =	vsort.dscd.msk.f32 $0xffff, v23, v46;
	_ =	sdelay $0xd  }
0x60: {  	s31 =	sadd.s32 $0x400, s29;
	v23, v24, _ =	vpop (xrf1)  }
0x61: {  	v48 =	vadd.s32 s31, v24;
	v49 =	vperm.xlane v24, v5  }
0x62: {  	s31 =	sadd.s32 $0x1780, s29  }
0x63: {  	v50 =	vor.u32 s31, v0;
	s31 =	sadd.s32 $0x1790, s29;
	v26 =	vadd.s32 $0x400, v49  }
0x64: {  	v51 =	vor.u32 s31, v0;
	s31 =	sadd.s32 $0x17A0, s29;
	v24 =	vsel vm0, v24, v26  }
0x65: {  	v52 =	vor.u32 s31, v0;
	s31 =	sadd.s32 $0x17B0, s29;
	v24 =	vadd.s32 v1, v24  }
0x66: {  	v53 =	vor.u32 s31, v0;
	v25 =	vld.idx.msk [tilespmem:v48+s3+$0x0], $0xffff;
	[tilespmem:$0xC800] =	vst v24  }
0x67: {  	[tilespmem:s15], [sflag:$0x3] =	stream.indirect.gather [hbm4b:s2+s13], $0x40, s14, s13, $0xb8;
	[tilespmem:$0xCA20] =	vst v63  }
0x68: {  	v27 =	vld.idx.msk [tilespmem:v50+s3+$0x0], $0xffff  }
0x69: {  	v26 =	vld.idx.msk [tilespmem:v51+s3+$0x0], $0xffff  }
0x6a: {  	v28 =	vld.idx.msk [tilespmem:v52+s3+$0x0], $0xffff  }
0x6b: {  	v24 =	vld.idx.msk [tilespmem:v53+s3+$0x0], $0xffff;
	_ =	sdelay $0x1  }
0x6c: {  	(xrf1) =	vsort.dscd.msk.f32 $0xffff, v27, v0  }
0x6d: {  	(xrf1) =	vsort.dscd.msk.f32 $0xffff, v26, v2  }
0x6e: {  	(xrf1) =	vsort.dscd.msk.f32 $0xffff, v28, v3  }
0x6f: {  	(xrf1) =	vsort.dscd.msk.f32 $0xffff, v24, v4;
	_ =	sdelay $0xa  }
0x70: {  	v55, v54, _ =	vpop (xrf1)  }
0x71: {  	v56, v57, _ =	vpop (xrf1)  }
0x72: {  	v58, v59, _ =	vpop (xrf1)  }
0x73: {  	v27 =	vperm.xlane v56, v5;
	v28 =	vperm.xlane v57, v5;
	v31, v32, _ =	vpop (xrf1)  }
0x74: {  	v31 =	vperm.xlane v31, v5;
	v32 =	vperm.xlane v32, v5  }
0x75: {  	v24 =	vsel vm0, v55, v27;
	v26 =	vsel vm0, v54, v28  }
0x76: {  	(xrf1) =	vsort.dscd.msk.f32 $0xffff, v24, v26;
	v60 =	vsel vm0, v58, v31;
	v61 =	vsel vm0, v59, v32  }
0x77: {  	(xrf1) =	vsort.dscd.msk.f32 $0xffff, v60, v61;
	_ =	sdelay $0xc  }
0x78: {  	v24, v26, _ =	vpop (xrf1)  }
0x79: {  	v62, v63, _ =	vpop (xrf1)  }
0x7a: {  	v27 =	vperm.xlane v62, v5;
	v28 =	vperm.xlane v63, v5;
	_ =	sdelay $0x1  }
0x7b: {  	v24 =	vsel vm0, v24, v27;
	v26 =	vsel vm0, v26, v28  }
0x7c: {  	(xrf1) =	vsort.dscd.msk.f32 $0xffff, v24, v26;
	_ =	sdelay $0xd  }
0x7d: {  	_, v24, _ =	vpop (xrf1)  }
0x7e: {  	v31 =	vshll.u32 v24, $0x1  }
0x7f: {  	v24 =	vand.u32 $0x3F, v24;
	v26 =	vand.u32 $0xFFFFFF80, v31  }
0x80: {  	v24 =	vor.u32 v24, v26  }
0x81: {  	v24 =	vperm.xlane v24, v5;
	_ =	sdelay $0x1  }
0x82: {  	s31 =	sadd.s32 $0x1700, s29;
	v32 =	vadd.s32 v7, v24  }
0x83: {  	v33 =	vadd.s32 s31, v32  }
0x84: {  	v24 =	vand.u32 $0x7, v24;
	v27 =	vand.u32 $0xFFFFFFF8, v33  }
0x85: {  	v24 =	vor.u32 v24, v27;
	_ =	sdelay $0x4  }
0x86: {  	v24 =	vld.idx.msk [tilespmem:v24+s3+$0x0], $0xffff;
	_ =	sdelay $0x4  }
0x87: {  	(xrf1) =	vsort.dscd.msk.f32 $0xffff, v24, v32;
	_ =	sdelay $0xd  }
0x88: {  	_, v24, _ =	vpop (xrf1)  }
0x89: {  	v34 =	vshll.u32 v24, $0x1  }
0x8a: {  	v24 =	vand.u32 $0x3F, v24;
	v26 =	vand.u32 $0xFFFFFF80, v34  }
0x8b: {  	v24 =	vor.u32 v24, v26  }
0x8c: {  	v24 =	vperm.xlane v24, v5;
	_ =	sdelay $0x1  }
0x8d: {  	s31 =	sadd.s32 $0x1600, s29;
	v35 =	vadd.s32 v7, v24  }
0x8e: {  	v36 =	vadd.s32 s31, v35  }
0x8f: {  	v24 =	vand.u32 $0x7, v24;
	v27 =	vand.u32 $0xFFFFFFF8, v36  }
0x90: {  	v24 =	vor.u32 v24, v27;
	_ =	sdelay $0x4  }
0x91: {  	v24 =	vld.idx.msk [tilespmem:v24+s3+$0x0], $0xffff;
	_ =	sdelay $0x4  }
0x92: {  	(xrf1) =	vsort.dscd.msk.f32 $0xffff, v24, v35;
	_ =	sdelay $0xd  }
0x93: {  	_, v24, _ =	vpop (xrf1)  }
0x94: {  	v37 =	vshll.u32 v24, $0x1  }
0x95: {  	v24 =	vand.u32 $0x3F, v24;
	v26 =	vand.u32 $0xFFFFFF80, v37  }
0x96: {  	v24 =	vor.u32 v24, v26  }
0x97: {  	v24 =	vperm.xlane v24, v5;
	_ =	sdelay $0x1  }
0x98: {  	s31 =	sadd.s32 $0x1400, s29;
	v38 =	vadd.s32 v7, v24  }
0x99: {  	v39 =	vadd.s32 s31, v38  }
0x9a: {  	v24 =	vand.u32 $0x7, v24;
	v27 =	vand.u32 $0xFFFFFFF8, v39  }
0x9b: {  	v24 =	vor.u32 v24, v27;
	_ =	sdelay $0x4  }
0x9c: {  	v24 =	vld.idx.msk [tilespmem:v24+s3+$0x0], $0xffff;
	_ =	sdelay $0x4  }
0x9d: {  	(xrf1) =	vsort.dscd.msk.f32 $0xffff, v24, v38;
	_ =	sdelay $0xd  }
0x9e: {  	_, v24, _ =	vpop (xrf1)  }
0x9f: {  	v40 =	vshll.u32 v24, $0x1  }
0xa0: {  	v24 =	vand.u32 $0x3F, v24;
	v26 =	vand.u32 $0xFFFFFF80, v40  }
0xa1: {  	v24 =	vor.u32 v24, v26  }
0xa2: {  	v24 =	vperm.xlane v24, v5;
	_ =	sdelay $0x1  }
0xa3: {  	s31 =	sadd.s32 $0xC00, s29;
	v41 =	vadd.s32 v7, v24  }
0xa4: {  	v42 =	vadd.s32 s31, v41  }
0xa5: {  	v24 =	vand.u32 $0x7, v24;
	v27 =	vand.u32 $0xFFFFFFF8, v42  }
0xa6: {  	v24 =	vor.u32 v24, v27;
	_ =	sdelay $0x4  }
0xa7: {  	v24 =	vld.idx.msk [tilespmem:v24+s3+$0x0], $0xffff;
	_ =	sdelay $0x4  }
0xa8: {  	(xrf1) =	vsort.dscd.msk.f32 $0xffff, v24, v41  }
0xa9: {  	v43 =	vperm.xlane v25, v5;
	_ =	sdelay $0x1  }
0xaa: {  	v23 =	vsel vm0, v23, v43  }
0xab: {  	v23 =	vmul.f32 $1.250000000e-01, v23;
	_ =	sdelay $0x1  }
0xac: {  	(xrf0) =	vmax.scan.msk.f32 $0xffff, v23;
	_ =	sdelay $0x5  }
0xad: {  	v44, _, _ =	vpop (xrf0)  }
0xae: {  	v24 =	vbroadcast v44, $0xF  }
0xaf: {  	s31 =	sadd.s32 $0x1000, s29;
	v45, v26, _ =	vpop (xrf1)  }
0xb0: {  	v23 =	vsub.f32 v23, v24;
	v46 =	vadd.s32 s31, v26;
	_ =	sdelay $0x1  }
0xb1: {  	v23 =	vmul.f32 $1.442695020e+00, v23;
	_ =	sdelay $0x1  }
0xb2: {  	(erf) = vpow2.f32 v23  }
0xb3: {  	v23 =	vld.idx.msk [tilespmem:v46+s3+$0x0], $0xffff;
	_ =	sdelay $0x4  }
0xb4: {  	v23 =	vperm.xlane v23, v5;
	_ =	sdelay $0x1  }
0xb5: {  	v23 =	vsel vm0, v45, v23  }
0xb6: {  	v47 =	vpop (erf);
	v23 =	vmul.f32 $1.250000000e-01, v23  }
0xb7: {  	(xrf2) =	vadd.scan.msk.f32 $0xffff, v47  }
0xb8: {  	(xrf0) =	vmax.scan.msk.f32 $0xffff, v23;
	_ =	sdelay $0x5  }
0xb9: {  	v48, _, _ =	vpop (xrf0)  }
0xba: {  	v24 =	vbroadcast v48, $0xF;
	_ =	sdelay $0x1  }
0xbb: {  	v49, _, _ =	vpop (xrf2);
	v23 =	vsub.f32 v23, v24  }
0xbc: {  	v50 =	vbroadcast v49, $0xF  }
0xbd: {  	v23 =	vmul.f32 $1.442695020e+00, v23  }
0xbe: {  	(erf) = vrcp.f32 v50  }
0xbf: {  	(erf) = vpow2.f32 v23;
	_ =	sdelay $0x7  }
0xc0: {  	v51 =	vpop (erf)  }
0xc1: {  	v23 =	vpop (erf)  }
0xc2: {  	(xrf2) =	vadd.scan.msk.f32 $0xffff, v23;
	_ =	sdelay $0x9  }
0xc3: {  	v52, _, _ =	vpop (xrf2)  }
0xc4: {  	v24 =	vbroadcast v52, $0xF;
	_ =	sdelay $0x1  }
0xc5: {  	(erf) = vrcp.f32 v24;
	_ =	sdelay $0x1  }
0xc6: {  	v53 =	vperm.xlane v26, v5;
	_ =	sdelay $0x1  }
0xc7: {  	v24 =	vadd.s32 $0x400, v53  }
0xc8: {  	v24 =	vsel vm0, v26, v24  }
0xc9: {  	v24 =	vadd.s32 v1, v24;
	_ =	sdelay $0x1  }
0xca: {  	[tilespmem:$0xC810] =	vst v24  }
0xcb: {  	[tilespmem:s17], [sflag:$0x4] =	stream.indirect.gather [hbm4b:s2+s13], $0x40, s16, s13, $0xb8;
	v24 =	vpop (erf);
	[tilespmem:$0xCA20] =	vst v63  }
0xcc: {  	_ =	swait.ge [sflag:s18], $0x400  }
0xcd: {  	[sflag:s18] =	ssyncset.done $0x0  }
0xce: {  	[sflag:s18] =	ssyncadd.s32 $0xFFFFFC00  }
0xcf: {  	v54 =	vld [tilespmem:$0xC000]  }
0xd0: {  	v55 =	vld [tilespmem:$0xC010]  }
0xd1: {  	v56 =	vld [tilespmem:$0xC020]  }
0xd2: {  	v57 =	vld [tilespmem:$0xC030]  }
0xd3: {  	v58 =	vld [tilespmem:$0xC040]  }
0xd4: {  	v59 =	vld [tilespmem:$0xC050]  }
0xd5: {  	v33 =	vld [tilespmem:$0xC060]  }
0xd6: {  	v34 =	vld [tilespmem:$0xC070]  }
0xd7: {  	v35 =	vld [tilespmem:$0xC080]  }
0xd8: {  	v36 =	vld [tilespmem:$0xC090]  }
0xd9: {  	v25 =	vmul.f32 v51, v47;
	v60 =	vld [tilespmem:$0xC0A0]  }
0xda: {  	v37 =	vld [tilespmem:$0xC0B0]  }
0xdb: {  	v38 =	vshrl.u32 v25, $0x10;
	v39 =	vld [tilespmem:$0xC0C0]  }
0xdc: {  	v38 =	vand.u32 $0x1, v38;
	v40 =	vld [tilespmem:$0xC0D0]  }
0xdd: {  	v25 =	vadd.s32 v38, v25;
	v61 =	vld [tilespmem:$0xC0E0]  }
0xde: {  	v25 =	vadd.s32 $0x7FFF, v25;
	v41 =	vld [tilespmem:$0xC0F0]  }
0xdf: {  	v25 =	vand.u32 $0xFFFF0000, v25;
	v42 =	vld [tilespmem:$0xC100]  }
0xe0: {  	v43 =	vperm.xlane v25, v9;
	v44 =	vld [tilespmem:$0xC110]  }
0xe1: {  	v47 =	vperm.xlane v25, v6;
	v45 =	vld [tilespmem:$0xC120]  }
0xe2: {  	v63 =	vperm.xlane v25, v10;
	v46 =	vld [tilespmem:$0xC130];
	v26 =	vmul.f32 v54, v43  }
0xe3: {  	v48 =	vld [tilespmem:$0xC140];
	v28 =	vmul.f32 v55, v43;
	v29 =	vmul.f32 v56, v43  }
0xe4: {  	v49 =	vld [tilespmem:$0xC150];
	v31 =	vmul.f32 v58, v47;
	v30 =	vmul.f32 v57, v43  }
0xe5: {  	v50 =	vld [tilespmem:$0xC160];
	v32 =	vmul.f32 v59, v47;
	v62 =	vmul.f32 v33, v47  }
0xe6: {  	v51 =	vld [tilespmem:$0xC180];
	v53 =	vmul.f32 v34, v47;
	v54 =	vmul.f32 v35, v63  }
0xe7: {  	v38 =	vld [tilespmem:$0xC250];
	v55 =	vmul.f32 v36, v63;
	v56 =	vperm.xlane v25, v11  }
0xe8: {  	v43 =	vld [tilespmem:$0xC170];
	v27 =	vmul.f32 v60, v63;
	v57 =	vmul.f32 v37, v63;
	v26 =	vadd.f32 $0.0e+00, v26  }
0xe9: {  	v34 =	vld [tilespmem:$0xC190];
	v28 =	vadd.f32 $0.0e+00, v28;
	v29 =	vadd.f32 $0.0e+00, v29;
	v58 =	vmul.f32 v39, v56  }
0xea: {  	v36 =	vld [tilespmem:$0xC1A0];
	v30 =	vadd.f32 $0.0e+00, v30;
	v60 =	vmul.f32 v61, v56;
	v61 =	vperm.xlane v25, v12  }
0xeb: {  	v47 =	vld [tilespmem:$0xC1B0];
	v59 =	vmul.f32 v40, v56;
	v26 =	vadd.f32 v31, v26;
	v28 =	vadd.f32 v32, v28  }
0xec: {  	v33 =	vld [tilespmem:$0xC1C0];
	v29 =	vadd.f32 v62, v29;
	v62 =	vmul.f32 v41, v56;
	v63 =	vmul.f32 v42, v61  }
0xed: {  	v37 =	vld [tilespmem:$0xC1D0];
	v30 =	vadd.f32 v53, v30;
	v52 =	vmul.f32 v44, v61;
	v53 =	vmul.f32 v45, v61  }
0xee: {  	v35 =	vld [tilespmem:$0xC220];
	v26 =	vadd.f32 v54, v26;
	v28 =	vadd.f32 v55, v28;
	v54 =	vperm.xlane v25, v13  }
0xef: {  	v39 =	vld [tilespmem:$0xC1E0];
	v27 =	vadd.f32 v27, v29;
	v30 =	vadd.f32 v57, v30;
	v55 =	vmul.f32 v46, v61  }
0xf0: {  	v40 =	vld [tilespmem:$0xC200];
	v26 =	vadd.f32 v58, v26;
	v28 =	vadd.f32 v59, v28;
	v56 =	vmul.f32 v48, v54  }
0xf1: {  	v32 =	vld [tilespmem:$0xC1F0];
	v27 =	vadd.f32 v60, v27;
	v57 =	vmul.f32 v49, v54;
	v59 =	vperm.xlane v25, v14  }
0xf2: {  	v42 =	vld [tilespmem:$0xC210];
	v29 =	vadd.f32 v62, v30;
	v58 =	vmul.f32 v50, v54;
	v60 =	vmul.f32 v43, v54  }
0xf3: {  	v44 =	vld [tilespmem:$0xC230];
	v26 =	vadd.f32 v63, v26;
	v28 =	vadd.f32 v52, v28;
	v61 =	vmul.f32 v51, v59  }
0xf4: {  	v41 =	vld [tilespmem:$0xC260];
	v27 =	vadd.f32 v53, v27;
	v34 =	vmul.f32 v34, v59;
	v63 =	vperm.xlane v25, v8  }
0xf5: {  	v46 =	vld [tilespmem:$0xC240];
	v29 =	vadd.f32 v55, v29;
	v62 =	vmul.f32 v36, v59;
	v48 =	vmul.f32 v47, v59  }
0xf6: {  	v43 =	vld [tilespmem:$0xC270];
	v52 =	vperm.xlane v25, v15;
	v26 =	vadd.f32 v56, v26;
	v49 =	vmul.f32 v33, v63  }
0xf7: {  	v53 =	vld [tilespmem:$0xC2A0];
	v28 =	vadd.f32 v57, v28;
	v50 =	vmul.f32 v37, v63;
	v51 =	vmul.f32 v39, v63  }
0xf8: {  	v36 =	vld [tilespmem:$0xC2C0];
	v27 =	vadd.f32 v58, v27;
	v54 =	vmul.f32 v32, v63;
	v55 =	vmul.f32 v40, v52  }
0xf9: {  	v59 =	vld [tilespmem:$0xC2D0];
	v29 =	vadd.f32 v60, v29;
	v56 =	vmul.f32 v42, v52;
	v57 =	vmul.f32 v35, v52  }
0xfa: {  	v47 =	vld [tilespmem:$0xC300];
	v58 =	vperm.xlane v25, v16;
	v60 =	vmul.f32 v44, v52;
	v26 =	vadd.f32 v61, v26  }
0xfb: {  	v37 =	vld [tilespmem:$0xC290];
	v42 =	vor.u32 s28, v0;
	v28 =	vadd.f32 v34, v28;
	v27 =	vadd.f32 v62, v27  }
0xfc: {  	v32 =	vld [tilespmem:$0xC2B0];
	v29 =	vadd.f32 v48, v29;
	v62 =	vmul.f32 v46, v58;
	v38 =	vmul.f32 v38, v58  }
0xfd: {  	v39 =	vld [tilespmem:$0xC2F0];
	v63 =	vmul.f32 v41, v58;
	v46 =	vperm.xlane v25, v17;
	v26 =	vadd.f32 v49, v26  }
0xfe: {  	v34 =	vld [tilespmem:$0xC280];
	v48 =	vmul.f32 v43, v58;
	v28 =	vadd.f32 v50, v28;
	v27 =	vadd.f32 v51, v27  }
0xff: {  	v52 =	vld [tilespmem:$0xC320];
	v29 =	vadd.f32 v54, v29;
	v53 =	vmul.f32 v53, v46;
	v54 =	vperm.xlane v25, v18  }
0x100: {  	v61 =	vld [tilespmem:$0xC2E0];
	v51 =	vmul.f32 v37, v46;
	v26 =	vadd.f32 v55, v26;
	v28 =	vadd.f32 v56, v28  }
0x101: {  	v49 =	vld [tilespmem:$0xC310];
	v27 =	vadd.f32 v57, v27;
	v56 =	vmul.f32 v32, v46;
	v58 =	vmul.f32 v36, v54  }
0x102: {  	v29 =	vadd.f32 v60, v29;
	v55 =	vld [tilespmem:$0xC330];
	v59 =	vmul.f32 v59, v54;
	v44 =	vmul.f32 v39, v54  }
0x103: {  	v57 =	vld [tilespmem:$0xC340];
	v50 =	vmul.f32 v34, v46;
	v26 =	vadd.f32 v62, v26;
	v28 =	vadd.f32 v38, v28  }
0x104: {  	v60 =	vld [tilespmem:$0xC350];
	v27 =	vadd.f32 v63, v27;
	v29 =	vadd.f32 v48, v29;
	v62 =	vperm.xlane v25, v19  }
0x105: {  	v45 =	vld [tilespmem:$0xC370];
	v61 =	vmul.f32 v61, v54;
	v26 =	vadd.f32 v50, v26;
	v28 =	vadd.f32 v51, v28  }
0x106: {  	v63 =	vld [tilespmem:$0xC360];
	v27 =	vadd.f32 v53, v27;
	v46 =	vmul.f32 v47, v62;
	v35 =	vmul.f32 v49, v62  }
0x107: {  	v29 =	vadd.f32 v56, v29;
	v47 =	vld [tilespmem:$0xC380];
	v48 =	vmul.f32 v52, v62;
	v49 =	vperm.xlane v25, v20  }
0x108: {  	v50 =	vld [tilespmem:$0xC390];
	v51 =	vmul.f32 v55, v62;
	v26 =	vadd.f32 v58, v26;
	v28 =	vadd.f32 v59, v28  }
0x109: {  	v52 =	vld [tilespmem:$0xC3A0];
	v27 =	vadd.f32 v61, v27;
	v53 =	vmul.f32 v57, v49;
	v54 =	vmul.f32 v60, v49  }
0x10a: {  	s31 =	sadd.s32 $0x10, s28;
	v55 =	vld [tilespmem:$0xC3B0];
	v29 =	vadd.f32 v44, v29;
	v57 =	vperm.xlane v25, v21;
	v59 =	vmul.f32 v45, v49  }
0x10b: {  	v58 =	vld [tilespmem:$0xC3C0];
	v25 =	vperm.xlane v25, v22;
	v44 =	vor.u32 s31, v0;
	s31 =	sadd.s32 $0x20, s28;
	v56 =	vmul.f32 v63, v49  }
0x10c: {  	v60 =	vld [tilespmem:$0xC3D0];
	v45 =	vor.u32 s31, v0;
	v26 =	vadd.f32 v46, v26;
	v28 =	vadd.f32 v35, v28  }
0x10d: {  	v63 =	vld [tilespmem:$0xC3E0];
	v27 =	vadd.f32 v48, v27;
	v29 =	vadd.f32 v51, v29;
	v61 =	vmul.f32 v47, v57  }
0x10e: {  	v41 =	vld [tilespmem:$0xC3F0];
	s31 =	sadd.s32 $0x30, s28;
	v62 =	vmul.f32 v50, v57;
	v39 =	vmul.f32 v52, v57;
	v26 =	vadd.f32 v53, v26  }
0x10f: {  	v47 =	vor.u32 s31, v0;
	v28 =	vadd.f32 v54, v28;
	v27 =	vadd.f32 v56, v27  }
0x110: {  	v29 =	vadd.f32 v59, v29;
	v43 =	vmul.f32 v58, v25;
	v26 =	vadd.f32 v61, v26  }
0x111: {  	v35 =	vmul.f32 v55, v57;
	v32 =	vmul.f32 v60, v25;
	v28 =	vadd.f32 v62, v28  }
0x112: {  	v27 =	vadd.f32 v39, v27;
	v46 =	vmul.f32 v63, v25;
	v26 =	vadd.f32 v43, v26  }
0x113: {  	v29 =	vadd.f32 v35, v29;
	v25 =	vmul.f32 v41, v25;
	v28 =	vadd.f32 v32, v28  }
0x114: {  	v27 =	vadd.f32 v46, v27;
	[tilespmem:v42+s19+$0x0] =	vst.idx.msk $0xffff, v26  }
0x115: {  	v25 =	vadd.f32 v25, v29;
	[tilespmem:v44+s19+$0x0] =	vst.idx.msk $0xffff, v28  }
0x116: {  	[tilespmem:v45+s19+$0x0] =	vst.idx.msk $0xffff, v27  }
0x117: {  	[tilespmem:v47+s19+$0x0] =	vst.idx.msk $0xffff, v25  }
0x118: {  	_ =	swait.ge [sflag:s20], $0x400  }
0x119: {  	[sflag:s20] =	ssyncset.done $0x0  }
0x11a: {  	[sflag:s20] =	ssyncadd.s32 $0xFFFFFC00  }
0x11b: {  	v48 =	vld [tilespmem:$0xC400]  }
0x11c: {  	v49 =	vld [tilespmem:$0xC410]  }
0x11d: {  	v50 =	vld [tilespmem:$0xC420]  }
0x11e: {  	v28 =	vld [tilespmem:$0xC430]  }
0x11f: {  	v51 =	vld [tilespmem:$0xC440]  }
0x120: {  	v62 =	vld [tilespmem:$0xC450]  }
0x121: {  	v63 =	vld [tilespmem:$0xC460]  }
0x122: {  	v52 =	vld [tilespmem:$0xC470]  }
0x123: {  	v53 =	vld [tilespmem:$0xC480]  }
0x124: {  	v54 =	vld [tilespmem:$0xC490]  }
0x125: {  	v55 =	vld [tilespmem:$0xC4A0]  }
0x126: {  	v35 =	vld [tilespmem:$0xC4B0]  }
0x127: {  	v23 =	vmul.f32 v24, v23;
	v57 =	vld [tilespmem:$0xC4C0]  }
0x128: {  	v58 =	vld [tilespmem:$0xC4D0]  }
0x129: {  	v56 =	vshrl.u32 v23, $0x10;
	v59 =	vld [tilespmem:$0xC4E0]  }
0x12a: {  	v36 =	vand.u32 $0x1, v56;
	v39 =	vld [tilespmem:$0xC4F0]  }
0x12b: {  	v23 =	vadd.s32 v36, v23;
	v40 =	vld [tilespmem:$0xC500]  }
0x12c: {  	v23 =	vadd.s32 $0x7FFF, v23;
	v42 =	vld [tilespmem:$0xC510]  }
0x12d: {  	v23 =	vand.u32 $0xFFFF0000, v23;
	v43 =	vld [tilespmem:$0xC520]  }
0x12e: {  	v60 =	vperm.xlane v23, v9;
	v44 =	vld [tilespmem:$0xC530]  }
0x12f: {  	v46 =	vld [tilespmem:$0xC540]  }
0x130: {  	v61 =	vperm.xlane v23, v6;
	v47 =	vld [tilespmem:$0xC550];
	v25 =	vmul.f32 v48, v60  }
0x131: {  	v41 =	vld [tilespmem:$0xC570];
	v26 =	vmul.f32 v49, v60;
	v27 =	vmul.f32 v50, v60  }
0x132: {  	v32 =	vld [tilespmem:$0xC590];
	v29 =	vmul.f32 v51, v61;
	v28 =	vmul.f32 v28, v60  }
0x133: {  	v34 =	vld [tilespmem:$0xC5A0];
	v30 =	vmul.f32 v62, v61;
	v62 =	vmul.f32 v63, v61  }
0x134: {  	v45 =	vld [tilespmem:$0xC5B0];
	v63 =	vperm.xlane v23, v10;
	v52 =	vmul.f32 v52, v61  }
0x135: {  	v31 =	vld [tilespmem:$0xC5C0];
	v60 =	vperm.xlane v23, v12;
	v51 =	vperm.xlane v23, v13;
	v25 =	vadd.f32 $0.0e+00, v25  }
0x136: {  	v37 =	vld [tilespmem:$0xC5E0];
	v26 =	vadd.f32 $0.0e+00, v26;
	v53 =	vmul.f32 v53, v63;
	v54 =	vmul.f32 v54, v63  }
0x137: {  	v38 =	vld [tilespmem:$0xC600];
	v27 =	vadd.f32 $0.0e+00, v27;
	v24 =	vmul.f32 v55, v63;
	v55 =	vperm.xlane v23, v11  }
0x138: {  	v33 =	vld [tilespmem:$0xC620];
	v28 =	vadd.f32 $0.0e+00, v28;
	v56 =	vmul.f32 v35, v63;
	v63 =	vmul.f32 v42, v60  }
0x139: {  	v36 =	vld [tilespmem:$0xC650];
	v50 =	vmul.f32 v43, v60;
	v25 =	vadd.f32 v29, v25;
	v26 =	vadd.f32 v30, v26  }
0x13a: {  	v48 =	vld [tilespmem:$0xC560];
	v27 =	vadd.f32 v62, v27;
	v57 =	vmul.f32 v57, v55;
	v58 =	vmul.f32 v58, v55  }
0x13b: {  	v49 =	vld [tilespmem:$0xC580];
	v28 =	vadd.f32 v52, v28;
	v59 =	vmul.f32 v59, v55;
	v61 =	vmul.f32 v39, v55  }
0x13c: {  	v35 =	vld [tilespmem:$0xC5D0];
	v62 =	vmul.f32 v40, v60;
	v55 =	vmul.f32 v47, v51;
	v25 =	vadd.f32 v53, v25  }
0x13d: {  	v52 =	vld [tilespmem:$0xC610];
	v40 =	vperm.xlane v23, v20;
	v26 =	vadd.f32 v54, v26;
	v24 =	vadd.f32 v24, v27  }
0x13e: {  	v42 =	vld [tilespmem:$0xC630];
	v28 =	vadd.f32 v56, v28;
	v53 =	vmul.f32 v44, v60;
	v54 =	vmul.f32 v46, v51  }
0x13f: {  	v30 =	vld [tilespmem:$0xC5F0];
	v56 =	vmul.f32 v48, v51;
	v48 =	vperm.xlane v23, v15;
	v25 =	vadd.f32 v57, v25  }
0x140: {  	v39 =	vld [tilespmem:$0xC660];
	v26 =	vadd.f32 v58, v26;
	v24 =	vadd.f32 v59, v24;
	v57 =	vperm.xlane v23, v14  }
0x141: {  	v44 =	vld [tilespmem:$0xC640];
	v27 =	vadd.f32 v61, v28;
	v58 =	vmul.f32 v41, v51;
	v61 =	vperm.xlane v23, v8  }
0x142: {  	v46 =	vld [tilespmem:$0xC690];
	v51 =	vmul.f32 v38, v48;
	v52 =	vmul.f32 v52, v48;
	v25 =	vadd.f32 v62, v25  }
0x143: {  	v41 =	vld [tilespmem:$0xC670];
	v26 =	vadd.f32 v63, v26;
	v59 =	vmul.f32 v49, v57;
	v32 =	vmul.f32 v32, v57  }
0x144: {  	v24 =	vadd.f32 v50, v24;
	v60 =	vmul.f32 v34, v57;
	v62 =	vmul.f32 v45, v57;
	v49 =	vld [tilespmem:$0xC6A0]  }
0x145: {  	v27 =	vadd.f32 v53, v27;
	v63 =	vmul.f32 v31, v61;
	v50 =	vmul.f32 v30, v61;
	v30 =	vld [tilespmem:$0xC6B0]  }
0x146: {  	v45 =	vmul.f32 v35, v61;
	v47 =	vmul.f32 v37, v61;
	v53 =	vld [tilespmem:$0xC6C0];
	v25 =	vadd.f32 v54, v25  }
0x147: {  	v57 =	vmul.f32 v42, v48;
	v26 =	vadd.f32 v55, v26;
	v24 =	vadd.f32 v56, v24;
	v56 =	vld [tilespmem:$0xC6D0]  }
0x148: {  	v27 =	vadd.f32 v58, v27;
	v55 =	vperm.xlane v23, v16;
	v58 =	vld [tilespmem:$0xC6E0];
	v25 =	vadd.f32 v59, v25  }
0x149: {  	v54 =	vmul.f32 v33, v48;
	v26 =	vadd.f32 v32, v26;
	v32 =	vld [tilespmem:$0xC680];
	v24 =	vadd.f32 v60, v24  }
0x14a: {  	v27 =	vadd.f32 v62, v27;
	v59 =	vmul.f32 v44, v55;
	v36 =	vmul.f32 v36, v55;
	v60 =	vld [tilespmem:$0xC6F0]  }
0x14b: {  	v61 =	vmul.f32 v39, v55;
	v62 =	vperm.xlane v23, v17;
	v44 =	vld [tilespmem:$0xC710];
	v25 =	vadd.f32 v63, v25  }
0x14c: {  	v42 =	vmul.f32 v41, v55;
	v55 =	vld [tilespmem:$0xC750];
	v26 =	vadd.f32 v45, v26;
	v24 =	vadd.f32 v47, v24  }
0x14d: {  	v27 =	vadd.f32 v50, v27;
	v63 =	vld [tilespmem:$0xC700];
	v48 =	vmul.f32 v49, v62;
	v49 =	vperm.xlane v23, v18  }
0x14e: {  	v46 =	vmul.f32 v46, v62;
	v47 =	vld [tilespmem:$0xC720];
	v25 =	vadd.f32 v51, v25;
	v26 =	vadd.f32 v52, v26  }
0x14f: {  	v50 =	vld [tilespmem:$0xC730];
	v24 =	vadd.f32 v54, v24;
	v51 =	vmul.f32 v30, v62;
	v53 =	vmul.f32 v53, v49  }
0x150: {  	v27 =	vadd.f32 v57, v27;
	v52 =	vld [tilespmem:$0xC740];
	v54 =	vmul.f32 v56, v49;
	v57 =	vperm.xlane v23, v19  }
0x151: {  	v56 =	vmul.f32 v58, v49;
	v58 =	vld [tilespmem:$0xC760];
	v45 =	vmul.f32 v32, v62;
	v25 =	vadd.f32 v59, v25  }
0x152: {  	v62 =	vld [tilespmem:$0xC780];
	v26 =	vadd.f32 v36, v26;
	v59 =	vmul.f32 v60, v49;
	v33 =	vmul.f32 v44, v57  }
0x153: {  	v24 =	vadd.f32 v61, v24;
	v60 =	vld [tilespmem:$0xC770];
	v49 =	vperm.xlane v23, v21;
	v23 =	vperm.xlane v23, v22  }
0x154: {  	v27 =	vadd.f32 v42, v27;
	v42 =	vld [tilespmem:$0xC790];
	v61 =	vmul.f32 v63, v57;
	v63 =	vmul.f32 v47, v57  }
0x155: {  	v44 =	vld [tilespmem:$0xC7A0];
	v43 =	vmul.f32 v50, v57;
	v25 =	vadd.f32 v45, v25;
	v26 =	vadd.f32 v46, v26  }
0x156: {  	v24 =	vadd.f32 v48, v24;
	v27 =	vadd.f32 v51, v27;
	v46 =	vmul.f32 v55, v40  }
0x157: {  	s31 =	sadd.s32 $0x40, s28;
	v50 =	vld [tilespmem:$0xC7C0];
	v45 =	vmul.f32 v52, v40;
	v48 =	vmul.f32 v58, v40;
	v25 =	vadd.f32 v53, v25  }
0x158: {  	v47 =	vld [tilespmem:$0xC7B0];
	v58 =	vor.u32 s31, v0;
	v26 =	vadd.f32 v54, v26;
	v24 =	vadd.f32 v56, v24  }
0x159: {  	v55 =	vld [tilespmem:$0xC7E0];
	v27 =	vadd.f32 v59, v27;
	v53 =	vmul.f32 v62, v49;
	v51 =	vmul.f32 v60, v40  }
0x15a: {  	v52 =	vld [tilespmem:$0xC7D0];
	s31 =	sadd.s32 $0x50, s28;
	v54 =	vmul.f32 v42, v49;
	v56 =	vmul.f32 v44, v49;
	v25 =	vadd.f32 v61, v25  }
0x15b: {  	v60 =	vor.u32 s31, v0;
	v26 =	vadd.f32 v33, v26;
	v24 =	vadd.f32 v63, v24  }
0x15c: {  	v57 =	vld [tilespmem:$0xC7F0];
	s31 =	sadd.s32 $0x60, s28;
	v27 =	vadd.f32 v43, v27;
	v59 =	vmul.f32 v50, v23;
	v25 =	vadd.f32 v45, v25  }
0x15d: {  	v33 =	vmul.f32 v47, v49;
	v61 =	vor.u32 s31, v0;
	v26 =	vadd.f32 v46, v26  }
0x15e: {  	v62 =	vmul.f32 v55, v23;
	v24 =	vadd.f32 v48, v24;
	v25 =	vadd.f32 v53, v25  }
0x15f: {  	s31 =	sadd.s32 $0x70, s28;
	v27 =	vadd.f32 v51, v27;
	v30 =	vmul.f32 v52, v23;
	v26 =	vadd.f32 v54, v26  }
0x160: {  	p0 =	sne.s32 s29, $0x4800;
	v63 =	vor.u32 s31, v0;
	v24 =	vadd.f32 v56, v24;
	v25 =	vadd.f32 v59, v25  }
.Ltmp0:
0x161: {  	v23 =	vmul.f32 v57, v23;
	v27 =	vadd.f32 v33, v27;
	v26 =	vadd.f32 v30, v26;
	(pc) =	sbr.rel @p0 .LBB2_3-.Ltmp0, $4  }
0x162: {  	v24 =	vadd.f32 v62, v24;
	[tilespmem:v58+s19+$0x0] =	vst.idx.msk $0xffff, v25  }
0x163: {  	v23 =	vadd.f32 v23, v27;
	[tilespmem:v60+s19+$0x0] =	vst.idx.msk $0xffff, v26  }
0x164: {  	[tilespmem:v61+s19+$0x0] =	vst.idx.msk $0xffff, v24  }
0x165: {  	s29 =	sadd.s32 $0x1800, s29;
	s28 =	sadd.s32 $0x80, s28;
	[tilespmem:v63+s19+$0x0] =	vst.idx.msk $0xffff, v23  }
0x166: {  	s28 =	sshll.u32 s25, $0x7  }
0x167: {  	s28 =	sadd.s32 s28, s8  }
0x168: {  	[hbm4b:s28+s3] =	stream.linear.scatter [tilespmem:s19], [sflag:$0x5], $0x200, $0x38;
	[tilespmem:$0xCA20] =	vst v63  }
0x169: {  	_ =	swait.ge [sflag:s21], $0x200  }
0x16a: {  	p0 =	seq.s32 s25, $0x3F;
	[sflag:s21] =	ssyncset.done $0x0  }
0x16b: {  	s26 =	sadd.s32 @!p0 s26, s9;
	[sflag:s21] =	ssyncadd.s32 $0xFFFFFE00  }
0x16c: {  	s26 =	smul.u32 @!p0 $0x180, s26;
	_ =	swait.ge [sflag:s22], $0x6000  }
0x16d: {  	[sflag:s22] =	ssyncset.done $0x0  }
0x16e: {  	s28 =	simm.s32 @!p0 $0x0;
	s26 =	sadd.s32 @!p0 s4, s26;
	[sflag:s22] =	ssyncadd.s32 $0xFFFFA000  }
0x16f: {  	[tilespmem:s28], [sflag:$0x1] =	stream.linear.gather @!p0 [hbm4b:s26+s28], $0x6000, $0x38;
	[tilespmem:$0xCA20] =	vst v63  }
0x170: {  	s25 =	sadd.s32 $0x1, s25;
	s26 =	simm.s32 $0x0;
	s28 =	simm.s32 $0x0  }
.LBB2_5:
0x171: {  	s29 =	sadd.s32 $0xB80, s28  }
0x172: {  	s31 =	sadd.s32 $0xB90, s28;
	v23 =	vor.u32 s29, v0  }
0x173: {  	s30 =	sadd.s32 $0xBA0, s28;
	v24 =	vor.u32 s31, v0  }
0x174: {  	v25 =	vor.u32 s30, v0;
	s31 =	sadd.s32 $0xBB0, s28  }
0x175: {  	v26 =	vor.u32 s31, v0;
	_ =	sdelay $0x1  }
0x176: {  	v23 =	vld.idx.msk [tilespmem:v23+s12+$0x0], $0xffff  }
0x177: {  	v24 =	vld.idx.msk [tilespmem:v24+s12+$0x0], $0xffff  }
0x178: {  	v25 =	vld.idx.msk [tilespmem:v25+s12+$0x0], $0xffff  }
0x179: {  	v26 =	vld.idx.msk [tilespmem:v26+s12+$0x0], $0xffff;
	_ =	sdelay $0x1  }
0x17a: {  	(xrf1) =	vsort.dscd.msk.f32 $0xffff, v23, v0  }
0x17b: {  	(xrf1) =	vsort.dscd.msk.f32 $0xffff, v24, v2  }
0x17c: {  	(xrf1) =	vsort.dscd.msk.f32 $0xffff, v25, v3  }
0x17d: {  	(xrf1) =	vsort.dscd.msk.f32 $0xffff, v26, v4;
	_ =	sdelay $0xa  }
0x17e: {  	v23, v61, _ =	vpop (xrf1)  }
0x17f: {  	v62, v63, _ =	vpop (xrf1)  }
0x180: {  	v27, v28, _ =	vpop (xrf1)  }
0x181: {  	v25 =	vperm.xlane v62, v5;
	v26 =	vperm.xlane v63, v5;
	v29, v30, _ =	vpop (xrf1)  }
0x182: {  	v29 =	vperm.xlane v29, v5;
	v30 =	vperm.xlane v30, v5  }
0x183: {  	v23 =	vsel vm0, v23, v25;
	v24 =	vsel vm0, v61, v26  }
0x184: {  	(xrf1) =	vsort.dscd.msk.f32 $0xffff, v23, v24;
	v23 =	vsel vm0, v27, v29;
	v33 =	vsel vm0, v28, v30  }
0x185: {  	(xrf1) =	vsort.dscd.msk.f32 $0xffff, v23, v33;
	_ =	sdelay $0xc  }
0x186: {  	v23, v24, _ =	vpop (xrf1)  }
0x187: {  	v34, v35, _ =	vpop (xrf1)  }
0x188: {  	v25 =	vperm.xlane v34, v5;
	v26 =	vperm.xlane v35, v5;
	_ =	sdelay $0x1  }
0x189: {  	v23 =	vsel vm0, v23, v25;
	v24 =	vsel vm0, v24, v26  }
0x18a: {  	(xrf1) =	vsort.dscd.msk.f32 $0xffff, v23, v24;
	_ =	sdelay $0xd  }
0x18b: {  	_, v23, _ =	vpop (xrf1)  }
0x18c: {  	v36 =	vshll.u32 v23, $0x1  }
0x18d: {  	v23 =	vand.u32 $0x3F, v23;
	v24 =	vand.u32 $0xFFFFFF80, v36  }
0x18e: {  	v23 =	vor.u32 v23, v24  }
0x18f: {  	v23 =	vperm.xlane v23, v5;
	_ =	sdelay $0x1  }
0x190: {  	s30 =	sadd.s32 $0xB00, s28;
	v37 =	vadd.s32 v7, v23  }
0x191: {  	v38 =	vadd.s32 s30, v37  }
0x192: {  	v23 =	vand.u32 $0x7, v23;
	v25 =	vand.u32 $0xFFFFFFF8, v38  }
0x193: {  	v23 =	vor.u32 v23, v25;
	_ =	sdelay $0x4  }
0x194: {  	v23 =	vld.idx.msk [tilespmem:v23+s12+$0x0], $0xffff;
	_ =	sdelay $0x4  }
0x195: {  	(xrf1) =	vsort.dscd.msk.f32 $0xffff, v23, v37;
	_ =	sdelay $0xd  }
0x196: {  	_, v23, _ =	vpop (xrf1)  }
0x197: {  	v39 =	vshll.u32 v23, $0x1  }
0x198: {  	v23 =	vand.u32 $0x3F, v23;
	v24 =	vand.u32 $0xFFFFFF80, v39  }
0x199: {  	v23 =	vor.u32 v23, v24  }
0x19a: {  	v23 =	vperm.xlane v23, v5;
	_ =	sdelay $0x1  }
0x19b: {  	s31 =	sadd.s32 $0xA00, s28;
	v40 =	vadd.s32 v7, v23  }
0x19c: {  	v41 =	vadd.s32 s31, v40  }
0x19d: {  	v23 =	vand.u32 $0x7, v23;
	v25 =	vand.u32 $0xFFFFFFF8, v41  }
0x19e: {  	v23 =	vor.u32 v23, v25;
	_ =	sdelay $0x4  }
0x19f: {  	v23 =	vld.idx.msk [tilespmem:v23+s12+$0x0], $0xffff;
	_ =	sdelay $0x4  }
0x1a0: {  	(xrf1) =	vsort.dscd.msk.f32 $0xffff, v23, v40;
	_ =	sdelay $0xd  }
0x1a1: {  	_, v23, _ =	vpop (xrf1)  }
0x1a2: {  	v42 =	vshll.u32 v23, $0x1  }
0x1a3: {  	v23 =	vand.u32 $0x3F, v23;
	v24 =	vand.u32 $0xFFFFFF80, v42  }
0x1a4: {  	v23 =	vor.u32 v23, v24  }
0x1a5: {  	v23 =	vperm.xlane v23, v5;
	_ =	sdelay $0x1  }
0x1a6: {  	s30 =	sadd.s32 $0x800, s28;
	v43 =	vadd.s32 v7, v23  }
0x1a7: {  	v44 =	vadd.s32 s30, v43  }
0x1a8: {  	v23 =	vand.u32 $0x7, v23;
	v25 =	vand.u32 $0xFFFFFFF8, v44  }
0x1a9: {  	v23 =	vor.u32 v23, v25;
	_ =	sdelay $0x4  }
0x1aa: {  	v23 =	vld.idx.msk [tilespmem:v23+s12+$0x0], $0xffff;
	_ =	sdelay $0x4  }
0x1ab: {  	(xrf1) =	vsort.dscd.msk.f32 $0xffff, v23, v43;
	_ =	sdelay $0xd  }
0x1ac: {  	_, v23, _ =	vpop (xrf1)  }
0x1ad: {  	v45 =	vshll.u32 v23, $0x1  }
0x1ae: {  	v23 =	vand.u32 $0x3F, v23;
	v24 =	vand.u32 $0xFFFFFF80, v45  }
0x1af: {  	v23 =	vor.u32 v23, v24  }
0x1b0: {  	v23 =	vperm.xlane v23, v5;
	_ =	sdelay $0x1  }
0x1b1: {  	v46 =	vadd.s32 v7, v23  }
0x1b2: {  	v47 =	vadd.s32 s28, v46  }
0x1b3: {  	v23 =	vand.u32 $0x7, v23;
	v25 =	vand.u32 $0xFFFFFFF8, v47  }
0x1b4: {  	v23 =	vor.u32 v23, v25;
	_ =	sdelay $0x4  }
0x1b5: {  	v23 =	vld.idx.msk [tilespmem:v23+s12+$0x0], $0xffff;
	_ =	sdelay $0x4  }
0x1b6: {  	(xrf1) =	vsort.dscd.msk.f32 $0xffff, v23, v46;
	_ =	sdelay $0xd  }
0x1b7: {  	s31 =	sadd.s32 $0x400, s28;
	v23, v24, _ =	vpop (xrf1)  }
0x1b8: {  	v48 =	vadd.s32 s31, v24;
	v49 =	vperm.xlane v24, v5  }
0x1b9: {  	s30 =	sadd.s32 $0x1780, s28  }
0x1ba: {  	v50 =	vor.u32 s30, v0;
	s31 =	sadd.s32 $0x1790, s28;
	v26 =	vadd.s32 $0x400, v49  }
0x1bb: {  	s30 =	sadd.s32 $0x17A0, s28;
	v51 =	vor.u32 s31, v0;
	v24 =	vsel vm0, v24, v26  }
0x1bc: {  	v52 =	vor.u32 s30, v0;
	s31 =	sadd.s32 $0x17B0, s28;
	v24 =	vadd.s32 v1, v24  }
0x1bd: {  	v53 =	vor.u32 s31, v0;
	v25 =	vld.idx.msk [tilespmem:v48+s12+$0x0], $0xffff;
	[tilespmem:$0xC800] =	vst v24  }
0x1be: {  	[tilespmem:s15], [sflag:$0x3] =	stream.indirect.gather [hbm4b:s2+s13], $0x40, s14, s13, $0xb8;
	[tilespmem:$0xCA20] =	vst v63  }
0x1bf: {  	v27 =	vld.idx.msk [tilespmem:v50+s12+$0x0], $0xffff  }
0x1c0: {  	v26 =	vld.idx.msk [tilespmem:v51+s12+$0x0], $0xffff  }
0x1c1: {  	v28 =	vld.idx.msk [tilespmem:v52+s12+$0x0], $0xffff  }
0x1c2: {  	v24 =	vld.idx.msk [tilespmem:v53+s12+$0x0], $0xffff;
	_ =	sdelay $0x1  }
0x1c3: {  	(xrf1) =	vsort.dscd.msk.f32 $0xffff, v27, v0  }
0x1c4: {  	(xrf1) =	vsort.dscd.msk.f32 $0xffff, v26, v2  }
0x1c5: {  	(xrf1) =	vsort.dscd.msk.f32 $0xffff, v28, v3  }
0x1c6: {  	(xrf1) =	vsort.dscd.msk.f32 $0xffff, v24, v4;
	_ =	sdelay $0xa  }
0x1c7: {  	v55, v54, _ =	vpop (xrf1)  }
0x1c8: {  	v56, v57, _ =	vpop (xrf1)  }
0x1c9: {  	v58, v59, _ =	vpop (xrf1)  }
0x1ca: {  	v27 =	vperm.xlane v56, v5;
	v28 =	vperm.xlane v57, v5;
	v31, v32, _ =	vpop (xrf1)  }
0x1cb: {  	v31 =	vperm.xlane v31, v5;
	v32 =	vperm.xlane v32, v5  }
0x1cc: {  	v24 =	vsel vm0, v55, v27;
	v26 =	vsel vm0, v54, v28  }
0x1cd: {  	(xrf1) =	vsort.dscd.msk.f32 $0xffff, v24, v26;
	v60 =	vsel vm0, v58, v31;
	v61 =	vsel vm0, v59, v32  }
0x1ce: {  	(xrf1) =	vsort.dscd.msk.f32 $0xffff, v60, v61;
	_ =	sdelay $0xc  }
0x1cf: {  	v24, v26, _ =	vpop (xrf1)  }
0x1d0: {  	v62, v63, _ =	vpop (xrf1)  }
0x1d1: {  	v27 =	vperm.xlane v62, v5;
	v28 =	vperm.xlane v63, v5;
	_ =	sdelay $0x1  }
0x1d2: {  	v24 =	vsel vm0, v24, v27;
	v26 =	vsel vm0, v26, v28  }
0x1d3: {  	(xrf1) =	vsort.dscd.msk.f32 $0xffff, v24, v26;
	_ =	sdelay $0xd  }
0x1d4: {  	_, v24, _ =	vpop (xrf1)  }
0x1d5: {  	v31 =	vshll.u32 v24, $0x1  }
0x1d6: {  	v24 =	vand.u32 $0x3F, v24;
	v26 =	vand.u32 $0xFFFFFF80, v31  }
0x1d7: {  	v24 =	vor.u32 v24, v26  }
0x1d8: {  	v24 =	vperm.xlane v24, v5;
	_ =	sdelay $0x1  }
0x1d9: {  	s30 =	sadd.s32 $0x1700, s28;
	v32 =	vadd.s32 v7, v24  }
0x1da: {  	v33 =	vadd.s32 s30, v32  }
0x1db: {  	v24 =	vand.u32 $0x7, v24;
	v27 =	vand.u32 $0xFFFFFFF8, v33  }
0x1dc: {  	v24 =	vor.u32 v24, v27;
	_ =	sdelay $0x4  }
0x1dd: {  	v24 =	vld.idx.msk [tilespmem:v24+s12+$0x0], $0xffff;
	_ =	sdelay $0x4  }
0x1de: {  	(xrf1) =	vsort.dscd.msk.f32 $0xffff, v24, v32;
	_ =	sdelay $0xd  }
0x1df: {  	_, v24, _ =	vpop (xrf1)  }
0x1e0: {  	v34 =	vshll.u32 v24, $0x1  }
0x1e1: {  	v24 =	vand.u32 $0x3F, v24;
	v26 =	vand.u32 $0xFFFFFF80, v34  }
0x1e2: {  	v24 =	vor.u32 v24, v26  }
0x1e3: {  	v24 =	vperm.xlane v24, v5;
	_ =	sdelay $0x1  }
0x1e4: {  	s31 =	sadd.s32 $0x1600, s28;
	v35 =	vadd.s32 v7, v24  }
0x1e5: {  	v36 =	vadd.s32 s31, v35  }
0x1e6: {  	v24 =	vand.u32 $0x7, v24;
	v27 =	vand.u32 $0xFFFFFFF8, v36  }
0x1e7: {  	v24 =	vor.u32 v24, v27;
	_ =	sdelay $0x4  }
0x1e8: {  	v24 =	vld.idx.msk [tilespmem:v24+s12+$0x0], $0xffff;
	_ =	sdelay $0x4  }
0x1e9: {  	(xrf1) =	vsort.dscd.msk.f32 $0xffff, v24, v35;
	_ =	sdelay $0xd  }
0x1ea: {  	_, v24, _ =	vpop (xrf1)  }
0x1eb: {  	v37 =	vshll.u32 v24, $0x1  }
0x1ec: {  	v24 =	vand.u32 $0x3F, v24;
	v26 =	vand.u32 $0xFFFFFF80, v37  }
0x1ed: {  	v24 =	vor.u32 v24, v26  }
0x1ee: {  	v24 =	vperm.xlane v24, v5;
	_ =	sdelay $0x1  }
0x1ef: {  	s30 =	sadd.s32 $0x1400, s28;
	v38 =	vadd.s32 v7, v24  }
0x1f0: {  	v39 =	vadd.s32 s30, v38  }
0x1f1: {  	v24 =	vand.u32 $0x7, v24;
	v27 =	vand.u32 $0xFFFFFFF8, v39  }
0x1f2: {  	v24 =	vor.u32 v24, v27;
	_ =	sdelay $0x4  }
0x1f3: {  	v24 =	vld.idx.msk [tilespmem:v24+s12+$0x0], $0xffff;
	_ =	sdelay $0x4  }
0x1f4: {  	(xrf1) =	vsort.dscd.msk.f32 $0xffff, v24, v38;
	_ =	sdelay $0xd  }
0x1f5: {  	_, v24, _ =	vpop (xrf1)  }
0x1f6: {  	v40 =	vshll.u32 v24, $0x1  }
0x1f7: {  	v24 =	vand.u32 $0x3F, v24;
	v26 =	vand.u32 $0xFFFFFF80, v40  }
0x1f8: {  	v24 =	vor.u32 v24, v26  }
0x1f9: {  	v24 =	vperm.xlane v24, v5;
	_ =	sdelay $0x1  }
0x1fa: {  	s31 =	sadd.s32 $0xC00, s28;
	v41 =	vadd.s32 v7, v24  }
0x1fb: {  	v42 =	vadd.s32 s31, v41  }
0x1fc: {  	v24 =	vand.u32 $0x7, v24;
	v27 =	vand.u32 $0xFFFFFFF8, v42  }
0x1fd: {  	v24 =	vor.u32 v24, v27;
	_ =	sdelay $0x4  }
0x1fe: {  	v24 =	vld.idx.msk [tilespmem:v24+s12+$0x0], $0xffff;
	_ =	sdelay $0x4  }
0x1ff: {  	(xrf1) =	vsort.dscd.msk.f32 $0xffff, v24, v41  }
0x200: {  	v43 =	vperm.xlane v25, v5;
	_ =	sdelay $0x1  }
0x201: {  	v23 =	vsel vm0, v23, v43  }
0x202: {  	v23 =	vmul.f32 $1.250000000e-01, v23;
	_ =	sdelay $0x1  }
0x203: {  	(xrf0) =	vmax.scan.msk.f32 $0xffff, v23;
	_ =	sdelay $0x5  }
0x204: {  	v44, _, _ =	vpop (xrf0)  }
0x205: {  	v24 =	vbroadcast v44, $0xF  }
0x206: {  	s30 =	sadd.s32 $0x1000, s28;
	v45, v26, _ =	vpop (xrf1)  }
0x207: {  	v23 =	vsub.f32 v23, v24;
	v46 =	vadd.s32 s30, v26;
	_ =	sdelay $0x1  }
0x208: {  	v23 =	vmul.f32 $1.442695020e+00, v23;
	_ =	sdelay $0x1  }
0x209: {  	(erf) = vpow2.f32 v23  }
0x20a: {  	v23 =	vld.idx.msk [tilespmem:v46+s12+$0x0], $0xffff;
	_ =	sdelay $0x4  }
0x20b: {  	v23 =	vperm.xlane v23, v5;
	_ =	sdelay $0x1  }
0x20c: {  	v23 =	vsel vm0, v45, v23  }
0x20d: {  	v47 =	vpop (erf);
	v23 =	vmul.f32 $1.250000000e-01, v23  }
0x20e: {  	(xrf2) =	vadd.scan.msk.f32 $0xffff, v47  }
0x20f: {  	(xrf0) =	vmax.scan.msk.f32 $0xffff, v23;
	_ =	sdelay $0x5  }
0x210: {  	v48, _, _ =	vpop (xrf0)  }
0x211: {  	v24 =	vbroadcast v48, $0xF;
	_ =	sdelay $0x1  }
0x212: {  	v49, _, _ =	vpop (xrf2);
	v23 =	vsub.f32 v23, v24  }
0x213: {  	v50 =	vbroadcast v49, $0xF  }
0x214: {  	v23 =	vmul.f32 $1.442695020e+00, v23  }
0x215: {  	(erf) = vrcp.f32 v50  }
0x216: {  	(erf) = vpow2.f32 v23;
	_ =	sdelay $0x7  }
0x217: {  	v51 =	vpop (erf)  }
0x218: {  	v23 =	vpop (erf)  }
0x219: {  	(xrf2) =	vadd.scan.msk.f32 $0xffff, v23;
	_ =	sdelay $0x9  }
0x21a: {  	v52, _, _ =	vpop (xrf2)  }
0x21b: {  	v24 =	vbroadcast v52, $0xF;
	_ =	sdelay $0x1  }
0x21c: {  	(erf) = vrcp.f32 v24;
	_ =	sdelay $0x1  }
0x21d: {  	v53 =	vperm.xlane v26, v5;
	_ =	sdelay $0x1  }
0x21e: {  	v24 =	vadd.s32 $0x400, v53  }
0x21f: {  	v24 =	vsel vm0, v26, v24  }
0x220: {  	v24 =	vadd.s32 v1, v24;
	_ =	sdelay $0x1  }
0x221: {  	[tilespmem:$0xC810] =	vst v24  }
0x222: {  	[tilespmem:s17], [sflag:$0x4] =	stream.indirect.gather [hbm4b:s2+s13], $0x40, s16, s13, $0xb8;
	v24 =	vpop (erf);
	[tilespmem:$0xCA20] =	vst v63  }
0x223: {  	_ =	swait.ge [sflag:s18], $0x400  }
0x224: {  	[sflag:s18] =	ssyncset.done $0x0  }
0x225: {  	[sflag:s18] =	ssyncadd.s32 $0xFFFFFC00  }
0x226: {  	v54 =	vld [tilespmem:$0xC000]  }
0x227: {  	v55 =	vld [tilespmem:$0xC010]  }
0x228: {  	v56 =	vld [tilespmem:$0xC020]  }
0x229: {  	v57 =	vld [tilespmem:$0xC030]  }
0x22a: {  	v58 =	vld [tilespmem:$0xC040]  }
0x22b: {  	v59 =	vld [tilespmem:$0xC050]  }
0x22c: {  	v33 =	vld [tilespmem:$0xC060]  }
0x22d: {  	v34 =	vld [tilespmem:$0xC070]  }
0x22e: {  	v35 =	vld [tilespmem:$0xC080]  }
0x22f: {  	v36 =	vld [tilespmem:$0xC090]  }
0x230: {  	v25 =	vmul.f32 v51, v47;
	v60 =	vld [tilespmem:$0xC0A0]  }
0x231: {  	v37 =	vld [tilespmem:$0xC0B0]  }
0x232: {  	v38 =	vshrl.u32 v25, $0x10;
	v39 =	vld [tilespmem:$0xC0C0]  }
0x233: {  	v38 =	vand.u32 $0x1, v38;
	v40 =	vld [tilespmem:$0xC0D0]  }
0x234: {  	v25 =	vadd.s32 v38, v25;
	v61 =	vld [tilespmem:$0xC0E0]  }
0x235: {  	v25 =	vadd.s32 $0x7FFF, v25;
	v41 =	vld [tilespmem:$0xC0F0]  }
0x236: {  	v25 =	vand.u32 $0xFFFF0000, v25;
	v42 =	vld [tilespmem:$0xC100]  }
0x237: {  	v43 =	vperm.xlane v25, v9;
	v44 =	vld [tilespmem:$0xC110]  }
0x238: {  	v47 =	vperm.xlane v25, v6;
	v45 =	vld [tilespmem:$0xC120]  }
0x239: {  	v63 =	vperm.xlane v25, v10;
	v46 =	vld [tilespmem:$0xC130];
	v26 =	vmul.f32 v54, v43  }
0x23a: {  	v48 =	vld [tilespmem:$0xC140];
	v28 =	vmul.f32 v55, v43;
	v29 =	vmul.f32 v56, v43  }
0x23b: {  	v49 =	vld [tilespmem:$0xC150];
	v31 =	vmul.f32 v58, v47;
	v30 =	vmul.f32 v57, v43  }
0x23c: {  	v50 =	vld [tilespmem:$0xC160];
	v32 =	vmul.f32 v59, v47;
	v62 =	vmul.f32 v33, v47  }
0x23d: {  	v51 =	vld [tilespmem:$0xC180];
	v53 =	vmul.f32 v34, v47;
	v54 =	vmul.f32 v35, v63  }
0x23e: {  	v38 =	vld [tilespmem:$0xC250];
	v55 =	vmul.f32 v36, v63;
	v56 =	vperm.xlane v25, v11  }
0x23f: {  	v43 =	vld [tilespmem:$0xC170];
	v27 =	vmul.f32 v60, v63;
	v57 =	vmul.f32 v37, v63;
	v26 =	vadd.f32 $0.0e+00, v26  }
0x240: {  	v34 =	vld [tilespmem:$0xC190];
	v28 =	vadd.f32 $0.0e+00, v28;
	v29 =	vadd.f32 $0.0e+00, v29;
	v58 =	vmul.f32 v39, v56  }
0x241: {  	v36 =	vld [tilespmem:$0xC1A0];
	v30 =	vadd.f32 $0.0e+00, v30;
	v60 =	vmul.f32 v61, v56;
	v61 =	vperm.xlane v25, v12  }
0x242: {  	v47 =	vld [tilespmem:$0xC1B0];
	v59 =	vmul.f32 v40, v56;
	v26 =	vadd.f32 v31, v26;
	v28 =	vadd.f32 v32, v28  }
0x243: {  	v33 =	vld [tilespmem:$0xC1C0];
	v29 =	vadd.f32 v62, v29;
	v62 =	vmul.f32 v41, v56;
	v63 =	vmul.f32 v42, v61  }
0x244: {  	v37 =	vld [tilespmem:$0xC1D0];
	v30 =	vadd.f32 v53, v30;
	v52 =	vmul.f32 v44, v61;
	v53 =	vmul.f32 v45, v61  }
0x245: {  	v35 =	vld [tilespmem:$0xC220];
	v26 =	vadd.f32 v54, v26;
	v28 =	vadd.f32 v55, v28;
	v54 =	vperm.xlane v25, v13  }
0x246: {  	v39 =	vld [tilespmem:$0xC1E0];
	v27 =	vadd.f32 v27, v29;
	v30 =	vadd.f32 v57, v30;
	v55 =	vmul.f32 v46, v61  }
0x247: {  	v40 =	vld [tilespmem:$0xC200];
	v26 =	vadd.f32 v58, v26;
	v28 =	vadd.f32 v59, v28;
	v56 =	vmul.f32 v48, v54  }
0x248: {  	v32 =	vld [tilespmem:$0xC1F0];
	v27 =	vadd.f32 v60, v27;
	v57 =	vmul.f32 v49, v54;
	v59 =	vperm.xlane v25, v14  }
0x249: {  	v42 =	vld [tilespmem:$0xC210];
	v29 =	vadd.f32 v62, v30;
	v58 =	vmul.f32 v50, v54;
	v60 =	vmul.f32 v43, v54  }
0x24a: {  	v44 =	vld [tilespmem:$0xC230];
	v26 =	vadd.f32 v63, v26;
	v28 =	vadd.f32 v52, v28;
	v61 =	vmul.f32 v51, v59  }
0x24b: {  	v41 =	vld [tilespmem:$0xC260];
	v27 =	vadd.f32 v53, v27;
	v34 =	vmul.f32 v34, v59;
	v63 =	vperm.xlane v25, v8  }
0x24c: {  	v46 =	vld [tilespmem:$0xC240];
	v29 =	vadd.f32 v55, v29;
	v62 =	vmul.f32 v36, v59;
	v48 =	vmul.f32 v47, v59  }
0x24d: {  	v43 =	vld [tilespmem:$0xC270];
	v52 =	vperm.xlane v25, v15;
	v26 =	vadd.f32 v56, v26;
	v49 =	vmul.f32 v33, v63  }
0x24e: {  	v53 =	vld [tilespmem:$0xC2A0];
	v28 =	vadd.f32 v57, v28;
	v50 =	vmul.f32 v37, v63;
	v51 =	vmul.f32 v39, v63  }
0x24f: {  	v36 =	vld [tilespmem:$0xC2C0];
	v27 =	vadd.f32 v58, v27;
	v54 =	vmul.f32 v32, v63;
	v55 =	vmul.f32 v40, v52  }
0x250: {  	v59 =	vld [tilespmem:$0xC2D0];
	v29 =	vadd.f32 v60, v29;
	v56 =	vmul.f32 v42, v52;
	v57 =	vmul.f32 v35, v52  }
0x251: {  	v47 =	vld [tilespmem:$0xC300];
	v58 =	vperm.xlane v25, v16;
	v60 =	vmul.f32 v44, v52;
	v26 =	vadd.f32 v61, v26  }
0x252: {  	v37 =	vld [tilespmem:$0xC290];
	v42 =	vor.u32 s26, v0;
	v28 =	vadd.f32 v34, v28;
	v27 =	vadd.f32 v62, v27  }
0x253: {  	v32 =	vld [tilespmem:$0xC2B0];
	v29 =	vadd.f32 v48, v29;
	v62 =	vmul.f32 v46, v58;
	v38 =	vmul.f32 v38, v58  }
0x254: {  	v39 =	vld [tilespmem:$0xC2F0];
	v63 =	vmul.f32 v41, v58;
	v46 =	vperm.xlane v25, v17;
	v26 =	vadd.f32 v49, v26  }
0x255: {  	v34 =	vld [tilespmem:$0xC280];
	v48 =	vmul.f32 v43, v58;
	v28 =	vadd.f32 v50, v28;
	v27 =	vadd.f32 v51, v27  }
0x256: {  	v52 =	vld [tilespmem:$0xC320];
	v29 =	vadd.f32 v54, v29;
	v53 =	vmul.f32 v53, v46;
	v54 =	vperm.xlane v25, v18  }
0x257: {  	v61 =	vld [tilespmem:$0xC2E0];
	v51 =	vmul.f32 v37, v46;
	v26 =	vadd.f32 v55, v26;
	v28 =	vadd.f32 v56, v28  }
0x258: {  	v49 =	vld [tilespmem:$0xC310];
	v27 =	vadd.f32 v57, v27;
	v56 =	vmul.f32 v32, v46;
	v58 =	vmul.f32 v36, v54  }
0x259: {  	v29 =	vadd.f32 v60, v29;
	v55 =	vld [tilespmem:$0xC330];
	v59 =	vmul.f32 v59, v54;
	v44 =	vmul.f32 v39, v54  }
0x25a: {  	v57 =	vld [tilespmem:$0xC340];
	v50 =	vmul.f32 v34, v46;
	v26 =	vadd.f32 v62, v26;
	v28 =	vadd.f32 v38, v28  }
0x25b: {  	v60 =	vld [tilespmem:$0xC350];
	v27 =	vadd.f32 v63, v27;
	v29 =	vadd.f32 v48, v29;
	v62 =	vperm.xlane v25, v19  }
0x25c: {  	v45 =	vld [tilespmem:$0xC370];
	v61 =	vmul.f32 v61, v54;
	v26 =	vadd.f32 v50, v26;
	v28 =	vadd.f32 v51, v28  }
0x25d: {  	v63 =	vld [tilespmem:$0xC360];
	v27 =	vadd.f32 v53, v27;
	v46 =	vmul.f32 v47, v62;
	v35 =	vmul.f32 v49, v62  }
0x25e: {  	v29 =	vadd.f32 v56, v29;
	v47 =	vld [tilespmem:$0xC380];
	v48 =	vmul.f32 v52, v62;
	v49 =	vperm.xlane v25, v20  }
0x25f: {  	v50 =	vld [tilespmem:$0xC390];
	v51 =	vmul.f32 v55, v62;
	v26 =	vadd.f32 v58, v26;
	v28 =	vadd.f32 v59, v28  }
0x260: {  	v52 =	vld [tilespmem:$0xC3A0];
	v27 =	vadd.f32 v61, v27;
	v53 =	vmul.f32 v57, v49;
	v54 =	vmul.f32 v60, v49  }
0x261: {  	s31 =	sadd.s32 $0x10, s26;
	s30 =	sadd.s32 $0x20, s26;
	v55 =	vld [tilespmem:$0xC3B0];
	v29 =	vadd.f32 v44, v29;
	v57 =	vperm.xlane v25, v21;
	v59 =	vmul.f32 v45, v49  }
0x262: {  	v58 =	vld [tilespmem:$0xC3C0];
	v25 =	vperm.xlane v25, v22;
	v44 =	vor.u32 s31, v0;
	v45 =	vor.u32 s30, v0  }
0x263: {  	v60 =	vld [tilespmem:$0xC3D0];
	v56 =	vmul.f32 v63, v49;
	v26 =	vadd.f32 v46, v26;
	v28 =	vadd.f32 v35, v28  }
0x264: {  	v63 =	vld [tilespmem:$0xC3E0];
	v27 =	vadd.f32 v48, v27;
	v29 =	vadd.f32 v51, v29;
	v61 =	vmul.f32 v47, v57  }
0x265: {  	v41 =	vld [tilespmem:$0xC3F0];
	s31 =	sadd.s32 $0x30, s26;
	v62 =	vmul.f32 v50, v57;
	v39 =	vmul.f32 v52, v57;
	v26 =	vadd.f32 v53, v26  }
0x266: {  	v47 =	vor.u32 s31, v0;
	v28 =	vadd.f32 v54, v28;
	v27 =	vadd.f32 v56, v27  }
0x267: {  	v29 =	vadd.f32 v59, v29;
	v43 =	vmul.f32 v58, v25;
	v26 =	vadd.f32 v61, v26  }
0x268: {  	v35 =	vmul.f32 v55, v57;
	v32 =	vmul.f32 v60, v25;
	v28 =	vadd.f32 v62, v28  }
0x269: {  	v27 =	vadd.f32 v39, v27;
	v46 =	vmul.f32 v63, v25;
	v26 =	vadd.f32 v43, v26  }
0x26a: {  	v29 =	vadd.f32 v35, v29;
	v25 =	vmul.f32 v41, v25;
	v28 =	vadd.f32 v32, v28  }
0x26b: {  	v27 =	vadd.f32 v46, v27;
	[tilespmem:v42+s19+$0x0] =	vst.idx.msk $0xffff, v26  }
0x26c: {  	v25 =	vadd.f32 v25, v29;
	[tilespmem:v44+s19+$0x0] =	vst.idx.msk $0xffff, v28  }
0x26d: {  	[tilespmem:v45+s19+$0x0] =	vst.idx.msk $0xffff, v27  }
0x26e: {  	[tilespmem:v47+s19+$0x0] =	vst.idx.msk $0xffff, v25  }
0x26f: {  	_ =	swait.ge [sflag:s20], $0x400  }
0x270: {  	[sflag:s20] =	ssyncset.done $0x0  }
0x271: {  	[sflag:s20] =	ssyncadd.s32 $0xFFFFFC00  }
0x272: {  	v48 =	vld [tilespmem:$0xC400]  }
0x273: {  	v49 =	vld [tilespmem:$0xC410]  }
0x274: {  	v50 =	vld [tilespmem:$0xC420]  }
0x275: {  	v28 =	vld [tilespmem:$0xC430]  }
0x276: {  	v51 =	vld [tilespmem:$0xC440]  }
0x277: {  	v62 =	vld [tilespmem:$0xC450]  }
0x278: {  	v63 =	vld [tilespmem:$0xC460]  }
0x279: {  	v52 =	vld [tilespmem:$0xC470]  }
0x27a: {  	v53 =	vld [tilespmem:$0xC480]  }
0x27b: {  	v54 =	vld [tilespmem:$0xC490]  }
0x27c: {  	v55 =	vld [tilespmem:$0xC4A0]  }
0x27d: {  	v35 =	vld [tilespmem:$0xC4B0]  }
0x27e: {  	v23 =	vmul.f32 v24, v23;
	v57 =	vld [tilespmem:$0xC4C0]  }
0x27f: {  	v58 =	vld [tilespmem:$0xC4D0]  }
0x280: {  	v56 =	vshrl.u32 v23, $0x10;
	v59 =	vld [tilespmem:$0xC4E0]  }
0x281: {  	v36 =	vand.u32 $0x1, v56;
	v39 =	vld [tilespmem:$0xC4F0]  }
0x282: {  	v23 =	vadd.s32 v36, v23;
	v40 =	vld [tilespmem:$0xC500]  }
0x283: {  	v23 =	vadd.s32 $0x7FFF, v23;
	v42 =	vld [tilespmem:$0xC510]  }
0x284: {  	v23 =	vand.u32 $0xFFFF0000, v23;
	v43 =	vld [tilespmem:$0xC520]  }
0x285: {  	v60 =	vperm.xlane v23, v9;
	v44 =	vld [tilespmem:$0xC530]  }
0x286: {  	v46 =	vld [tilespmem:$0xC540]  }
0x287: {  	v61 =	vperm.xlane v23, v6;
	v47 =	vld [tilespmem:$0xC550];
	v25 =	vmul.f32 v48, v60  }
0x288: {  	v41 =	vld [tilespmem:$0xC570];
	v26 =	vmul.f32 v49, v60;
	v27 =	vmul.f32 v50, v60  }
0x289: {  	v32 =	vld [tilespmem:$0xC590];
	v29 =	vmul.f32 v51, v61;
	v28 =	vmul.f32 v28, v60  }
0x28a: {  	v34 =	vld [tilespmem:$0xC5A0];
	v30 =	vmul.f32 v62, v61;
	v62 =	vmul.f32 v63, v61  }
0x28b: {  	v45 =	vld [tilespmem:$0xC5B0];
	v63 =	vperm.xlane v23, v10;
	v52 =	vmul.f32 v52, v61  }
0x28c: {  	v31 =	vld [tilespmem:$0xC5C0];
	v60 =	vperm.xlane v23, v12;
	v51 =	vperm.xlane v23, v13;
	v25 =	vadd.f32 $0.0e+00, v25  }
0x28d: {  	v37 =	vld [tilespmem:$0xC5E0];
	v26 =	vadd.f32 $0.0e+00, v26;
	v53 =	vmul.f32 v53, v63;
	v54 =	vmul.f32 v54, v63  }
0x28e: {  	v38 =	vld [tilespmem:$0xC600];
	v27 =	vadd.f32 $0.0e+00, v27;
	v24 =	vmul.f32 v55, v63;
	v55 =	vperm.xlane v23, v11  }
0x28f: {  	v33 =	vld [tilespmem:$0xC620];
	v28 =	vadd.f32 $0.0e+00, v28;
	v56 =	vmul.f32 v35, v63;
	v63 =	vmul.f32 v42, v60  }
0x290: {  	v36 =	vld [tilespmem:$0xC650];
	v50 =	vmul.f32 v43, v60;
	v25 =	vadd.f32 v29, v25;
	v26 =	vadd.f32 v30, v26  }
0x291: {  	v48 =	vld [tilespmem:$0xC560];
	v27 =	vadd.f32 v62, v27;
	v57 =	vmul.f32 v57, v55;
	v58 =	vmul.f32 v58, v55  }
0x292: {  	v49 =	vld [tilespmem:$0xC580];
	v28 =	vadd.f32 v52, v28;
	v59 =	vmul.f32 v59, v55;
	v61 =	vmul.f32 v39, v55  }
0x293: {  	v35 =	vld [tilespmem:$0xC5D0];
	v62 =	vmul.f32 v40, v60;
	v55 =	vmul.f32 v47, v51;
	v25 =	vadd.f32 v53, v25  }
0x294: {  	v52 =	vld [tilespmem:$0xC610];
	v40 =	vperm.xlane v23, v20;
	v26 =	vadd.f32 v54, v26;
	v24 =	vadd.f32 v24, v27  }
0x295: {  	v42 =	vld [tilespmem:$0xC630];
	v28 =	vadd.f32 v56, v28;
	v53 =	vmul.f32 v44, v60;
	v54 =	vmul.f32 v46, v51  }
0x296: {  	v30 =	vld [tilespmem:$0xC5F0];
	v56 =	vmul.f32 v48, v51;
	v48 =	vperm.xlane v23, v15;
	v25 =	vadd.f32 v57, v25  }
0x297: {  	v39 =	vld [tilespmem:$0xC660];
	v26 =	vadd.f32 v58, v26;
	v24 =	vadd.f32 v59, v24;
	v57 =	vperm.xlane v23, v14  }
0x298: {  	v44 =	vld [tilespmem:$0xC640];
	v27 =	vadd.f32 v61, v28;
	v58 =	vmul.f32 v41, v51;
	v61 =	vperm.xlane v23, v8  }
0x299: {  	v46 =	vld [tilespmem:$0xC690];
	v51 =	vmul.f32 v38, v48;
	v52 =	vmul.f32 v52, v48;
	v25 =	vadd.f32 v62, v25  }
0x29a: {  	v41 =	vld [tilespmem:$0xC670];
	v26 =	vadd.f32 v63, v26;
	v59 =	vmul.f32 v49, v57;
	v32 =	vmul.f32 v32, v57  }
0x29b: {  	v24 =	vadd.f32 v50, v24;
	v60 =	vmul.f32 v34, v57;
	v62 =	vmul.f32 v45, v57;
	v49 =	vld [tilespmem:$0xC6A0]  }
0x29c: {  	v27 =	vadd.f32 v53, v27;
	v63 =	vmul.f32 v31, v61;
	v50 =	vmul.f32 v30, v61;
	v30 =	vld [tilespmem:$0xC6B0]  }
0x29d: {  	v45 =	vmul.f32 v35, v61;
	v47 =	vmul.f32 v37, v61;
	v53 =	vld [tilespmem:$0xC6C0];
	v25 =	vadd.f32 v54, v25  }
0x29e: {  	v57 =	vmul.f32 v42, v48;
	v26 =	vadd.f32 v55, v26;
	v24 =	vadd.f32 v56, v24;
	v56 =	vld [tilespmem:$0xC6D0]  }
0x29f: {  	v27 =	vadd.f32 v58, v27;
	v55 =	vperm.xlane v23, v16;
	v58 =	vld [tilespmem:$0xC6E0];
	v25 =	vadd.f32 v59, v25  }
0x2a0: {  	v54 =	vmul.f32 v33, v48;
	v26 =	vadd.f32 v32, v26;
	v32 =	vld [tilespmem:$0xC680];
	v24 =	vadd.f32 v60, v24  }
0x2a1: {  	v27 =	vadd.f32 v62, v27;
	v59 =	vmul.f32 v44, v55;
	v36 =	vmul.f32 v36, v55;
	v60 =	vld [tilespmem:$0xC6F0]  }
0x2a2: {  	v61 =	vmul.f32 v39, v55;
	v62 =	vperm.xlane v23, v17;
	v44 =	vld [tilespmem:$0xC710];
	v25 =	vadd.f32 v63, v25  }
0x2a3: {  	v42 =	vmul.f32 v41, v55;
	v55 =	vld [tilespmem:$0xC750];
	v26 =	vadd.f32 v45, v26;
	v24 =	vadd.f32 v47, v24  }
0x2a4: {  	v27 =	vadd.f32 v50, v27;
	v63 =	vld [tilespmem:$0xC700];
	v48 =	vmul.f32 v49, v62;
	v49 =	vperm.xlane v23, v18  }
0x2a5: {  	v46 =	vmul.f32 v46, v62;
	v47 =	vld [tilespmem:$0xC720];
	v25 =	vadd.f32 v51, v25;
	v26 =	vadd.f32 v52, v26  }
0x2a6: {  	v50 =	vld [tilespmem:$0xC730];
	v24 =	vadd.f32 v54, v24;
	v51 =	vmul.f32 v30, v62;
	v53 =	vmul.f32 v53, v49  }
0x2a7: {  	v27 =	vadd.f32 v57, v27;
	v52 =	vld [tilespmem:$0xC740];
	v54 =	vmul.f32 v56, v49;
	v57 =	vperm.xlane v23, v19  }
0x2a8: {  	v56 =	vmul.f32 v58, v49;
	v58 =	vld [tilespmem:$0xC760];
	v45 =	vmul.f32 v32, v62;
	v25 =	vadd.f32 v59, v25  }
0x2a9: {  	v62 =	vld [tilespmem:$0xC780];
	v26 =	vadd.f32 v36, v26;
	v59 =	vmul.f32 v60, v49;
	v33 =	vmul.f32 v44, v57  }
0x2aa: {  	v24 =	vadd.f32 v61, v24;
	v60 =	vld [tilespmem:$0xC770];
	v49 =	vperm.xlane v23, v21;
	v23 =	vperm.xlane v23, v22  }
0x2ab: {  	v27 =	vadd.f32 v42, v27;
	v42 =	vld [tilespmem:$0xC790];
	v61 =	vmul.f32 v63, v57;
	v63 =	vmul.f32 v47, v57  }
0x2ac: {  	v44 =	vld [tilespmem:$0xC7A0];
	v43 =	vmul.f32 v50, v57;
	v25 =	vadd.f32 v45, v25;
	v26 =	vadd.f32 v46, v26  }
0x2ad: {  	v24 =	vadd.f32 v48, v24;
	v27 =	vadd.f32 v51, v27;
	v46 =	vmul.f32 v55, v40  }
0x2ae: {  	s30 =	sadd.s32 $0x40, s26;
	v50 =	vld [tilespmem:$0xC7C0];
	v45 =	vmul.f32 v52, v40;
	v48 =	vmul.f32 v58, v40;
	v25 =	vadd.f32 v53, v25  }
0x2af: {  	v47 =	vld [tilespmem:$0xC7B0];
	v58 =	vor.u32 s30, v0;
	v26 =	vadd.f32 v54, v26;
	v24 =	vadd.f32 v56, v24  }
0x2b0: {  	v27 =	vadd.f32 v59, v27;
	v53 =	vmul.f32 v62, v49;
	v51 =	vmul.f32 v60, v40  }
0x2b1: {  	s31 =	sadd.s32 $0x50, s26;
	v52 =	vld [tilespmem:$0xC7D0];
	v54 =	vmul.f32 v42, v49;
	v56 =	vmul.f32 v44, v49;
	v25 =	vadd.f32 v61, v25  }
0x2b2: {  	v55 =	vld [tilespmem:$0xC7E0];
	v60 =	vor.u32 s31, v0;
	v26 =	vadd.f32 v33, v26;
	v24 =	vadd.f32 v63, v24  }
0x2b3: {  	v57 =	vld [tilespmem:$0xC7F0];
	s30 =	sadd.s32 $0x60, s26;
	v27 =	vadd.f32 v43, v27;
	v59 =	vmul.f32 v50, v23;
	v25 =	vadd.f32 v45, v25  }
0x2b4: {  	s31 =	sadd.s32 $0x70, s26;
	v33 =	vmul.f32 v47, v49;
	v61 =	vor.u32 s30, v0;
	v26 =	vadd.f32 v46, v26  }
0x2b5: {  	v63 =	vor.u32 s31, v0;
	v24 =	vadd.f32 v48, v24;
	v25 =	vadd.f32 v53, v25  }
0x2b6: {  	v27 =	vadd.f32 v51, v27;
	v30 =	vmul.f32 v52, v23;
	v26 =	vadd.f32 v54, v26  }
0x2b7: {  	p0 =	sne.s32 s28, $0x4800;
	v62 =	vmul.f32 v55, v23;
	v24 =	vadd.f32 v56, v24;
	v25 =	vadd.f32 v59, v25  }
.Ltmp1:
0x2b8: {  	v23 =	vmul.f32 v57, v23;
	v27 =	vadd.f32 v33, v27;
	v26 =	vadd.f32 v30, v26;
	(pc) =	sbr.rel @p0 .LBB2_5-.Ltmp1, $4  }
0x2b9: {  	v24 =	vadd.f32 v62, v24;
	[tilespmem:v58+s19+$0x0] =	vst.idx.msk $0xffff, v25  }
0x2ba: {  	v23 =	vadd.f32 v23, v27;
	[tilespmem:v60+s19+$0x0] =	vst.idx.msk $0xffff, v26  }
0x2bb: {  	[tilespmem:v61+s19+$0x0] =	vst.idx.msk $0xffff, v24  }
0x2bc: {  	s28 =	sadd.s32 $0x1800, s28;
	s26 =	sadd.s32 $0x80, s26;
	[tilespmem:v63+s19+$0x0] =	vst.idx.msk $0xffff, v23  }
0x2bd: {  	s24 =	sshll.u32 s24, $0x3  }
0x2be: {  	p0 =	sne.s32 s25, $0x40;
	s24 =	sand.u32 $0x1FFFFFC0, s24  }
.Ltmp2:
0x2bf: {  	s24 =	sadd.s32 s5, s24;
	(pc) =	sbr.rel @p0 .LBB2_2-.Ltmp2, $4  }
0x2c0: {  	[hbm4b:s24+s3] =	stream.linear.scatter [tilespmem:s19], [sflag:$0x5], $0x200, $0x38;
	[tilespmem:$0xCA20] =	vst v63  }
0x2c1: {  	_ =	swait.ge [sflag:s21], $0x200  }
0x2c2: {  	[sflag:s21] =	ssyncset.done $0x0  }
0x2c3: {  	[sflag:s21] =	ssyncadd.s32 $0xFFFFFE00  }
0x2c4: {  	s23 =	sadd.s32 $0x1, s23  }
0x2c5: {  	p0 =	sne.s32 s23, s10  }
.Ltmp3:
0x2c6: {  	_ = 	snop;
	(pc) =	sbr.rel @p0 .LBB2_1-.Ltmp3, $1  }
0x2c7: {  	_ =	sdelay $0x3  }
0x2c8: {  	_ =	sfence.sel $0x180000  }
0x2c9: {  	[bflag:$0x0] =	sbarrier.arrive $0xFFFF  }
0x2ca: {  	p0 =	sne.s32 s0, $0x0;
	_ =	strace $0x9000004A  }
0x2cb: {  	s0 =	sadd.s32 @!p0 $0x100000, s1;
	[bflag:$0x2] =	sbarrier.arrive $0xFFFF  }
0x2cc: {  	[sflag:s0] =	ssyncadd.tile.s32 @!p0 $0x1;
	_ =	shalt  }
.Lfunc_end2:
_tile_overlayer_lowered:
.L_overlay_start_2:
0x2cd: {  	(tag) =	ssettag $0x2  }
0x2ce: {  	s0 =	rddreg [dreg:$0x0];
	s2 =	stileid.u32  }
0x2cf: {  	s1 =	rddreg [dreg:$0x1];
	p0 =	sne.s32 s2, $0x0  }
0x2d0: {  	s3 =	rddreg [dreg:$0x2];
	[bflag:$0x3] =	sbarrier.arrive $0xFFFF;
	s2 =	simm.s32 @!p0 $0x1C05  }
0x2d1: {  	[timem:s3], [sflag:s2] =	dma.local @!p0 [hbm:s0], s1  }
0x2d2: {  	s0 =	simm.s32 @!p0 $0x5  }
0x2d3: {  	_ =	swait.ge @!p0 [sflag:s0], s1  }
0x2d4: {  	s1 =	ssub.s32 @!p0 $0x0, s1;
	[sflag:s0] =	ssyncset.done @!p0 $0x0  }
0x2d5: {  	[sflag:s0] =	ssyncadd.s32 @!p0 s1  }
0x2d6: {  	[bflag:$0x3] =	sbarrier.arrive $0xFFFF  }
0x2d7: {  	_ =	shalt  }

// kernel: sparse-core-data-format-call.cloned.1.call-start
scs
called_computation_lowered:
.L_overlay_start_0:
0x0: {  	s1 =	sld [smem:$0x3FD9]  }
0x1: {  	s2 =	sld [smem:$0x3FFE];
	_ =	sdelay $0x1  }
0x2: {  	s3 =	srdreg.scid  }
0x3: {  	s0 =	sand.u32 $0x1, s3  }
0x4: {  	s17 =	sshll.u32 s0, $0xA;
	s1 =	sadd.s32 s2, s1  }
0x5: {  	s1 =	sadd.s32 s1, s17  }
0x6: {  	[smem:$0x3FBF] =	sst s1  }
0x7: {  	_ = 	snop  }
0x8: {  	(tm) =	ssettm $0x1  }
0x9: {  	s18 =	sld [smem:$0x3FFB];
	_ =	sdelay $0x3  }
0xa: {  	_ =	strace s18  }
0xb: {  	s1 =	sld [smem:$0x3FFC];
	_ =	sdelay $0x3  }
0xc: {  	_ =	strace s1  }
0xd: {  	s1 =	sld [smem:$0x3FFD];
	_ =	sdelay $0x3  }
0xe: {  	_ =	strace s1  }
0xf: {  	_ =	strace $0x8FFFFFFF  }
0x10: {  	s19 =	sld [smem:$0x3FDB];
	_ =	sdelay $0x1  }
0x11: {  	s20 =	simm.s32 $_scs_section_size  }
0x12: {  	s4 =	simm.s32 $_size__tile_overlayer_lowered;
	s5 =	simm.s32 $_tile_overlayer_lowered  }
0x13: {  	s23 =	simm.s32 $0x1BFF;
	s22 =	sshll.u32 s5, $0x1;
	s1 =	sadd.s32 s20, s19  }
0x14: {  	s6 =	simm.s32 $0x0;
	s21 =	sshll.u32 s4, $0x1;
	s4 =	sadd.s32 s22, s1  }
0x15: {  	[timem:s6], [sflag:s23] =	dma.local [hbm:s4], s21  }
0x16: {  	_ =	swait.ge [sflag:s23], s21  }
0x17: {  	s2 =	ssub.s32 $0x0, s21;
	[sflag:s23] =	ssyncset.done $0x0  }
0x18: {  	[sflag:s23] =	ssyncadd.s32 s2;
	_ =	sdelay $0x1  }
0x19: {  	s24 =	simm.s32 $0x1B8B  }
0x1a: {  	_ =	swait.ge [sflag:s24], $0x1  }
0x1b: {  	[sflag:s24] =	ssyncset.done $0x0  }
0x1c: {  	s26 =	simm.s32 $0x1B8E;
	s25 =	sld [smem:$0x3FFE];
	[sflag:s24] =	ssyncadd.s32 $0xFFFFFFFF  }
0x1d: {  	s27 =	simm.s32 $execute0_lowered;
	[smem:$0x3FD2] =	sst s26  }
0x1e: {  	s4 =	sshll.u32 s27, $0x1;
	_ =	strace $0x80000046;
	[dreg:$0x1] =	wrdreg $0xFFFFFFFF  }
0x1f: {  	s28 =	simm.s32 $_size_execute0_lowered;
	s1 =	sadd.s32 s1, s4;
	[dreg:$0x0] =	wrdreg $0x0  }
0x20: {  	s4 =	sshll.u32 s28, $0x1;
	[dreg:$0x2] =	wrdreg s1  }
0x21: {  	[dreg:$0x3] =	wrdreg s4  }
0x22: {  	[dreg:$0x4] =	wrdreg $0xC0  }
0x23: {  	_ =	task [dreg:s6], $0x5FFFF  }
0x24: {  	[dreg:$0x1] =	wrdreg $0xFFFFFFFF  }
0x25: {  	[dreg:$0x0] =	wrdreg $0x60  }
0x26: {  	[dreg:$0x2] =	wrdreg s25  }
0x27: {  	[dreg:$0x3] =	wrdreg $0x9  }
0x28: {  	_ =	task.clear_ibuf [dreg:s6], $0x4FFFF;
	_ =	strace $0x90000046  }
0x29: {  	s29 =	simm.s32 $0x9;
	_ =	strace $0x80000048  }
0x2a: {  	_ =	swait.ge [sflag:s29], $0x1  }
0x2b: {  	[sflag:s29] =	ssyncadd.s32 $0xFFFFFFFF  }
0x2c: {  	_ =	strace $0x90000048  }
0x2d: {  	_ =	sfence  }
0x2e: {  	s30 =	sld [smem:$0x0];
	_ =	sdelay $0x2  }
0x2f: {  	s31 =	sshll.u32 s3, $0xD;
	s3 =	sshrl.u32 s3, $0x2  }
0x30: {  	s2 =	sand.u32 $0x4000, s31;
	s1 =	sadd.s32 s3, s30  }
0x31: {  	s0 =	sor.u32 s2, s0;
	s1 =	sshll.u32 s1, $0x11  }
0x32: {  	s0 =	sor.u32 s1, s0  }
0x33: {  	s0 =	sadd.s32 $0x8F2B, s0  }
0x34: {  	[sflag:s0] =	ssyncadd.remote.s32 $0x1  }
0x35: {  	_ =	sfence.sel $0xFFFF  }
0x36: {  	[dreg:$0x0] =	wrdreg $0xFFFFFFFF;
	(pc) =	sbr.abs _section_cstart, $3  }
0x37: {  	[dreg:$0x1] =	wrdreg $0xFFFFFFFF  }
0x38: {  	_ =	task.clear_ibuf [dreg:s6], $0x2FFFF;
	_ =	strace $0x9FFFFFFF  }
0x39: {  	(tm) =	ssettm $0x7FFFFFFF  }
tec
execute0_lowered:
.L_overlay_start_1:
0x0: {  	(tag) =	ssettag $0x1  }
0x1: {  	s0 =	srdreg.scid  }
0x2: {  	s1 =	sshll.u32 s0, $0x4  }
0x3: {  	s0 =	stileid.u32;
	s1 =	sand.u32 $0x10, s1  }
0x4: {  	s6 =	rddreg [dreg:$0x0];
	s1 =	sor.u32 s0, s1  }
0x5: {  	s4 =	simm.s32 $0x1;
	s7 =	simm.s32 $0x2;
	s2 =	sshll.u32 s1, $0x1  }
0x6: {  	s14 =	simm.s32 $0x0;
	s8 =	simm.s32 $0x400;
	s3 =	ssub.s32 $0x1000, s2  }
0x7: {  	s9 =	simm.s32 $0xC00;
	s10 =	simm.s32 $0x0;
	s31 =	sand.u32 $0x3E, s3  }
0x8: {  	s15 =	simm.s32 $0x0;
	s11 =	simm.s32 $0x0;
	p0 =	sne.s32 s31, $0x0  }
.Ltmp0:
0x9: {  	s3 =	sshrl.u32 s3, $0x6;
	s4 =	simm.s32 @!p0 $0x0;
	(pc) =	sbr.rel .LBB1_1-.Ltmp0, $4  }
0xa: {  	s13 =	simm.s32 $0x0;
	s1 =	rddreg [dreg:$0x1];
	s5 =	sadd.s32 s4, s3  }
0xb: {  	_ =	strace $0x80000047;
	s4 =	simm.s32 $0x1;
	s5 =	smul.u32 $0x3, s5  }
0xc: {  	s12 =	smov.u32 s2;
	s3 =	sadd.s32 $0x203E00, s6;
	[sflag:s4] =	ssyncpa.u1 $0x0  }
0xd: {  	s6 =	sadd.s32 $0xE03E00, s6;
	[sflag:s7] =	ssyncpa.u1 $0x0;
	s7 =	sadd.s32 $0x1, s5  }
.LBB1_9:
0xe: {  	s16 =	sadd.s32 $0x8, s11  }
0xf: {  	s14 =	sadd.s32 $0x40, s12;
	s18 =	smov.u32 s12;
	p1 =	sgt.s32 s16, $0x17  }
0x10: {  	s18 =	smov.u32 @p1 s14  }
0x11: {  	s16 =	simm.s32 @p1 $0x0;
	p1 =	sgt.s32 s18, $0xFFF  }
0x12: {  	s18 =	smov.u32 @p1 s2;
	p1 =	sne.s32 s13, s7  }
.Ltmp1:
0x13: {  	p0 =	slt.u32 s13, $0x2;
	(pc) =	sbr.rel @!p1 .LBB1_10-.Ltmp1, $4  }
0x14: {  	s17 =	simm.s32 @!p0 $0x2  }
0x15: {  	s15 =	smov.u32 s12;
	s10 =	sadd.s32 $0x4000, s10;
	_ =	swait.ge @!p0 [sflag:s17], $0x4000  }
0x16: {  	s14 =	smov.u32 s11;
	[sflag:s17] =	ssyncset.done @!p0 $0x0;
	s11 =	smov.u32 s16  }
0x17: {  	s13 =	sadd.s32 $0x1, s13;
	[sflag:s17] =	ssyncadd.s32 @!p0 $0xFFFFC000;
	s12 =	smov.u32 s18  }
.LBB1_1:
0x18: {  	p0 =	sge.u32 s13, s5  }
0x19: {  	s17 =	smul.u32 @!p0 $0xC00, s12  }
0x1a: {  	s31 =	sadd.s32 $0xFFFFFFFF, s13;
	s16 =	sxor.u32 @!p0 $0xFFFFFFFF, s13;
	s18 =	sshll.u32 @!p0 s11, $0x7  }
0x1b: {  	s19 =	simm.s32 @!p0 $0x6000;
	s16 =	sshll.u32 @!p0 s16, $0xE;
	s17 =	sadd.s32 @!p0 s3, s17  }
0x1c: {  	s16 =	sand.u32 @!p0 $0x4000, s16;
	s17 =	sadd.s32 @!p0 s18, s17;
	s18 =	simm.s32 @!p0 $0x2000  }
0x1d: {  	[tilespmem:s16], [sflag:$0x1] =	stream.strided.gather @!p0 [hbm4b:s17+s18], $0x4000, s19, s18, $0x38;
	[tilespmem:$0x10000] =	vst v63  }
0x1e: {  	p0 =	sge.u32 s31, s5  }
.Ltmp2:
0x1f: {  	_ = 	snop;
	(pc) =	sbr.rel @p0 .LBB1_9-.Ltmp2, $1  }
0x20: {  	_ =	sdelay $0x3  }
0x21: {  	s16 =	sshll.u32 s10, $0x2  }
0x22: {  	_ =	swait.ge [sflag:s4], $0x4000;
	s17 =	sshll.u32 s13, $0xE;
	s19 =	simm.s32 $0x0  }
0x23: {  	p1 =	por $0x1, $0x1;
	s16 =	sand.u32 $0x10000, s16;
	[sflag:s4] =	ssyncset.done $0x0  }
0x24: {  	s17 =	sand.u32 $0x4000, s17;
	s18 =	sshrl.u32 s16, $0x2;
	[sflag:s4] =	ssyncadd.s32 $0xFFFFC000  }
0x25: {  	s16 =	sor.u32 $0x8000, s17;
	s17 =	sadd.s32 $0x8040, s18;
	s18 =	sadd.s32 $0x40, s18  }
.LBB1_3:
0x26: {  	s19 =	sshll.u32 s19, $0x2  }
0x27: {  	p0 =	por p1, p1;
	s20 =	sshra.s32 s19, $0x2  }
0x28: {  	s21 =	simm.s32 $0x0;
	s19 =	sadd.s32 s20, s17;
	s20 =	sadd.s32 s20, s18  }
.LBB1_4:
0x29: {  	v0 =	vmov s20;
	_ =	sdelay $0x3  }
0x2a: {  	s23 =	simm.s32 $0x0  }
0x2b: {  	v6 =	vld.idx.msk [tilespmem:v0+s23+$0x30 ss:$0x1], $0xffff  }
0x2c: {  	v7 =	vld.idx.msk [tilespmem:v0+s23+$0xFFFFFFC0 ss:$0x1], $0xffff  }
0x2d: {  	v5 =	vld.idx.msk [tilespmem:v0+s23+$0xFFFFFFD0 ss:$0x1], $0xffff  }
0x2e: {  	v4 =	vld.idx.msk [tilespmem:v0+s23+$0xFFFFFFE0 ss:$0x1], $0xffff  }
0x2f: {  	v3 =	vld.idx.msk [tilespmem:v0+s23+$0xFFFFFFF0 ss:$0x1], $0xffff  }
0x30: {  	v1 =	vld.idx.msk [tilespmem:v0+s23+$0x0 ss:$0x1], $0xffff  }
0x31: {  	v2 =	vld.idx.msk [tilespmem:v0+s23+$0x10 ss:$0x1], $0xffff;
	[tilespmem:s19+$0x30] =	vst v6  }
0x32: {  	s22 =	simm.s32 $0x80;
	s24 =	simm.s32 $0x400;
	[tilespmem:s19+$0xFFFFFFC0] =	vst v7;
	v6 =	vld.idx.msk [tilespmem:v0+s23+$0x20 ss:$0x1], $0xffff;
	s23 =	smov.u32 s19  }
.LBB1_5:
0x33: {  	p1 =	sne.s32 s24, $0xE00;
	v7 =	vld.idx.msk [tilespmem:v0+s22+$0x30 ss:$0x1], $0xffff;
	[tilespmem:s23+$0xFFFFFFD0] =	vst v5  }
0x34: {  	v8 =	vld.idx.msk [tilespmem:v0+s22+$0xFFFFFFC0 ss:$0x1], $0xffff;
	[tilespmem:s23+$0xFFFFFFE0] =	vst v4  }
0x35: {  	v5 =	vld.idx.msk [tilespmem:v0+s22+$0xFFFFFFD0 ss:$0x1], $0xffff;
	[tilespmem:s23+$0xFFFFFFF0] =	vst v3  }
.Ltmp3:
0x36: {  	v4 =	vld.idx.msk [tilespmem:v0+s22+$0xFFFFFFE0 ss:$0x1], $0xffff;
	[tilespmem:s23+$0x0] =	vst v1;
	(pc) =	sbr.rel @p1 .LBB1_5-.Ltmp3, $4  }
0x37: {  	v3 =	vld.idx.msk [tilespmem:v0+s22+$0xFFFFFFF0 ss:$0x1], $0xffff;
	[tilespmem:s23+$0x10] =	vst v2  }
0x38: {  	v1 =	vld.idx.msk [tilespmem:v0+s22+$0x0 ss:$0x1], $0xffff;
	[tilespmem:s23+$0x20] =	vst v6;
	s23 =	sadd.s32 $0x400, s23  }
0x39: {  	v2 =	vld.idx.msk [tilespmem:v0+s22+$0x10 ss:$0x1], $0xffff;
	[tilespmem:s23+$0x30] =	vst v7  }
0x3a: {  	[tilespmem:s23+$0xFFFFFFC0] =	vst v8;
	v6 =	vld.idx.msk [tilespmem:v0+s22+$0x20 ss:$0x1], $0xffff;
	s22 =	sshra.s32 s24, $0x2;
	s24 =	sadd.s32 $0x200, s24  }
0x3b: {  	_ =	sdelay $0x2  }
0x3c: {  	[tilespmem:s23+$0xFFFFFFD0] =	vst v5  }
0x3d: {  	v56 =	vld.idx.msk [tilespmem:v0+s22+$0x30 ss:$0x1], $0xffff;
	[tilespmem:s23+$0xFFFFFFE0] =	vst v4  }
0x3e: {  	v57 =	vld.idx.msk [tilespmem:v0+s22+$0xFFFFFFC0 ss:$0x1], $0xffff;
	[tilespmem:s23+$0xFFFFFFF0] =	vst v3  }
0x3f: {  	v58 =	vld.idx.msk [tilespmem:v0+s22+$0xFFFFFFD0 ss:$0x1], $0xffff;
	[tilespmem:s23+$0x0] =	vst v1  }
0x40: {  	v59 =	vld.idx.msk [tilespmem:v0+s22+$0xFFFFFFE0 ss:$0x1], $0xffff;
	[tilespmem:s23+$0x10] =	vst v2  }
0x41: {  	v60 =	vld.idx.msk [tilespmem:v0+s22+$0xFFFFFFF0 ss:$0x1], $0xffff;
	s31 =	sadd.s32 $0x400, s23;
	[tilespmem:s23+$0x20] =	vst v6  }
0x42: {  	v61 =	vld.idx.msk [tilespmem:v0+s22+$0x0 ss:$0x1], $0xffff;
	[tilespmem:s31+$0x30] =	vst v56  }
0x43: {  	v62 =	vld.idx.msk [tilespmem:v0+s22+$0x10 ss:$0x1], $0xffff;
	s21 =	sadd.s32 $0x1, s21;
	[tilespmem:s31+$0xFFFFFFC0] =	vst v57  }
0x44: {  	v63 =	vld.idx.msk [tilespmem:v0+s22+$0x20 ss:$0x1], $0xffff;
	p1 =	sne.s32 s21, $0x8;
	[tilespmem:s31+$0xFFFFFFD0] =	vst v58  }
.Ltmp4:
0x45: {  	[tilespmem:s31+$0xFFFFFFE0] =	vst v59;
	(pc) =	sbr.rel @p1 .LBB1_4-.Ltmp4, $4  }
0x46: {  	[tilespmem:s31+$0xFFFFFFF0] =	vst v60  }
0x47: {  	[tilespmem:s31+$0x0] =	vst v61  }
0x48: {  	[tilespmem:s31+$0x10] =	vst v62  }
0x49: {  	s19 =	sadd.s32 $0x80, s19;
	s20 =	sadd.s32 $0x400, s20;
	[tilespmem:s31+$0x20] =	vst v63  }
.Ltmp5:
0x4a: {  	(pc) =	sbr.rel @p0 .LBB1_3-.Ltmp5, $2  }
0x4b: {  	_ =	sdelay $0x2  }
0x4c: {  	s19 =	simm.s32 $0x2000;
	p1 =	por $0x0, $0x0  }
0x4d: {  	s14 =	sand.u32 $0x1FFFFFF, s14  }
0x4e: {  	s17 =	smulhi.u32 $0xAAAAAAB, s14  }
0x4f: {  	s15 =	smul.u32 $0xC00, s15  }
0x50: {  	s17 =	smul.u32 $0x18, s17  }
.Ltmp6:
0x51: {  	_ = 	snop;
	(pc) =	sbr.rel .LBB1_9-.Ltmp6, $4  }
0x52: {  	s14 =	ssub.s32 s14, s17  }
0x53: {  	s15 =	sadd.s32 s6, s15;
	s14 =	sshll.u32 s14, $0x4  }
0x54: {  	s14 =	sadd.s32 s14, s15  }
0x55: {  	[hbm4b:s14+s8] =	stream.strided.scatter [tilespmem:s16], [sflag:$0x2], $0x4000, s9, s8, $0x38;
	[tilespmem:$0x10000] =	vst v63  }
.LBB1_10:
0x56: {  	_ =	sfence.sel $0x180000  }
0x57: {  	s2 =	simm.s32 $0x1;
	[bflag:$0x0] =	sbarrier.arrive $0xFFFF  }
0x58: {  	s31 =	simm.s32 $0x2;
	[sflag:s2] =	ssyncpa.u1 $0x1  }
0x59: {  	[sflag:s31] =	ssyncpa.u1 $0x1  }
0x5a: {  	p0 =	sne.s32 s0, $0x0;
	_ =	strace $0x90000047  }
0x5b: {  	s0 =	sadd.s32 @!p0 $0x100000, s1;
	[bflag:$0x2] =	sbarrier.arrive $0xFFFF  }
0x5c: {  	[sflag:s0] =	ssyncadd.tile.s32 @!p0 $0x1;
	_ =	shalt  }
.Lfunc_end1:
_tile_overlayer_lowered:
.L_overlay_start_2:
0x5d: {  	(tag) =	ssettag $0x2  }
0x5e: {  	s0 =	rddreg [dreg:$0x0];
	s2 =	stileid.u32  }
0x5f: {  	s1 =	rddreg [dreg:$0x1];
	p0 =	sne.s32 s2, $0x0  }
0x60: {  	s3 =	rddreg [dreg:$0x2];
	[bflag:$0x3] =	sbarrier.arrive $0xFFFF;
	s2 =	simm.s32 @!p0 $0x1C01  }
0x61: {  	[timem:s3], [sflag:s2] =	dma.local @!p0 [hbm:s0], s1  }
0x62: {  	s0 =	simm.s32 @!p0 $0x1  }
0x63: {  	_ =	swait.ge @!p0 [sflag:s0], s1  }
0x64: {  	s1 =	ssub.s32 @!p0 $0x0, s1;
	[sflag:s0] =	ssyncset.done @!p0 $0x0  }
0x65: {  	[sflag:s0] =	ssyncadd.s32 @!p0 s1  }
0x66: {  	[bflag:$0x3] =	sbarrier.arrive $0xFFFF  }
0x67: {  	_ =	shalt  }

</sc_bundles>
